<compile_context>
chip_gen: v7x
topology: tpu7x:2x2x1
jax: 0.10.2.dev20260603
libtpu: 0.0.44.dev20260713+nightly
codegen_flags: <defaults>
</compile_context>

<pallas_src>
import functools

import jax
import jax.numpy as jnp
from jax import lax
from jax.experimental import pallas as pl
from jax.experimental.pallas import tpu as pltpu
from jax.experimental.pallas import tpu_sc as plsc

NUM_CLASSES = 10
K = 5
N_SAMP = 10000
N_PAD = 10240
AUG_D = 32
QB = 512
SW = 128
NCH = N_PAD // SW
N_QUERIES = 8192


_NW = 32
_B_PER_W = N_PAD // _NW
_CHUNK = 64
_NCHUNK = _B_PER_W // _CHUNK


_N_IDX_RANGE = 8192


def _sc_gather_body(table_hbm, idx_hbm, out_hbm, idx_v, rows_v, sem):
    wid = lax.axis_index("s") * 2 + lax.axis_index("c")
    base = pl.multiple_of(wid * _B_PER_W, _B_PER_W)
    pltpu.sync_copy(idx_hbm.at[pl.ds(base, _B_PER_W)], idx_v)
    cps = []
    for t in range(_NCHUNK):
        cps.append(pltpu.async_copy(
            table_hbm.at[idx_v.at[pl.ds(t * _CHUNK, _CHUNK)]],
            rows_v.at[pl.ds(t * _CHUNK, _CHUNK)], sem))
    for cp in cps:
        cp.wait()
    pltpu.sync_copy(rows_v, out_hbm.at[pl.ds(base, _B_PER_W)])


def _sc_gather(aug, idx):
    call = functools.partial(
        pl.kernel,
        mesh=plsc.VectorSubcoreMesh(core_axis_name="c", subcore_axis_name="s"),
        out_type=jax.ShapeDtypeStruct((N_PAD, AUG_D), jnp.float32),
        scratch_types=[
            pltpu.VMEM((_B_PER_W,), jnp.int32),
            pltpu.VMEM((_B_PER_W, AUG_D), jnp.float32),
            pltpu.SemaphoreType.DMA,
        ],
        compiler_params=pltpu.CompilerParams(use_tc_tiling_on_sc=False),
    )(_sc_gather_body)
    return call(aug, idx)




_BIGC = 2 ** 30


def _vote_body(xn_ref, xf_ref, yn_ref, samp_ref, code_ref, out_ref):
    xb = xf_ref[:, :] * jnp.float32(-2.0)
    xn = xn_ref[:, :]
    inf = jnp.float32(jnp.inf)
    T = [jnp.full((QB, SW), inf, jnp.float32) for _ in range(K)]
    C = [jnp.full((QB, SW), _BIGC, jnp.int32) for _ in range(K)]
    for s in range(NCH):
        lo = s * SW
        mm = lax.dot_general(xb, samp_ref[lo:lo + SW, 0:16],
                             (((1,), (1,)), ((), ())),
                             preferred_element_type=jnp.float32)
        X = (xn + yn_ref[:, lo:lo + SW]) + mm
        J = code_ref[:, lo:lo + SW]
        c = [X < T[k] for k in range(K)]
        newT = [jnp.where(c[0], X, T[0])]
        newC = [jnp.where(c[0], J, C[0])]
        for k in range(1, K):
            newT.append(jnp.where(c[k], jnp.where(c[k - 1], T[k - 1], X),
                                  T[k]))
            newC.append(jnp.where(c[k], jnp.where(c[k - 1], C[k - 1], J),
                                  C[k]))
        T, C = newT, newC
    V = jnp.concatenate(T, axis=1)
    Cc = jnp.concatenate(C, axis=1)
    cls = lax.broadcasted_iota(jnp.int32, (QB, NUM_CLASSES), 1)
    counts = jnp.zeros((QB, NUM_CLASSES), jnp.float32)
    for _ in range(K):
        m = jnp.min(V, axis=1, keepdims=True)
        cm = jnp.min(jnp.where(V == m, Cc, _BIGC), axis=1, keepdims=True)
        lab_k = jnp.bitwise_and(cm, 15)
        counts = counts + (cls == lab_k).astype(jnp.float32)
        V = jnp.where(Cc == cm, inf, V)
    best = jnp.max(counts, axis=1, keepdims=True)
    pred = jnp.min(jnp.where(counts == best, cls, NUM_CLASSES), axis=1,
                   keepdims=True)
    out_ref[:, :] = (cls == pred).astype(jnp.float32)


def _vote_call(xn, xf, yn, samp, code):
    grid = N_QUERIES // QB
    return pl.pallas_call(
        _vote_body,
        grid=(grid,),
        in_specs=[
            pl.BlockSpec((QB, 1), lambda i: (i, 0)),
            pl.BlockSpec((QB, 16), lambda i: (i, 0)),
            pl.BlockSpec((1, N_PAD), lambda i: (0, 0)),
            pl.BlockSpec((N_PAD, AUG_D), lambda i: (0, 0)),
            pl.BlockSpec((1, N_PAD), lambda i: (0, 0)),
        ],
        out_specs=pl.BlockSpec((QB, NUM_CLASSES), lambda i: (i, 0)),
        out_shape=jax.ShapeDtypeStruct((N_QUERIES, NUM_CLASSES), jnp.float32),
    )(xn, xf, yn, samp, code)


def kernel(x, y, memory_x, memory_y, eye):
    b, c, h, w = x.shape
    xf = jnp.transpose(x, (0, 2, 3, 1)).reshape(b * h * w, c)
    n = xf.shape[0]
    mem_idx = jax.random.randint(jax.random.key(1234), (N_SAMP,), 0, n,
                                 dtype=jnp.int32)
    idx_pad = jnp.concatenate(
        [mem_idx, jnp.zeros((N_PAD - N_SAMP,), jnp.int32)])
    aug = jnp.concatenate(
        [memory_x[:_N_IDX_RANGE],
         memory_y[:_N_IDX_RANGE].astype(jnp.float32),
         jnp.zeros((_N_IDX_RANGE, AUG_D - 17), jnp.float32)], axis=1)
    sampled = _sc_gather(aug, idx_pad)
    col = jnp.arange(N_PAD, dtype=jnp.int32)
    code = (col * 16 + sampled[:, 16].astype(jnp.int32)).reshape(1, -1)
    xn = jnp.sum(xf ** 2, axis=1).reshape(-1, 1)
    yn = jnp.sum(sampled[:, :16] ** 2, axis=1)
    yn = jnp.where(col < N_SAMP, yn, jnp.inf).reshape(1, -1)
    one_hot = _vote_call(xn, xf, yn, sampled, code)
    return jnp.transpose(one_hot.reshape(b, h, w, NUM_CLASSES), (0, 3, 1, 2))

# --- scband reference (transcript-rebuilt; emitter-appended) ---
"""Pipeline reference for scband-k-nn-1717986918440 (READ-ONLY COPY).

The authoritative reference and input builder live on the scoring server;
editing this copy changes nothing except your own understanding.
"""

import jax, jax.numpy as jnp
import numpy as np

NUM_CLASSES = 10
K = 5
MEMORY_SIZE = 50000


def pairwise_distances(x, y):
    x_norm = jnp.sum(x ** 2, axis=1).reshape(-1, 1)
    y_norm = jnp.sum(y ** 2, axis=1).reshape(1, -1)
    return x_norm + y_norm - 2.0 * jnp.matmul(x, y.T)


def setup_inputs(seed: int = 0):
    key = jax.random.key(seed)
    k1, k2, k3, k4 = jax.random.split(key, 4)
    x = jax.random.normal(k1, (2, 16, 64, 64), dtype=jnp.float32)
    y = jax.random.uniform(k2, (2, 10, 64, 64), dtype=jnp.float32)
    memory_x = jax.random.normal(k3, (MEMORY_SIZE, 16), dtype=jnp.float32)
    memory_y = jax.random.randint(k4, (MEMORY_SIZE, 1), 0, NUM_CLASSES, dtype=jnp.int32)
    eye = jnp.eye(NUM_CLASSES, dtype=jnp.float32)
    return {"x": x, "y": y, "memory_x": memory_x, "memory_y": memory_y, "eye": eye}


def reference(x, y, memory_x, memory_y, eye):
    # Faithful translation of the eval-path forward of kNN (metric='L2', use_ndvi=False).
    # memory_x / memory_y are the module's stateful memory buffers, materialized as inputs.
    b, c, h, w = x.shape
    summed_y = jnp.sum(y, axis=1, keepdims=True)  # computed as in original (unused on eval path)
    y_lab = jnp.argmax(y, axis=1)  # computed as in original (unused on eval path)
    xf = jnp.transpose(x, (0, 2, 3, 1)).reshape(b * h * w, c)
    n = xf.shape[0]
    # original samples min(memory_size, 10000) indices from range [0, x.shape[0]) (faithful to source)
    n_samp = min(MEMORY_SIZE, 10000)
    mem_idx = jax.random.randint(jax.random.key(1234), (n_samp,), 0, n, dtype=jnp.int32)
    memory_x_sample = jnp.take(memory_x, mem_idx, axis=0)
    memory_y_sample = jnp.take(memory_y, mem_idx, axis=0)
    dist_mat = pairwise_distances(xf, memory_x_sample)
    # topk smallest distances
    neg_vals, knn_idx = jax.lax.top_k(-dist_mat, K)
    label_sets = jnp.take(memory_y_sample[:, 0], knn_idx, axis=0)  # [n, K]
    # torch.mode over dim=1: majority label, ties broken toward smallest label (argmax picks first max)
    counts = jnp.sum(jax.nn.one_hot(label_sets, NUM_CLASSES, dtype=jnp.float32), axis=1)
    preds = jnp.argmax(counts, axis=1)
    one_hot_preds = jnp.take(eye, preds, axis=0)
    one_hot_preds = jnp.transpose(one_hot_preds.reshape(b, h, w, -1), (0, 3, 1, 2))
    return one_hot_preds

if __name__ == "__main__":
    import jax
    _d = setup_inputs()
    print(jax.jit(kernel)(*tuple(_d.values())))

</pallas_src>

<mosaic_0001>
#map = affine_map<(d0, d1) -> (0, 0)>
#map1 = affine_map<(d0, d1) -> (0)>
module attributes {stable_mosaic.version = 14 : i64} {
  func.func @_sc_gather_body(%arg0: i32, %arg1: i32, %arg2: memref<8192x32xf32, #tpu.memory_space<hbm>>, %arg3: memref<10240xi32, #tpu.memory_space<hbm>>, %arg4: memref<10240x32xf32, #tpu.memory_space<hbm>>, %arg5: memref<320xi32, #tpu.memory_space<vmem>>, %arg6: memref<320x32xf32, #tpu.memory_space<vmem>>, %arg7: memref<!tpu.dma_semaphore, #tpu.memory_space<semaphore_mem>>) attributes {dimension_semantics = [#tpu.dimension_semantics<core_parallel>, #tpu.dimension_semantics<subcore_parallel>], iteration_bounds = array<i64: 2, 16>, scalar_prefetch = 0 : i64, scratch_operands = 3 : i64, tpu.core_type = #tpu.core_type<sc_vector_subcore>, window_params = [{transform_indices = #map}, {transform_indices = #map1}, {transform_indices = #map}]} {
    %mul3A = arith.constant 2 : i32
    %mul3A_0 = arith.muli %arg1, %mul3A : i32
    %add3A = arith.addi %mul3A_0, %arg0 : i32
    %mul3A_1 = arith.constant 320 : i32
    %mul3A_2 = arith.muli %add3A, %mul3A_1 : i32
    %multiple_of3A = tpu.assume_multiple %mul3A_2, 320 : i32
    "tpu.region"() ({
      %run_scoped3A = tpu.sem_alloc : memref<!tpu.dma_semaphore, #tpu.memory_space<semaphore_mem>>
      %dma_start3A_81 = tpu.memref_slice %arg3[%multiple_of3A] : memref<10240xi32, #tpu.memory_space<hbm>> -> memref<320xi32, #tpu.memory_space<hbm>>
      %dma_start3A_82 = tpu.memref_slice %arg3[%multiple_of3A] : memref<10240xi32, #tpu.memory_space<hbm>> -> memref<320xi32, #tpu.memory_space<hbm>>
      tpu.enqueue_dma source(%dma_start3A_82 : memref<320xi32, #tpu.memory_space<hbm>>) target(%arg5 : memref<320xi32, #tpu.memory_space<vmem>>) target_semaphore(%run_scoped3A : memref<!tpu.dma_semaphore, #tpu.memory_space<semaphore_mem>>)
      %dma_wait3A_83 = tpu.memref_slice %arg3[%multiple_of3A] : memref<10240xi32, #tpu.memory_space<hbm>> -> memref<320xi32, #tpu.memory_space<hbm>>
      %dma_wait3A_84 = tpu.memref_slice %arg3[%multiple_of3A] : memref<10240xi32, #tpu.memory_space<hbm>> -> memref<320xi32, #tpu.memory_space<hbm>>
      tpu.wait_dma2 semaphore(%run_scoped3A : memref<!tpu.dma_semaphore, #tpu.memory_space<semaphore_mem>>) src(%dma_wait3A_84 : memref<320xi32, #tpu.memory_space<hbm>>) dst(%arg5 : memref<320xi32, #tpu.memory_space<vmem>>)
      tpu.yield
    }) : () -> ()
    %dma_start3A = arith.constant 0 : i32
    %dma_start3A_3 = arith.constant 0 : i32
    %dma_start3A_4 = tpu.memref_slice %arg6[%dma_start3A, %dma_start3A_3] : memref<320x32xf32, #tpu.memory_space<vmem>> -> memref<64x32xf32, #tpu.memory_space<vmem>>
    %dma_start3A_5 = arith.constant 0 : i32
    %dma_start3A_6 = tpu.memref_slice %arg5[%dma_start3A_5] : memref<320xi32, #tpu.memory_space<vmem>> -> memref<64xi32, #tpu.memory_space<vmem>>
    %dma_start3A_7 = arith.constant 0 : i32
    %dma_start3A_8 = arith.constant 0 : i32
    %dma_start3A_9 = tpu.memref_slice %arg2[%dma_start3A_7, %dma_start3A_8] : memref<8192x32xf32, #tpu.memory_space<hbm>> -> memref<8192x32xf32, #tpu.memory_space<hbm>>
    tpu.enqueue_indirect_dma source(%dma_start3A_9 : memref<8192x32xf32, #tpu.memory_space<hbm>>) target(%dma_start3A_4 : memref<64x32xf32, #tpu.memory_space<vmem>>) offsets(%dma_start3A_6 : memref<64xi32, #tpu.memory_space<vmem>>) semaphore(%arg7 : memref<!tpu.dma_semaphore, #tpu.memory_space<semaphore_mem>>)
    %dma_start3A_10 = arith.constant 64 : i32
    %dma_start3A_11 = arith.constant 0 : i32
    %dma_start3A_12 = tpu.memref_slice %arg6[%dma_start3A_10, %dma_start3A_11] : memref<320x32xf32, #tpu.memory_space<vmem>> -> memref<64x32xf32, #tpu.memory_space<vmem>>
    %dma_start3A_13 = arith.constant 64 : i32
    %dma_start3A_14 = tpu.memref_slice %arg5[%dma_start3A_13] : memref<320xi32, #tpu.memory_space<vmem>> -> memref<64xi32, #tpu.memory_space<vmem>>
    %dma_start3A_15 = arith.constant 0 : i32
    %dma_start3A_16 = arith.constant 0 : i32
    %dma_start3A_17 = tpu.memref_slice %arg2[%dma_start3A_15, %dma_start3A_16] : memref<8192x32xf32, #tpu.memory_space<hbm>> -> memref<8192x32xf32, #tpu.memory_space<hbm>>
    tpu.enqueue_indirect_dma source(%dma_start3A_17 : memref<8192x32xf32, #tpu.memory_space<hbm>>) target(%dma_start3A_12 : memref<64x32xf32, #tpu.memory_space<vmem>>) offsets(%dma_start3A_14 : memref<64xi32, #tpu.memory_space<vmem>>) semaphore(%arg7 : memref<!tpu.dma_semaphore, #tpu.memory_space<semaphore_mem>>)
    %dma_start3A_18 = arith.constant 128 : i32
    %dma_start3A_19 = arith.constant 0 : i32
    %dma_start3A_20 = tpu.memref_slice %arg6[%dma_start3A_18, %dma_start3A_19] : memref<320x32xf32, #tpu.memory_space<vmem>> -> memref<64x32xf32, #tpu.memory_space<vmem>>
    %dma_start3A_21 = arith.constant 128 : i32
    %dma_start3A_22 = tpu.memref_slice %arg5[%dma_start3A_21] : memref<320xi32, #tpu.memory_space<vmem>> -> memref<64xi32, #tpu.memory_space<vmem>>
    %dma_start3A_23 = arith.constant 0 : i32
    %dma_start3A_24 = arith.constant 0 : i32
    %dma_start3A_25 = tpu.memref_slice %arg2[%dma_start3A_23, %dma_start3A_24] : memref<8192x32xf32, #tpu.memory_space<hbm>> -> memref<8192x32xf32, #tpu.memory_space<hbm>>
    tpu.enqueue_indirect_dma source(%dma_start3A_25 : memref<8192x32xf32, #tpu.memory_space<hbm>>) target(%dma_start3A_20 : memref<64x32xf32, #tpu.memory_space<vmem>>) offsets(%dma_start3A_22 : memref<64xi32, #tpu.memory_space<vmem>>) semaphore(%arg7 : memref<!tpu.dma_semaphore, #tpu.memory_space<semaphore_mem>>)
    %dma_start3A_26 = arith.constant 192 : i32
    %dma_start3A_27 = arith.constant 0 : i32
    %dma_start3A_28 = tpu.memref_slice %arg6[%dma_start3A_26, %dma_start3A_27] : memref<320x32xf32, #tpu.memory_space<vmem>> -> memref<64x32xf32, #tpu.memory_space<vmem>>
    %dma_start3A_29 = arith.constant 192 : i32
    %dma_start3A_30 = tpu.memref_slice %arg5[%dma_start3A_29] : memref<320xi32, #tpu.memory_space<vmem>> -> memref<64xi32, #tpu.memory_space<vmem>>
    %dma_start3A_31 = arith.constant 0 : i32
    %dma_start3A_32 = arith.constant 0 : i32
    %dma_start3A_33 = tpu.memref_slice %arg2[%dma_start3A_31, %dma_start3A_32] : memref<8192x32xf32, #tpu.memory_space<hbm>> -> memref<8192x32xf32, #tpu.memory_space<hbm>>
    tpu.enqueue_indirect_dma source(%dma_start3A_33 : memref<8192x32xf32, #tpu.memory_space<hbm>>) target(%dma_start3A_28 : memref<64x32xf32, #tpu.memory_space<vmem>>) offsets(%dma_start3A_30 : memref<64xi32, #tpu.memory_space<vmem>>) semaphore(%arg7 : memref<!tpu.dma_semaphore, #tpu.memory_space<semaphore_mem>>)
    %dma_start3A_34 = arith.constant 256 : i32
    %dma_start3A_35 = arith.constant 0 : i32
    %dma_start3A_36 = tpu.memref_slice %arg6[%dma_start3A_34, %dma_start3A_35] : memref<320x32xf32, #tpu.memory_space<vmem>> -> memref<64x32xf32, #tpu.memory_space<vmem>>
    %dma_start3A_37 = arith.constant 256 : i32
    %dma_start3A_38 = tpu.memref_slice %arg5[%dma_start3A_37] : memref<320xi32, #tpu.memory_space<vmem>> -> memref<64xi32, #tpu.memory_space<vmem>>
    %dma_start3A_39 = arith.constant 0 : i32
    %dma_start3A_40 = arith.constant 0 : i32
    %dma_start3A_41 = tpu.memref_slice %arg2[%dma_start3A_39, %dma_start3A_40] : memref<8192x32xf32, #tpu.memory_space<hbm>> -> memref<8192x32xf32, #tpu.memory_space<hbm>>
    tpu.enqueue_indirect_dma source(%dma_start3A_41 : memref<8192x32xf32, #tpu.memory_space<hbm>>) target(%dma_start3A_36 : memref<64x32xf32, #tpu.memory_space<vmem>>) offsets(%dma_start3A_38 : memref<64xi32, #tpu.memory_space<vmem>>) semaphore(%arg7 : memref<!tpu.dma_semaphore, #tpu.memory_space<semaphore_mem>>)
    %dma_wait3A = arith.constant 0 : i32
    %dma_wait3A_42 = arith.constant 0 : i32
    %dma_wait3A_43 = tpu.memref_slice %arg6[%dma_wait3A, %dma_wait3A_42] : memref<320x32xf32, #tpu.memory_space<vmem>> -> memref<64x32xf32, #tpu.memory_space<vmem>>
    %dma_wait3A_44 = arith.constant 0 : i32
    %dma_wait3A_45 = tpu.memref_slice %arg5[%dma_wait3A_44] : memref<320xi32, #tpu.memory_space<vmem>> -> memref<64xi32, #tpu.memory_space<vmem>>
    %dma_wait3A_46 = arith.constant 0 : i32
    %dma_wait3A_47 = arith.constant 0 : i32
    %dma_wait3A_48 = tpu.memref_slice %arg2[%dma_wait3A_46, %dma_wait3A_47] : memref<8192x32xf32, #tpu.memory_space<hbm>> -> memref<8192x32xf32, #tpu.memory_space<hbm>>
    tpu.wait_indirect_dma semaphore(%arg7 : memref<!tpu.dma_semaphore, #tpu.memory_space<semaphore_mem>>) src(%dma_wait3A_48 : memref<8192x32xf32, #tpu.memory_space<hbm>>) dst(%dma_wait3A_43 : memref<64x32xf32, #tpu.memory_space<vmem>>)
    %dma_wait3A_49 = arith.constant 64 : i32
    %dma_wait3A_50 = arith.constant 0 : i32
    %dma_wait3A_51 = tpu.memref_slice %arg6[%dma_wait3A_49, %dma_wait3A_50] : memref<320x32xf32, #tpu.memory_space<vmem>> -> memref<64x32xf32, #tpu.memory_space<vmem>>
    %dma_wait3A_52 = arith.constant 64 : i32
    %dma_wait3A_53 = tpu.memref_slice %arg5[%dma_wait3A_52] : memref<320xi32, #tpu.memory_space<vmem>> -> memref<64xi32, #tpu.memory_space<vmem>>
    %dma_wait3A_54 = arith.constant 0 : i32
    %dma_wait3A_55 = arith.constant 0 : i32
    %dma_wait3A_56 = tpu.memref_slice %arg2[%dma_wait3A_54, %dma_wait3A_55] : memref<8192x32xf32, #tpu.memory_space<hbm>> -> memref<8192x32xf32, #tpu.memory_space<hbm>>
    tpu.wait_indirect_dma semaphore(%arg7 : memref<!tpu.dma_semaphore, #tpu.memory_space<semaphore_mem>>) src(%dma_wait3A_56 : memref<8192x32xf32, #tpu.memory_space<hbm>>) dst(%dma_wait3A_51 : memref<64x32xf32, #tpu.memory_space<vmem>>)
    %dma_wait3A_57 = arith.constant 128 : i32
    %dma_wait3A_58 = arith.constant 0 : i32
    %dma_wait3A_59 = tpu.memref_slice %arg6[%dma_wait3A_57, %dma_wait3A_58] : memref<320x32xf32, #tpu.memory_space<vmem>> -> memref<64x32xf32, #tpu.memory_space<vmem>>
    %dma_wait3A_60 = arith.constant 128 : i32
    %dma_wait3A_61 = tpu.memref_slice %arg5[%dma_wait3A_60] : memref<320xi32, #tpu.memory_space<vmem>> -> memref<64xi32, #tpu.memory_space<vmem>>
    %dma_wait3A_62 = arith.constant 0 : i32
    %dma_wait3A_63 = arith.constant 0 : i32
    %dma_wait3A_64 = tpu.memref_slice %arg2[%dma_wait3A_62, %dma_wait3A_63] : memref<8192x32xf32, #tpu.memory_space<hbm>> -> memref<8192x32xf32, #tpu.memory_space<hbm>>
    tpu.wait_indirect_dma semaphore(%arg7 : memref<!tpu.dma_semaphore, #tpu.memory_space<semaphore_mem>>) src(%dma_wait3A_64 : memref<8192x32xf32, #tpu.memory_space<hbm>>) dst(%dma_wait3A_59 : memref<64x32xf32, #tpu.memory_space<vmem>>)
    %dma_wait3A_65 = arith.constant 192 : i32
    %dma_wait3A_66 = arith.constant 0 : i32
    %dma_wait3A_67 = tpu.memref_slice %arg6[%dma_wait3A_65, %dma_wait3A_66] : memref<320x32xf32, #tpu.memory_space<vmem>> -> memref<64x32xf32, #tpu.memory_space<vmem>>
    %dma_wait3A_68 = arith.constant 192 : i32
    %dma_wait3A_69 = tpu.memref_slice %arg5[%dma_wait3A_68] : memref<320xi32, #tpu.memory_space<vmem>> -> memref<64xi32, #tpu.memory_space<vmem>>
    %dma_wait3A_70 = arith.constant 0 : i32
    %dma_wait3A_71 = arith.constant 0 : i32
    %dma_wait3A_72 = tpu.memref_slice %arg2[%dma_wait3A_70, %dma_wait3A_71] : memref<8192x32xf32, #tpu.memory_space<hbm>> -> memref<8192x32xf32, #tpu.memory_space<hbm>>
    tpu.wait_indirect_dma semaphore(%arg7 : memref<!tpu.dma_semaphore, #tpu.memory_space<semaphore_mem>>) src(%dma_wait3A_72 : memref<8192x32xf32, #tpu.memory_space<hbm>>) dst(%dma_wait3A_67 : memref<64x32xf32, #tpu.memory_space<vmem>>)
    %dma_wait3A_73 = arith.constant 256 : i32
    %dma_wait3A_74 = arith.constant 0 : i32
    %dma_wait3A_75 = tpu.memref_slice %arg6[%dma_wait3A_73, %dma_wait3A_74] : memref<320x32xf32, #tpu.memory_space<vmem>> -> memref<64x32xf32, #tpu.memory_space<vmem>>
    %dma_wait3A_76 = arith.constant 256 : i32
    %dma_wait3A_77 = tpu.memref_slice %arg5[%dma_wait3A_76] : memref<320xi32, #tpu.memory_space<vmem>> -> memref<64xi32, #tpu.memory_space<vmem>>
    %dma_wait3A_78 = arith.constant 0 : i32
    %dma_wait3A_79 = arith.constant 0 : i32
    %dma_wait3A_80 = tpu.memref_slice %arg2[%dma_wait3A_78, %dma_wait3A_79] : memref<8192x32xf32, #tpu.memory_space<hbm>> -> memref<8192x32xf32, #tpu.memory_space<hbm>>
    tpu.wait_indirect_dma semaphore(%arg7 : memref<!tpu.dma_semaphore, #tpu.memory_space<semaphore_mem>>) src(%dma_wait3A_80 : memref<8192x32xf32, #tpu.memory_space<hbm>>) dst(%dma_wait3A_75 : memref<64x32xf32, #tpu.memory_space<vmem>>)
    "tpu.region"() ({
      %run_scoped3A = tpu.sem_alloc : memref<!tpu.dma_semaphore, #tpu.memory_space<semaphore_mem>>
      %dma_start3A_81 = arith.constant 0 : i32
      %dma_start3A_82 = tpu.memref_slice %arg4[%multiple_of3A, %dma_start3A_81] : memref<10240x32xf32, #tpu.memory_space<hbm>> -> memref<320x32xf32, #tpu.memory_space<hbm>>
      %dma_start3A_83 = arith.constant 0 : i32
      %dma_start3A_84 = tpu.memref_slice %arg4[%multiple_of3A, %dma_start3A_83] : memref<10240x32xf32, #tpu.memory_space<hbm>> -> memref<320x32xf32, #tpu.memory_space<hbm>>
      tpu.enqueue_dma source(%arg6 : memref<320x32xf32, #tpu.memory_space<vmem>>) target(%dma_start3A_84 : memref<320x32xf32, #tpu.memory_space<hbm>>) target_semaphore(%run_scoped3A : memref<!tpu.dma_semaphore, #tpu.memory_space<semaphore_mem>>)
      %dma_wait3A_85 = arith.constant 0 : i32
      %dma_wait3A_86 = tpu.memref_slice %arg4[%multiple_of3A, %dma_wait3A_85] : memref<10240x32xf32, #tpu.memory_space<hbm>> -> memref<320x32xf32, #tpu.memory_space<hbm>>
      %dma_wait3A_87 = arith.constant 0 : i32
      %dma_wait3A_88 = tpu.memref_slice %arg4[%multiple_of3A, %dma_wait3A_87] : memref<10240x32xf32, #tpu.memory_space<hbm>> -> memref<320x32xf32, #tpu.memory_space<hbm>>
      tpu.wait_dma2 semaphore(%run_scoped3A : memref<!tpu.dma_semaphore, #tpu.memory_space<semaphore_mem>>) src(%arg6 : memref<320x32xf32, #tpu.memory_space<vmem>>) dst(%dma_wait3A_88 : memref<320x32xf32, #tpu.memory_space<hbm>>)
      tpu.yield
    }) : () -> ()
    return
  }
}

module attributes {stable_mosaic.version = 14 : i64} {
  func.func @_vote_body(%arg0: i32, %arg1: memref<512x1xf32, #tpu.memory_space<vmem>>, %arg2: memref<512x16xf32, #tpu.memory_space<vmem>>, %arg3: memref<1x10240xf32, #tpu.memory_space<vmem>>, %arg4: memref<10240x32xf32, #tpu.memory_space<vmem>>, %arg5: memref<1x10240xi32, #tpu.memory_space<vmem>>, %arg6: memref<512x10xf32, #tpu.memory_space<vmem>>) attributes {dimension_semantics = [#tpu.dimension_semantics<arbitrary>], iteration_bounds = array<i64: 16>, scalar_prefetch = 0 : i64, scratch_operands = 0 : i64, tpu.core_type = #tpu.core_type<tc>, window_params = [{transform_indices = @transform_0, window_bounds = array<i64: 512, 1>}, {transform_indices = @transform_1, window_bounds = array<i64: 512, 16>}, {pipeline_mode = #tpu.pipeline_mode<synchronous>, transform_indices = @transform_2, window_bounds = array<i64: 1, 10240>}, {pipeline_mode = #tpu.pipeline_mode<synchronous>, transform_indices = @transform_3, window_bounds = array<i64: 10240, 32>}, {pipeline_mode = #tpu.pipeline_mode<synchronous>, transform_indices = @transform_4, window_bounds = array<i64: 1, 10240>}, {transform_indices = @transform_5, window_bounds = array<i64: 512, 10>}]} {
    %get3A = arith.constant 0 : index
    %get3A_0 = arith.constant 0 : index
    %get3A_1 = vector.load %arg2[%get3A, %get3A_0] : memref<512x16xf32, #tpu.memory_space<vmem>>, vector<512x16xf32>
    %mul3A = arith.constant -2.000000e+00 : f32
    %mul3A_2 = vector.broadcast %mul3A : f32 to vector<512x16xf32>
    %mul3A_3 = arith.mulf %get3A_1, %mul3A_2 : vector<512x16xf32>
    %get3A_4 = arith.constant 0 : index
    %get3A_5 = arith.constant 0 : index
    %get3A_6 = vector.load %arg1[%get3A_4, %get3A_5] : memref<512x1xf32, #tpu.memory_space<vmem>>, vector<512x1xf32>
    %broadcast_in_dim3A = arith.constant 0x7F800000 : f32
    %broadcast_in_dim3A_7 = vector.broadcast %broadcast_in_dim3A : f32 to vector<512x128xf32>
    %broadcast_in_dim3A_8 = arith.constant 0x7F800000 : f32
    %broadcast_in_dim3A_9 = vector.broadcast %broadcast_in_dim3A_8 : f32 to vector<512x128xf32>
    %broadcast_in_dim3A_10 = arith.constant 0x7F800000 : f32
    %broadcast_in_dim3A_11 = vector.broadcast %broadcast_in_dim3A_10 : f32 to vector<512x128xf32>
    %broadcast_in_dim3A_12 = arith.constant 0x7F800000 : f32
    %broadcast_in_dim3A_13 = vector.broadcast %broadcast_in_dim3A_12 : f32 to vector<512x128xf32>
    %broadcast_in_dim3A_14 = arith.constant 0x7F800000 : f32
    %broadcast_in_dim3A_15 = vector.broadcast %broadcast_in_dim3A_14 : f32 to vector<512x128xf32>
    %broadcast_in_dim3A_16 = arith.constant 1073741824 : i32
    %broadcast_in_dim3A_17 = vector.broadcast %broadcast_in_dim3A_16 : i32 to vector<512x128xi32>
    %broadcast_in_dim3A_18 = arith.constant 1073741824 : i32
    %broadcast_in_dim3A_19 = vector.broadcast %broadcast_in_dim3A_18 : i32 to vector<512x128xi32>
    %broadcast_in_dim3A_20 = arith.constant 1073741824 : i32
    %broadcast_in_dim3A_21 = vector.broadcast %broadcast_in_dim3A_20 : i32 to vector<512x128xi32>
    %broadcast_in_dim3A_22 = arith.constant 1073741824 : i32
    %broadcast_in_dim3A_23 = vector.broadcast %broadcast_in_dim3A_22 : i32 to vector<512x128xi32>
    %broadcast_in_dim3A_24 = arith.constant 1073741824 : i32
    %broadcast_in_dim3A_25 = vector.broadcast %broadcast_in_dim3A_24 : i32 to vector<512x128xi32>
    %get3A_26 = arith.constant 0 : index
    %get3A_27 = arith.constant 0 : index
    %get3A_28 = vector.load %arg4[%get3A_26, %get3A_27] : memref<10240x32xf32, #tpu.memory_space<vmem>>, vector<128x16xf32>
    %dot_general3A = arith.constant dense<0.000000e+00> : vector<512x128xf32>
    %dot_general3A_29 = tpu.matmul %mul3A_3, %get3A_28, %dot_general3A {dimension_numbers = #tpu.dot_dimension_numbers<[1], [1], [0], [0], [0, 0, 1, 0], [], []>, transpose_lhs_hint = false} : vector<512x16xf32>, vector<128x16xf32>, vector<512x128xf32> -> vector<512x128xf32>
    %get3A_30 = arith.constant 0 : index
    %get3A_31 = arith.constant 0 : index
    %get3A_32 = vector.load %arg3[%get3A_30, %get3A_31] : memref<1x10240xf32, #tpu.memory_space<vmem>>, vector<1x128xf32>
    %add3A = vector.broadcast %get3A_6 : vector<512x1xf32> to vector<512x128xf32>
    %add3A_33 = vector.broadcast %get3A_32 : vector<1x128xf32> to vector<512x128xf32>
    %add3A_34 = arith.addf %add3A, %add3A_33 : vector<512x128xf32>
    %add3A_35 = arith.addf %add3A_34, %dot_general3A_29 : vector<512x128xf32>
    %get3A_36 = arith.constant 0 : index
    %get3A_37 = arith.constant 0 : index
    %get3A_38 = vector.load %arg5[%get3A_36, %get3A_37] : memref<1x10240xi32, #tpu.memory_space<vmem>>, vector<1x128xi32>
    %lt3A = arith.cmpf olt, %add3A_35, %broadcast_in_dim3A_7 : vector<512x128xf32>
    %lt3A_39 = arith.cmpf olt, %add3A_35, %broadcast_in_dim3A_9 : vector<512x128xf32>
    %lt3A_40 = arith.cmpf olt, %add3A_35, %broadcast_in_dim3A_11 : vector<512x128xf32>
    %lt3A_41 = arith.cmpf olt, %add3A_35, %broadcast_in_dim3A_13 : vector<512x128xf32>
    %lt3A_42 = arith.cmpf olt, %add3A_35, %broadcast_in_dim3A_15 : vector<512x128xf32>
    %select_n3A = arith.select %lt3A, %add3A_35, %broadcast_in_dim3A_7 : vector<512x128xi1>, vector<512x128xf32>
    %broadcast_in_dim3A_43 = vector.shape_cast %get3A_38 : vector<1x128xi32> to vector<1x128xi32>
    %broadcast_in_dim3A_44 = vector.broadcast %broadcast_in_dim3A_43 : vector<1x128xi32> to vector<512x128xi32>
    %select_n3A_45 = arith.select %lt3A, %broadcast_in_dim3A_44, %broadcast_in_dim3A_17 : vector<512x128xi1>, vector<512x128xi32>
    %select_n3A_46 = arith.select %lt3A, %broadcast_in_dim3A_7, %add3A_35 : vector<512x128xi1>, vector<512x128xf32>
    %select_n3A_47 = arith.select %lt3A_39, %select_n3A_46, %broadcast_in_dim3A_9 : vector<512x128xi1>, vector<512x128xf32>
    %broadcast_in_dim3A_48 = vector.shape_cast %get3A_38 : vector<1x128xi32> to vector<1x128xi32>
    %broadcast_in_dim3A_49 = vector.broadcast %broadcast_in_dim3A_48 : vector<1x128xi32> to vector<512x128xi32>
    %select_n3A_50 = arith.select %lt3A, %broadcast_in_dim3A_17, %broadcast_in_dim3A_49 : vector<512x128xi1>, vector<512x128xi32>
    %select_n3A_51 = arith.select %lt3A_39, %select_n3A_50, %broadcast_in_dim3A_19 : vector<512x128xi1>, vector<512x128xi32>
    %select_n3A_52 = arith.select %lt3A_39, %broadcast_in_dim3A_9, %add3A_35 : vector<512x128xi1>, vector<512x128xf32>
    %select_n3A_53 = arith.select %lt3A_40, %select_n3A_52, %broadcast_in_dim3A_11 : vector<512x128xi1>, vector<512x128xf32>
    %broadcast_in_dim3A_54 = vector.shape_cast %get3A_38 : vector<1x128xi32> to vector<1x128xi32>
    %broadcast_in_dim3A_55 = vector.broadcast %broadcast_in_dim3A_54 : vector<1x128xi32> to vector<512x128xi32>
    %select_n3A_56 = arith.select %lt3A_39, %broadcast_in_dim3A_19, %broadcast_in_dim3A_55 : vector<512x128xi1>, vector<512x128xi32>
    %select_n3A_57 = arith.select %lt3A_40, %select_n3A_56, %broadcast_in_dim3A_21 : vector<512x128xi1>, vector<512x128xi32>
    %select_n3A_58 = arith.select %lt3A_40, %broadcast_in_dim3A_11, %add3A_35 : vector<512x128xi1>, vector<512x128xf32>
    %select_n3A_59 = arith.select %lt3A_41, %select_n3A_58, %broadcast_in_dim3A_13 : vector<512x128xi1>, vector<512x128xf32>
    %broadcast_in_dim3A_60 = vector.shape_cast %get3A_38 : vector<1x128xi32> to vector<1x128xi32>
    %broadcast_in_dim3A_61 = vector.broadcast %broadcast_in_dim3A_60 : vector<1x128xi32> to vector<512x128xi32>
    %select_n3A_62 = arith.select %lt3A_40, %broadcast_in_dim3A_21, %broadcast_in_dim3A_61 : vector<512x128xi1>, vector<512x128xi32>
    %select_n3A_63 = arith.select %lt3A_41, %select_n3A_62, %broadcast_in_dim3A_23 : vector<512x128xi1>, vector<512x128xi32>
    %select_n3A_64 = arith.select %lt3A_41, %broadcast_in_dim3A_13, %add3A_35 : vector<512x128xi1>, vector<512x128xf32>
    %select_n3A_65 = arith.select %lt3A_42, %select_n3A_64, %broadcast_in_dim3A_15 : vector<512x128xi1>, vector<512x128xf32>
    %broadcast_in_dim3A_66 = vector.shape_cast %get3A_38 : vector<1x128xi32> to vector<1x128xi32>
    %broadcast_in_dim3A_67 = vector.broadcast %broadcast_in_dim3A_66 : vector<1x128xi32> to vector<512x128xi32>
    %select_n3A_68 = arith.select %lt3A_41, %broadcast_in_dim3A_23, %broadcast_in_dim3A_67 : vector<512x128xi1>, vector<512x128xi32>
    %select_n3A_69 = arith.select %lt3A_42, %select_n3A_68, %broadcast_in_dim3A_25 : vector<512x128xi1>, vector<512x128xi32>
    %get3A_70 = arith.constant 128 : index
    %get3A_71 = arith.constant 0 : index
    %get3A_72 = vector.load %arg4[%get3A_70, %get3A_71] : memref<10240x32xf32, #tpu.memory_space<vmem>>, vector<128x16xf32>
    %dot_general3A_73 = arith.constant dense<0.000000e+00> : vector<512x128xf32>
    %dot_general3A_74 = tpu.matmul %mul3A_3, %get3A_72, %dot_general3A_73 {dimension_numbers = #tpu.dot_dimension_numbers<[1], [1], [0], [0], [0, 0, 1, 0], [], []>, transpose_lhs_hint = false} : vector<512x16xf32>, vector<128x16xf32>, vector<512x128xf32> -> vector<512x128xf32>
    %get3A_75 = arith.constant 0 : index
    %get3A_76 = arith.constant 128 : index
    %get3A_77 = vector.load %arg3[%get3A_75, %get3A_76] : memref<1x10240xf32, #tpu.memory_space<vmem>>, vector<1x128xf32>
    %add3A_78 = vector.broadcast %get3A_6 : vector<512x1xf32> to vector<512x128xf32>
    %add3A_79 = vector.broadcast %get3A_77 : vector<1x128xf32> to vector<512x128xf32>
    %add3A_80 = arith.addf %add3A_78, %add3A_79 : vector<512x128xf32>
    %add3A_81 = arith.addf %add3A_80, %dot_general3A_74 : vector<512x128xf32>
    %get3A_82 = arith.constant 0 : index
    %get3A_83 = arith.constant 128 : index
    %get3A_84 = vector.load %arg5[%get3A_82, %get3A_83] : memref<1x10240xi32, #tpu.memory_space<vmem>>, vector<1x128xi32>
    %lt3A_85 = arith.cmpf olt, %add3A_81, %select_n3A : vector<512x128xf32>
    %lt3A_86 = arith.cmpf olt, %add3A_81, %select_n3A_47 : vector<512x128xf32>
    %lt3A_87 = arith.cmpf olt, %add3A_81, %select_n3A_53 : vector<512x128xf32>
    %lt3A_88 = arith.cmpf olt, %add3A_81, %select_n3A_59 : vector<512x128xf32>
    %lt3A_89 = arith.cmpf olt, %add3A_81, %select_n3A_65 : vector<512x128xf32>
    %select_n3A_90 = arith.select %lt3A_85, %add3A_81, %select_n3A : vector<512x128xi1>, vector<512x128xf32>
    %broadcast_in_dim3A_91 = vector.shape_cast %get3A_84 : vector<1x128xi32> to vector<1x128xi32>
    %broadcast_in_dim3A_92 = vector.broadcast %broadcast_in_dim3A_91 : vector<1x128xi32> to vector<512x128xi32>
    %select_n3A_93 = arith.select %lt3A_85, %broadcast_in_dim3A_92, %select_n3A_45 : vector<512x128xi1>, vector<512x128xi32>
    %select_n3A_94 = arith.select %lt3A_85, %select_n3A, %add3A_81 : vector<512x128xi1>, vector<512x128xf32>
    %select_n3A_95 = arith.select %lt3A_86, %select_n3A_94, %select_n3A_47 : vector<512x128xi1>, vector<512x128xf32>
    %broadcast_in_dim3A_96 = vector.shape_cast %get3A_84 : vector<1x128xi32> to vector<1x128xi32>
    %broadcast_in_dim3A_97 = vector.broadcast %broadcast_in_dim3A_96 : vector<1x128xi32> to vector<512x128xi32>
    %select_n3A_98 = arith.select %lt3A_85, %select_n3A_45, %broadcast_in_dim3A_97 : vector<512x128xi1>, vector<512x128xi32>
    %select_n3A_99 = arith.select %lt3A_86, %select_n3A_98, %select_n3A_51 : vector<512x128xi1>, vector<512x128xi32>
    %select_n3A_100 = arith.select %lt3A_86, %select_n3A_47, %add3A_81 : vector<512x128xi1>, vector<512x128xf32>
    %select_n3A_101 = arith.select %lt3A_87, %select_n3A_100, %select_n3A_53 : vector<512x128xi1>, vector<512x128xf32>
    %broadcast_in_dim3A_102 = vector.shape_cast %get3A_84 : vector<1x128xi32> to vector<1x128xi32>
    %broadcast_in_dim3A_103 = vector.broadcast %broadcast_in_dim3A_102 : vector<1x128xi32> to vector<512x128xi32>
    %select_n3A_104 = arith.select %lt3A_86, %select_n3A_51, %broadcast_in_dim3A_103 : vector<512x128xi1>, vector<512x128xi32>
    %select_n3A_105 = arith.select %lt3A_87, %select_n3A_104, %select_n3A_57 : vector<512x128xi1>, vector<512x128xi32>
    %select_n3A_106 = arith.select %lt3A_87, %select_n3A_53, %add3A_81 : vector<512x128xi1>, vector<512x128xf32>
    %select_n3A_107 = arith.select %lt3A_88, %select_n3A_106, %select_n3A_59 : vector<512x128xi1>, vector<512x128xf32>
    %broadcast_in_dim3A_108 = vector.shape_cast %get3A_84 : vector<1x128xi32> to vector<1x128xi32>
    %broadcast_in_dim3A_109 = vector.broadcast %broadcast_in_dim3A_108 : vector<1x128xi32> to vector<512x128xi32>
    %select_n3A_110 = arith.select %lt3A_87, %select_n3A_57, %broadcast_in_dim3A_109 : vector<512x128xi1>, vector<512x128xi32>
    %select_n3A_111 = arith.select %lt3A_88, %select_n3A_110, %select_n3A_63 : vector<512x128xi1>, vector<512x128xi32>
    %select_n3A_112 = arith.select %lt3A_88, %select_n3A_59, %add3A_81 : vector<512x128xi1>, vector<512x128xf32>
    %select_n3A_113 = arith.select %lt3A_89, %select_n3A_112, %select_n3A_65 : vector<512x128xi1>, vector<512x128xf32>
    %broadcast_in_dim3A_114 = vector.shape_cast %get3A_84 : vector<1x128xi32> to vector<1x128xi32>
    %broadcast_in_dim3A_115 = vector.broadcast %broadcast_in_dim3A_114 : vector<1x128xi32> to vector<512x128xi32>
    %select_n3A_116 = arith.select %lt3A_88, %select_n3A_63, %broadcast_in_dim3A_115 : vector<512x128xi1>, vector<512x128xi32>
    %select_n3A_117 = arith.select %lt3A_89, %select_n3A_116, %select_n3A_69 : vector<512x128xi1>, vector<512x128xi32>
    %get3A_118 = arith.constant 256 : index
    %get3A_119 = arith.constant 0 : index
    %get3A_120 = vector.load %arg4[%get3A_118, %get3A_119] : memref<10240x32xf32, #tpu.memory_space<vmem>>, vector<128x16xf32>
    %dot_general3A_121 = arith.constant dense<0.000000e+00> : vector<512x128xf32>
    %dot_general3A_122 = tpu.matmul %mul3A_3, %get3A_120, %dot_general3A_121 {dimension_numbers = #tpu.dot_dimension_numbers<[1], [1], [0], [0], [0, 0, 1, 0], [], []>, transpose_lhs_hint = false} : vector<512x16xf32>, vector<128x16xf32>, vector<512x128xf32> -> vector<512x128xf32>
    %get3A_123 = arith.constant 0 : index
    %get3A_124 = arith.constant 256 : index
    %get3A_125 = vector.load %arg3[%get3A_123, %get3A_124] : memref<1x10240xf32, #tpu.memory_space<vmem>>, vector<1x128xf32>
    %add3A_126 = vector.broadcast %get3A_6 : vector<512x1xf32> to vector<512x128xf32>
    %add3A_127 = vector.broadcast %get3A_125 : vector<1x128xf32> to vector<512x128xf32>
    %add3A_128 = arith.addf %add3A_126, %add3A_127 : vector<512x128xf32>
    %add3A_129 = arith.addf %add3A_128, %dot_general3A_122 : vector<512x128xf32>
    %get3A_130 = arith.constant 0 : index
    %get3A_131 = arith.constant 256 : index
    %get3A_132 = vector.load %arg5[%get3A_130, %get3A_131] : memref<1x10240xi32, #tpu.memory_space<vmem>>, vector<1x128xi32>
    %lt3A_133 = arith.cmpf olt, %add3A_129, %select_n3A_90 : vector<512x128xf32>
    %lt3A_134 = arith.cmpf olt, %add3A_129, %select_n3A_95 : vector<512x128xf32>
    %lt3A_135 = arith.cmpf olt, %add3A_129, %select_n3A_101 : vector<512x128xf32>
    %lt3A_136 = arith.cmpf olt, %add3A_129, %select_n3A_107 : vector<512x128xf32>
    %lt3A_137 = arith.cmpf olt, %add3A_129, %select_n3A_113 : vector<512x128xf32>
    %select_n3A_138 = arith.select %lt3A_133, %add3A_129, %select_n3A_90 : vector<512x128xi1>, vector<512x128xf32>
    %broadcast_in_dim3A_139 = vector.shape_cast %get3A_132 : vector<1x128xi32> to vector<1x128xi32>
    %broadcast_in_dim3A_140 = vector.broadcast %broadcast_in_dim3A_139 : vector<1x128xi32> to vector<512x128xi32>
    %select_n3A_141 = arith.select %lt3A_133, %broadcast_in_dim3A_140, %select_n3A_93 : vector<512x128xi1>, vector<512x128xi32>
    %select_n3A_142 = arith.select %lt3A_133, %select_n3A_90, %add3A_129 : vector<512x128xi1>, vector<512x128xf32>
    %select_n3A_143 = arith.select %lt3A_134, %select_n3A_142, %select_n3A_95 : vector<512x128xi1>, vector<512x128xf32>
    %broadcast_in_dim3A_144 = vector.shape_cast %get3A_132 : vector<1x128xi32> to vector<1x128xi32>
    %broadcast_in_dim3A_145 = vector.broadcast %broadcast_in_dim3A_144 : vector<1x128xi32> to vector<512x128xi32>
    %select_n3A_146 = arith.select %lt3A_133, %select_n3A_93, %broadcast_in_dim3A_145 : vector<512x128xi1>, vector<512x128xi32>
    %select_n3A_147 = arith.select %lt3A_134, %select_n3A_146, %select_n3A_99 : vector<512x128xi1>, vector<512x128xi32>
    %select_n3A_148 = arith.select %lt3A_134, %select_n3A_95, %add3A_129 : vector<512x128xi1>, vector<512x128xf32>
    %select_n3A_149 = arith.select %lt3A_135, %select_n3A_148, %select_n3A_101 : vector<512x128xi1>, vector<512x128xf32>
    %broadcast_in_dim3A_150 = vector.shape_cast %get3A_132 : vector<1x128xi32> to vector<1x128xi32>
    %broadcast_in_dim3A_151 = vector.broadcast %broadcast_in_dim3A_150 : vector<1x128xi32> to vector<512x128xi32>
    %select_n3A_152 = arith.select %lt3A_134, %select_n3A_99, %broadcast_in_dim3A_151 : vector<512x128xi1>, vector<512x128xi32>
    %select_n3A_153 = arith.select %lt3A_135, %select_n3A_152, %select_n3A_105 : vector<512x128xi1>, vector<512x128xi32>
    %select_n3A_154 = arith.select %lt3A_135, %select_n3A_101, %add3A_129 : vector<512x128xi1>, vector<512x128xf32>
    %select_n3A_155 = arith.select %lt3A_136, %select_n3A_154, %select_n3A_107 : vector<512x128xi1>, vector<512x128xf32>
    %broadcast_in_dim3A_156 = vector.shape_cast %get3A_132 : vector<1x128xi32> to vector<1x128xi32>
    %broadcast_in_dim3A_157 = vector.broadcast %broadcast_in_dim3A_156 : vector<1x128xi32> to vector<512x128xi32>
    %select_n3A_158 = arith.select %lt3A_135, %select_n3A_105, %broadcast_in_dim3A_157 : vector<512x128xi1>, vector<512x128xi32>
    %select_n3A_159 = arith.select %lt3A_136, %select_n3A_158, %select_n3A_111 : vector<512x128xi1>, vector<512x128xi32>
    %select_n3A_160 = arith.select %lt3A_136, %select_n3A_107, %add3A_129 : vector<512x128xi1>, vector<512x128xf32>
    %select_n3A_161 = arith.select %lt3A_137, %select_n3A_160, %select_n3A_113 : vector<512x128xi1>, vector<512x128xf32>
    %broadcast_in_dim3A_162 = vector.shape_cast %get3A_132 : vector<1x128xi32> to vector<1x128xi32>
    %broadcast_in_dim3A_163 = vector.broadcast %broadcast_in_dim3A_162 : vector<1x128xi32> to vector<512x128xi32>
    %select_n3A_164 = arith.select %lt3A_136, %select_n3A_111, %broadcast_in_dim3A_163 : vector<512x128xi1>, vector<512x128xi32>
    %select_n3A_165 = arith.select %lt3A_137, %select_n3A_164, %select_n3A_117 : vector<512x128xi1>, vector<512x128xi32>
    %get3A_166 = arith.constant 384 : index
    %get3A_167 = arith.constant 0 : index
    %get3A_168 = vector.load %arg4[%get3A_166, %get3A_167] : memref<10240x32xf32, #tpu.memory_space<vmem>>, vector<128x16xf32>
    %dot_general3A_169 = arith.constant dense<0.000000e+00> : vector<512x128xf32>
    %dot_general3A_170 = tpu.matmul %mul3A_3, %get3A_168, %dot_general3A_169 {dimension_numbers = #tpu.dot_dimension_numbers<[1], [1], [0], [0], [0, 0, 1, 0], [], []>, transpose_lhs_hint = false} : vector<512x16xf32>, vector<128x16xf32>, vector<512x128xf32> -> vector<512x128xf32>
    %get3A_171 = arith.constant 0 : index
    %get3A_172 = arith.constant 384 : index
    %get3A_173 = vector.load %arg3[%get3A_171, %get3A_172] : memref<1x10240xf32, #tpu.memory_space<vmem>>, vector<1x128xf32>
    %add3A_174 = vector.broadcast %get3A_6 : vector<512x1xf32> to vector<512x128xf32>
    %add3A_175 = vector.broadcast %get3A_173 : vector<1x128xf32> to vector<512x128xf32>
    %add3A_176 = arith.addf %add3A_174, %add3A_175 : vector<512x128xf32>
    %add3A_177 = arith.addf %add3A_176, %dot_general3A_170 : vector<512x128xf32>
    %get3A_178 = arith.constant 0 : index
    %get3A_179 = arith.constant 384 : index
    %get3A_180 = vector.load %arg5[%get3A_178, %get3A_179] : memref<1x10240xi32, #tpu.memory_space<vmem>>, vector<1x128xi32>
    %lt3A_181 = arith.cmpf olt, %add3A_177, %select_n3A_138 : vector<512x128xf32>
    %lt3A_182 = arith.cmpf olt, %add3A_177, %select_n3A_143 : vector<512x128xf32>
    %lt3A_183 = arith.cmpf olt, %add3A_177, %select_n3A_149 : vector<512x128xf32>
    %lt3A_184 = arith.cmpf olt, %add3A_177, %select_n3A_155 : vector<512x128xf32>
    %lt3A_185 = arith.cmpf olt, %add3A_177, %select_n3A_161 : vector<512x128xf32>
    %select_n3A_186 = arith.select %lt3A_181, %add3A_177, %select_n3A_138 : vector<512x128xi1>, vector<512x128xf32>
    %broadcast_in_dim3A_187 = vector.shape_cast %get3A_180 : vector<1x128xi32> to vector<1x128xi32>
    %broadcast_in_dim3A_188 = vector.broadcast %broadcast_in_dim3A_187 : vector<1x128xi32> to vector<512x128xi32>
    %select_n3A_189 = arith.select %lt3A_181, %broadcast_in_dim3A_188, %select_n3A_141 : vector<512x128xi1>, vector<512x128xi32>
    %select_n3A_190 = arith.select %lt3A_181, %select_n3A_138, %add3A_177 : vector<512x128xi1>, vector<512x128xf32>
    %select_n3A_191 = arith.select %lt3A_182, %select_n3A_190, %select_n3A_143 : vector<512x128xi1>, vector<512x128xf32>
    %broadcast_in_dim3A_192 = vector.shape_cast %get3A_180 : vector<1x128xi32> to vector<1x128xi32>
    %broadcast_in_dim3A_193 = vector.broadcast %broadcast_in_dim3A_192 : vector<1x128xi32> to vector<512x128xi32>
    %select_n3A_194 = arith.select %lt3A_181, %select_n3A_141, %broadcast_in_dim3A_193 : vector<512x128xi1>, vector<512x128xi32>
    %select_n3A_195 = arith.select %lt3A_182, %select_n3A_194, %select_n3A_147 : vector<512x128xi1>, vector<512x128xi32>
    %select_n3A_196 = arith.select %lt3A_182, %select_n3A_143, %add3A_177 : vector<512x128xi1>, vector<512x128xf32>
    %select_n3A_197 = arith.select %lt3A_183, %select_n3A_196, %select_n3A_149 : vector<512x128xi1>, vector<512x128xf32>
    %broadcast_in_dim3A_198 = vector.shape_cast %get3A_180 : vector<1x128xi32> to vector<1x128xi32>
    %broadcast_in_dim3A_199 = vector.broadcast %broadcast_in_dim3A_198 : vector<1x128xi32> to vector<512x128xi32>
    %select_n3A_200 = arith.select %lt3A_182, %select_n3A_147, %broadcast_in_dim3A_199 : vector<512x128xi1>, vector<512x128xi32>
    %select_n3A_201 = arith.select %lt3A_183, %select_n3A_200, %select_n3A_153 : vector<512x128xi1>, vector<512x128xi32>
    %select_n3A_202 = arith.select %lt3A_183, %select_n3A_149, %add3A_177 : vector<512x128xi1>, vector<512x128xf32>
    %select_n3A_203 = arith.select %lt3A_184, %select_n3A_202, %select_n3A_155 : vector<512x128xi1>, vector<512x128xf32>
    %broadcast_in_dim3A_204 = vector.shape_cast %get3A_180 : vector<1x128xi32> to vector<1x128xi32>
    %broadcast_in_dim3A_205 = vector.broadcast %broadcast_in_dim3A_204 : vector<1x128xi32> to vector<512x128xi32>
    %select_n3A_206 = arith.select %lt3A_183, %select_n3A_153, %broadcast_in_dim3A_205 : vector<512x128xi1>, vector<512x128xi32>
    %select_n3A_207 = arith.select %lt3A_184, %select_n3A_206, %select_n3A_159 : vector<512x128xi1>, vector<512x128xi32>
    %select_n3A_208 = arith.select %lt3A_184, %select_n3A_155, %add3A_177 : vector<512x128xi1>, vector<512x128xf32>
    %select_n3A_209 = arith.select %lt3A_185, %select_n3A_208, %select_n3A_161 : vector<512x128xi1>, vector<512x128xf32>
    %broadcast_in_dim3A_210 = vector.shape_cast %get3A_180 : vector<1x128xi32> to vector<1x128xi32>
    %broadcast_in_dim3A_211 = vector.broadcast %broadcast_in_dim3A_210 : vector<1x128xi32> to vector<512x128xi32>
    %select_n3A_212 = arith.select %lt3A_184, %select_n3A_159, %broadcast_in_dim3A_211 : vector<512x128xi1>, vector<512x128xi32>
    %select_n3A_213 = arith.select %lt3A_185, %select_n3A_212, %select_n3A_165 : vector<512x128xi1>, vector<512x128xi32>
    %get3A_214 = arith.constant 512 : index
    %get3A_215 = arith.constant 0 : index
    %get3A_216 = vector.load %arg4[%get3A_214, %get3A_215] : memref<10240x32xf32, #tpu.memory_space<vmem>>, vector<128x16xf32>
    %dot_general3A_217 = arith.constant dense<0.000000e+00> : vector<512x128xf32>
    %dot_general3A_218 = tpu.matmul %mul3A_3, %get3A_216, %dot_general3A_217 {dimension_numbers = #tpu.dot_dimension_numbers<[1], [1], [0], [0], [0, 0, 1, 0], [], []>, transpose_lhs_hint = false} : vector<512x16xf32>, vector<128x16xf32>, vector<512x128xf32> -> vector<512x128xf32>
    %get3A_219 = arith.constant 0 : index
    %get3A_220 = arith.constant 512 : index
    %get3A_221 = vector.load %arg3[%get3A_219, %get3A_220] : memref<1x10240xf32, #tpu.memory_space<vmem>>, vector<1x128xf32>
    %add3A_222 = vector.broadcast %get3A_6 : vector<512x1xf32> to vector<512x128xf32>
    %add3A_223 = vector.broadcast %get3A_221 : vector<1x128xf32> to vector<512x128xf32>
    %add3A_224 = arith.addf %add3A_222, %add3A_223 : vector<512x128xf32>
    %add3A_225 = arith.addf %add3A_224, %dot_general3A_218 : vector<512x128xf32>
    %get3A_226 = arith.constant 0 : index
    %get3A_227 = arith.constant 512 : index
    %get3A_228 = vector.load %arg5[%get3A_226, %get3A_227] : memref<1x10240xi32, #tpu.memory_space<vmem>>, vector<1x128xi32>
    %lt3A_229 = arith.cmpf olt, %add3A_225, %select_n3A_186 : vector<512x128xf32>
    %lt3A_230 = arith.cmpf olt, %add3A_225, %select_n3A_191 : vector<512x128xf32>
    %lt3A_231 = arith.cmpf olt, %add3A_225, %select_n3A_197 : vector<512x128xf32>
    %lt3A_232 = arith.cmpf olt, %add3A_225, %select_n3A_203 : vector<512x128xf32>
    %lt3A_233 = arith.cmpf olt, %add3A_225, %select_n3A_209 : vector<512x128xf32>
    %select_n3A_234 = arith.select %lt3A_229, %add3A_225, %select_n3A_186 : vector<512x128xi1>, vector<512x128xf32>
    %broadcast_in_dim3A_235 = vector.shape_cast %get3A_228 : vector<1x128xi32> to vector<1x128xi32>
    %broadcast_in_dim3A_236 = vector.broadcast %broadcast_in_dim3A_235 : vector<1x128xi32> to vector<512x128xi32>
    %select_n3A_237 = arith.select %lt3A_229, %broadcast_in_dim3A_236, %select_n3A_189 : vector<512x128xi1>, vector<512x128xi32>
    %select_n3A_238 = arith.select %lt3A_229, %select_n3A_186, %add3A_225 : vector<512x128xi1>, vector<512x128xf32>
    %select_n3A_239 = arith.select %lt3A_230, %select_n3A_238, %select_n3A_191 : vector<512x128xi1>, vector<512x128xf32>
    %broadcast_in_dim3A_240 = vector.shape_cast %get3A_228 : vector<1x128xi32> to vector<1x128xi32>
    %broadcast_in_dim3A_241 = vector.broadcast %broadcast_in_dim3A_240 : vector<1x128xi32> to vector<512x128xi32>
    %select_n3A_242 = arith.select %lt3A_229, %select_n3A_189, %broadcast_in_dim3A_241 : vector<512x128xi1>, vector<512x128xi32>
    %select_n3A_243 = arith.select %lt3A_230, %select_n3A_242, %select_n3A_195 : vector<512x128xi1>, vector<512x128xi32>
    %select_n3A_244 = arith.select %lt3A_230, %select_n3A_191, %add3A_225 : vector<512x128xi1>, vector<512x128xf32>
    %select_n3A_245 = arith.select %lt3A_231, %select_n3A_244, %select_n3A_197 : vector<512x128xi1>, vector<512x128xf32>
    %broadcast_in_dim3A_246 = vector.shape_cast %get3A_228 : vector<1x128xi32> to vector<1x128xi32>
    %broadcast_in_dim3A_247 = vector.broadcast %broadcast_in_dim3A_246 : vector<1x128xi32> to vector<512x128xi32>
    %select_n3A_248 = arith.select %lt3A_230, %select_n3A_195, %broadcast_in_dim3A_247 : vector<512x128xi1>, vector<512x128xi32>
    %select_n3A_249 = arith.select %lt3A_231, %select_n3A_248, %select_n3A_201 : vector<512x128xi1>, vector<512x128xi32>
    %select_n3A_250 = arith.select %lt3A_231, %select_n3A_197, %add3A_225 : vector<512x128xi1>, vector<512x128xf32>
    %select_n3A_251 = arith.select %lt3A_232, %select_n3A_250, %select_n3A_203 : vector<512x128xi1>, vector<512x128xf32>
    %broadcast_in_dim3A_252 = vector.shape_cast %get3A_228 : vector<1x128xi32> to vector<1x128xi32>
    %broadcast_in_dim3A_253 = vector.broadcast %broadcast_in_dim3A_252 : vector<1x128xi32> to vector<512x128xi32>
    %select_n3A_254 = arith.select %lt3A_231, %select_n3A_201, %broadcast_in_dim3A_253 : vector<512x128xi1>, vector<512x128xi32>
    %select_n3A_255 = arith.select %lt3A_232, %select_n3A_254, %select_n3A_207 : vector<512x128xi1>, vector<512x128xi32>
    %select_n3A_256 = arith.select %lt3A_232, %select_n3A_203, %add3A_225 : vector<512x128xi1>, vector<512x128xf32>
    %select_n3A_257 = arith.select %lt3A_233, %select_n3A_256, %select_n3A_209 : vector<512x128xi1>, vector<512x128xf32>
    %broadcast_in_dim3A_258 = vector.shape_cast %get3A_228 : vector<1x128xi32> to vector<1x128xi32>
    %broadcast_in_dim3A_259 = vector.broadcast %broadcast_in_dim3A_258 : vector<1x128xi32> to vector<512x128xi32>
    %select_n3A_260 = arith.select %lt3A_232, %select_n3A_207, %broadcast_in_dim3A_259 : vector<512x128xi1>, vector<512x128xi32>
    %select_n3A_261 = arith.select %lt3A_233, %select_n3A_260, %select_n3A_213 : vector<512x128xi1>, vector<512x128xi32>
    %get3A_262 = arith.constant 640 : index
    %get3A_263 = arith.constant 0 : index
    %get3A_264 = vector.load %arg4[%get3A_262, %get3A_263] : memref<10240x32xf32, #tpu.memory_space<vmem>>, vector<128x16xf32>
    %dot_general3A_265 = arith.constant dense<0.000000e+00> : vector<512x128xf32>
    %dot_general3A_266 = tpu.matmul %mul3A_3, %get3A_264, %dot_general3A_265 {dimension_numbers = #tpu.dot_dimension_numbers<[1], [1], [0], [0], [0, 0, 1, 0], [], []>, transpose_lhs_hint = false} : vector<512x16xf32>, vector<128x16xf32>, vector<512x128xf32> -> vector<512x128xf32>
    %get3A_267 = arith.constant 0 : index
    %get3A_268 = arith.constant 640 : index
    %get3A_269 = vector.load %arg3[%get3A_267, %get3A_268] : memref<1x10240xf32, #tpu.memory_space<vmem>>, vector<1x128xf32>
    %add3A_270 = vector.broadcast %get3A_6 : vector<512x1xf32> to vector<512x128xf32>
    %add3A_271 = vector.broadcast %get3A_269 : vector<1x128xf32> to vector<512x128xf32>
    %add3A_272 = arith.addf %add3A_270, %add3A_271 : vector<512x128xf32>
    %add3A_273 = arith.addf %add3A_272, %dot_general3A_266 : vector<512x128xf32>
    %get3A_274 = arith.constant 0 : index
    %get3A_275 = arith.constant 640 : index
    %get3A_276 = vector.load %arg5[%get3A_274, %get3A_275] : memref<1x10240xi32, #tpu.memory_space<vmem>>, vector<1x128xi32>
    %lt3A_277 = arith.cmpf olt, %add3A_273, %select_n3A_234 : vector<512x128xf32>
    %lt3A_278 = arith.cmpf olt, %add3A_273, %select_n3A_239 : vector<512x128xf32>
    %lt3A_279 = arith.cmpf olt, %add3A_273, %select_n3A_245 : vector<512x128xf32>
    %lt3A_280 = arith.cmpf olt, %add3A_273, %select_n3A_251 : vector<512x128xf32>
    %lt3A_281 = arith.cmpf olt, %add3A_273, %select_n3A_257 : vector<512x128xf32>
    %select_n3A_282 = arith.select %lt3A_277, %add3A_273, %select_n3A_234 : vector<512x128xi1>, vector<512x128xf32>
    %broadcast_in_dim3A_283 = vector.shape_cast %get3A_276 : vector<1x128xi32> to vector<1x128xi32>
    %broadcast_in_dim3A_284 = vector.broadcast %broadcast_in_dim3A_283 : vector<1x128xi32> to vector<512x128xi32>
    %select_n3A_285 = arith.select %lt3A_277, %broadcast_in_dim3A_284, %select_n3A_237 : vector<512x128xi1>, vector<512x128xi32>
    %select_n3A_286 = arith.select %lt3A_277, %select_n3A_234, %add3A_273 : vector<512x128xi1>, vector<512x128xf32>
    %select_n3A_287 = arith.select %lt3A_278, %select_n3A_286, %select_n3A_239 : vector<512x128xi1>, vector<512x128xf32>
    %broadcast_in_dim3A_288 = vector.shape_cast %get3A_276 : vector<1x128xi32> to vector<1x128xi32>
    %broadcast_in_dim3A_289 = vector.broadcast %broadcast_in_dim3A_288 : vector<1x128xi32> to vector<512x128xi32>
    %select_n3A_290 = arith.select %lt3A_277, %select_n3A_237, %broadcast_in_dim3A_289 : vector<512x128xi1>, vector<512x128xi32>
    %select_n3A_291 = arith.select %lt3A_278, %select_n3A_290, %select_n3A_243 : vector<512x128xi1>, vector<512x128xi32>
    %select_n3A_292 = arith.select %lt3A_278, %select_n3A_239, %add3A_273 : vector<512x128xi1>, vector<512x128xf32>
    %select_n3A_293 = arith.select %lt3A_279, %select_n3A_292, %select_n3A_245 : vector<512x128xi1>, vector<512x128xf32>
    %broadcast_in_dim3A_294 = vector.shape_cast %get3A_276 : vector<1x128xi32> to vector<1x128xi32>
    %broadcast_in_dim3A_295 = vector.broadcast %broadcast_in_dim3A_294 : vector<1x128xi32> to vector<512x128xi32>
    %select_n3A_296 = arith.select %lt3A_278, %select_n3A_243, %broadcast_in_dim3A_295 : vector<512x128xi1>, vector<512x128xi32>
    %select_n3A_297 = arith.select %lt3A_279, %select_n3A_296, %select_n3A_249 : vector<512x128xi1>, vector<512x128xi32>
    %select_n3A_298 = arith.select %lt3A_279, %select_n3A_245, %add3A_273 : vector<512x128xi1>, vector<512x128xf32>
    %select_n3A_299 = arith.select %lt3A_280, %select_n3A_298, %select_n3A_251 : vector<512x128xi1>, vector<512x128xf32>
    %broadcast_in_dim3A_300 = vector.shape_cast %get3A_276 : vector<1x128xi32> to vector<1x128xi32>
    %broadcast_in_dim3A_301 = vector.broadcast %broadcast_in_dim3A_300 : vector<1x128xi32> to vector<512x128xi32>
    %select_n3A_302 = arith.select %lt3A_279, %select_n3A_249, %broadcast_in_dim3A_301 : vector<512x128xi1>, vector<512x128xi32>
    %select_n3A_303 = arith.select %lt3A_280, %select_n3A_302, %select_n3A_255 : vector<512x128xi1>, vector<512x128xi32>
    %select_n3A_304 = arith.select %lt3A_280, %select_n3A_251, %add3A_273 : vector<512x128xi1>, vector<512x128xf32>
    %select_n3A_305 = arith.select %lt3A_281, %select_n3A_304, %select_n3A_257 : vector<512x128xi1>, vector<512x128xf32>
    %broadcast_in_dim3A_306 = vector.shape_cast %get3A_276 : vector<1x128xi32> to vector<1x128xi32>
    %broadcast_in_dim3A_307 = vector.broadcast %broadcast_in_dim3A_306 : vector<1x128xi32> to vector<512x128xi32>
    %select_n3A_308 = arith.select %lt3A_280, %select_n3A_255, %broadcast_in_dim3A_307 : vector<512x128xi1>, vector<512x128xi32>
    %select_n3A_309 = arith.select %lt3A_281, %select_n3A_308, %select_n3A_261 : vector<512x128xi1>, vector<512x128xi32>
    %get3A_310 = arith.constant 768 : index
    %get3A_311 = arith.constant 0 : index
    %get3A_312 = vector.load %arg4[%get3A_310, %get3A_311] : memref<10240x32xf32, #tpu.memory_space<vmem>>, vector<128x16xf32>
    %dot_general3A_313 = arith.constant dense<0.000000e+00> : vector<512x128xf32>
    %dot_general3A_314 = tpu.matmul %mul3A_3, %get3A_312, %dot_general3A_313 {dimension_numbers = #tpu.dot_dimension_numbers<[1], [1], [0], [0], [0, 0, 1, 0], [], []>, transpose_lhs_hint = false} : vector<512x16xf32>, vector<128x16xf32>, vector<512x128xf32> -> vector<512x128xf32>
    %get3A_315 = arith.constant 0 : index
    %get3A_316 = arith.constant 768 : index
    %get3A_317 = vector.load %arg3[%get3A_315, %get3A_316] : memref<1x10240xf32, #tpu.memory_space<vmem>>, vector<1x128xf32>
    %add3A_318 = vector.broadcast %get3A_6 : vector<512x1xf32> to vector<512x128xf32>
    %add3A_319 = vector.broadcast %get3A_317 : vector<1x128xf32> to vector<512x128xf32>
    %add3A_320 = arith.addf %add3A_318, %add3A_319 : vector<512x128xf32>
    %add3A_321 = arith.addf %add3A_320, %dot_general3A_314 : vector<512x128xf32>
    %get3A_322 = arith.constant 0 : index
    %get3A_323 = arith.constant 768 : index
    %get3A_324 = vector.load %arg5[%get3A_322, %get3A_323] : memref<1x10240xi32, #tpu.memory_space<vmem>>, vector<1x128xi32>
    %lt3A_325 = arith.cmpf olt, %add3A_321, %select_n3A_282 : vector<512x128xf32>
    %lt3A_326 = arith.cmpf olt, %add3A_321, %select_n3A_287 : vector<512x128xf32>
    %lt3A_327 = arith.cmpf olt, %add3A_321, %select_n3A_293 : vector<512x128xf32>
    %lt3A_328 = arith.cmpf olt, %add3A_321, %select_n3A_299 : vector<512x128xf32>
    %lt3A_329 = arith.cmpf olt, %add3A_321, %select_n3A_305 : vector<512x128xf32>
    %select_n3A_330 = arith.select %lt3A_325, %add3A_321, %select_n3A_282 : vector<512x128xi1>, vector<512x128xf32>
    %broadcast_in_dim3A_331 = vector.shape_cast %get3A_324 : vector<1x128xi32> to vector<1x128xi32>
    %broadcast_in_dim3A_332 = vector.broadcast %broadcast_in_dim3A_331 : vector<1x128xi32> to vector<512x128xi32>
    %select_n3A_333 = arith.select %lt3A_325, %broadcast_in_dim3A_332, %select_n3A_285 : vector<512x128xi1>, vector<512x128xi32>
    %select_n3A_334 = arith.select %lt3A_325, %select_n3A_282, %add3A_321 : vector<512x128xi1>, vector<512x128xf32>
    %select_n3A_335 = arith.select %lt3A_326, %select_n3A_334, %select_n3A_287 : vector<512x128xi1>, vector<512x128xf32>
    %broadcast_in_dim3A_336 = vector.shape_cast %get3A_324 : vector<1x128xi32> to vector<1x128xi32>
    %broadcast_in_dim3A_337 = vector.broadcast %broadcast_in_dim3A_336 : vector<1x128xi32> to vector<512x128xi32>
    %select_n3A_338 = arith.select %lt3A_325, %select_n3A_285, %broadcast_in_dim3A_337 : vector<512x128xi1>, vector<512x128xi32>
    %select_n3A_339 = arith.select %lt3A_326, %select_n3A_338, %select_n3A_291 : vector<512x128xi1>, vector<512x128xi32>
    %select_n3A_340 = arith.select %lt3A_326, %select_n3A_287, %add3A_321 : vector<512x128xi1>, vector<512x128xf32>
    %select_n3A_341 = arith.select %lt3A_327, %select_n3A_340, %select_n3A_293 : vector<512x128xi1>, vector<512x128xf32>
    %broadcast_in_dim3A_342 = vector.shape_cast %get3A_324 : vector<1x128xi32> to vector<1x128xi32>
    %broadcast_in_dim3A_343 = vector.broadcast %broadcast_in_dim3A_342 : vector<1x128xi32> to vector<512x128xi32>
    %select_n3A_344 = arith.select %lt3A_326, %select_n3A_291, %broadcast_in_dim3A_343 : vector<512x128xi1>, vector<512x128xi32>
    %select_n3A_345 = arith.select %lt3A_327, %select_n3A_344, %select_n3A_297 : vector<512x128xi1>, vector<512x128xi32>
    %select_n3A_346 = arith.select %lt3A_327, %select_n3A_293, %add3A_321 : vector<512x128xi1>, vector<512x128xf32>
    %select_n3A_347 = arith.select %lt3A_328, %select_n3A_346, %select_n3A_299 : vector<512x128xi1>, vector<512x128xf32>
    %broadcast_in_dim3A_348 = vector.shape_cast %get3A_324 : vector<1x128xi32> to vector<1x128xi32>
    %broadcast_in_dim3A_349 = vector.broadcast %broadcast_in_dim3A_348 : vector<1x128xi32> to vector<512x128xi32>
    %select_n3A_350 = arith.select %lt3A_327, %select_n3A_297, %broadcast_in_dim3A_349 : vector<512x128xi1>, vector<512x128xi32>
    %select_n3A_351 = arith.select %lt3A_328, %select_n3A_350, %select_n3A_303 : vector<512x128xi1>, vector<512x128xi32>
    %select_n3A_352 = arith.select %lt3A_328, %select_n3A_299, %add3A_321 : vector<512x128xi1>, vector<512x128xf32>
    %select_n3A_353 = arith.select %lt3A_329, %select_n3A_352, %select_n3A_305 : vector<512x128xi1>, vector<512x128xf32>
    %broadcast_in_dim3A_354 = vector.shape_cast %get3A_324 : vector<1x128xi32> to vector<1x128xi32>
    %broadcast_in_dim3A_355 = vector.broadcast %broadcast_in_dim3A_354 : vector<1x128xi32> to vector<512x128xi32>
    %select_n3A_356 = arith.select %lt3A_328, %select_n3A_303, %broadcast_in_dim3A_355 : vector<512x128xi1>, vector<512x128xi32>
    %select_n3A_357 = arith.select %lt3A_329, %select_n3A_356, %select_n3A_309 : vector<512x128xi1>, vector<512x128xi32>
    %get3A_358 = arith.constant 896 : index
    %get3A_359 = arith.constant 0 : index
    %get3A_360 = vector.load %arg4[%get3A_358, %get3A_359] : memref<10240x32xf32, #tpu.memory_space<vmem>>, vector<128x16xf32>
    %dot_general3A_361 = arith.constant dense<0.000000e+00> : vector<512x128xf32>
    %dot_general3A_362 = tpu.matmul %mul3A_3, %get3A_360, %dot_general3A_361 {dimension_numbers = #tpu.dot_dimension_numbers<[1], [1], [0], [0], [0, 0, 1, 0], [], []>, transpose_lhs_hint = false} : vector<512x16xf32>, vector<128x16xf32>, vector<512x128xf32> -> vector<512x128xf32>
    %get3A_363 = arith.constant 0 : index
    %get3A_364 = arith.constant 896 : index
    %get3A_365 = vector.load %arg3[%get3A_363, %get3A_364] : memref<1x10240xf32, #tpu.memory_space<vmem>>, vector<1x128xf32>
    %add3A_366 = vector.broadcast %get3A_6 : vector<512x1xf32> to vector<512x128xf32>
    %add3A_367 = vector.broadcast %get3A_365 : vector<1x128xf32> to vector<512x128xf32>
    %add3A_368 = arith.addf %add3A_366, %add3A_367 : vector<512x128xf32>
    %add3A_369 = arith.addf %add3A_368, %dot_general3A_362 : vector<512x128xf32>
    %get3A_370 = arith.constant 0 : index
    %get3A_371 = arith.constant 896 : index
    %get3A_372 = vector.load %arg5[%get3A_370, %get3A_371] : memref<1x10240xi32, #tpu.memory_space<vmem>>, vector<1x128xi32>
    %lt3A_373 = arith.cmpf olt, %add3A_369, %select_n3A_330 : vector<512x128xf32>
    %lt3A_374 = arith.cmpf olt, %add3A_369, %select_n3A_335 : vector<512x128xf32>
    %lt3A_375 = arith.cmpf olt, %add3A_369, %select_n3A_341 : vector<512x128xf32>
    %lt3A_376 = arith.cmpf olt, %add3A_369, %select_n3A_347 : vector<512x128xf32>
    %lt3A_377 = arith.cmpf olt, %add3A_369, %select_n3A_353 : vector<512x128xf32>
    %select_n3A_378 = arith.select %lt3A_373, %add3A_369, %select_n3A_330 : vector<512x128xi1>, vector<512x128xf32>
    %broadcast_in_dim3A_379 = vector.shape_cast %get3A_372 : vector<1x128xi32> to vector<1x128xi32>
    %broadcast_in_dim3A_380 = vector.broadcast %broadcast_in_dim3A_379 : vector<1x128xi32> to vector<512x128xi32>
    %select_n3A_381 = arith.select %lt3A_373, %broadcast_in_dim3A_380, %select_n3A_333 : vector<512x128xi1>, vector<512x128xi32>
    %select_n3A_382 = arith.select %lt3A_373, %select_n3A_330, %add3A_369 : vector<512x128xi1>, vector<512x128xf32>
    %select_n3A_383 = arith.select %lt3A_374, %select_n3A_382, %select_n3A_335 : vector<512x128xi1>, vector<512x128xf32>
    %broadcast_in_dim3A_384 = vector.shape_cast %get3A_372 : vector<1x128xi32> to vector<1x128xi32>
    %broadcast_in_dim3A_385 = vector.broadcast %broadcast_in_dim3A_384 : vector<1x128xi32> to vector<512x128xi32>
    %select_n3A_386 = arith.select %lt3A_373, %select_n3A_333, %broadcast_in_dim3A_385 : vector<512x128xi1>, vector<512x128xi32>
    %select_n3A_387 = arith.select %lt3A_374, %select_n3A_386, %select_n3A_339 : vector<512x128xi1>, vector<512x128xi32>
    %select_n3A_388 = arith.select %lt3A_374, %select_n3A_335, %add3A_369 : vector<512x128xi1>, vector<512x128xf32>
    %select_n3A_389 = arith.select %lt3A_375, %select_n3A_388, %select_n3A_341 : vector<512x128xi1>, vector<512x128xf32>
    %broadcast_in_dim3A_390 = vector.shape_cast %get3A_372 : vector<1x128xi32> to vector<1x128xi32>
    %broadcast_in_dim3A_391 = vector.broadcast %broadcast_in_dim3A_390 : vector<1x128xi32> to vector<512x128xi32>
    %select_n3A_392 = arith.select %lt3A_374, %select_n3A_339, %broadcast_in_dim3A_391 : vector<512x128xi1>, vector<512x128xi32>
    %select_n3A_393 = arith.select %lt3A_375, %select_n3A_392, %select_n3A_345 : vector<512x128xi1>, vector<512x128xi32>
    %select_n3A_394 = arith.select %lt3A_375, %select_n3A_341, %add3A_369 : vector<512x128xi1>, vector<512x128xf32>
    %select_n3A_395 = arith.select %lt3A_376, %select_n3A_394, %select_n3A_347 : vector<512x128xi1>, vector<512x128xf32>
    %broadcast_in_dim3A_396 = vector.shape_cast %get3A_372 : vector<1x128xi32> to vector<1x128xi32>
    %broadcast_in_dim3A_397 = vector.broadcast %broadcast_in_dim3A_396 : vector<1x128xi32> to vector<512x128xi32>
    %select_n3A_398 = arith.select %lt3A_375, %select_n3A_345, %broadcast_in_dim3A_397 : vector<512x128xi1>, vector<512x128xi32>
    %select_n3A_399 = arith.select %lt3A_376, %select_n3A_398, %select_n3A_351 : vector<512x128xi1>, vector<512x128xi32>
    %select_n3A_400 = arith.select %lt3A_376, %select_n3A_347, %add3A_369 : vector<512x128xi1>, vector<512x128xf32>
    %select_n3A_401 = arith.select %lt3A_377, %select_n3A_400, %select_n3A_353 : vector<512x128xi1>, vector<512x128xf32>
    %broadcast_in_dim3A_402 = vector.shape_cast %get3A_372 : vector<1x128xi32> to vector<1x128xi32>
    %broadcast_in_dim3A_403 = vector.broadcast %broadcast_in_dim3A_402 : vector<1x128xi32> to vector<512x128xi32>
    %select_n3A_404 = arith.select %lt3A_376, %select_n3A_351, %broadcast_in_dim3A_403 : vector<512x128xi1>, vector<512x128xi32>
    %select_n3A_405 = arith.select %lt3A_377, %select_n3A_404, %select_n3A_357 : vector<512x128xi1>, vector<512x128xi32>
    %get3A_406 = arith.constant 1024 : index
    %get3A_407 = arith.constant 0 : index
    %get3A_408 = vector.load %arg4[%get3A_406, %get3A_407] : memref<10240x32xf32, #tpu.memory_space<vmem>>, vector<128x16xf32>
    %dot_general3A_409 = arith.constant dense<0.000000e+00> : vector<512x128xf32>
    %dot_general3A_410 = tpu.matmul %mul3A_3, %get3A_408, %dot_general3A_409 {dimension_numbers = #tpu.dot_dimension_numbers<[1], [1], [0], [0], [0, 0, 1, 0], [], []>, transpose_lhs_hint = false} : vector<512x16xf32>, vector<128x16xf32>, vector<512x128xf32> -> vector<512x128xf32>
    %get3A_411 = arith.constant 0 : index
    %get3A_412 = arith.constant 1024 : index
    %get3A_413 = vector.load %arg3[%get3A_411, %get3A_412] : memref<1x10240xf32, #tpu.memory_space<vmem>>, vector<1x128xf32>
    %add3A_414 = vector.broadcast %get3A_6 : vector<512x1xf32> to vector<512x128xf32>
    %add3A_415 = vector.broadcast %get3A_413 : vector<1x128xf32> to vector<512x128xf32>
    %add3A_416 = arith.addf %add3A_414, %add3A_415 : vector<512x128xf32>
    %add3A_417 = arith.addf %add3A_416, %dot_general3A_410 : vector<512x128xf32>
    %get3A_418 = arith.constant 0 : index
    %get3A_419 = arith.constant 1024 : index
    %get3A_420 = vector.load %arg5[%get3A_418, %get3A_419] : memref<1x10240xi32, #tpu.memory_space<vmem>>, vector<1x128xi32>
    %lt3A_421 = arith.cmpf olt, %add3A_417, %select_n3A_378 : vector<512x128xf32>
    %lt3A_422 = arith.cmpf olt, %add3A_417, %select_n3A_383 : vector<512x128xf32>
    %lt3A_423 = arith.cmpf olt, %add3A_417, %select_n3A_389 : vector<512x128xf32>
    %lt3A_424 = arith.cmpf olt, %add3A_417, %select_n3A_395 : vector<512x128xf32>
    %lt3A_425 = arith.cmpf olt, %add3A_417, %select_n3A_401 : vector<512x128xf32>
    %select_n3A_426 = arith.select %lt3A_421, %add3A_417, %select_n3A_378 : vector<512x128xi1>, vector<512x128xf32>
    %broadcast_in_dim3A_427 = vector.shape_cast %get3A_420 : vector<1x128xi32> to vector<1x128xi32>
    %broadcast_in_dim3A_428 = vector.broadcast %broadcast_in_dim3A_427 : vector<1x128xi32> to vector<512x128xi32>
    %select_n3A_429 = arith.select %lt3A_421, %broadcast_in_dim3A_428, %select_n3A_381 : vector<512x128xi1>, vector<512x128xi32>
    %select_n3A_430 = arith.select %lt3A_421, %select_n3A_378, %add3A_417 : vector<512x128xi1>, vector<512x128xf32>
    %select_n3A_431 = arith.select %lt3A_422, %select_n3A_430, %select_n3A_383 : vector<512x128xi1>, vector<512x128xf32>
    %broadcast_in_dim3A_432 = vector.shape_cast %get3A_420 : vector<1x128xi32> to vector<1x128xi32>
    %broadcast_in_dim3A_433 = vector.broadcast %broadcast_in_dim3A_432 : vector<1x128xi32> to vector<512x128xi32>
    %select_n3A_434 = arith.select %lt3A_421, %select_n3A_381, %broadcast_in_dim3A_433 : vector<512x128xi1>, vector<512x128xi32>
    %select_n3A_435 = arith.select %lt3A_422, %select_n3A_434, %select_n3A_387 : vector<512x128xi1>, vector<512x128xi32>
    %select_n3A_436 = arith.select %lt3A_422, %select_n3A_383, %add3A_417 : vector<512x128xi1>, vector<512x128xf32>
    %select_n3A_437 = arith.select %lt3A_423, %select_n3A_436, %select_n3A_389 : vector<512x128xi1>, vector<512x128xf32>
    %broadcast_in_dim3A_438 = vector.shape_cast %get3A_420 : vector<1x128xi32> to vector<1x128xi32>
    %broadcast_in_dim3A_439 = vector.broadcast %broadcast_in_dim3A_438 : vector<1x128xi32> to vector<512x128xi32>
    %select_n3A_440 = arith.select %lt3A_422, %select_n3A_387, %broadcast_in_dim3A_439 : vector<512x128xi1>, vector<512x128xi32>
    %select_n3A_441 = arith.select %lt3A_423, %select_n3A_440, %select_n3A_393 : vector<512x128xi1>, vector<512x128xi32>
    %select_n3A_442 = arith.select %lt3A_423, %select_n3A_389, %add3A_417 : vector<512x128xi1>, vector<512x128xf32>
    %select_n3A_443 = arith.select %lt3A_424, %select_n3A_442, %select_n3A_395 : vector<512x128xi1>, vector<512x128xf32>
    %broadcast_in_dim3A_444 = vector.shape_cast %get3A_420 : vector<1x128xi32> to vector<1x128xi32>
    %broadcast_in_dim3A_445 = vector.broadcast %broadcast_in_dim3A_444 : vector<1x128xi32> to vector<512x128xi32>
    %select_n3A_446 = arith.select %lt3A_423, %select_n3A_393, %broadcast_in_dim3A_445 : vector<512x128xi1>, vector<512x128xi32>
    %select_n3A_447 = arith.select %lt3A_424, %select_n3A_446, %select_n3A_399 : vector<512x128xi1>, vector<512x128xi32>
    %select_n3A_448 = arith.select %lt3A_424, %select_n3A_395, %add3A_417 : vector<512x128xi1>, vector<512x128xf32>
    %select_n3A_449 = arith.select %lt3A_425, %select_n3A_448, %select_n3A_401 : vector<512x128xi1>, vector<512x128xf32>
    %broadcast_in_dim3A_450 = vector.shape_cast %get3A_420 : vector<1x128xi32> to vector<1x128xi32>
    %broadcast_in_dim3A_451 = vector.broadcast %broadcast_in_dim3A_450 : vector<1x128xi32> to vector<512x128xi32>
    %select_n3A_452 = arith.select %lt3A_424, %select_n3A_399, %broadcast_in_dim3A_451 : vector<512x128xi1>, vector<512x128xi32>
    %select_n3A_453 = arith.select %lt3A_425, %select_n3A_452, %select_n3A_405 : vector<512x128xi1>, vector<512x128xi32>
    %get3A_454 = arith.constant 1152 : index
    %get3A_455 = arith.constant 0 : index
    %get3A_456 = vector.load %arg4[%get3A_454, %get3A_455] : memref<10240x32xf32, #tpu.memory_space<vmem>>, vector<128x16xf32>
    %dot_general3A_457 = arith.constant dense<0.000000e+00> : vector<512x128xf32>
    %dot_general3A_458 = tpu.matmul %mul3A_3, %get3A_456, %dot_general3A_457 {dimension_numbers = #tpu.dot_dimension_numbers<[1], [1], [0], [0], [0, 0, 1, 0], [], []>, transpose_lhs_hint = false} : vector<512x16xf32>, vector<128x16xf32>, vector<512x128xf32> -> vector<512x128xf32>
    %get3A_459 = arith.constant 0 : index
    %get3A_460 = arith.constant 1152 : index
    %get3A_461 = vector.load %arg3[%get3A_459, %get3A_460] : memref<1x10240xf32, #tpu.memory_space<vmem>>, vector<1x128xf32>
    %add3A_462 = vector.broadcast %get3A_6 : vector<512x1xf32> to vector<512x128xf32>
    %add3A_463 = vector.broadcast %get3A_461 : vector<1x128xf32> to vector<512x128xf32>
    %add3A_464 = arith.addf %add3A_462, %add3A_463 : vector<512x128xf32>
    %add3A_465 = arith.addf %add3A_464, %dot_general3A_458 : vector<512x128xf32>
    %get3A_466 = arith.constant 0 : index
    %get3A_467 = arith.constant 1152 : index
    %get3A_468 = vector.load %arg5[%get3A_466, %get3A_467] : memref<1x10240xi32, #tpu.memory_space<vmem>>, vector<1x128xi32>
    %lt3A_469 = arith.cmpf olt, %add3A_465, %select_n3A_426 : vector<512x128xf32>
    %lt3A_470 = arith.cmpf olt, %add3A_465, %select_n3A_431 : vector<512x128xf32>
    %lt3A_471 = arith.cmpf olt, %add3A_465, %select_n3A_437 : vector<512x128xf32>
    %lt3A_472 = arith.cmpf olt, %add3A_465, %select_n3A_443 : vector<512x128xf32>
    %lt3A_473 = arith.cmpf olt, %add3A_465, %select_n3A_449 : vector<512x128xf32>
    %select_n3A_474 = arith.select %lt3A_469, %add3A_465, %select_n3A_426 : vector<512x128xi1>, vector<512x128xf32>
    %broadcast_in_dim3A_475 = vector.shape_cast %get3A_468 : vector<1x128xi32> to vector<1x128xi32>
    %broadcast_in_dim3A_476 = vector.broadcast %broadcast_in_dim3A_475 : vector<1x128xi32> to vector<512x128xi32>
    %select_n3A_477 = arith.select %lt3A_469, %broadcast_in_dim3A_476, %select_n3A_429 : vector<512x128xi1>, vector<512x128xi32>
    %select_n3A_478 = arith.select %lt3A_469, %select_n3A_426, %add3A_465 : vector<512x128xi1>, vector<512x128xf32>
    %select_n3A_479 = arith.select %lt3A_470, %select_n3A_478, %select_n3A_431 : vector<512x128xi1>, vector<512x128xf32>
    %broadcast_in_dim3A_480 = vector.shape_cast %get3A_468 : vector<1x128xi32> to vector<1x128xi32>
    %broadcast_in_dim3A_481 = vector.broadcast %broadcast_in_dim3A_480 : vector<1x128xi32> to vector<512x128xi32>
    %select_n3A_482 = arith.select %lt3A_469, %select_n3A_429, %broadcast_in_dim3A_481 : vector<512x128xi1>, vector<512x128xi32>
    %select_n3A_483 = arith.select %lt3A_470, %select_n3A_482, %select_n3A_435 : vector<512x128xi1>, vector<512x128xi32>
    %select_n3A_484 = arith.select %lt3A_470, %select_n3A_431, %add3A_465 : vector<512x128xi1>, vector<512x128xf32>
    %select_n3A_485 = arith.select %lt3A_471, %select_n3A_484, %select_n3A_437 : vector<512x128xi1>, vector<512x128xf32>
    %broadcast_in_dim3A_486 = vector.shape_cast %get3A_468 : vector<1x128xi32> to vector<1x128xi32>
    %broadcast_in_dim3A_487 = vector.broadcast %broadcast_in_dim3A_486 : vector<1x128xi32> to vector<512x128xi32>
    %select_n3A_488 = arith.select %lt3A_470, %select_n3A_435, %broadcast_in_dim3A_487 : vector<512x128xi1>, vector<512x128xi32>
    %select_n3A_489 = arith.select %lt3A_471, %select_n3A_488, %select_n3A_441 : vector<512x128xi1>, vector<512x128xi32>
    %select_n3A_490 = arith.select %lt3A_471, %select_n3A_437, %add3A_465 : vector<512x128xi1>, vector<512x128xf32>
    %select_n3A_491 = arith.select %lt3A_472, %select_n3A_490, %select_n3A_443 : vector<512x128xi1>, vector<512x128xf32>
    %broadcast_in_dim3A_492 = vector.shape_cast %get3A_468 : vector<1x128xi32> to vector<1x128xi32>
    %broadcast_in_dim3A_493 = vector.broadcast %broadcast_in_dim3A_492 : vector<1x128xi32> to vector<512x128xi32>
    %select_n3A_494 = arith.select %lt3A_471, %select_n3A_441, %broadcast_in_dim3A_493 : vector<512x128xi1>, vector<512x128xi32>
    %select_n3A_495 = arith.select %lt3A_472, %select_n3A_494, %select_n3A_447 : vector<512x128xi1>, vector<512x128xi32>
    %select_n3A_496 = arith.select %lt3A_472, %select_n3A_443, %add3A_465 : vector<512x128xi1>, vector<512x128xf32>
    %select_n3A_497 = arith.select %lt3A_473, %select_n3A_496, %select_n3A_449 : vector<512x128xi1>, vector<512x128xf32>
    %broadcast_in_dim3A_498 = vector.shape_cast %get3A_468 : vector<1x128xi32> to vector<1x128xi32>
    %broadcast_in_dim3A_499 = vector.broadcast %broadcast_in_dim3A_498 : vector<1x128xi32> to vector<512x128xi32>
    %select_n3A_500 = arith.select %lt3A_472, %select_n3A_447, %broadcast_in_dim3A_499 : vector<512x128xi1>, vector<512x128xi32>
    %select_n3A_501 = arith.select %lt3A_473, %select_n3A_500, %select_n3A_453 : vector<512x128xi1>, vector<512x128xi32>
    %get3A_502 = arith.constant 1280 : index
    %get3A_503 = arith.constant 0 : index
    %get3A_504 = vector.load %arg4[%get3A_502, %get3A_503] : memref<10240x32xf32, #tpu.memory_space<vmem>>, vector<128x16xf32>
    %dot_general3A_505 = arith.constant dense<0.000000e+00> : vector<512x128xf32>
    %dot_general3A_506 = tpu.matmul %mul3A_3, %get3A_504, %dot_general3A_505 {dimension_numbers = #tpu.dot_dimension_numbers<[1], [1], [0], [0], [0, 0, 1, 0], [], []>, transpose_lhs_hint = false} : vector<512x16xf32>, vector<128x16xf32>, vector<512x128xf32> -> vector<512x128xf32>
    %get3A_507 = arith.constant 0 : index
    %get3A_508 = arith.constant 1280 : index
    %get3A_509 = vector.load %arg3[%get3A_507, %get3A_508] : memref<1x10240xf32, #tpu.memory_space<vmem>>, vector<1x128xf32>
    %add3A_510 = vector.broadcast %get3A_6 : vector<512x1xf32> to vector<512x128xf32>
    %add3A_511 = vector.broadcast %get3A_509 : vector<1x128xf32> to vector<512x128xf32>
    %add3A_512 = arith.addf %add3A_510, %add3A_511 : vector<512x128xf32>
    %add3A_513 = arith.addf %add3A_512, %dot_general3A_506 : vector<512x128xf32>
    %get3A_514 = arith.constant 0 : index
    %get3A_515 = arith.constant 1280 : index
    %get3A_516 = vector.load %arg5[%get3A_514, %get3A_515] : memref<1x10240xi32, #tpu.memory_space<vmem>>, vector<1x128xi32>
    %lt3A_517 = arith.cmpf olt, %add3A_513, %select_n3A_474 : vector<512x128xf32>
    %lt3A_518 = arith.cmpf olt, %add3A_513, %select_n3A_479 : vector<512x128xf32>
    %lt3A_519 = arith.cmpf olt, %add3A_513, %select_n3A_485 : vector<512x128xf32>
    %lt3A_520 = arith.cmpf olt, %add3A_513, %select_n3A_491 : vector<512x128xf32>
    %lt3A_521 = arith.cmpf olt, %add3A_513, %select_n3A_497 : vector<512x128xf32>
    %select_n3A_522 = arith.select %lt3A_517, %add3A_513, %select_n3A_474 : vector<512x128xi1>, vector<512x128xf32>
    %broadcast_in_dim3A_523 = vector.shape_cast %get3A_516 : vector<1x128xi32> to vector<1x128xi32>
    %broadcast_in_dim3A_524 = vector.broadcast %broadcast_in_dim3A_523 : vector<1x128xi32> to vector<512x128xi32>
    %select_n3A_525 = arith.select %lt3A_517, %broadcast_in_dim3A_524, %select_n3A_477 : vector<512x128xi1>, vector<512x128xi32>
    %select_n3A_526 = arith.select %lt3A_517, %select_n3A_474, %add3A_513 : vector<512x128xi1>, vector<512x128xf32>
    %select_n3A_527 = arith.select %lt3A_518, %select_n3A_526, %select_n3A_479 : vector<512x128xi1>, vector<512x128xf32>
    %broadcast_in_dim3A_528 = vector.shape_cast %get3A_516 : vector<1x128xi32> to vector<1x128xi32>
    %broadcast_in_dim3A_529 = vector.broadcast %broadcast_in_dim3A_528 : vector<1x128xi32> to vector<512x128xi32>
    %select_n3A_530 = arith.select %lt3A_517, %select_n3A_477, %broadcast_in_dim3A_529 : vector<512x128xi1>, vector<512x128xi32>
    %select_n3A_531 = arith.select %lt3A_518, %select_n3A_530, %select_n3A_483 : vector<512x128xi1>, vector<512x128xi32>
    %select_n3A_532 = arith.select %lt3A_518, %select_n3A_479, %add3A_513 : vector<512x128xi1>, vector<512x128xf32>
    %select_n3A_533 = arith.select %lt3A_519, %select_n3A_532, %select_n3A_485 : vector<512x128xi1>, vector<512x128xf32>
    %broadcast_in_dim3A_534 = vector.shape_cast %get3A_516 : vector<1x128xi32> to vector<1x128xi32>
    %broadcast_in_dim3A_535 = vector.broadcast %broadcast_in_dim3A_534 : vector<1x128xi32> to vector<512x128xi32>
    %select_n3A_536 = arith.select %lt3A_518, %select_n3A_483, %broadcast_in_dim3A_535 : vector<512x128xi1>, vector<512x128xi32>
    %select_n3A_537 = arith.select %lt3A_519, %select_n3A_536, %select_n3A_489 : vector<512x128xi1>, vector<512x128xi32>
    %select_n3A_538 = arith.select %lt3A_519, %select_n3A_485, %add3A_513 : vector<512x128xi1>, vector<512x128xf32>
    %select_n3A_539 = arith.select %lt3A_520, %select_n3A_538, %select_n3A_491 : vector<512x128xi1>, vector<512x128xf32>
    %broadcast_in_dim3A_540 = vector.shape_cast %get3A_516 : vector<1x128xi32> to vector<1x128xi32>
    %broadcast_in_dim3A_541 = vector.broadcast %broadcast_in_dim3A_540 : vector<1x128xi32> to vector<512x128xi32>
    %select_n3A_542 = arith.select %lt3A_519, %select_n3A_489, %broadcast_in_dim3A_541 : vector<512x128xi1>, vector<512x128xi32>
    %select_n3A_543 = arith.select %lt3A_520, %select_n3A_542, %select_n3A_495 : vector<512x128xi1>, vector<512x128xi32>
    %select_n3A_544 = arith.select %lt3A_520, %select_n3A_491, %add3A_513 : vector<512x128xi1>, vector<512x128xf32>
    %select_n3A_545 = arith.select %lt3A_521, %select_n3A_544, %select_n3A_497 : vector<512x128xi1>, vector<512x128xf32>
    %broadcast_in_dim3A_546 = vector.shape_cast %get3A_516 : vector<1x128xi32> to vector<1x128xi32>
    %broadcast_in_dim3A_547 = vector.broadcast %broadcast_in_dim3A_546 : vector<1x128xi32> to vector<512x128xi32>
    %select_n3A_548 = arith.select %lt3A_520, %select_n3A_495, %broadcast_in_dim3A_547 : vector<512x128xi1>, vector<512x128xi32>
    %select_n3A_549 = arith.select %lt3A_521, %select_n3A_548, %select_n3A_501 : vector<512x128xi1>, vector<512x128xi32>
    %get3A_550 = arith.constant 1408 : index
    %get3A_551 = arith.constant 0 : index
    %get3A_552 = vector.load %arg4[%get3A_550, %get3A_551] : memref<10240x32xf32, #tpu.memory_space<vmem>>, vector<128x16xf32>
    %dot_general3A_553 = arith.constant dense<0.000000e+00> : vector<512x128xf32>
    %dot_general3A_554 = tpu.matmul %mul3A_3, %get3A_552, %dot_general3A_553 {dimension_numbers = #tpu.dot_dimension_numbers<[1], [1], [0], [0], [0, 0, 1, 0], [], []>, transpose_lhs_hint = false} : vector<512x16xf32>, vector<128x16xf32>, vector<512x128xf32> -> vector<512x128xf32>
    %get3A_555 = arith.constant 0 : index
    %get3A_556 = arith.constant 1408 : index
    %get3A_557 = vector.load %arg3[%get3A_555, %get3A_556] : memref<1x10240xf32, #tpu.memory_space<vmem>>, vector<1x128xf32>
    %add3A_558 = vector.broadcast %get3A_6 : vector<512x1xf32> to vector<512x128xf32>
    %add3A_559 = vector.broadcast %get3A_557 : vector<1x128xf32> to vector<512x128xf32>
    %add3A_560 = arith.addf %add3A_558, %add3A_559 : vector<512x128xf32>
    %add3A_561 = arith.addf %add3A_560, %dot_general3A_554 : vector<512x128xf32>
    %get3A_562 = arith.constant 0 : index
    %get3A_563 = arith.constant 1408 : index
    %get3A_564 = vector.load %arg5[%get3A_562, %get3A_563] : memref<1x10240xi32, #tpu.memory_space<vmem>>, vector<1x128xi32>
    %lt3A_565 = arith.cmpf olt, %add3A_561, %select_n3A_522 : vector<512x128xf32>
    %lt3A_566 = arith.cmpf olt, %add3A_561, %select_n3A_527 : vector<512x128xf32>
    %lt3A_567 = arith.cmpf olt, %add3A_561, %select_n3A_533 : vector<512x128xf32>
    %lt3A_568 = arith.cmpf olt, %add3A_561, %select_n3A_539 : vector<512x128xf32>
    %lt3A_569 = arith.cmpf olt, %add3A_561, %select_n3A_545 : vector<512x128xf32>
    %select_n3A_570 = arith.select %lt3A_565, %add3A_561, %select_n3A_522 : vector<512x128xi1>, vector<512x128xf32>
    %broadcast_in_dim3A_571 = vector.shape_cast %get3A_564 : vector<1x128xi32> to vector<1x128xi32>
    %broadcast_in_dim3A_572 = vector.broadcast %broadcast_in_dim3A_571 : vector<1x128xi32> to vector<512x128xi32>
    %select_n3A_573 = arith.select %lt3A_565, %broadcast_in_dim3A_572, %select_n3A_525 : vector<512x128xi1>, vector<512x128xi32>
    %select_n3A_574 = arith.select %lt3A_565, %select_n3A_522, %add3A_561 : vector<512x128xi1>, vector<512x128xf32>
    %select_n3A_575 = arith.select %lt3A_566, %select_n3A_574, %select_n3A_527 : vector<512x128xi1>, vector<512x128xf32>
    %broadcast_in_dim3A_576 = vector.shape_cast %get3A_564 : vector<1x128xi32> to vector<1x128xi32>
    %broadcast_in_dim3A_577 = vector.broadcast %broadcast_in_dim3A_576 : vector<1x128xi32> to vector<512x128xi32>
    %select_n3A_578 = arith.select %lt3A_565, %select_n3A_525, %broadcast_in_dim3A_577 : vector<512x128xi1>, vector<512x128xi32>
    %select_n3A_579 = arith.select %lt3A_566, %select_n3A_578, %select_n3A_531 : vector<512x128xi1>, vector<512x128xi32>
    %select_n3A_580 = arith.select %lt3A_566, %select_n3A_527, %add3A_561 : vector<512x128xi1>, vector<512x128xf32>
    %select_n3A_581 = arith.select %lt3A_567, %select_n3A_580, %select_n3A_533 : vector<512x128xi1>, vector<512x128xf32>
    %broadcast_in_dim3A_582 = vector.shape_cast %get3A_564 : vector<1x128xi32> to vector<1x128xi32>
    %broadcast_in_dim3A_583 = vector.broadcast %broadcast_in_dim3A_582 : vector<1x128xi32> to vector<512x128xi32>
    %select_n3A_584 = arith.select %lt3A_566, %select_n3A_531, %broadcast_in_dim3A_583 : vector<512x128xi1>, vector<512x128xi32>
    %select_n3A_585 = arith.select %lt3A_567, %select_n3A_584, %select_n3A_537 : vector<512x128xi1>, vector<512x128xi32>
    %select_n3A_586 = arith.select %lt3A_567, %select_n3A_533, %add3A_561 : vector<512x128xi1>, vector<512x128xf32>
    %select_n3A_587 = arith.select %lt3A_568, %select_n3A_586, %select_n3A_539 : vector<512x128xi1>, vector<512x128xf32>
    %broadcast_in_dim3A_588 = vector.shape_cast %get3A_564 : vector<1x128xi32> to vector<1x128xi32>
    %broadcast_in_dim3A_589 = vector.broadcast %broadcast_in_dim3A_588 : vector<1x128xi32> to vector<512x128xi32>
    %select_n3A_590 = arith.select %lt3A_567, %select_n3A_537, %broadcast_in_dim3A_589 : vector<512x128xi1>, vector<512x128xi32>
    %select_n3A_591 = arith.select %lt3A_568, %select_n3A_590, %select_n3A_543 : vector<512x128xi1>, vector<512x128xi32>
    %select_n3A_592 = arith.select %lt3A_568, %select_n3A_539, %add3A_561 : vector<512x128xi1>, vector<512x128xf32>
    %select_n3A_593 = arith.select %lt3A_569, %select_n3A_592, %select_n3A_545 : vector<512x128xi1>, vector<512x128xf32>
    %broadcast_in_dim3A_594 = vector.shape_cast %get3A_564 : vector<1x128xi32> to vector<1x128xi32>
    %broadcast_in_dim3A_595 = vector.broadcast %broadcast_in_dim3A_594 : vector<1x128xi32> to vector<512x128xi32>
    %select_n3A_596 = arith.select %lt3A_568, %select_n3A_543, %broadcast_in_dim3A_595 : vector<512x128xi1>, vector<512x128xi32>
    %select_n3A_597 = arith.select %lt3A_569, %select_n3A_596, %select_n3A_549 : vector<512x128xi1>, vector<512x128xi32>
    %get3A_598 = arith.constant 1536 : index
    %get3A_599 = arith.constant 0 : index
    %get3A_600 = vector.load %arg4[%get3A_598, %get3A_599] : memref<10240x32xf32, #tpu.memory_space<vmem>>, vector<128x16xf32>
    %dot_general3A_601 = arith.constant dense<0.000000e+00> : vector<512x128xf32>
    %dot_general3A_602 = tpu.matmul %mul3A_3, %get3A_600, %dot_general3A_601 {dimension_numbers = #tpu.dot_dimension_numbers<[1], [1], [0], [0], [0, 0, 1, 0], [], []>, transpose_lhs_hint = false} : vector<512x16xf32>, vector<128x16xf32>, vector<512x128xf32> -> vector<512x128xf32>
    %get3A_603 = arith.constant 0 : index
    %get3A_604 = arith.constant 1536 : index
    %get3A_605 = vector.load %arg3[%get3A_603, %get3A_604] : memref<1x10240xf32, #tpu.memory_space<vmem>>, vector<1x128xf32>
    %add3A_606 = vector.broadcast %get3A_6 : vector<512x1xf32> to vector<512x128xf32>
    %add3A_607 = vector.broadcast %get3A_605 : vector<1x128xf32> to vector<512x128xf32>
    %add3A_608 = arith.addf %add3A_606, %add3A_607 : vector<512x128xf32>
    %add3A_609 = arith.addf %add3A_608, %dot_general3A_602 : vector<512x128xf32>
    %get3A_610 = arith.constant 0 : index
    %get3A_611 = arith.constant 1536 : index
    %get3A_612 = vector.load %arg5[%get3A_610, %get3A_611] : memref<1x10240xi32, #tpu.memory_space<vmem>>, vector<1x128xi32>
    %lt3A_613 = arith.cmpf olt, %add3A_609, %select_n3A_570 : vector<512x128xf32>
    %lt3A_614 = arith.cmpf olt, %add3A_609, %select_n3A_575 : vector<512x128xf32>
    %lt3A_615 = arith.cmpf olt, %add3A_609, %select_n3A_581 : vector<512x128xf32>
    %lt3A_616 = arith.cmpf olt, %add3A_609, %select_n3A_587 : vector<512x128xf32>
    %lt3A_617 = arith.cmpf olt, %add3A_609, %select_n3A_593 : vector<512x128xf32>
    %select_n3A_618 = arith.select %lt3A_613, %add3A_609, %select_n3A_570 : vector<512x128xi1>, vector<512x128xf32>
    %broadcast_in_dim3A_619 = vector.shape_cast %get3A_612 : vector<1x128xi32> to vector<1x128xi32>
    %broadcast_in_dim3A_620 = vector.broadcast %broadcast_in_dim3A_619 : vector<1x128xi32> to vector<512x128xi32>
    %select_n3A_621 = arith.select %lt3A_613, %broadcast_in_dim3A_620, %select_n3A_573 : vector<512x128xi1>, vector<512x128xi32>
    %select_n3A_622 = arith.select %lt3A_613, %select_n3A_570, %add3A_609 : vector<512x128xi1>, vector<512x128xf32>
    %select_n3A_623 = arith.select %lt3A_614, %select_n3A_622, %select_n3A_575 : vector<512x128xi1>, vector<512x128xf32>
    %broadcast_in_dim3A_624 = vector.shape_cast %get3A_612 : vector<1x128xi32> to vector<1x128xi32>
    %broadcast_in_dim3A_625 = vector.broadcast %broadcast_in_dim3A_624 : vector<1x128xi32> to vector<512x128xi32>
    %select_n3A_626 = arith.select %lt3A_613, %select_n3A_573, %broadcast_in_dim3A_625 : vector<512x128xi1>, vector<512x128xi32>
    %select_n3A_627 = arith.select %lt3A_614, %select_n3A_626, %select_n3A_579 : vector<512x128xi1>, vector<512x128xi32>
    %select_n3A_628 = arith.select %lt3A_614, %select_n3A_575, %add3A_609 : vector<512x128xi1>, vector<512x128xf32>
    %select_n3A_629 = arith.select %lt3A_615, %select_n3A_628, %select_n3A_581 : vector<512x128xi1>, vector<512x128xf32>
    %broadcast_in_dim3A_630 = vector.shape_cast %get3A_612 : vector<1x128xi32> to vector<1x128xi32>
    %broadcast_in_dim3A_631 = vector.broadcast %broadcast_in_dim3A_630 : vector<1x128xi32> to vector<512x128xi32>
    %select_n3A_632 = arith.select %lt3A_614, %select_n3A_579, %broadcast_in_dim3A_631 : vector<512x128xi1>, vector<512x128xi32>
    %select_n3A_633 = arith.select %lt3A_615, %select_n3A_632, %select_n3A_585 : vector<512x128xi1>, vector<512x128xi32>
    %select_n3A_634 = arith.select %lt3A_615, %select_n3A_581, %add3A_609 : vector<512x128xi1>, vector<512x128xf32>
    %select_n3A_635 = arith.select %lt3A_616, %select_n3A_634, %select_n3A_587 : vector<512x128xi1>, vector<512x128xf32>
    %broadcast_in_dim3A_636 = vector.shape_cast %get3A_612 : vector<1x128xi32> to vector<1x128xi32>
    %broadcast_in_dim3A_637 = vector.broadcast %broadcast_in_dim3A_636 : vector<1x128xi32> to vector<512x128xi32>
    %select_n3A_638 = arith.select %lt3A_615, %select_n3A_585, %broadcast_in_dim3A_637 : vector<512x128xi1>, vector<512x128xi32>
    %select_n3A_639 = arith.select %lt3A_616, %select_n3A_638, %select_n3A_591 : vector<512x128xi1>, vector<512x128xi32>
    %select_n3A_640 = arith.select %lt3A_616, %select_n3A_587, %add3A_609 : vector<512x128xi1>, vector<512x128xf32>
    %select_n3A_641 = arith.select %lt3A_617, %select_n3A_640, %select_n3A_593 : vector<512x128xi1>, vector<512x128xf32>
    %broadcast_in_dim3A_642 = vector.shape_cast %get3A_612 : vector<1x128xi32> to vector<1x128xi32>
    %broadcast_in_dim3A_643 = vector.broadcast %broadcast_in_dim3A_642 : vector<1x128xi32> to vector<512x128xi32>
    %select_n3A_644 = arith.select %lt3A_616, %select_n3A_591, %broadcast_in_dim3A_643 : vector<512x128xi1>, vector<512x128xi32>
    %select_n3A_645 = arith.select %lt3A_617, %select_n3A_644, %select_n3A_597 : vector<512x128xi1>, vector<512x128xi32>
    %get3A_646 = arith.constant 1664 : index
    %get3A_647 = arith.constant 0 : index
    %get3A_648 = vector.load %arg4[%get3A_646, %get3A_647] : memref<10240x32xf32, #tpu.memory_space<vmem>>, vector<128x16xf32>
    %dot_general3A_649 = arith.constant dense<0.000000e+00> : vector<512x128xf32>
    %dot_general3A_650 = tpu.matmul %mul3A_3, %get3A_648, %dot_general3A_649 {dimension_numbers = #tpu.dot_dimension_numbers<[1], [1], [0], [0], [0, 0, 1, 0], [], []>, transpose_lhs_hint = false} : vector<512x16xf32>, vector<128x16xf32>, vector<512x128xf32> -> vector<512x128xf32>
    %get3A_651 = arith.constant 0 : index
    %get3A_652 = arith.constant 1664 : index
    %get3A_653 = vector.load %arg3[%get3A_651, %get3A_652] : memref<1x10240xf32, #tpu.memory_space<vmem>>, vector<1x128xf32>
    %add3A_654 = vector.broadcast %get3A_6 : vector<512x1xf32> to vector<512x128xf32>
    %add3A_655 = vector.broadcast %get3A_653 : vector<1x128xf32> to vector<512x128xf32>
    %add3A_656 = arith.addf %add3A_654, %add3A_655 : vector<512x128xf32>
    %add3A_657 = arith.addf %add3A_656, %dot_general3A_650 : vector<512x128xf32>
    %get3A_658 = arith.constant 0 : index
    %get3A_659 = arith.constant 1664 : index
    %get3A_660 = vector.load %arg5[%get3A_658, %get3A_659] : memref<1x10240xi32, #tpu.memory_space<vmem>>, vector<1x128xi32>
    %lt3A_661 = arith.cmpf olt, %add3A_657, %select_n3A_618 : vector<512x128xf32>
    %lt3A_662 = arith.cmpf olt, %add3A_657, %select_n3A_623 : vector<512x128xf32>
    %lt3A_663 = arith.cmpf olt, %add3A_657, %select_n3A_629 : vector<512x128xf32>
    %lt3A_664 = arith.cmpf olt, %add3A_657, %select_n3A_635 : vector<512x128xf32>
    %lt3A_665 = arith.cmpf olt, %add3A_657, %select_n3A_641 : vector<512x128xf32>
    %select_n3A_666 = arith.select %lt3A_661, %add3A_657, %select_n3A_618 : vector<512x128xi1>, vector<512x128xf32>
    %broadcast_in_dim3A_667 = vector.shape_cast %get3A_660 : vector<1x128xi32> to vector<1x128xi32>
    %broadcast_in_dim3A_668 = vector.broadcast %broadcast_in_dim3A_667 : vector<1x128xi32> to vector<512x128xi32>
    %select_n3A_669 = arith.select %lt3A_661, %broadcast_in_dim3A_668, %select_n3A_621 : vector<512x128xi1>, vector<512x128xi32>
    %select_n3A_670 = arith.select %lt3A_661, %select_n3A_618, %add3A_657 : vector<512x128xi1>, vector<512x128xf32>
    %select_n3A_671 = arith.select %lt3A_662, %select_n3A_670, %select_n3A_623 : vector<512x128xi1>, vector<512x128xf32>
    %broadcast_in_dim3A_672 = vector.shape_cast %get3A_660 : vector<1x128xi32> to vector<1x128xi32>
    %broadcast_in_dim3A_673 = vector.broadcast %broadcast_in_dim3A_672 : vector<1x128xi32> to vector<512x128xi32>
    %select_n3A_674 = arith.select %lt3A_661, %select_n3A_621, %broadcast_in_dim3A_673 : vector<512x128xi1>, vector<512x128xi32>
    %select_n3A_675 = arith.select %lt3A_662, %select_n3A_674, %select_n3A_627 : vector<512x128xi1>, vector<512x128xi32>
    %select_n3A_676 = arith.select %lt3A_662, %select_n3A_623, %add3A_657 : vector<512x128xi1>, vector<512x128xf32>
    %select_n3A_677 = arith.select %lt3A_663, %select_n3A_676, %select_n3A_629 : vector<512x128xi1>, vector<512x128xf32>
    %broadcast_in_dim3A_678 = vector.shape_cast %get3A_660 : vector<1x128xi32> to vector<1x128xi32>
    %broadcast_in_dim3A_679 = vector.broadcast %broadcast_in_dim3A_678 : vector<1x128xi32> to vector<512x128xi32>
    %select_n3A_680 = arith.select %lt3A_662, %select_n3A_627, %broadcast_in_dim3A_679 : vector<512x128xi1>, vector<512x128xi32>
    %select_n3A_681 = arith.select %lt3A_663, %select_n3A_680, %select_n3A_633 : vector<512x128xi1>, vector<512x128xi32>
    %select_n3A_682 = arith.select %lt3A_663, %select_n3A_629, %add3A_657 : vector<512x128xi1>, vector<512x128xf32>
    %select_n3A_683 = arith.select %lt3A_664, %select_n3A_682, %select_n3A_635 : vector<512x128xi1>, vector<512x128xf32>
    %broadcast_in_dim3A_684 = vector.shape_cast %get3A_660 : vector<1x128xi32> to vector<1x128xi32>
    %broadcast_in_dim3A_685 = vector.broadcast %broadcast_in_dim3A_684 : vector<1x128xi32> to vector<512x128xi32>
    %select_n3A_686 = arith.select %lt3A_663, %select_n3A_633, %broadcast_in_dim3A_685 : vector<512x128xi1>, vector<512x128xi32>
    %select_n3A_687 = arith.select %lt3A_664, %select_n3A_686, %select_n3A_639 : vector<512x128xi1>, vector<512x128xi32>
    %select_n3A_688 = arith.select %lt3A_664, %select_n3A_635, %add3A_657 : vector<512x128xi1>, vector<512x128xf32>
    %select_n3A_689 = arith.select %lt3A_665, %select_n3A_688, %select_n3A_641 : vector<512x128xi1>, vector<512x128xf32>
    %broadcast_in_dim3A_690 = vector.shape_cast %get3A_660 : vector<1x128xi32> to vector<1x128xi32>
    %broadcast_in_dim3A_691 = vector.broadcast %broadcast_in_dim3A_690 : vector<1x128xi32> to vector<512x128xi32>
    %select_n3A_692 = arith.select %lt3A_664, %select_n3A_639, %broadcast_in_dim3A_691 : vector<512x128xi1>, vector<512x128xi32>
    %select_n3A_693 = arith.select %lt3A_665, %select_n3A_692, %select_n3A_645 : vector<512x128xi1>, vector<512x128xi32>
    %get3A_694 = arith.constant 1792 : index
    %get3A_695 = arith.constant 0 : index
    %get3A_696 = vector.load %arg4[%get3A_694, %get3A_695] : memref<10240x32xf32, #tpu.memory_space<vmem>>, vector<128x16xf32>
    %dot_general3A_697 = arith.constant dense<0.000000e+00> : vector<512x128xf32>
    %dot_general3A_698 = tpu.matmul %mul3A_3, %get3A_696, %dot_general3A_697 {dimension_numbers = #tpu.dot_dimension_numbers<[1], [1], [0], [0], [0, 0, 1, 0], [], []>, transpose_lhs_hint = false} : vector<512x16xf32>, vector<128x16xf32>, vector<512x128xf32> -> vector<512x128xf32>
    %get3A_699 = arith.constant 0 : index
    %get3A_700 = arith.constant 1792 : index
    %get3A_701 = vector.load %arg3[%get3A_699, %get3A_700] : memref<1x10240xf32, #tpu.memory_space<vmem>>, vector<1x128xf32>
    %add3A_702 = vector.broadcast %get3A_6 : vector<512x1xf32> to vector<512x128xf32>
    %add3A_703 = vector.broadcast %get3A_701 : vector<1x128xf32> to vector<512x128xf32>
    %add3A_704 = arith.addf %add3A_702, %add3A_703 : vector<512x128xf32>
    %add3A_705 = arith.addf %add3A_704, %dot_general3A_698 : vector<512x128xf32>
    %get3A_706 = arith.constant 0 : index
    %get3A_707 = arith.constant 1792 : index
    %get3A_708 = vector.load %arg5[%get3A_706, %get3A_707] : memref<1x10240xi32, #tpu.memory_space<vmem>>, vector<1x128xi32>
    %lt3A_709 = arith.cmpf olt, %add3A_705, %select_n3A_666 : vector<512x128xf32>
    %lt3A_710 = arith.cmpf olt, %add3A_705, %select_n3A_671 : vector<512x128xf32>
    %lt3A_711 = arith.cmpf olt, %add3A_705, %select_n3A_677 : vector<512x128xf32>
    %lt3A_712 = arith.cmpf olt, %add3A_705, %select_n3A_683 : vector<512x128xf32>
    %lt3A_713 = arith.cmpf olt, %add3A_705, %select_n3A_689 : vector<512x128xf32>
    %select_n3A_714 = arith.select %lt3A_709, %add3A_705, %select_n3A_666 : vector<512x128xi1>, vector<512x128xf32>
    %broadcast_in_dim3A_715 = vector.shape_cast %get3A_708 : vector<1x128xi32> to vector<1x128xi32>
    %broadcast_in_dim3A_716 = vector.broadcast %broadcast_in_dim3A_715 : vector<1x128xi32> to vector<512x128xi32>
    %select_n3A_717 = arith.select %lt3A_709, %broadcast_in_dim3A_716, %select_n3A_669 : vector<512x128xi1>, vector<512x128xi32>
    %select_n3A_718 = arith.select %lt3A_709, %select_n3A_666, %add3A_705 : vector<512x128xi1>, vector<512x128xf32>
    %select_n3A_719 = arith.select %lt3A_710, %select_n3A_718, %select_n3A_671 : vector<512x128xi1>, vector<512x128xf32>
    %broadcast_in_dim3A_720 = vector.shape_cast %get3A_708 : vector<1x128xi32> to vector<1x128xi32>
    %broadcast_in_dim3A_721 = vector.broadcast %broadcast_in_dim3A_720 : vector<1x128xi32> to vector<512x128xi32>
    %select_n3A_722 = arith.select %lt3A_709, %select_n3A_669, %broadcast_in_dim3A_721 : vector<512x128xi1>, vector<512x128xi32>
    %select_n3A_723 = arith.select %lt3A_710, %select_n3A_722, %select_n3A_675 : vector<512x128xi1>, vector<512x128xi32>
    %select_n3A_724 = arith.select %lt3A_710, %select_n3A_671, %add3A_705 : vector<512x128xi1>, vector<512x128xf32>
    %select_n3A_725 = arith.select %lt3A_711, %select_n3A_724, %select_n3A_677 : vector<512x128xi1>, vector<512x128xf32>
    %broadcast_in_dim3A_726 = vector.shape_cast %get3A_708 : vector<1x128xi32> to vector<1x128xi32>
    %broadcast_in_dim3A_727 = vector.broadcast %broadcast_in_dim3A_726 : vector<1x128xi32> to vector<512x128xi32>
    %select_n3A_728 = arith.select %lt3A_710, %select_n3A_675, %broadcast_in_dim3A_727 : vector<512x128xi1>, vector<512x128xi32>
    %select_n3A_729 = arith.select %lt3A_711, %select_n3A_728, %select_n3A_681 : vector<512x128xi1>, vector<512x128xi32>
    %select_n3A_730 = arith.select %lt3A_711, %select_n3A_677, %add3A_705 : vector<512x128xi1>, vector<512x128xf32>
    %select_n3A_731 = arith.select %lt3A_712, %select_n3A_730, %select_n3A_683 : vector<512x128xi1>, vector<512x128xf32>
    %broadcast_in_dim3A_732 = vector.shape_cast %get3A_708 : vector<1x128xi32> to vector<1x128xi32>
    %broadcast_in_dim3A_733 = vector.broadcast %broadcast_in_dim3A_732 : vector<1x128xi32> to vector<512x128xi32>
    %select_n3A_734 = arith.select %lt3A_711, %select_n3A_681, %broadcast_in_dim3A_733 : vector<512x128xi1>, vector<512x128xi32>
    %select_n3A_735 = arith.select %lt3A_712, %select_n3A_734, %select_n3A_687 : vector<512x128xi1>, vector<512x128xi32>
    %select_n3A_736 = arith.select %lt3A_712, %select_n3A_683, %add3A_705 : vector<512x128xi1>, vector<512x128xf32>
    %select_n3A_737 = arith.select %lt3A_713, %select_n3A_736, %select_n3A_689 : vector<512x128xi1>, vector<512x128xf32>
    %broadcast_in_dim3A_738 = vector.shape_cast %get3A_708 : vector<1x128xi32> to vector<1x128xi32>
    %broadcast_in_dim3A_739 = vector.broadcast %broadcast_in_dim3A_738 : vector<1x128xi32> to vector<512x128xi32>
    %select_n3A_740 = arith.select %lt3A_712, %select_n3A_687, %broadcast_in_dim3A_739 : vector<512x128xi1>, vector<512x128xi32>
    %select_n3A_741 = arith.select %lt3A_713, %select_n3A_740, %select_n3A_693 : vector<512x128xi1>, vector<512x128xi32>
    %get3A_742 = arith.constant 1920 : index
    %get3A_743 = arith.constant 0 : index
    %get3A_744 = vector.load %arg4[%get3A_742, %get3A_743] : memref<10240x32xf32, #tpu.memory_space<vmem>>, vector<128x16xf32>
    %dot_general3A_745 = arith.constant dense<0.000000e+00> : vector<512x128xf32>
    %dot_general3A_746 = tpu.matmul %mul3A_3, %get3A_744, %dot_general3A_745 {dimension_numbers = #tpu.dot_dimension_numbers<[1], [1], [0], [0], [0, 0, 1, 0], [], []>, transpose_lhs_hint = false} : vector<512x16xf32>, vector<128x16xf32>, vector<512x128xf32> -> vector<512x128xf32>
    %get3A_747 = arith.constant 0 : index
    %get3A_748 = arith.constant 1920 : index
    %get3A_749 = vector.load %arg3[%get3A_747, %get3A_748] : memref<1x10240xf32, #tpu.memory_space<vmem>>, vector<1x128xf32>
    %add3A_750 = vector.broadcast %get3A_6 : vector<512x1xf32> to vector<512x128xf32>
    %add3A_751 = vector.broadcast %get3A_749 : vector<1x128xf32> to vector<512x128xf32>
    %add3A_752 = arith.addf %add3A_750, %add3A_751 : vector<512x128xf32>
    %add3A_753 = arith.addf %add3A_752, %dot_general3A_746 : vector<512x128xf32>
    %get3A_754 = arith.constant 0 : index
    %get3A_755 = arith.constant 1920 : index
    %get3A_756 = vector.load %arg5[%get3A_754, %get3A_755] : memref<1x10240xi32, #tpu.memory_space<vmem>>, vector<1x128xi32>
    %lt3A_757 = arith.cmpf olt, %add3A_753, %select_n3A_714 : vector<512x128xf32>
    %lt3A_758 = arith.cmpf olt, %add3A_753, %select_n3A_719 : vector<512x128xf32>
    %lt3A_759 = arith.cmpf olt, %add3A_753, %select_n3A_725 : vector<512x128xf32>
    %lt3A_760 = arith.cmpf olt, %add3A_753, %select_n3A_731 : vector<512x128xf32>
    %lt3A_761 = arith.cmpf olt, %add3A_753, %select_n3A_737 : vector<512x128xf32>
    %select_n3A_762 = arith.select %lt3A_757, %add3A_753, %select_n3A_714 : vector<512x128xi1>, vector<512x128xf32>
    %broadcast_in_dim3A_763 = vector.shape_cast %get3A_756 : vector<1x128xi32> to vector<1x128xi32>
    %broadcast_in_dim3A_764 = vector.broadcast %broadcast_in_dim3A_763 : vector<1x128xi32> to vector<512x128xi32>
    %select_n3A_765 = arith.select %lt3A_757, %broadcast_in_dim3A_764, %select_n3A_717 : vector<512x128xi1>, vector<512x128xi32>
    %select_n3A_766 = arith.select %lt3A_757, %select_n3A_714, %add3A_753 : vector<512x128xi1>, vector<512x128xf32>
    %select_n3A_767 = arith.select %lt3A_758, %select_n3A_766, %select_n3A_719 : vector<512x128xi1>, vector<512x128xf32>
    %broadcast_in_dim3A_768 = vector.shape_cast %get3A_756 : vector<1x128xi32> to vector<1x128xi32>
    %broadcast_in_dim3A_769 = vector.broadcast %broadcast_in_dim3A_768 : vector<1x128xi32> to vector<512x128xi32>
    %select_n3A_770 = arith.select %lt3A_757, %select_n3A_717, %broadcast_in_dim3A_769 : vector<512x128xi1>, vector<512x128xi32>
    %select_n3A_771 = arith.select %lt3A_758, %select_n3A_770, %select_n3A_723 : vector<512x128xi1>, vector<512x128xi32>
    %select_n3A_772 = arith.select %lt3A_758, %select_n3A_719, %add3A_753 : vector<512x128xi1>, vector<512x128xf32>
    %select_n3A_773 = arith.select %lt3A_759, %select_n3A_772, %select_n3A_725 : vector<512x128xi1>, vector<512x128xf32>
    %broadcast_in_dim3A_774 = vector.shape_cast %get3A_756 : vector<1x128xi32> to vector<1x128xi32>
    %broadcast_in_dim3A_775 = vector.broadcast %broadcast_in_dim3A_774 : vector<1x128xi32> to vector<512x128xi32>
    %select_n3A_776 = arith.select %lt3A_758, %select_n3A_723, %broadcast_in_dim3A_775 : vector<512x128xi1>, vector<512x128xi32>
    %select_n3A_777 = arith.select %lt3A_759, %select_n3A_776, %select_n3A_729 : vector<512x128xi1>, vector<512x128xi32>
    %select_n3A_778 = arith.select %lt3A_759, %select_n3A_725, %add3A_753 : vector<512x128xi1>, vector<512x128xf32>
    %select_n3A_779 = arith.select %lt3A_760, %select_n3A_778, %select_n3A_731 : vector<512x128xi1>, vector<512x128xf32>
    %broadcast_in_dim3A_780 = vector.shape_cast %get3A_756 : vector<1x128xi32> to vector<1x128xi32>
    %broadcast_in_dim3A_781 = vector.broadcast %broadcast_in_dim3A_780 : vector<1x128xi32> to vector<512x128xi32>
    %select_n3A_782 = arith.select %lt3A_759, %select_n3A_729, %broadcast_in_dim3A_781 : vector<512x128xi1>, vector<512x128xi32>
    %select_n3A_783 = arith.select %lt3A_760, %select_n3A_782, %select_n3A_735 : vector<512x128xi1>, vector<512x128xi32>
    %select_n3A_784 = arith.select %lt3A_760, %select_n3A_731, %add3A_753 : vector<512x128xi1>, vector<512x128xf32>
    %select_n3A_785 = arith.select %lt3A_761, %select_n3A_784, %select_n3A_737 : vector<512x128xi1>, vector<512x128xf32>
    %broadcast_in_dim3A_786 = vector.shape_cast %get3A_756 : vector<1x128xi32> to vector<1x128xi32>
    %broadcast_in_dim3A_787 = vector.broadcast %broadcast_in_dim3A_786 : vector<1x128xi32> to vector<512x128xi32>
    %select_n3A_788 = arith.select %lt3A_760, %select_n3A_735, %broadcast_in_dim3A_787 : vector<512x128xi1>, vector<512x128xi32>
    %select_n3A_789 = arith.select %lt3A_761, %select_n3A_788, %select_n3A_741 : vector<512x128xi1>, vector<512x128xi32>
    %get3A_790 = arith.constant 2048 : index
    %get3A_791 = arith.constant 0 : index
    %get3A_792 = vector.load %arg4[%get3A_790, %get3A_791] : memref<10240x32xf32, #tpu.memory_space<vmem>>, vector<128x16xf32>
    %dot_general3A_793 = arith.constant dense<0.000000e+00> : vector<512x128xf32>
    %dot_general3A_794 = tpu.matmul %mul3A_3, %get3A_792, %dot_general3A_793 {dimension_numbers = #tpu.dot_dimension_numbers<[1], [1], [0], [0], [0, 0, 1, 0], [], []>, transpose_lhs_hint = false} : vector<512x16xf32>, vector<128x16xf32>, vector<512x128xf32> -> vector<512x128xf32>
    %get3A_795 = arith.constant 0 : index
    %get3A_796 = arith.constant 2048 : index
    %get3A_797 = vector.load %arg3[%get3A_795, %get3A_796] : memref<1x10240xf32, #tpu.memory_space<vmem>>, vector<1x128xf32>
    %add3A_798 = vector.broadcast %get3A_6 : vector<512x1xf32> to vector<512x128xf32>
    %add3A_799 = vector.broadcast %get3A_797 : vector<1x128xf32> to vector<512x128xf32>
    %add3A_800 = arith.addf %add3A_798, %add3A_799 : vector<512x128xf32>
    %add3A_801 = arith.addf %add3A_800, %dot_general3A_794 : vector<512x128xf32>
    %get3A_802 = arith.constant 0 : index
    %get3A_803 = arith.constant 2048 : index
    %get3A_804 = vector.load %arg5[%get3A_802, %get3A_803] : memref<1x10240xi32, #tpu.memory_space<vmem>>, vector<1x128xi32>
    %lt3A_805 = arith.cmpf olt, %add3A_801, %select_n3A_762 : vector<512x128xf32>
    %lt3A_806 = arith.cmpf olt, %add3A_801, %select_n3A_767 : vector<512x128xf32>
    %lt3A_807 = arith.cmpf olt, %add3A_801, %select_n3A_773 : vector<512x128xf32>
    %lt3A_808 = arith.cmpf olt, %add3A_801, %select_n3A_779 : vector<512x128xf32>
    %lt3A_809 = arith.cmpf olt, %add3A_801, %select_n3A_785 : vector<512x128xf32>
    %select_n3A_810 = arith.select %lt3A_805, %add3A_801, %select_n3A_762 : vector<512x128xi1>, vector<512x128xf32>
    %broadcast_in_dim3A_811 = vector.shape_cast %get3A_804 : vector<1x128xi32> to vector<1x128xi32>
    %broadcast_in_dim3A_812 = vector.broadcast %broadcast_in_dim3A_811 : vector<1x128xi32> to vector<512x128xi32>
    %select_n3A_813 = arith.select %lt3A_805, %broadcast_in_dim3A_812, %select_n3A_765 : vector<512x128xi1>, vector<512x128xi32>
    %select_n3A_814 = arith.select %lt3A_805, %select_n3A_762, %add3A_801 : vector<512x128xi1>, vector<512x128xf32>
    %select_n3A_815 = arith.select %lt3A_806, %select_n3A_814, %select_n3A_767 : vector<512x128xi1>, vector<512x128xf32>
    %broadcast_in_dim3A_816 = vector.shape_cast %get3A_804 : vector<1x128xi32> to vector<1x128xi32>
    %broadcast_in_dim3A_817 = vector.broadcast %broadcast_in_dim3A_816 : vector<1x128xi32> to vector<512x128xi32>
    %select_n3A_818 = arith.select %lt3A_805, %select_n3A_765, %broadcast_in_dim3A_817 : vector<512x128xi1>, vector<512x128xi32>
    %select_n3A_819 = arith.select %lt3A_806, %select_n3A_818, %select_n3A_771 : vector<512x128xi1>, vector<512x128xi32>
    %select_n3A_820 = arith.select %lt3A_806, %select_n3A_767, %add3A_801 : vector<512x128xi1>, vector<512x128xf32>
    %select_n3A_821 = arith.select %lt3A_807, %select_n3A_820, %select_n3A_773 : vector<512x128xi1>, vector<512x128xf32>
    %broadcast_in_dim3A_822 = vector.shape_cast %get3A_804 : vector<1x128xi32> to vector<1x128xi32>
    %broadcast_in_dim3A_823 = vector.broadcast %broadcast_in_dim3A_822 : vector<1x128xi32> to vector<512x128xi32>
    %select_n3A_824 = arith.select %lt3A_806, %select_n3A_771, %broadcast_in_dim3A_823 : vector<512x128xi1>, vector<512x128xi32>
    %select_n3A_825 = arith.select %lt3A_807, %select_n3A_824, %select_n3A_777 : vector<512x128xi1>, vector<512x128xi32>
    %select_n3A_826 = arith.select %lt3A_807, %select_n3A_773, %add3A_801 : vector<512x128xi1>, vector<512x128xf32>
    %select_n3A_827 = arith.select %lt3A_808, %select_n3A_826, %select_n3A_779 : vector<512x128xi1>, vector<512x128xf32>
    %broadcast_in_dim3A_828 = vector.shape_cast %get3A_804 : vector<1x128xi32> to vector<1x128xi32>
    %broadcast_in_dim3A_829 = vector.broadcast %broadcast_in_dim3A_828 : vector<1x128xi32> to vector<512x128xi32>
    %select_n3A_830 = arith.select %lt3A_807, %select_n3A_777, %broadcast_in_dim3A_829 : vector<512x128xi1>, vector<512x128xi32>
    %select_n3A_831 = arith.select %lt3A_808, %select_n3A_830, %select_n3A_783 : vector<512x128xi1>, vector<512x128xi32>
    %select_n3A_832 = arith.select %lt3A_808, %select_n3A_779, %add3A_801 : vector<512x128xi1>, vector<512x128xf32>
    %select_n3A_833 = arith.select %lt3A_809, %select_n3A_832, %select_n3A_785 : vector<512x128xi1>, vector<512x128xf32>
    %broadcast_in_dim3A_834 = vector.shape_cast %get3A_804 : vector<1x128xi32> to vector<1x128xi32>
    %broadcast_in_dim3A_835 = vector.broadcast %broadcast_in_dim3A_834 : vector<1x128xi32> to vector<512x128xi32>
    %select_n3A_836 = arith.select %lt3A_808, %select_n3A_783, %broadcast_in_dim3A_835 : vector<512x128xi1>, vector<512x128xi32>
    %select_n3A_837 = arith.select %lt3A_809, %select_n3A_836, %select_n3A_789 : vector<512x128xi1>, vector<512x128xi32>
    %get3A_838 = arith.constant 2176 : index
    %get3A_839 = arith.constant 0 : index
    %get3A_840 = vector.load %arg4[%get3A_838, %get3A_839] : memref<10240x32xf32, #tpu.memory_space<vmem>>, vector<128x16xf32>
    %dot_general3A_841 = arith.constant dense<0.000000e+00> : vector<512x128xf32>
    %dot_general3A_842 = tpu.matmul %mul3A_3, %get3A_840, %dot_general3A_841 {dimension_numbers = #tpu.dot_dimension_numbers<[1], [1], [0], [0], [0, 0, 1, 0], [], []>, transpose_lhs_hint = false} : vector<512x16xf32>, vector<128x16xf32>, vector<512x128xf32> -> vector<512x128xf32>
    %get3A_843 = arith.constant 0 : index
    %get3A_844 = arith.constant 2176 : index
    %get3A_845 = vector.load %arg3[%get3A_843, %get3A_844] : memref<1x10240xf32, #tpu.memory_space<vmem>>, vector<1x128xf32>
    %add3A_846 = vector.broadcast %get3A_6 : vector<512x1xf32> to vector<512x128xf32>
    %add3A_847 = vector.broadcast %get3A_845 : vector<1x128xf32> to vector<512x128xf32>
    %add3A_848 = arith.addf %add3A_846, %add3A_847 : vector<512x128xf32>
    %add3A_849 = arith.addf %add3A_848, %dot_general3A_842 : vector<512x128xf32>
    %get3A_850 = arith.constant 0 : index
    %get3A_851 = arith.constant 2176 : index
    %get3A_852 = vector.load %arg5[%get3A_850, %get3A_851] : memref<1x10240xi32, #tpu.memory_space<vmem>>, vector<1x128xi32>
    %lt3A_853 = arith.cmpf olt, %add3A_849, %select_n3A_810 : vector<512x128xf32>
    %lt3A_854 = arith.cmpf olt, %add3A_849, %select_n3A_815 : vector<512x128xf32>
    %lt3A_855 = arith.cmpf olt, %add3A_849, %select_n3A_821 : vector<512x128xf32>
    %lt3A_856 = arith.cmpf olt, %add3A_849, %select_n3A_827 : vector<512x128xf32>
    %lt3A_857 = arith.cmpf olt, %add3A_849, %select_n3A_833 : vector<512x128xf32>
    %select_n3A_858 = arith.select %lt3A_853, %add3A_849, %select_n3A_810 : vector<512x128xi1>, vector<512x128xf32>
    %broadcast_in_dim3A_859 = vector.shape_cast %get3A_852 : vector<1x128xi32> to vector<1x128xi32>
    %broadcast_in_dim3A_860 = vector.broadcast %broadcast_in_dim3A_859 : vector<1x128xi32> to vector<512x128xi32>
    %select_n3A_861 = arith.select %lt3A_853, %broadcast_in_dim3A_860, %select_n3A_813 : vector<512x128xi1>, vector<512x128xi32>
    %select_n3A_862 = arith.select %lt3A_853, %select_n3A_810, %add3A_849 : vector<512x128xi1>, vector<512x128xf32>
    %select_n3A_863 = arith.select %lt3A_854, %select_n3A_862, %select_n3A_815 : vector<512x128xi1>, vector<512x128xf32>
    %broadcast_in_dim3A_864 = vector.shape_cast %get3A_852 : vector<1x128xi32> to vector<1x128xi32>
    %broadcast_in_dim3A_865 = vector.broadcast %broadcast_in_dim3A_864 : vector<1x128xi32> to vector<512x128xi32>
    %select_n3A_866 = arith.select %lt3A_853, %select_n3A_813, %broadcast_in_dim3A_865 : vector<512x128xi1>, vector<512x128xi32>
    %select_n3A_867 = arith.select %lt3A_854, %select_n3A_866, %select_n3A_819 : vector<512x128xi1>, vector<512x128xi32>
    %select_n3A_868 = arith.select %lt3A_854, %select_n3A_815, %add3A_849 : vector<512x128xi1>, vector<512x128xf32>
    %select_n3A_869 = arith.select %lt3A_855, %select_n3A_868, %select_n3A_821 : vector<512x128xi1>, vector<512x128xf32>
    %broadcast_in_dim3A_870 = vector.shape_cast %get3A_852 : vector<1x128xi32> to vector<1x128xi32>
    %broadcast_in_dim3A_871 = vector.broadcast %broadcast_in_dim3A_870 : vector<1x128xi32> to vector<512x128xi32>
    %select_n3A_872 = arith.select %lt3A_854, %select_n3A_819, %broadcast_in_dim3A_871 : vector<512x128xi1>, vector<512x128xi32>
    %select_n3A_873 = arith.select %lt3A_855, %select_n3A_872, %select_n3A_825 : vector<512x128xi1>, vector<512x128xi32>
    %select_n3A_874 = arith.select %lt3A_855, %select_n3A_821, %add3A_849 : vector<512x128xi1>, vector<512x128xf32>
    %select_n3A_875 = arith.select %lt3A_856, %select_n3A_874, %select_n3A_827 : vector<512x128xi1>, vector<512x128xf32>
    %broadcast_in_dim3A_876 = vector.shape_cast %get3A_852 : vector<1x128xi32> to vector<1x128xi32>
    %broadcast_in_dim3A_877 = vector.broadcast %broadcast_in_dim3A_876 : vector<1x128xi32> to vector<512x128xi32>
    %select_n3A_878 = arith.select %lt3A_855, %select_n3A_825, %broadcast_in_dim3A_877 : vector<512x128xi1>, vector<512x128xi32>
    %select_n3A_879 = arith.select %lt3A_856, %select_n3A_878, %select_n3A_831 : vector<512x128xi1>, vector<512x128xi32>
    %select_n3A_880 = arith.select %lt3A_856, %select_n3A_827, %add3A_849 : vector<512x128xi1>, vector<512x128xf32>
    %select_n3A_881 = arith.select %lt3A_857, %select_n3A_880, %select_n3A_833 : vector<512x128xi1>, vector<512x128xf32>
    %broadcast_in_dim3A_882 = vector.shape_cast %get3A_852 : vector<1x128xi32> to vector<1x128xi32>
    %broadcast_in_dim3A_883 = vector.broadcast %broadcast_in_dim3A_882 : vector<1x128xi32> to vector<512x128xi32>
    %select_n3A_884 = arith.select %lt3A_856, %select_n3A_831, %broadcast_in_dim3A_883 : vector<512x128xi1>, vector<512x128xi32>
    %select_n3A_885 = arith.select %lt3A_857, %select_n3A_884, %select_n3A_837 : vector<512x128xi1>, vector<512x128xi32>
    %get3A_886 = arith.constant 2304 : index
    %get3A_887 = arith.constant 0 : index
    %get3A_888 = vector.load %arg4[%get3A_886, %get3A_887] : memref<10240x32xf32, #tpu.memory_space<vmem>>, vector<128x16xf32>
    %dot_general3A_889 = arith.constant dense<0.000000e+00> : vector<512x128xf32>
    %dot_general3A_890 = tpu.matmul %mul3A_3, %get3A_888, %dot_general3A_889 {dimension_numbers = #tpu.dot_dimension_numbers<[1], [1], [0], [0], [0, 0, 1, 0], [], []>, transpose_lhs_hint = false} : vector<512x16xf32>, vector<128x16xf32>, vector<512x128xf32> -> vector<512x128xf32>
    %get3A_891 = arith.constant 0 : index
    %get3A_892 = arith.constant 2304 : index
    %get3A_893 = vector.load %arg3[%get3A_891, %get3A_892] : memref<1x10240xf32, #tpu.memory_space<vmem>>, vector<1x128xf32>
    %add3A_894 = vector.broadcast %get3A_6 : vector<512x1xf32> to vector<512x128xf32>
    %add3A_895 = vector.broadcast %get3A_893 : vector<1x128xf32> to vector<512x128xf32>
    %add3A_896 = arith.addf %add3A_894, %add3A_895 : vector<512x128xf32>
    %add3A_897 = arith.addf %add3A_896, %dot_general3A_890 : vector<512x128xf32>
    %get3A_898 = arith.constant 0 : index
    %get3A_899 = arith.constant 2304 : index
    %get3A_900 = vector.load %arg5[%get3A_898, %get3A_899] : memref<1x10240xi32, #tpu.memory_space<vmem>>, vector<1x128xi32>
    %lt3A_901 = arith.cmpf olt, %add3A_897, %select_n3A_858 : vector<512x128xf32>
    %lt3A_902 = arith.cmpf olt, %add3A_897, %select_n3A_863 : vector<512x128xf32>
    %lt3A_903 = arith.cmpf olt, %add3A_897, %select_n3A_869 : vector<512x128xf32>
    %lt3A_904 = arith.cmpf olt, %add3A_897, %select_n3A_875 : vector<512x128xf32>
    %lt3A_905 = arith.cmpf olt, %add3A_897, %select_n3A_881 : vector<512x128xf32>
    %select_n3A_906 = arith.select %lt3A_901, %add3A_897, %select_n3A_858 : vector<512x128xi1>, vector<512x128xf32>
    %broadcast_in_dim3A_907 = vector.shape_cast %get3A_900 : vector<1x128xi32> to vector<1x128xi32>
    %broadcast_in_dim3A_908 = vector.broadcast %broadcast_in_dim3A_907 : vector<1x128xi32> to vector<512x128xi32>
    %select_n3A_909 = arith.select %lt3A_901, %broadcast_in_dim3A_908, %select_n3A_861 : vector<512x128xi1>, vector<512x128xi32>
    %select_n3A_910 = arith.select %lt3A_901, %select_n3A_858, %add3A_897 : vector<512x128xi1>, vector<512x128xf32>
    %select_n3A_911 = arith.select %lt3A_902, %select_n3A_910, %select_n3A_863 : vector<512x128xi1>, vector<512x128xf32>
    %broadcast_in_dim3A_912 = vector.shape_cast %get3A_900 : vector<1x128xi32> to vector<1x128xi32>
    %broadcast_in_dim3A_913 = vector.broadcast %broadcast_in_dim3A_912 : vector<1x128xi32> to vector<512x128xi32>
    %select_n3A_914 = arith.select %lt3A_901, %select_n3A_861, %broadcast_in_dim3A_913 : vector<512x128xi1>, vector<512x128xi32>
    %select_n3A_915 = arith.select %lt3A_902, %select_n3A_914, %select_n3A_867 : vector<512x128xi1>, vector<512x128xi32>
    %select_n3A_916 = arith.select %lt3A_902, %select_n3A_863, %add3A_897 : vector<512x128xi1>, vector<512x128xf32>
    %select_n3A_917 = arith.select %lt3A_903, %select_n3A_916, %select_n3A_869 : vector<512x128xi1>, vector<512x128xf32>
    %broadcast_in_dim3A_918 = vector.shape_cast %get3A_900 : vector<1x128xi32> to vector<1x128xi32>
    %broadcast_in_dim3A_919 = vector.broadcast %broadcast_in_dim3A_918 : vector<1x128xi32> to vector<512x128xi32>
    %select_n3A_920 = arith.select %lt3A_902, %select_n3A_867, %broadcast_in_dim3A_919 : vector<512x128xi1>, vector<512x128xi32>
    %select_n3A_921 = arith.select %lt3A_903, %select_n3A_920, %select_n3A_873 : vector<512x128xi1>, vector<512x128xi32>
    %select_n3A_922 = arith.select %lt3A_903, %select_n3A_869, %add3A_897 : vector<512x128xi1>, vector<512x128xf32>
    %select_n3A_923 = arith.select %lt3A_904, %select_n3A_922, %select_n3A_875 : vector<512x128xi1>, vector<512x128xf32>
    %broadcast_in_dim3A_924 = vector.shape_cast %get3A_900 : vector<1x128xi32> to vector<1x128xi32>
    %broadcast_in_dim3A_925 = vector.broadcast %broadcast_in_dim3A_924 : vector<1x128xi32> to vector<512x128xi32>
    %select_n3A_926 = arith.select %lt3A_903, %select_n3A_873, %broadcast_in_dim3A_925 : vector<512x128xi1>, vector<512x128xi32>
    %select_n3A_927 = arith.select %lt3A_904, %select_n3A_926, %select_n3A_879 : vector<512x128xi1>, vector<512x128xi32>
    %select_n3A_928 = arith.select %lt3A_904, %select_n3A_875, %add3A_897 : vector<512x128xi1>, vector<512x128xf32>
    %select_n3A_929 = arith.select %lt3A_905, %select_n3A_928, %select_n3A_881 : vector<512x128xi1>, vector<512x128xf32>
    %broadcast_in_dim3A_930 = vector.shape_cast %get3A_900 : vector<1x128xi32> to vector<1x128xi32>
    %broadcast_in_dim3A_931 = vector.broadcast %broadcast_in_dim3A_930 : vector<1x128xi32> to vector<512x128xi32>
    %select_n3A_932 = arith.select %lt3A_904, %select_n3A_879, %broadcast_in_dim3A_931 : vector<512x128xi1>, vector<512x128xi32>
    %select_n3A_933 = arith.select %lt3A_905, %select_n3A_932, %select_n3A_885 : vector<512x128xi1>, vector<512x128xi32>
    %get3A_934 = arith.constant 2432 : index
    %get3A_935 = arith.constant 0 : index
    %get3A_936 = vector.load %arg4[%get3A_934, %get3A_935] : memref<10240x32xf32, #tpu.memory_space<vmem>>, vector<128x16xf32>
    %dot_general3A_937 = arith.constant dense<0.000000e+00> : vector<512x128xf32>
    %dot_general3A_938 = tpu.matmul %mul3A_3, %get3A_936, %dot_general3A_937 {dimension_numbers = #tpu.dot_dimension_numbers<[1], [1], [0], [0], [0, 0, 1, 0], [], []>, transpose_lhs_hint = false} : vector<512x16xf32>, vector<128x16xf32>, vector<512x128xf32> -> vector<512x128xf32>
    %get3A_939 = arith.constant 0 : index
    %get3A_940 = arith.constant 2432 : index
    %get3A_941 = vector.load %arg3[%get3A_939, %get3A_940] : memref<1x10240xf32, #tpu.memory_space<vmem>>, vector<1x128xf32>
    %add3A_942 = vector.broadcast %get3A_6 : vector<512x1xf32> to vector<512x128xf32>
    %add3A_943 = vector.broadcast %get3A_941 : vector<1x128xf32> to vector<512x128xf32>
    %add3A_944 = arith.addf %add3A_942, %add3A_943 : vector<512x128xf32>
    %add3A_945 = arith.addf %add3A_944, %dot_general3A_938 : vector<512x128xf32>
    %get3A_946 = arith.constant 0 : index
    %get3A_947 = arith.constant 2432 : index
    %get3A_948 = vector.load %arg5[%get3A_946, %get3A_947] : memref<1x10240xi32, #tpu.memory_space<vmem>>, vector<1x128xi32>
    %lt3A_949 = arith.cmpf olt, %add3A_945, %select_n3A_906 : vector<512x128xf32>
    %lt3A_950 = arith.cmpf olt, %add3A_945, %select_n3A_911 : vector<512x128xf32>
    %lt3A_951 = arith.cmpf olt, %add3A_945, %select_n3A_917 : vector<512x128xf32>
    %lt3A_952 = arith.cmpf olt, %add3A_945, %select_n3A_923 : vector<512x128xf32>
    %lt3A_953 = arith.cmpf olt, %add3A_945, %select_n3A_929 : vector<512x128xf32>
    %select_n3A_954 = arith.select %lt3A_949, %add3A_945, %select_n3A_906 : vector<512x128xi1>, vector<512x128xf32>
    %broadcast_in_dim3A_955 = vector.shape_cast %get3A_948 : vector<1x128xi32> to vector<1x128xi32>
    %broadcast_in_dim3A_956 = vector.broadcast %broadcast_in_dim3A_955 : vector<1x128xi32> to vector<512x128xi32>
    %select_n3A_957 = arith.select %lt3A_949, %broadcast_in_dim3A_956, %select_n3A_909 : vector<512x128xi1>, vector<512x128xi32>
    %select_n3A_958 = arith.select %lt3A_949, %select_n3A_906, %add3A_945 : vector<512x128xi1>, vector<512x128xf32>
    %select_n3A_959 = arith.select %lt3A_950, %select_n3A_958, %select_n3A_911 : vector<512x128xi1>, vector<512x128xf32>
    %broadcast_in_dim3A_960 = vector.shape_cast %get3A_948 : vector<1x128xi32> to vector<1x128xi32>
    %broadcast_in_dim3A_961 = vector.broadcast %broadcast_in_dim3A_960 : vector<1x128xi32> to vector<512x128xi32>
    %select_n3A_962 = arith.select %lt3A_949, %select_n3A_909, %broadcast_in_dim3A_961 : vector<512x128xi1>, vector<512x128xi32>
    %select_n3A_963 = arith.select %lt3A_950, %select_n3A_962, %select_n3A_915 : vector<512x128xi1>, vector<512x128xi32>
    %select_n3A_964 = arith.select %lt3A_950, %select_n3A_911, %add3A_945 : vector<512x128xi1>, vector<512x128xf32>
    %select_n3A_965 = arith.select %lt3A_951, %select_n3A_964, %select_n3A_917 : vector<512x128xi1>, vector<512x128xf32>
    %broadcast_in_dim3A_966 = vector.shape_cast %get3A_948 : vector<1x128xi32> to vector<1x128xi32>
    %broadcast_in_dim3A_967 = vector.broadcast %broadcast_in_dim3A_966 : vector<1x128xi32> to vector<512x128xi32>
    %select_n3A_968 = arith.select %lt3A_950, %select_n3A_915, %broadcast_in_dim3A_967 : vector<512x128xi1>, vector<512x128xi32>
    %select_n3A_969 = arith.select %lt3A_951, %select_n3A_968, %select_n3A_921 : vector<512x128xi1>, vector<512x128xi32>
    %select_n3A_970 = arith.select %lt3A_951, %select_n3A_917, %add3A_945 : vector<512x128xi1>, vector<512x128xf32>
    %select_n3A_971 = arith.select %lt3A_952, %select_n3A_970, %select_n3A_923 : vector<512x128xi1>, vector<512x128xf32>
    %broadcast_in_dim3A_972 = vector.shape_cast %get3A_948 : vector<1x128xi32> to vector<1x128xi32>
    %broadcast_in_dim3A_973 = vector.broadcast %broadcast_in_dim3A_972 : vector<1x128xi32> to vector<512x128xi32>
    %select_n3A_974 = arith.select %lt3A_951, %select_n3A_921, %broadcast_in_dim3A_973 : vector<512x128xi1>, vector<512x128xi32>
    %select_n3A_975 = arith.select %lt3A_952, %select_n3A_974, %select_n3A_927 : vector<512x128xi1>, vector<512x128xi32>
    %select_n3A_976 = arith.select %lt3A_952, %select_n3A_923, %add3A_945 : vector<512x128xi1>, vector<512x128xf32>
    %select_n3A_977 = arith.select %lt3A_953, %select_n3A_976, %select_n3A_929 : vector<512x128xi1>, vector<512x128xf32>
    %broadcast_in_dim3A_978 = vector.shape_cast %get3A_948 : vector<1x128xi32> to vector<1x128xi32>
    %broadcast_in_dim3A_979 = vector.broadcast %broadcast_in_dim3A_978 : vector<1x128xi32> to vector<512x128xi32>
    %select_n3A_980 = arith.select %lt3A_952, %select_n3A_927, %broadcast_in_dim3A_979 : vector<512x128xi1>, vector<512x128xi32>
    %select_n3A_981 = arith.select %lt3A_953, %select_n3A_980, %select_n3A_933 : vector<512x128xi1>, vector<512x128xi32>
    %get3A_982 = arith.constant 2560 : index
    %get3A_983 = arith.constant 0 : index
    %get3A_984 = vector.load %arg4[%get3A_982, %get3A_983] : memref<10240x32xf32, #tpu.memory_space<vmem>>, vector<128x16xf32>
    %dot_general3A_985 = arith.constant dense<0.000000e+00> : vector<512x128xf32>
    %dot_general3A_986 = tpu.matmul %mul3A_3, %get3A_984, %dot_general3A_985 {dimension_numbers = #tpu.dot_dimension_numbers<[1], [1], [0], [0], [0, 0, 1, 0], [], []>, transpose_lhs_hint = false} : vector<512x16xf32>, vector<128x16xf32>, vector<512x128xf32> -> vector<512x128xf32>
    %get3A_987 = arith.constant 0 : index
    %get3A_988 = arith.constant 2560 : index
    %get3A_989 = vector.load %arg3[%get3A_987, %get3A_988] : memref<1x10240xf32, #tpu.memory_space<vmem>>, vector<1x128xf32>
    %add3A_990 = vector.broadcast %get3A_6 : vector<512x1xf32> to vector<512x128xf32>
    %add3A_991 = vector.broadcast %get3A_989 : vector<1x128xf32> to vector<512x128xf32>
    %add3A_992 = arith.addf %add3A_990, %add3A_991 : vector<512x128xf32>
    %add3A_993 = arith.addf %add3A_992, %dot_general3A_986 : vector<512x128xf32>
    %get3A_994 = arith.constant 0 : index
    %get3A_995 = arith.constant 2560 : index
    %get3A_996 = vector.load %arg5[%get3A_994, %get3A_995] : memref<1x10240xi32, #tpu.memory_space<vmem>>, vector<1x128xi32>
    %lt3A_997 = arith.cmpf olt, %add3A_993, %select_n3A_954 : vector<512x128xf32>
    %lt3A_998 = arith.cmpf olt, %add3A_993, %select_n3A_959 : vector<512x128xf32>
    %lt3A_999 = arith.cmpf olt, %add3A_993, %select_n3A_965 : vector<512x128xf32>
    %lt3A_1000 = arith.cmpf olt, %add3A_993, %select_n3A_971 : vector<512x128xf32>
    %lt3A_1001 = arith.cmpf olt, %add3A_993, %select_n3A_977 : vector<512x128xf32>
    %select_n3A_1002 = arith.select %lt3A_997, %add3A_993, %select_n3A_954 : vector<512x128xi1>, vector<512x128xf32>
    %broadcast_in_dim3A_1003 = vector.shape_cast %get3A_996 : vector<1x128xi32> to vector<1x128xi32>
    %broadcast_in_dim3A_1004 = vector.broadcast %broadcast_in_dim3A_1003 : vector<1x128xi32> to vector<512x128xi32>
    %select_n3A_1005 = arith.select %lt3A_997, %broadcast_in_dim3A_1004, %select_n3A_957 : vector<512x128xi1>, vector<512x128xi32>
    %select_n3A_1006 = arith.select %lt3A_997, %select_n3A_954, %add3A_993 : vector<512x128xi1>, vector<512x128xf32>
    %select_n3A_1007 = arith.select %lt3A_998, %select_n3A_1006, %select_n3A_959 : vector<512x128xi1>, vector<512x128xf32>
    %broadcast_in_dim3A_1008 = vector.shape_cast %get3A_996 : vector<1x128xi32> to vector<1x128xi32>
    %broadcast_in_dim3A_1009 = vector.broadcast %broadcast_in_dim3A_1008 : vector<1x128xi32> to vector<512x128xi32>
    %select_n3A_1010 = arith.select %lt3A_997, %select_n3A_957, %broadcast_in_dim3A_1009 : vector<512x128xi1>, vector<512x128xi32>
    %select_n3A_1011 = arith.select %lt3A_998, %select_n3A_1010, %select_n3A_963 : vector<512x128xi1>, vector<512x128xi32>
    %select_n3A_1012 = arith.select %lt3A_998, %select_n3A_959, %add3A_993 : vector<512x128xi1>, vector<512x128xf32>
    %select_n3A_1013 = arith.select %lt3A_999, %select_n3A_1012, %select_n3A_965 : vector<512x128xi1>, vector<512x128xf32>
    %broadcast_in_dim3A_1014 = vector.shape_cast %get3A_996 : vector<1x128xi32> to vector<1x128xi32>
    %broadcast_in_dim3A_1015 = vector.broadcast %broadcast_in_dim3A_1014 : vector<1x128xi32> to vector<512x128xi32>
    %select_n3A_1016 = arith.select %lt3A_998, %select_n3A_963, %broadcast_in_dim3A_1015 : vector<512x128xi1>, vector<512x128xi32>
    %select_n3A_1017 = arith.select %lt3A_999, %select_n3A_1016, %select_n3A_969 : vector<512x128xi1>, vector<512x128xi32>
    %select_n3A_1018 = arith.select %lt3A_999, %select_n3A_965, %add3A_993 : vector<512x128xi1>, vector<512x128xf32>
    %select_n3A_1019 = arith.select %lt3A_1000, %select_n3A_1018, %select_n3A_971 : vector<512x128xi1>, vector<512x128xf32>
    %broadcast_in_dim3A_1020 = vector.shape_cast %get3A_996 : vector<1x128xi32> to vector<1x128xi32>
    %broadcast_in_dim3A_1021 = vector.broadcast %broadcast_in_dim3A_1020 : vector<1x128xi32> to vector<512x128xi32>
    %select_n3A_1022 = arith.select %lt3A_999, %select_n3A_969, %broadcast_in_dim3A_1021 : vector<512x128xi1>, vector<512x128xi32>
    %select_n3A_1023 = arith.select %lt3A_1000, %select_n3A_1022, %select_n3A_975 : vector<512x128xi1>, vector<512x128xi32>
    %select_n3A_1024 = arith.select %lt3A_1000, %select_n3A_971, %add3A_993 : vector<512x128xi1>, vector<512x128xf32>
    %select_n3A_1025 = arith.select %lt3A_1001, %select_n3A_1024, %select_n3A_977 : vector<512x128xi1>, vector<512x128xf32>
    %broadcast_in_dim3A_1026 = vector.shape_cast %get3A_996 : vector<1x128xi32> to vector<1x128xi32>
    %broadcast_in_dim3A_1027 = vector.broadcast %broadcast_in_dim3A_1026 : vector<1x128xi32> to vector<512x128xi32>
    %select_n3A_1028 = arith.select %lt3A_1000, %select_n3A_975, %broadcast_in_dim3A_1027 : vector<512x128xi1>, vector<512x128xi32>
    %select_n3A_1029 = arith.select %lt3A_1001, %select_n3A_1028, %select_n3A_981 : vector<512x128xi1>, vector<512x128xi32>
    %get3A_1030 = arith.constant 2688 : index
    %get3A_1031 = arith.constant 0 : index
    %get3A_1032 = vector.load %arg4[%get3A_1030, %get3A_1031] : memref<10240x32xf32, #tpu.memory_space<vmem>>, vector<128x16xf32>
    %dot_general3A_1033 = arith.constant dense<0.000000e+00> : vector<512x128xf32>
    %dot_general3A_1034 = tpu.matmul %mul3A_3, %get3A_1032, %dot_general3A_1033 {dimension_numbers = #tpu.dot_dimension_numbers<[1], [1], [0], [0], [0, 0, 1, 0], [], []>, transpose_lhs_hint = false} : vector<512x16xf32>, vector<128x16xf32>, vector<512x128xf32> -> vector<512x128xf32>
    %get3A_1035 = arith.constant 0 : index
    %get3A_1036 = arith.constant 2688 : index
    %get3A_1037 = vector.load %arg3[%get3A_1035, %get3A_1036] : memref<1x10240xf32, #tpu.memory_space<vmem>>, vector<1x128xf32>
    %add3A_1038 = vector.broadcast %get3A_6 : vector<512x1xf32> to vector<512x128xf32>
    %add3A_1039 = vector.broadcast %get3A_1037 : vector<1x128xf32> to vector<512x128xf32>
    %add3A_1040 = arith.addf %add3A_1038, %add3A_1039 : vector<512x128xf32>
    %add3A_1041 = arith.addf %add3A_1040, %dot_general3A_1034 : vector<512x128xf32>
    %get3A_1042 = arith.constant 0 : index
    %get3A_1043 = arith.constant 2688 : index
    %get3A_1044 = vector.load %arg5[%get3A_1042, %get3A_1043] : memref<1x10240xi32, #tpu.memory_space<vmem>>, vector<1x128xi32>
    %lt3A_1045 = arith.cmpf olt, %add3A_1041, %select_n3A_1002 : vector<512x128xf32>
    %lt3A_1046 = arith.cmpf olt, %add3A_1041, %select_n3A_1007 : vector<512x128xf32>
    %lt3A_1047 = arith.cmpf olt, %add3A_1041, %select_n3A_1013 : vector<512x128xf32>
    %lt3A_1048 = arith.cmpf olt, %add3A_1041, %select_n3A_1019 : vector<512x128xf32>
    %lt3A_1049 = arith.cmpf olt, %add3A_1041, %select_n3A_1025 : vector<512x128xf32>
    %select_n3A_1050 = arith.select %lt3A_1045, %add3A_1041, %select_n3A_1002 : vector<512x128xi1>, vector<512x128xf32>
    %broadcast_in_dim3A_1051 = vector.shape_cast %get3A_1044 : vector<1x128xi32> to vector<1x128xi32>
    %broadcast_in_dim3A_1052 = vector.broadcast %broadcast_in_dim3A_1051 : vector<1x128xi32> to vector<512x128xi32>
    %select_n3A_1053 = arith.select %lt3A_1045, %broadcast_in_dim3A_1052, %select_n3A_1005 : vector<512x128xi1>, vector<512x128xi32>
    %select_n3A_1054 = arith.select %lt3A_1045, %select_n3A_1002, %add3A_1041 : vector<512x128xi1>, vector<512x128xf32>
    %select_n3A_1055 = arith.select %lt3A_1046, %select_n3A_1054, %select_n3A_1007 : vector<512x128xi1>, vector<512x128xf32>
    %broadcast_in_dim3A_1056 = vector.shape_cast %get3A_1044 : vector<1x128xi32> to vector<1x128xi32>
    %broadcast_in_dim3A_1057 = vector.broadcast %broadcast_in_dim3A_1056 : vector<1x128xi32> to vector<512x128xi32>
    %select_n3A_1058 = arith.select %lt3A_1045, %select_n3A_1005, %broadcast_in_dim3A_1057 : vector<512x128xi1>, vector<512x128xi32>
    %select_n3A_1059 = arith.select %lt3A_1046, %select_n3A_1058, %select_n3A_1011 : vector<512x128xi1>, vector<512x128xi32>
    %select_n3A_1060 = arith.select %lt3A_1046, %select_n3A_1007, %add3A_1041 : vector<512x128xi1>, vector<512x128xf32>
    %select_n3A_1061 = arith.select %lt3A_1047, %select_n3A_1060, %select_n3A_1013 : vector<512x128xi1>, vector<512x128xf32>
    %broadcast_in_dim3A_1062 = vector.shape_cast %get3A_1044 : vector<1x128xi32> to vector<1x128xi32>
    %broadcast_in_dim3A_1063 = vector.broadcast %broadcast_in_dim3A_1062 : vector<1x128xi32> to vector<512x128xi32>
    %select_n3A_1064 = arith.select %lt3A_1046, %select_n3A_1011, %broadcast_in_dim3A_1063 : vector<512x128xi1>, vector<512x128xi32>
    %select_n3A_1065 = arith.select %lt3A_1047, %select_n3A_1064, %select_n3A_1017 : vector<512x128xi1>, vector<512x128xi32>
    %select_n3A_1066 = arith.select %lt3A_1047, %select_n3A_1013, %add3A_1041 : vector<512x128xi1>, vector<512x128xf32>
    %select_n3A_1067 = arith.select %lt3A_1048, %select_n3A_1066, %select_n3A_1019 : vector<512x128xi1>, vector<512x128xf32>
    %broadcast_in_dim3A_1068 = vector.shape_cast %get3A_1044 : vector<1x128xi32> to vector<1x128xi32>
    %broadcast_in_dim3A_1069 = vector.broadcast %broadcast_in_dim3A_1068 : vector<1x128xi32> to vector<512x128xi32>
    %select_n3A_1070 = arith.select %lt3A_1047, %select_n3A_1017, %broadcast_in_dim3A_1069 : vector<512x128xi1>, vector<512x128xi32>
    %select_n3A_1071 = arith.select %lt3A_1048, %select_n3A_1070, %select_n3A_1023 : vector<512x128xi1>, vector<512x128xi32>
    %select_n3A_1072 = arith.select %lt3A_1048, %select_n3A_1019, %add3A_1041 : vector<512x128xi1>, vector<512x128xf32>
    %select_n3A_1073 = arith.select %lt3A_1049, %select_n3A_1072, %select_n3A_1025 : vector<512x128xi1>, vector<512x128xf32>
    %broadcast_in_dim3A_1074 = vector.shape_cast %get3A_1044 : vector<1x128xi32> to vector<1x128xi32>
    %broadcast_in_dim3A_1075 = vector.broadcast %broadcast_in_dim3A_1074 : vector<1x128xi32> to vector<512x128xi32>
    %select_n3A_1076 = arith.select %lt3A_1048, %select_n3A_1023, %broadcast_in_dim3A_1075 : vector<512x128xi1>, vector<512x128xi32>
    %select_n3A_1077 = arith.select %lt3A_1049, %select_n3A_1076, %select_n3A_1029 : vector<512x128xi1>, vector<512x128xi32>
    %get3A_1078 = arith.constant 2816 : index
    %get3A_1079 = arith.constant 0 : index
    %get3A_1080 = vector.load %arg4[%get3A_1078, %get3A_1079] : memref<10240x32xf32, #tpu.memory_space<vmem>>, vector<128x16xf32>
    %dot_general3A_1081 = arith.constant dense<0.000000e+00> : vector<512x128xf32>
    %dot_general3A_1082 = tpu.matmul %mul3A_3, %get3A_1080, %dot_general3A_1081 {dimension_numbers = #tpu.dot_dimension_numbers<[1], [1], [0], [0], [0, 0, 1, 0], [], []>, transpose_lhs_hint = false} : vector<512x16xf32>, vector<128x16xf32>, vector<512x128xf32> -> vector<512x128xf32>
    %get3A_1083 = arith.constant 0 : index
    %get3A_1084 = arith.constant 2816 : index
    %get3A_1085 = vector.load %arg3[%get3A_1083, %get3A_1084] : memref<1x10240xf32, #tpu.memory_space<vmem>>, vector<1x128xf32>
    %add3A_1086 = vector.broadcast %get3A_6 : vector<512x1xf32> to vector<512x128xf32>
    %add3A_1087 = vector.broadcast %get3A_1085 : vector<1x128xf32> to vector<512x128xf32>
    %add3A_1088 = arith.addf %add3A_1086, %add3A_1087 : vector<512x128xf32>
    %add3A_1089 = arith.addf %add3A_1088, %dot_general3A_1082 : vector<512x128xf32>
    %get3A_1090 = arith.constant 0 : index
    %get3A_1091 = arith.constant 2816 : index
    %get3A_1092 = vector.load %arg5[%get3A_1090, %get3A_1091] : memref<1x10240xi32, #tpu.memory_space<vmem>>, vector<1x128xi32>
    %lt3A_1093 = arith.cmpf olt, %add3A_1089, %select_n3A_1050 : vector<512x128xf32>
    %lt3A_1094 = arith.cmpf olt, %add3A_1089, %select_n3A_1055 : vector<512x128xf32>
    %lt3A_1095 = arith.cmpf olt, %add3A_1089, %select_n3A_1061 : vector<512x128xf32>
    %lt3A_1096 = arith.cmpf olt, %add3A_1089, %select_n3A_1067 : vector<512x128xf32>
    %lt3A_1097 = arith.cmpf olt, %add3A_1089, %select_n3A_1073 : vector<512x128xf32>
    %select_n3A_1098 = arith.select %lt3A_1093, %add3A_1089, %select_n3A_1050 : vector<512x128xi1>, vector<512x128xf32>
    %broadcast_in_dim3A_1099 = vector.shape_cast %get3A_1092 : vector<1x128xi32> to vector<1x128xi32>
    %broadcast_in_dim3A_1100 = vector.broadcast %broadcast_in_dim3A_1099 : vector<1x128xi32> to vector<512x128xi32>
    %select_n3A_1101 = arith.select %lt3A_1093, %broadcast_in_dim3A_1100, %select_n3A_1053 : vector<512x128xi1>, vector<512x128xi32>
    %select_n3A_1102 = arith.select %lt3A_1093, %select_n3A_1050, %add3A_1089 : vector<512x128xi1>, vector<512x128xf32>
    %select_n3A_1103 = arith.select %lt3A_1094, %select_n3A_1102, %select_n3A_1055 : vector<512x128xi1>, vector<512x128xf32>
    %broadcast_in_dim3A_1104 = vector.shape_cast %get3A_1092 : vector<1x128xi32> to vector<1x128xi32>
    %broadcast_in_dim3A_1105 = vector.broadcast %broadcast_in_dim3A_1104 : vector<1x128xi32> to vector<512x128xi32>
    %select_n3A_1106 = arith.select %lt3A_1093, %select_n3A_1053, %broadcast_in_dim3A_1105 : vector<512x128xi1>, vector<512x128xi32>
    %select_n3A_1107 = arith.select %lt3A_1094, %select_n3A_1106, %select_n3A_1059 : vector<512x128xi1>, vector<512x128xi32>
    %select_n3A_1108 = arith.select %lt3A_1094, %select_n3A_1055, %add3A_1089 : vector<512x128xi1>, vector<512x128xf32>
    %select_n3A_1109 = arith.select %lt3A_1095, %select_n3A_1108, %select_n3A_1061 : vector<512x128xi1>, vector<512x128xf32>
    %broadcast_in_dim3A_1110 = vector.shape_cast %get3A_1092 : vector<1x128xi32> to vector<1x128xi32>
    %broadcast_in_dim3A_1111 = vector.broadcast %broadcast_in_dim3A_1110 : vector<1x128xi32> to vector<512x128xi32>
    %select_n3A_1112 = arith.select %lt3A_1094, %select_n3A_1059, %broadcast_in_dim3A_1111 : vector<512x128xi1>, vector<512x128xi32>
    %select_n3A_1113 = arith.select %lt3A_1095, %select_n3A_1112, %select_n3A_1065 : vector<512x128xi1>, vector<512x128xi32>
    %select_n3A_1114 = arith.select %lt3A_1095, %select_n3A_1061, %add3A_1089 : vector<512x128xi1>, vector<512x128xf32>
    %select_n3A_1115 = arith.select %lt3A_1096, %select_n3A_1114, %select_n3A_1067 : vector<512x128xi1>, vector<512x128xf32>
    %broadcast_in_dim3A_1116 = vector.shape_cast %get3A_1092 : vector<1x128xi32> to vector<1x128xi32>
    %broadcast_in_dim3A_1117 = vector.broadcast %broadcast_in_dim3A_1116 : vector<1x128xi32> to vector<512x128xi32>
    %select_n3A_1118 = arith.select %lt3A_1095, %select_n3A_1065, %broadcast_in_dim3A_1117 : vector<512x128xi1>, vector<512x128xi32>
    %select_n3A_1119 = arith.select %lt3A_1096, %select_n3A_1118, %select_n3A_1071 : vector<512x128xi1>, vector<512x128xi32>
    %select_n3A_1120 = arith.select %lt3A_1096, %select_n3A_1067, %add3A_1089 : vector<512x128xi1>, vector<512x128xf32>
    %select_n3A_1121 = arith.select %lt3A_1097, %select_n3A_1120, %select_n3A_1073 : vector<512x128xi1>, vector<512x128xf32>
    %broadcast_in_dim3A_1122 = vector.shape_cast %get3A_1092 : vector<1x128xi32> to vector<1x128xi32>
    %broadcast_in_dim3A_1123 = vector.broadcast %broadcast_in_dim3A_1122 : vector<1x128xi32> to vector<512x128xi32>
    %select_n3A_1124 = arith.select %lt3A_1096, %select_n3A_1071, %broadcast_in_dim3A_1123 : vector<512x128xi1>, vector<512x128xi32>
    %select_n3A_1125 = arith.select %lt3A_1097, %select_n3A_1124, %select_n3A_1077 : vector<512x128xi1>, vector<512x128xi32>
    %get3A_1126 = arith.constant 2944 : index
    %get3A_1127 = arith.constant 0 : index
    %get3A_1128 = vector.load %arg4[%get3A_1126, %get3A_1127] : memref<10240x32xf32, #tpu.memory_space<vmem>>, vector<128x16xf32>
    %dot_general3A_1129 = arith.constant dense<0.000000e+00> : vector<512x128xf32>
    %dot_general3A_1130 = tpu.matmul %mul3A_3, %get3A_1128, %dot_general3A_1129 {dimension_numbers = #tpu.dot_dimension_numbers<[1], [1], [0], [0], [0, 0, 1, 0], [], []>, transpose_lhs_hint = false} : vector<512x16xf32>, vector<128x16xf32>, vector<512x128xf32> -> vector<512x128xf32>
    %get3A_1131 = arith.constant 0 : index
    %get3A_1132 = arith.constant 2944 : index
    %get3A_1133 = vector.load %arg3[%get3A_1131, %get3A_1132] : memref<1x10240xf32, #tpu.memory_space<vmem>>, vector<1x128xf32>
    %add3A_1134 = vector.broadcast %get3A_6 : vector<512x1xf32> to vector<512x128xf32>
    %add3A_1135 = vector.broadcast %get3A_1133 : vector<1x128xf32> to vector<512x128xf32>
    %add3A_1136 = arith.addf %add3A_1134, %add3A_1135 : vector<512x128xf32>
    %add3A_1137 = arith.addf %add3A_1136, %dot_general3A_1130 : vector<512x128xf32>
    %get3A_1138 = arith.constant 0 : index
    %get3A_1139 = arith.constant 2944 : index
    %get3A_1140 = vector.load %arg5[%get3A_1138, %get3A_1139] : memref<1x10240xi32, #tpu.memory_space<vmem>>, vector<1x128xi32>
    %lt3A_1141 = arith.cmpf olt, %add3A_1137, %select_n3A_1098 : vector<512x128xf32>
    %lt3A_1142 = arith.cmpf olt, %add3A_1137, %select_n3A_1103 : vector<512x128xf32>
    %lt3A_1143 = arith.cmpf olt, %add3A_1137, %select_n3A_1109 : vector<512x128xf32>
    %lt3A_1144 = arith.cmpf olt, %add3A_1137, %select_n3A_1115 : vector<512x128xf32>
    %lt3A_1145 = arith.cmpf olt, %add3A_1137, %select_n3A_1121 : vector<512x128xf32>
    %select_n3A_1146 = arith.select %lt3A_1141, %add3A_1137, %select_n3A_1098 : vector<512x128xi1>, vector<512x128xf32>
    %broadcast_in_dim3A_1147 = vector.shape_cast %get3A_1140 : vector<1x128xi32> to vector<1x128xi32>
    %broadcast_in_dim3A_1148 = vector.broadcast %broadcast_in_dim3A_1147 : vector<1x128xi32> to vector<512x128xi32>
    %select_n3A_1149 = arith.select %lt3A_1141, %broadcast_in_dim3A_1148, %select_n3A_1101 : vector<512x128xi1>, vector<512x128xi32>
    %select_n3A_1150 = arith.select %lt3A_1141, %select_n3A_1098, %add3A_1137 : vector<512x128xi1>, vector<512x128xf32>
    %select_n3A_1151 = arith.select %lt3A_1142, %select_n3A_1150, %select_n3A_1103 : vector<512x128xi1>, vector<512x128xf32>
    %broadcast_in_dim3A_1152 = vector.shape_cast %get3A_1140 : vector<1x128xi32> to vector<1x128xi32>
    %broadcast_in_dim3A_1153 = vector.broadcast %broadcast_in_dim3A_1152 : vector<1x128xi32> to vector<512x128xi32>
    %select_n3A_1154 = arith.select %lt3A_1141, %select_n3A_1101, %broadcast_in_dim3A_1153 : vector<512x128xi1>, vector<512x128xi32>
    %select_n3A_1155 = arith.select %lt3A_1142, %select_n3A_1154, %select_n3A_1107 : vector<512x128xi1>, vector<512x128xi32>
    %select_n3A_1156 = arith.select %lt3A_1142, %select_n3A_1103, %add3A_1137 : vector<512x128xi1>, vector<512x128xf32>
    %select_n3A_1157 = arith.select %lt3A_1143, %select_n3A_1156, %select_n3A_1109 : vector<512x128xi1>, vector<512x128xf32>
    %broadcast_in_dim3A_1158 = vector.shape_cast %get3A_1140 : vector<1x128xi32> to vector<1x128xi32>
    %broadcast_in_dim3A_1159 = vector.broadcast %broadcast_in_dim3A_1158 : vector<1x128xi32> to vector<512x128xi32>
    %select_n3A_1160 = arith.select %lt3A_1142, %select_n3A_1107, %broadcast_in_dim3A_1159 : vector<512x128xi1>, vector<512x128xi32>
    %select_n3A_1161 = arith.select %lt3A_1143, %select_n3A_1160, %select_n3A_1113 : vector<512x128xi1>, vector<512x128xi32>
    %select_n3A_1162 = arith.select %lt3A_1143, %select_n3A_1109, %add3A_1137 : vector<512x128xi1>, vector<512x128xf32>
    %select_n3A_1163 = arith.select %lt3A_1144, %select_n3A_1162, %select_n3A_1115 : vector<512x128xi1>, vector<512x128xf32>
    %broadcast_in_dim3A_1164 = vector.shape_cast %get3A_1140 : vector<1x128xi32> to vector<1x128xi32>
    %broadcast_in_dim3A_1165 = vector.broadcast %broadcast_in_dim3A_1164 : vector<1x128xi32> to vector<512x128xi32>
    %select_n3A_1166 = arith.select %lt3A_1143, %select_n3A_1113, %broadcast_in_dim3A_1165 : vector<512x128xi1>, vector<512x128xi32>
    %select_n3A_1167 = arith.select %lt3A_1144, %select_n3A_1166, %select_n3A_1119 : vector<512x128xi1>, vector<512x128xi32>
    %select_n3A_1168 = arith.select %lt3A_1144, %select_n3A_1115, %add3A_1137 : vector<512x128xi1>, vector<512x128xf32>
    %select_n3A_1169 = arith.select %lt3A_1145, %select_n3A_1168, %select_n3A_1121 : vector<512x128xi1>, vector<512x128xf32>
    %broadcast_in_dim3A_1170 = vector.shape_cast %get3A_1140 : vector<1x128xi32> to vector<1x128xi32>
    %broadcast_in_dim3A_1171 = vector.broadcast %broadcast_in_dim3A_1170 : vector<1x128xi32> to vector<512x128xi32>
    %select_n3A_1172 = arith.select %lt3A_1144, %select_n3A_1119, %broadcast_in_dim3A_1171 : vector<512x128xi1>, vector<512x128xi32>
    %select_n3A_1173 = arith.select %lt3A_1145, %select_n3A_1172, %select_n3A_1125 : vector<512x128xi1>, vector<512x128xi32>
    %get3A_1174 = arith.constant 3072 : index
    %get3A_1175 = arith.constant 0 : index
    %get3A_1176 = vector.load %arg4[%get3A_1174, %get3A_1175] : memref<10240x32xf32, #tpu.memory_space<vmem>>, vector<128x16xf32>
    %dot_general3A_1177 = arith.constant dense<0.000000e+00> : vector<512x128xf32>
    %dot_general3A_1178 = tpu.matmul %mul3A_3, %get3A_1176, %dot_general3A_1177 {dimension_numbers = #tpu.dot_dimension_numbers<[1], [1], [0], [0], [0, 0, 1, 0], [], []>, transpose_lhs_hint = false} : vector<512x16xf32>, vector<128x16xf32>, vector<512x128xf32> -> vector<512x128xf32>
    %get3A_1179 = arith.constant 0 : index
    %get3A_1180 = arith.constant 3072 : index
    %get3A_1181 = vector.load %arg3[%get3A_1179, %get3A_1180] : memref<1x10240xf32, #tpu.memory_space<vmem>>, vector<1x128xf32>
    %add3A_1182 = vector.broadcast %get3A_6 : vector<512x1xf32> to vector<512x128xf32>
    %add3A_1183 = vector.broadcast %get3A_1181 : vector<1x128xf32> to vector<512x128xf32>
    %add3A_1184 = arith.addf %add3A_1182, %add3A_1183 : vector<512x128xf32>
    %add3A_1185 = arith.addf %add3A_1184, %dot_general3A_1178 : vector<512x128xf32>
    %get3A_1186 = arith.constant 0 : index
    %get3A_1187 = arith.constant 3072 : index
    %get3A_1188 = vector.load %arg5[%get3A_1186, %get3A_1187] : memref<1x10240xi32, #tpu.memory_space<vmem>>, vector<1x128xi32>
    %lt3A_1189 = arith.cmpf olt, %add3A_1185, %select_n3A_1146 : vector<512x128xf32>
    %lt3A_1190 = arith.cmpf olt, %add3A_1185, %select_n3A_1151 : vector<512x128xf32>
    %lt3A_1191 = arith.cmpf olt, %add3A_1185, %select_n3A_1157 : vector<512x128xf32>
    %lt3A_1192 = arith.cmpf olt, %add3A_1185, %select_n3A_1163 : vector<512x128xf32>
    %lt3A_1193 = arith.cmpf olt, %add3A_1185, %select_n3A_1169 : vector<512x128xf32>
    %select_n3A_1194 = arith.select %lt3A_1189, %add3A_1185, %select_n3A_1146 : vector<512x128xi1>, vector<512x128xf32>
    %broadcast_in_dim3A_1195 = vector.shape_cast %get3A_1188 : vector<1x128xi32> to vector<1x128xi32>
    %broadcast_in_dim3A_1196 = vector.broadcast %broadcast_in_dim3A_1195 : vector<1x128xi32> to vector<512x128xi32>
    %select_n3A_1197 = arith.select %lt3A_1189, %broadcast_in_dim3A_1196, %select_n3A_1149 : vector<512x128xi1>, vector<512x128xi32>
    %select_n3A_1198 = arith.select %lt3A_1189, %select_n3A_1146, %add3A_1185 : vector<512x128xi1>, vector<512x128xf32>
    %select_n3A_1199 = arith.select %lt3A_1190, %select_n3A_1198, %select_n3A_1151 : vector<512x128xi1>, vector<512x128xf32>
    %broadcast_in_dim3A_1200 = vector.shape_cast %get3A_1188 : vector<1x128xi32> to vector<1x128xi32>
    %broadcast_in_dim3A_1201 = vector.broadcast %broadcast_in_dim3A_1200 : vector<1x128xi32> to vector<512x128xi32>
    %select_n3A_1202 = arith.select %lt3A_1189, %select_n3A_1149, %broadcast_in_dim3A_1201 : vector<512x128xi1>, vector<512x128xi32>
    %select_n3A_1203 = arith.select %lt3A_1190, %select_n3A_1202, %select_n3A_1155 : vector<512x128xi1>, vector<512x128xi32>
    %select_n3A_1204 = arith.select %lt3A_1190, %select_n3A_1151, %add3A_1185 : vector<512x128xi1>, vector<512x128xf32>
    %select_n3A_1205 = arith.select %lt3A_1191, %select_n3A_1204, %select_n3A_1157 : vector<512x128xi1>, vector<512x128xf32>
    %broadcast_in_dim3A_1206 = vector.shape_cast %get3A_1188 : vector<1x128xi32> to vector<1x128xi32>
    %broadcast_in_dim3A_1207 = vector.broadcast %broadcast_in_dim3A_1206 : vector<1x128xi32> to vector<512x128xi32>
    %select_n3A_1208 = arith.select %lt3A_1190, %select_n3A_1155, %broadcast_in_dim3A_1207 : vector<512x128xi1>, vector<512x128xi32>
    %select_n3A_1209 = arith.select %lt3A_1191, %select_n3A_1208, %select_n3A_1161 : vector<512x128xi1>, vector<512x128xi32>
    %select_n3A_1210 = arith.select %lt3A_1191, %select_n3A_1157, %add3A_1185 : vector<512x128xi1>, vector<512x128xf32>
    %select_n3A_1211 = arith.select %lt3A_1192, %select_n3A_1210, %select_n3A_1163 : vector<512x128xi1>, vector<512x128xf32>
    %broadcast_in_dim3A_1212 = vector.shape_cast %get3A_1188 : vector<1x128xi32> to vector<1x128xi32>
    %broadcast_in_dim3A_1213 = vector.broadcast %broadcast_in_dim3A_1212 : vector<1x128xi32> to vector<512x128xi32>
    %select_n3A_1214 = arith.select %lt3A_1191, %select_n3A_1161, %broadcast_in_dim3A_1213 : vector<512x128xi1>, vector<512x128xi32>
    %select_n3A_1215 = arith.select %lt3A_1192, %select_n3A_1214, %select_n3A_1167 : vector<512x128xi1>, vector<512x128xi32>
    %select_n3A_1216 = arith.select %lt3A_1192, %select_n3A_1163, %add3A_1185 : vector<512x128xi1>, vector<512x128xf32>
    %select_n3A_1217 = arith.select %lt3A_1193, %select_n3A_1216, %select_n3A_1169 : vector<512x128xi1>, vector<512x128xf32>
    %broadcast_in_dim3A_1218 = vector.shape_cast %get3A_1188 : vector<1x128xi32> to vector<1x128xi32>
    %broadcast_in_dim3A_1219 = vector.broadcast %broadcast_in_dim3A_1218 : vector<1x128xi32> to vector<512x128xi32>
    %select_n3A_1220 = arith.select %lt3A_1192, %select_n3A_1167, %broadcast_in_dim3A_1219 : vector<512x128xi1>, vector<512x128xi32>
    %select_n3A_1221 = arith.select %lt3A_1193, %select_n3A_1220, %select_n3A_1173 : vector<512x128xi1>, vector<512x128xi32>
    %get3A_1222 = arith.constant 3200 : index
    %get3A_1223 = arith.constant 0 : index
    %get3A_1224 = vector.load %arg4[%get3A_1222, %get3A_1223] : memref<10240x32xf32, #tpu.memory_space<vmem>>, vector<128x16xf32>
    %dot_general3A_1225 = arith.constant dense<0.000000e+00> : vector<512x128xf32>
    %dot_general3A_1226 = tpu.matmul %mul3A_3, %get3A_1224, %dot_general3A_1225 {dimension_numbers = #tpu.dot_dimension_numbers<[1], [1], [0], [0], [0, 0, 1, 0], [], []>, transpose_lhs_hint = false} : vector<512x16xf32>, vector<128x16xf32>, vector<512x128xf32> -> vector<512x128xf32>
    %get3A_1227 = arith.constant 0 : index
    %get3A_1228 = arith.constant 3200 : index
    %get3A_1229 = vector.load %arg3[%get3A_1227, %get3A_1228] : memref<1x10240xf32, #tpu.memory_space<vmem>>, vector<1x128xf32>
    %add3A_1230 = vector.broadcast %get3A_6 : vector<512x1xf32> to vector<512x128xf32>
    %add3A_1231 = vector.broadcast %get3A_1229 : vector<1x128xf32> to vector<512x128xf32>
    %add3A_1232 = arith.addf %add3A_1230, %add3A_1231 : vector<512x128xf32>
    %add3A_1233 = arith.addf %add3A_1232, %dot_general3A_1226 : vector<512x128xf32>
    %get3A_1234 = arith.constant 0 : index
    %get3A_1235 = arith.constant 3200 : index
    %get3A_1236 = vector.load %arg5[%get3A_1234, %get3A_1235] : memref<1x10240xi32, #tpu.memory_space<vmem>>, vector<1x128xi32>
    %lt3A_1237 = arith.cmpf olt, %add3A_1233, %select_n3A_1194 : vector<512x128xf32>
    %lt3A_1238 = arith.cmpf olt, %add3A_1233, %select_n3A_1199 : vector<512x128xf32>
    %lt3A_1239 = arith.cmpf olt, %add3A_1233, %select_n3A_1205 : vector<512x128xf32>
    %lt3A_1240 = arith.cmpf olt, %add3A_1233, %select_n3A_1211 : vector<512x128xf32>
    %lt3A_1241 = arith.cmpf olt, %add3A_1233, %select_n3A_1217 : vector<512x128xf32>
    %select_n3A_1242 = arith.select %lt3A_1237, %add3A_1233, %select_n3A_1194 : vector<512x128xi1>, vector<512x128xf32>
    %broadcast_in_dim3A_1243 = vector.shape_cast %get3A_1236 : vector<1x128xi32> to vector<1x128xi32>
    %broadcast_in_dim3A_1244 = vector.broadcast %broadcast_in_dim3A_1243 : vector<1x128xi32> to vector<512x128xi32>
    %select_n3A_1245 = arith.select %lt3A_1237, %broadcast_in_dim3A_1244, %select_n3A_1197 : vector<512x128xi1>, vector<512x128xi32>
    %select_n3A_1246 = arith.select %lt3A_1237, %select_n3A_1194, %add3A_1233 : vector<512x128xi1>, vector<512x128xf32>
    %select_n3A_1247 = arith.select %lt3A_1238, %select_n3A_1246, %select_n3A_1199 : vector<512x128xi1>, vector<512x128xf32>
    %broadcast_in_dim3A_1248 = vector.shape_cast %get3A_1236 : vector<1x128xi32> to vector<1x128xi32>
    %broadcast_in_dim3A_1249 = vector.broadcast %broadcast_in_dim3A_1248 : vector<1x128xi32> to vector<512x128xi32>
    %select_n3A_1250 = arith.select %lt3A_1237, %select_n3A_1197, %broadcast_in_dim3A_1249 : vector<512x128xi1>, vector<512x128xi32>
    %select_n3A_1251 = arith.select %lt3A_1238, %select_n3A_1250, %select_n3A_1203 : vector<512x128xi1>, vector<512x128xi32>
    %select_n3A_1252 = arith.select %lt3A_1238, %select_n3A_1199, %add3A_1233 : vector<512x128xi1>, vector<512x128xf32>
    %select_n3A_1253 = arith.select %lt3A_1239, %select_n3A_1252, %select_n3A_1205 : vector<512x128xi1>, vector<512x128xf32>
    %broadcast_in_dim3A_1254 = vector.shape_cast %get3A_1236 : vector<1x128xi32> to vector<1x128xi32>
    %broadcast_in_dim3A_1255 = vector.broadcast %broadcast_in_dim3A_1254 : vector<1x128xi32> to vector<512x128xi32>
    %select_n3A_1256 = arith.select %lt3A_1238, %select_n3A_1203, %broadcast_in_dim3A_1255 : vector<512x128xi1>, vector<512x128xi32>
    %select_n3A_1257 = arith.select %lt3A_1239, %select_n3A_1256, %select_n3A_1209 : vector<512x128xi1>, vector<512x128xi32>
    %select_n3A_1258 = arith.select %lt3A_1239, %select_n3A_1205, %add3A_1233 : vector<512x128xi1>, vector<512x128xf32>
    %select_n3A_1259 = arith.select %lt3A_1240, %select_n3A_1258, %select_n3A_1211 : vector<512x128xi1>, vector<512x128xf32>
    %broadcast_in_dim3A_1260 = vector.shape_cast %get3A_1236 : vector<1x128xi32> to vector<1x128xi32>
    %broadcast_in_dim3A_1261 = vector.broadcast %broadcast_in_dim3A_1260 : vector<1x128xi32> to vector<512x128xi32>
    %select_n3A_1262 = arith.select %lt3A_1239, %select_n3A_1209, %broadcast_in_dim3A_1261 : vector<512x128xi1>, vector<512x128xi32>
    %select_n3A_1263 = arith.select %lt3A_1240, %select_n3A_1262, %select_n3A_1215 : vector<512x128xi1>, vector<512x128xi32>
    %select_n3A_1264 = arith.select %lt3A_1240, %select_n3A_1211, %add3A_1233 : vector<512x128xi1>, vector<512x128xf32>
    %select_n3A_1265 = arith.select %lt3A_1241, %select_n3A_1264, %select_n3A_1217 : vector<512x128xi1>, vector<512x128xf32>
    %broadcast_in_dim3A_1266 = vector.shape_cast %get3A_1236 : vector<1x128xi32> to vector<1x128xi32>
    %broadcast_in_dim3A_1267 = vector.broadcast %broadcast_in_dim3A_1266 : vector<1x128xi32> to vector<512x128xi32>
    %select_n3A_1268 = arith.select %lt3A_1240, %select_n3A_1215, %broadcast_in_dim3A_1267 : vector<512x128xi1>, vector<512x128xi32>
    %select_n3A_1269 = arith.select %lt3A_1241, %select_n3A_1268, %select_n3A_1221 : vector<512x128xi1>, vector<512x128xi32>
    %get3A_1270 = arith.constant 3328 : index
    %get3A_1271 = arith.constant 0 : index
    %get3A_1272 = vector.load %arg4[%get3A_1270, %get3A_1271] : memref<10240x32xf32, #tpu.memory_space<vmem>>, vector<128x16xf32>
    %dot_general3A_1273 = arith.constant dense<0.000000e+00> : vector<512x128xf32>
    %dot_general3A_1274 = tpu.matmul %mul3A_3, %get3A_1272, %dot_general3A_1273 {dimension_numbers = #tpu.dot_dimension_numbers<[1], [1], [0], [0], [0, 0, 1, 0], [], []>, transpose_lhs_hint = false} : vector<512x16xf32>, vector<128x16xf32>, vector<512x128xf32> -> vector<512x128xf32>
    %get3A_1275 = arith.constant 0 : index
    %get3A_1276 = arith.constant 3328 : index
    %get3A_1277 = vector.load %arg3[%get3A_1275, %get3A_1276] : memref<1x10240xf32, #tpu.memory_space<vmem>>, vector<1x128xf32>
    %add3A_1278 = vector.broadcast %get3A_6 : vector<512x1xf32> to vector<512x128xf32>
    %add3A_1279 = vector.broadcast %get3A_1277 : vector<1x128xf32> to vector<512x128xf32>
    %add3A_1280 = arith.addf %add3A_1278, %add3A_1279 : vector<512x128xf32>
    %add3A_1281 = arith.addf %add3A_1280, %dot_general3A_1274 : vector<512x128xf32>
    %get3A_1282 = arith.constant 0 : index
    %get3A_1283 = arith.constant 3328 : index
    %get3A_1284 = vector.load %arg5[%get3A_1282, %get3A_1283] : memref<1x10240xi32, #tpu.memory_space<vmem>>, vector<1x128xi32>
    %lt3A_1285 = arith.cmpf olt, %add3A_1281, %select_n3A_1242 : vector<512x128xf32>
    %lt3A_1286 = arith.cmpf olt, %add3A_1281, %select_n3A_1247 : vector<512x128xf32>
    %lt3A_1287 = arith.cmpf olt, %add3A_1281, %select_n3A_1253 : vector<512x128xf32>
    %lt3A_1288 = arith.cmpf olt, %add3A_1281, %select_n3A_1259 : vector<512x128xf32>
    %lt3A_1289 = arith.cmpf olt, %add3A_1281, %select_n3A_1265 : vector<512x128xf32>
    %select_n3A_1290 = arith.select %lt3A_1285, %add3A_1281, %select_n3A_1242 : vector<512x128xi1>, vector<512x128xf32>
    %broadcast_in_dim3A_1291 = vector.shape_cast %get3A_1284 : vector<1x128xi32> to vector<1x128xi32>
    %broadcast_in_dim3A_1292 = vector.broadcast %broadcast_in_dim3A_1291 : vector<1x128xi32> to vector<512x128xi32>
    %select_n3A_1293 = arith.select %lt3A_1285, %broadcast_in_dim3A_1292, %select_n3A_1245 : vector<512x128xi1>, vector<512x128xi32>
    %select_n3A_1294 = arith.select %lt3A_1285, %select_n3A_1242, %add3A_1281 : vector<512x128xi1>, vector<512x128xf32>
    %select_n3A_1295 = arith.select %lt3A_1286, %select_n3A_1294, %select_n3A_1247 : vector<512x128xi1>, vector<512x128xf32>
    %broadcast_in_dim3A_1296 = vector.shape_cast %get3A_1284 : vector<1x128xi32> to vector<1x128xi32>
    %broadcast_in_dim3A_1297 = vector.broadcast %broadcast_in_dim3A_1296 : vector<1x128xi32> to vector<512x128xi32>
    %select_n3A_1298 = arith.select %lt3A_1285, %select_n3A_1245, %broadcast_in_dim3A_1297 : vector<512x128xi1>, vector<512x128xi32>
    %select_n3A_1299 = arith.select %lt3A_1286, %select_n3A_1298, %select_n3A_1251 : vector<512x128xi1>, vector<512x128xi32>
    %select_n3A_1300 = arith.select %lt3A_1286, %select_n3A_1247, %add3A_1281 : vector<512x128xi1>, vector<512x128xf32>
    %select_n3A_1301 = arith.select %lt3A_1287, %select_n3A_1300, %select_n3A_1253 : vector<512x128xi1>, vector<512x128xf32>
    %broadcast_in_dim3A_1302 = vector.shape_cast %get3A_1284 : vector<1x128xi32> to vector<1x128xi32>
    %broadcast_in_dim3A_1303 = vector.broadcast %broadcast_in_dim3A_1302 : vector<1x128xi32> to vector<512x128xi32>
    %select_n3A_1304 = arith.select %lt3A_1286, %select_n3A_1251, %broadcast_in_dim3A_1303 : vector<512x128xi1>, vector<512x128xi32>
    %select_n3A_1305 = arith.select %lt3A_1287, %select_n3A_1304, %select_n3A_1257 : vector<512x128xi1>, vector<512x128xi32>
    %select_n3A_1306 = arith.select %lt3A_1287, %select_n3A_1253, %add3A_1281 : vector<512x128xi1>, vector<512x128xf32>
    %select_n3A_1307 = arith.select %lt3A_1288, %select_n3A_1306, %select_n3A_1259 : vector<512x128xi1>, vector<512x128xf32>
    %broadcast_in_dim3A_1308 = vector.shape_cast %get3A_1284 : vector<1x128xi32> to vector<1x128xi32>
    %broadcast_in_dim3A_1309 = vector.broadcast %broadcast_in_dim3A_1308 : vector<1x128xi32> to vector<512x128xi32>
    %select_n3A_1310 = arith.select %lt3A_1287, %select_n3A_1257, %broadcast_in_dim3A_1309 : vector<512x128xi1>, vector<512x128xi32>
    %select_n3A_1311 = arith.select %lt3A_1288, %select_n3A_1310, %select_n3A_1263 : vector<512x128xi1>, vector<512x128xi32>
    %select_n3A_1312 = arith.select %lt3A_1288, %select_n3A_1259, %add3A_1281 : vector<512x128xi1>, vector<512x128xf32>
    %select_n3A_1313 = arith.select %lt3A_1289, %select_n3A_1312, %select_n3A_1265 : vector<512x128xi1>, vector<512x128xf32>
    %broadcast_in_dim3A_1314 = vector.shape_cast %get3A_1284 : vector<1x128xi32> to vector<1x128xi32>
    %broadcast_in_dim3A_1315 = vector.broadcast %broadcast_in_dim3A_1314 : vector<1x128xi32> to vector<512x128xi32>
    %select_n3A_1316 = arith.select %lt3A_1288, %select_n3A_1263, %broadcast_in_dim3A_1315 : vector<512x128xi1>, vector<512x128xi32>
    %select_n3A_1317 = arith.select %lt3A_1289, %select_n3A_1316, %select_n3A_1269 : vector<512x128xi1>, vector<512x128xi32>
    %get3A_1318 = arith.constant 3456 : index
    %get3A_1319 = arith.constant 0 : index
    %get3A_1320 = vector.load %arg4[%get3A_1318, %get3A_1319] : memref<10240x32xf32, #tpu.memory_space<vmem>>, vector<128x16xf32>
    %dot_general3A_1321 = arith.constant dense<0.000000e+00> : vector<512x128xf32>
    %dot_general3A_1322 = tpu.matmul %mul3A_3, %get3A_1320, %dot_general3A_1321 {dimension_numbers = #tpu.dot_dimension_numbers<[1], [1], [0], [0], [0, 0, 1, 0], [], []>, transpose_lhs_hint = false} : vector<512x16xf32>, vector<128x16xf32>, vector<512x128xf32> -> vector<512x128xf32>
    %get3A_1323 = arith.constant 0 : index
    %get3A_1324 = arith.constant 3456 : index
    %get3A_1325 = vector.load %arg3[%get3A_1323, %get3A_1324] : memref<1x10240xf32, #tpu.memory_space<vmem>>, vector<1x128xf32>
    %add3A_1326 = vector.broadcast %get3A_6 : vector<512x1xf32> to vector<512x128xf32>
    %add3A_1327 = vector.broadcast %get3A_1325 : vector<1x128xf32> to vector<512x128xf32>
    %add3A_1328 = arith.addf %add3A_1326, %add3A_1327 : vector<512x128xf32>
    %add3A_1329 = arith.addf %add3A_1328, %dot_general3A_1322 : vector<512x128xf32>
    %get3A_1330 = arith.constant 0 : index
    %get3A_1331 = arith.constant 3456 : index
    %get3A_1332 = vector.load %arg5[%get3A_1330, %get3A_1331] : memref<1x10240xi32, #tpu.memory_space<vmem>>, vector<1x128xi32>
    %lt3A_1333 = arith.cmpf olt, %add3A_1329, %select_n3A_1290 : vector<512x128xf32>
    %lt3A_1334 = arith.cmpf olt, %add3A_1329, %select_n3A_1295 : vector<512x128xf32>
    %lt3A_1335 = arith.cmpf olt, %add3A_1329, %select_n3A_1301 : vector<512x128xf32>
    %lt3A_1336 = arith.cmpf olt, %add3A_1329, %select_n3A_1307 : vector<512x128xf32>
    %lt3A_1337 = arith.cmpf olt, %add3A_1329, %select_n3A_1313 : vector<512x128xf32>
    %select_n3A_1338 = arith.select %lt3A_1333, %add3A_1329, %select_n3A_1290 : vector<512x128xi1>, vector<512x128xf32>
    %broadcast_in_dim3A_1339 = vector.shape_cast %get3A_1332 : vector<1x128xi32> to vector<1x128xi32>
    %broadcast_in_dim3A_1340 = vector.broadcast %broadcast_in_dim3A_1339 : vector<1x128xi32> to vector<512x128xi32>
    %select_n3A_1341 = arith.select %lt3A_1333, %broadcast_in_dim3A_1340, %select_n3A_1293 : vector<512x128xi1>, vector<512x128xi32>
    %select_n3A_1342 = arith.select %lt3A_1333, %select_n3A_1290, %add3A_1329 : vector<512x128xi1>, vector<512x128xf32>
    %select_n3A_1343 = arith.select %lt3A_1334, %select_n3A_1342, %select_n3A_1295 : vector<512x128xi1>, vector<512x128xf32>
    %broadcast_in_dim3A_1344 = vector.shape_cast %get3A_1332 : vector<1x128xi32> to vector<1x128xi32>
    %broadcast_in_dim3A_1345 = vector.broadcast %broadcast_in_dim3A_1344 : vector<1x128xi32> to vector<512x128xi32>
    %select_n3A_1346 = arith.select %lt3A_1333, %select_n3A_1293, %broadcast_in_dim3A_1345 : vector<512x128xi1>, vector<512x128xi32>
    %select_n3A_1347 = arith.select %lt3A_1334, %select_n3A_1346, %select_n3A_1299 : vector<512x128xi1>, vector<512x128xi32>
    %select_n3A_1348 = arith.select %lt3A_1334, %select_n3A_1295, %add3A_1329 : vector<512x128xi1>, vector<512x128xf32>
    %select_n3A_1349 = arith.select %lt3A_1335, %select_n3A_1348, %select_n3A_1301 : vector<512x128xi1>, vector<512x128xf32>
    %broadcast_in_dim3A_1350 = vector.shape_cast %get3A_1332 : vector<1x128xi32> to vector<1x128xi32>
    %broadcast_in_dim3A_1351 = vector.broadcast %broadcast_in_dim3A_1350 : vector<1x128xi32> to vector<512x128xi32>
    %select_n3A_1352 = arith.select %lt3A_1334, %select_n3A_1299, %broadcast_in_dim3A_1351 : vector<512x128xi1>, vector<512x128xi32>
    %select_n3A_1353 = arith.select %lt3A_1335, %select_n3A_1352, %select_n3A_1305 : vector<512x128xi1>, vector<512x128xi32>
    %select_n3A_1354 = arith.select %lt3A_1335, %select_n3A_1301, %add3A_1329 : vector<512x128xi1>, vector<512x128xf32>
    %select_n3A_1355 = arith.select %lt3A_1336, %select_n3A_1354, %select_n3A_1307 : vector<512x128xi1>, vector<512x128xf32>
    %broadcast_in_dim3A_1356 = vector.shape_cast %get3A_1332 : vector<1x128xi32> to vector<1x128xi32>
    %broadcast_in_dim3A_1357 = vector.broadcast %broadcast_in_dim3A_1356 : vector<1x128xi32> to vector<512x128xi32>
    %select_n3A_1358 = arith.select %lt3A_1335, %select_n3A_1305, %broadcast_in_dim3A_1357 : vector<512x128xi1>, vector<512x128xi32>
    %select_n3A_1359 = arith.select %lt3A_1336, %select_n3A_1358, %select_n3A_1311 : vector<512x128xi1>, vector<512x128xi32>
    %select_n3A_1360 = arith.select %lt3A_1336, %select_n3A_1307, %add3A_1329 : vector<512x128xi1>, vector<512x128xf32>
    %select_n3A_1361 = arith.select %lt3A_1337, %select_n3A_1360, %select_n3A_1313 : vector<512x128xi1>, vector<512x128xf32>
    %broadcast_in_dim3A_1362 = vector.shape_cast %get3A_1332 : vector<1x128xi32> to vector<1x128xi32>
    %broadcast_in_dim3A_1363 = vector.broadcast %broadcast_in_dim3A_1362 : vector<1x128xi32> to vector<512x128xi32>
    %select_n3A_1364 = arith.select %lt3A_1336, %select_n3A_1311, %broadcast_in_dim3A_1363 : vector<512x128xi1>, vector<512x128xi32>
    %select_n3A_1365 = arith.select %lt3A_1337, %select_n3A_1364, %select_n3A_1317 : vector<512x128xi1>, vector<512x128xi32>
    %get3A_1366 = arith.constant 3584 : index
    %get3A_1367 = arith.constant 0 : index
    %get3A_1368 = vector.load %arg4[%get3A_1366, %get3A_1367] : memref<10240x32xf32, #tpu.memory_space<vmem>>, vector<128x16xf32>
    %dot_general3A_1369 = arith.constant dense<0.000000e+00> : vector<512x128xf32>
    %dot_general3A_1370 = tpu.matmul %mul3A_3, %get3A_1368, %dot_general3A_1369 {dimension_numbers = #tpu.dot_dimension_numbers<[1], [1], [0], [0], [0, 0, 1, 0], [], []>, transpose_lhs_hint = false} : vector<512x16xf32>, vector<128x16xf32>, vector<512x128xf32> -> vector<512x128xf32>
    %get3A_1371 = arith.constant 0 : index
    %get3A_1372 = arith.constant 3584 : index
    %get3A_1373 = vector.load %arg3[%get3A_1371, %get3A_1372] : memref<1x10240xf32, #tpu.memory_space<vmem>>, vector<1x128xf32>
    %add3A_1374 = vector.broadcast %get3A_6 : vector<512x1xf32> to vector<512x128xf32>
    %add3A_1375 = vector.broadcast %get3A_1373 : vector<1x128xf32> to vector<512x128xf32>
    %add3A_1376 = arith.addf %add3A_1374, %add3A_1375 : vector<512x128xf32>
    %add3A_1377 = arith.addf %add3A_1376, %dot_general3A_1370 : vector<512x128xf32>
    %get3A_1378 = arith.constant 0 : index
    %get3A_1379 = arith.constant 3584 : index
    %get3A_1380 = vector.load %arg5[%get3A_1378, %get3A_1379] : memref<1x10240xi32, #tpu.memory_space<vmem>>, vector<1x128xi32>
    %lt3A_1381 = arith.cmpf olt, %add3A_1377, %select_n3A_1338 : vector<512x128xf32>
    %lt3A_1382 = arith.cmpf olt, %add3A_1377, %select_n3A_1343 : vector<512x128xf32>
    %lt3A_1383 = arith.cmpf olt, %add3A_1377, %select_n3A_1349 : vector<512x128xf32>
    %lt3A_1384 = arith.cmpf olt, %add3A_1377, %select_n3A_1355 : vector<512x128xf32>
    %lt3A_1385 = arith.cmpf olt, %add3A_1377, %select_n3A_1361 : vector<512x128xf32>
    %select_n3A_1386 = arith.select %lt3A_1381, %add3A_1377, %select_n3A_1338 : vector<512x128xi1>, vector<512x128xf32>
    %broadcast_in_dim3A_1387 = vector.shape_cast %get3A_1380 : vector<1x128xi32> to vector<1x128xi32>
    %broadcast_in_dim3A_1388 = vector.broadcast %broadcast_in_dim3A_1387 : vector<1x128xi32> to vector<512x128xi32>
    %select_n3A_1389 = arith.select %lt3A_1381, %broadcast_in_dim3A_1388, %select_n3A_1341 : vector<512x128xi1>, vector<512x128xi32>
    %select_n3A_1390 = arith.select %lt3A_1381, %select_n3A_1338, %add3A_1377 : vector<512x128xi1>, vector<512x128xf32>
    %select_n3A_1391 = arith.select %lt3A_1382, %select_n3A_1390, %select_n3A_1343 : vector<512x128xi1>, vector<512x128xf32>
    %broadcast_in_dim3A_1392 = vector.shape_cast %get3A_1380 : vector<1x128xi32> to vector<1x128xi32>
    %broadcast_in_dim3A_1393 = vector.broadcast %broadcast_in_dim3A_1392 : vector<1x128xi32> to vector<512x128xi32>
    %select_n3A_1394 = arith.select %lt3A_1381, %select_n3A_1341, %broadcast_in_dim3A_1393 : vector<512x128xi1>, vector<512x128xi32>
    %select_n3A_1395 = arith.select %lt3A_1382, %select_n3A_1394, %select_n3A_1347 : vector<512x128xi1>, vector<512x128xi32>
    %select_n3A_1396 = arith.select %lt3A_1382, %select_n3A_1343, %add3A_1377 : vector<512x128xi1>, vector<512x128xf32>
    %select_n3A_1397 = arith.select %lt3A_1383, %select_n3A_1396, %select_n3A_1349 : vector<512x128xi1>, vector<512x128xf32>
    %broadcast_in_dim3A_1398 = vector.shape_cast %get3A_1380 : vector<1x128xi32> to vector<1x128xi32>
    %broadcast_in_dim3A_1399 = vector.broadcast %broadcast_in_dim3A_1398 : vector<1x128xi32> to vector<512x128xi32>
    %select_n3A_1400 = arith.select %lt3A_1382, %select_n3A_1347, %broadcast_in_dim3A_1399 : vector<512x128xi1>, vector<512x128xi32>
    %select_n3A_1401 = arith.select %lt3A_1383, %select_n3A_1400, %select_n3A_1353 : vector<512x128xi1>, vector<512x128xi32>
    %select_n3A_1402 = arith.select %lt3A_1383, %select_n3A_1349, %add3A_1377 : vector<512x128xi1>, vector<512x128xf32>
    %select_n3A_1403 = arith.select %lt3A_1384, %select_n3A_1402, %select_n3A_1355 : vector<512x128xi1>, vector<512x128xf32>
    %broadcast_in_dim3A_1404 = vector.shape_cast %get3A_1380 : vector<1x128xi32> to vector<1x128xi32>
    %broadcast_in_dim3A_1405 = vector.broadcast %broadcast_in_dim3A_1404 : vector<1x128xi32> to vector<512x128xi32>
    %select_n3A_1406 = arith.select %lt3A_1383, %select_n3A_1353, %broadcast_in_dim3A_1405 : vector<512x128xi1>, vector<512x128xi32>
    %select_n3A_1407 = arith.select %lt3A_1384, %select_n3A_1406, %select_n3A_1359 : vector<512x128xi1>, vector<512x128xi32>
    %select_n3A_1408 = arith.select %lt3A_1384, %select_n3A_1355, %add3A_1377 : vector<512x128xi1>, vector<512x128xf32>
    %select_n3A_1409 = arith.select %lt3A_1385, %select_n3A_1408, %select_n3A_1361 : vector<512x128xi1>, vector<512x128xf32>
    %broadcast_in_dim3A_1410 = vector.shape_cast %get3A_1380 : vector<1x128xi32> to vector<1x128xi32>
    %broadcast_in_dim3A_1411 = vector.broadcast %broadcast_in_dim3A_1410 : vector<1x128xi32> to vector<512x128xi32>
    %select_n3A_1412 = arith.select %lt3A_1384, %select_n3A_1359, %broadcast_in_dim3A_1411 : vector<512x128xi1>, vector<512x128xi32>
    %select_n3A_1413 = arith.select %lt3A_1385, %select_n3A_1412, %select_n3A_1365 : vector<512x128xi1>, vector<512x128xi32>
    %get3A_1414 = arith.constant 3712 : index
    %get3A_1415 = arith.constant 0 : index
    %get3A_1416 = vector.load %arg4[%get3A_1414, %get3A_1415] : memref<10240x32xf32, #tpu.memory_space<vmem>>, vector<128x16xf32>
    %dot_general3A_1417 = arith.constant dense<0.000000e+00> : vector<512x128xf32>
    %dot_general3A_1418 = tpu.matmul %mul3A_3, %get3A_1416, %dot_general3A_1417 {dimension_numbers = #tpu.dot_dimension_numbers<[1], [1], [0], [0], [0, 0, 1, 0], [], []>, transpose_lhs_hint = false} : vector<512x16xf32>, vector<128x16xf32>, vector<512x128xf32> -> vector<512x128xf32>
    %get3A_1419 = arith.constant 0 : index
    %get3A_1420 = arith.constant 3712 : index
    %get3A_1421 = vector.load %arg3[%get3A_1419, %get3A_1420] : memref<1x10240xf32, #tpu.memory_space<vmem>>, vector<1x128xf32>
    %add3A_1422 = vector.broadcast %get3A_6 : vector<512x1xf32> to vector<512x128xf32>
    %add3A_1423 = vector.broadcast %get3A_1421 : vector<1x128xf32> to vector<512x128xf32>
    %add3A_1424 = arith.addf %add3A_1422, %add3A_1423 : vector<512x128xf32>
    %add3A_1425 = arith.addf %add3A_1424, %dot_general3A_1418 : vector<512x128xf32>
    %get3A_1426 = arith.constant 0 : index
    %get3A_1427 = arith.constant 3712 : index
    %get3A_1428 = vector.load %arg5[%get3A_1426, %get3A_1427] : memref<1x10240xi32, #tpu.memory_space<vmem>>, vector<1x128xi32>
    %lt3A_1429 = arith.cmpf olt, %add3A_1425, %select_n3A_1386 : vector<512x128xf32>
    %lt3A_1430 = arith.cmpf olt, %add3A_1425, %select_n3A_1391 : vector<512x128xf32>
    %lt3A_1431 = arith.cmpf olt, %add3A_1425, %select_n3A_1397 : vector<512x128xf32>
    %lt3A_1432 = arith.cmpf olt, %add3A_1425, %select_n3A_1403 : vector<512x128xf32>
    %lt3A_1433 = arith.cmpf olt, %add3A_1425, %select_n3A_1409 : vector<512x128xf32>
    %select_n3A_1434 = arith.select %lt3A_1429, %add3A_1425, %select_n3A_1386 : vector<512x128xi1>, vector<512x128xf32>
    %broadcast_in_dim3A_1435 = vector.shape_cast %get3A_1428 : vector<1x128xi32> to vector<1x128xi32>
    %broadcast_in_dim3A_1436 = vector.broadcast %broadcast_in_dim3A_1435 : vector<1x128xi32> to vector<512x128xi32>
    %select_n3A_1437 = arith.select %lt3A_1429, %broadcast_in_dim3A_1436, %select_n3A_1389 : vector<512x128xi1>, vector<512x128xi32>
    %select_n3A_1438 = arith.select %lt3A_1429, %select_n3A_1386, %add3A_1425 : vector<512x128xi1>, vector<512x128xf32>
    %select_n3A_1439 = arith.select %lt3A_1430, %select_n3A_1438, %select_n3A_1391 : vector<512x128xi1>, vector<512x128xf32>
    %broadcast_in_dim3A_1440 = vector.shape_cast %get3A_1428 : vector<1x128xi32> to vector<1x128xi32>
    %broadcast_in_dim3A_1441 = vector.broadcast %broadcast_in_dim3A_1440 : vector<1x128xi32> to vector<512x128xi32>
    %select_n3A_1442 = arith.select %lt3A_1429, %select_n3A_1389, %broadcast_in_dim3A_1441 : vector<512x128xi1>, vector<512x128xi32>
    %select_n3A_1443 = arith.select %lt3A_1430, %select_n3A_1442, %select_n3A_1395 : vector<512x128xi1>, vector<512x128xi32>
    %select_n3A_1444 = arith.select %lt3A_1430, %select_n3A_1391, %add3A_1425 : vector<512x128xi1>, vector<512x128xf32>
    %select_n3A_1445 = arith.select %lt3A_1431, %select_n3A_1444, %select_n3A_1397 : vector<512x128xi1>, vector<512x128xf32>
    %broadcast_in_dim3A_1446 = vector.shape_cast %get3A_1428 : vector<1x128xi32> to vector<1x128xi32>
    %broadcast_in_dim3A_1447 = vector.broadcast %broadcast_in_dim3A_1446 : vector<1x128xi32> to vector<512x128xi32>
    %select_n3A_1448 = arith.select %lt3A_1430, %select_n3A_1395, %broadcast_in_dim3A_1447 : vector<512x128xi1>, vector<512x128xi32>
    %select_n3A_1449 = arith.select %lt3A_1431, %select_n3A_1448, %select_n3A_1401 : vector<512x128xi1>, vector<512x128xi32>
    %select_n3A_1450 = arith.select %lt3A_1431, %select_n3A_1397, %add3A_1425 : vector<512x128xi1>, vector<512x128xf32>
    %select_n3A_1451 = arith.select %lt3A_1432, %select_n3A_1450, %select_n3A_1403 : vector<512x128xi1>, vector<512x128xf32>
    %broadcast_in_dim3A_1452 = vector.shape_cast %get3A_1428 : vector<1x128xi32> to vector<1x128xi32>
    %broadcast_in_dim3A_1453 = vector.broadcast %broadcast_in_dim3A_1452 : vector<1x128xi32> to vector<512x128xi32>
    %select_n3A_1454 = arith.select %lt3A_1431, %select_n3A_1401, %broadcast_in_dim3A_1453 : vector<512x128xi1>, vector<512x128xi32>
    %select_n3A_1455 = arith.select %lt3A_1432, %select_n3A_1454, %select_n3A_1407 : vector<512x128xi1>, vector<512x128xi32>
    %select_n3A_1456 = arith.select %lt3A_1432, %select_n3A_1403, %add3A_1425 : vector<512x128xi1>, vector<512x128xf32>
    %select_n3A_1457 = arith.select %lt3A_1433, %select_n3A_1456, %select_n3A_1409 : vector<512x128xi1>, vector<512x128xf32>
    %broadcast_in_dim3A_1458 = vector.shape_cast %get3A_1428 : vector<1x128xi32> to vector<1x128xi32>
    %broadcast_in_dim3A_1459 = vector.broadcast %broadcast_in_dim3A_1458 : vector<1x128xi32> to vector<512x128xi32>
    %select_n3A_1460 = arith.select %lt3A_1432, %select_n3A_1407, %broadcast_in_dim3A_1459 : vector<512x128xi1>, vector<512x128xi32>
    %select_n3A_1461 = arith.select %lt3A_1433, %select_n3A_1460, %select_n3A_1413 : vector<512x128xi1>, vector<512x128xi32>
    %get3A_1462 = arith.constant 3840 : index
    %get3A_1463 = arith.constant 0 : index
    %get3A_1464 = vector.load %arg4[%get3A_1462, %get3A_1463] : memref<10240x32xf32, #tpu.memory_space<vmem>>, vector<128x16xf32>
    %dot_general3A_1465 = arith.constant dense<0.000000e+00> : vector<512x128xf32>
    %dot_general3A_1466 = tpu.matmul %mul3A_3, %get3A_1464, %dot_general3A_1465 {dimension_numbers = #tpu.dot_dimension_numbers<[1], [1], [0], [0], [0, 0, 1, 0], [], []>, transpose_lhs_hint = false} : vector<512x16xf32>, vector<128x16xf32>, vector<512x128xf32> -> vector<512x128xf32>
    %get3A_1467 = arith.constant 0 : index
    %get3A_1468 = arith.constant 3840 : index
    %get3A_1469 = vector.load %arg3[%get3A_1467, %get3A_1468] : memref<1x10240xf32, #tpu.memory_space<vmem>>, vector<1x128xf32>
    %add3A_1470 = vector.broadcast %get3A_6 : vector<512x1xf32> to vector<512x128xf32>
    %add3A_1471 = vector.broadcast %get3A_1469 : vector<1x128xf32> to vector<512x128xf32>
    %add3A_1472 = arith.addf %add3A_1470, %add3A_1471 : vector<512x128xf32>
    %add3A_1473 = arith.addf %add3A_1472, %dot_general3A_1466 : vector<512x128xf32>
    %get3A_1474 = arith.constant 0 : index
    %get3A_1475 = arith.constant 3840 : index
    %get3A_1476 = vector.load %arg5[%get3A_1474, %get3A_1475] : memref<1x10240xi32, #tpu.memory_space<vmem>>, vector<1x128xi32>
    %lt3A_1477 = arith.cmpf olt, %add3A_1473, %select_n3A_1434 : vector<512x128xf32>
    %lt3A_1478 = arith.cmpf olt, %add3A_1473, %select_n3A_1439 : vector<512x128xf32>
    %lt3A_1479 = arith.cmpf olt, %add3A_1473, %select_n3A_1445 : vector<512x128xf32>
    %lt3A_1480 = arith.cmpf olt, %add3A_1473, %select_n3A_1451 : vector<512x128xf32>
    %lt3A_1481 = arith.cmpf olt, %add3A_1473, %select_n3A_1457 : vector<512x128xf32>
    %select_n3A_1482 = arith.select %lt3A_1477, %add3A_1473, %select_n3A_1434 : vector<512x128xi1>, vector<512x128xf32>
    %broadcast_in_dim3A_1483 = vector.shape_cast %get3A_1476 : vector<1x128xi32> to vector<1x128xi32>
    %broadcast_in_dim3A_1484 = vector.broadcast %broadcast_in_dim3A_1483 : vector<1x128xi32> to vector<512x128xi32>
    %select_n3A_1485 = arith.select %lt3A_1477, %broadcast_in_dim3A_1484, %select_n3A_1437 : vector<512x128xi1>, vector<512x128xi32>
    %select_n3A_1486 = arith.select %lt3A_1477, %select_n3A_1434, %add3A_1473 : vector<512x128xi1>, vector<512x128xf32>
    %select_n3A_1487 = arith.select %lt3A_1478, %select_n3A_1486, %select_n3A_1439 : vector<512x128xi1>, vector<512x128xf32>
    %broadcast_in_dim3A_1488 = vector.shape_cast %get3A_1476 : vector<1x128xi32> to vector<1x128xi32>
    %broadcast_in_dim3A_1489 = vector.broadcast %broadcast_in_dim3A_1488 : vector<1x128xi32> to vector<512x128xi32>
    %select_n3A_1490 = arith.select %lt3A_1477, %select_n3A_1437, %broadcast_in_dim3A_1489 : vector<512x128xi1>, vector<512x128xi32>
    %select_n3A_1491 = arith.select %lt3A_1478, %select_n3A_1490, %select_n3A_1443 : vector<512x128xi1>, vector<512x128xi32>
    %select_n3A_1492 = arith.select %lt3A_1478, %select_n3A_1439, %add3A_1473 : vector<512x128xi1>, vector<512x128xf32>
    %select_n3A_1493 = arith.select %lt3A_1479, %select_n3A_1492, %select_n3A_1445 : vector<512x128xi1>, vector<512x128xf32>
    %broadcast_in_dim3A_1494 = vector.shape_cast %get3A_1476 : vector<1x128xi32> to vector<1x128xi32>
    %broadcast_in_dim3A_1495 = vector.broadcast %broadcast_in_dim3A_1494 : vector<1x128xi32> to vector<512x128xi32>
    %select_n3A_1496 = arith.select %lt3A_1478, %select_n3A_1443, %broadcast_in_dim3A_1495 : vector<512x128xi1>, vector<512x128xi32>
    %select_n3A_1497 = arith.select %lt3A_1479, %select_n3A_1496, %select_n3A_1449 : vector<512x128xi1>, vector<512x128xi32>
    %select_n3A_1498 = arith.select %lt3A_1479, %select_n3A_1445, %add3A_1473 : vector<512x128xi1>, vector<512x128xf32>
    %select_n3A_1499 = arith.select %lt3A_1480, %select_n3A_1498, %select_n3A_1451 : vector<512x128xi1>, vector<512x128xf32>
    %broadcast_in_dim3A_1500 = vector.shape_cast %get3A_1476 : vector<1x128xi32> to vector<1x128xi32>
    %broadcast_in_dim3A_1501 = vector.broadcast %broadcast_in_dim3A_1500 : vector<1x128xi32> to vector<512x128xi32>
    %select_n3A_1502 = arith.select %lt3A_1479, %select_n3A_1449, %broadcast_in_dim3A_1501 : vector<512x128xi1>, vector<512x128xi32>
    %select_n3A_1503 = arith.select %lt3A_1480, %select_n3A_1502, %select_n3A_1455 : vector<512x128xi1>, vector<512x128xi32>
    %select_n3A_1504 = arith.select %lt3A_1480, %select_n3A_1451, %add3A_1473 : vector<512x128xi1>, vector<512x128xf32>
    %select_n3A_1505 = arith.select %lt3A_1481, %select_n3A_1504, %select_n3A_1457 : vector<512x128xi1>, vector<512x128xf32>
    %broadcast_in_dim3A_1506 = vector.shape_cast %get3A_1476 : vector<1x128xi32> to vector<1x128xi32>
    %broadcast_in_dim3A_1507 = vector.broadcast %broadcast_in_dim3A_1506 : vector<1x128xi32> to vector<512x128xi32>
    %select_n3A_1508 = arith.select %lt3A_1480, %select_n3A_1455, %broadcast_in_dim3A_1507 : vector<512x128xi1>, vector<512x128xi32>
    %select_n3A_1509 = arith.select %lt3A_1481, %select_n3A_1508, %select_n3A_1461 : vector<512x128xi1>, vector<512x128xi32>
    %get3A_1510 = arith.constant 3968 : index
    %get3A_1511 = arith.constant 0 : index
    %get3A_1512 = vector.load %arg4[%get3A_1510, %get3A_1511] : memref<10240x32xf32, #tpu.memory_space<vmem>>, vector<128x16xf32>
    %dot_general3A_1513 = arith.constant dense<0.000000e+00> : vector<512x128xf32>
    %dot_general3A_1514 = tpu.matmul %mul3A_3, %get3A_1512, %dot_general3A_1513 {dimension_numbers = #tpu.dot_dimension_numbers<[1], [1], [0], [0], [0, 0, 1, 0], [], []>, transpose_lhs_hint = false} : vector<512x16xf32>, vector<128x16xf32>, vector<512x128xf32> -> vector<512x128xf32>
    %get3A_1515 = arith.constant 0 : index
    %get3A_1516 = arith.constant 3968 : index
    %get3A_1517 = vector.load %arg3[%get3A_1515, %get3A_1516] : memref<1x10240xf32, #tpu.memory_space<vmem>>, vector<1x128xf32>
    %add3A_1518 = vector.broadcast %get3A_6 : vector<512x1xf32> to vector<512x128xf32>
    %add3A_1519 = vector.broadcast %get3A_1517 : vector<1x128xf32> to vector<512x128xf32>
    %add3A_1520 = arith.addf %add3A_1518, %add3A_1519 : vector<512x128xf32>
    %add3A_1521 = arith.addf %add3A_1520, %dot_general3A_1514 : vector<512x128xf32>
    %get3A_1522 = arith.constant 0 : index
    %get3A_1523 = arith.constant 3968 : index
    %get3A_1524 = vector.load %arg5[%get3A_1522, %get3A_1523] : memref<1x10240xi32, #tpu.memory_space<vmem>>, vector<1x128xi32>
    %lt3A_1525 = arith.cmpf olt, %add3A_1521, %select_n3A_1482 : vector<512x128xf32>
    %lt3A_1526 = arith.cmpf olt, %add3A_1521, %select_n3A_1487 : vector<512x128xf32>
    %lt3A_1527 = arith.cmpf olt, %add3A_1521, %select_n3A_1493 : vector<512x128xf32>
    %lt3A_1528 = arith.cmpf olt, %add3A_1521, %select_n3A_1499 : vector<512x128xf32>
    %lt3A_1529 = arith.cmpf olt, %add3A_1521, %select_n3A_1505 : vector<512x128xf32>
    %select_n3A_1530 = arith.select %lt3A_1525, %add3A_1521, %select_n3A_1482 : vector<512x128xi1>, vector<512x128xf32>
    %broadcast_in_dim3A_1531 = vector.shape_cast %get3A_1524 : vector<1x128xi32> to vector<1x128xi32>
    %broadcast_in_dim3A_1532 = vector.broadcast %broadcast_in_dim3A_1531 : vector<1x128xi32> to vector<512x128xi32>
    %select_n3A_1533 = arith.select %lt3A_1525, %broadcast_in_dim3A_1532, %select_n3A_1485 : vector<512x128xi1>, vector<512x128xi32>
    %select_n3A_1534 = arith.select %lt3A_1525, %select_n3A_1482, %add3A_1521 : vector<512x128xi1>, vector<512x128xf32>
    %select_n3A_1535 = arith.select %lt3A_1526, %select_n3A_1534, %select_n3A_1487 : vector<512x128xi1>, vector<512x128xf32>
    %broadcast_in_dim3A_1536 = vector.shape_cast %get3A_1524 : vector<1x128xi32> to vector<1x128xi32>
    %broadcast_in_dim3A_1537 = vector.broadcast %broadcast_in_dim3A_1536 : vector<1x128xi32> to vector<512x128xi32>
    %select_n3A_1538 = arith.select %lt3A_1525, %select_n3A_1485, %broadcast_in_dim3A_1537 : vector<512x128xi1>, vector<512x128xi32>
    %select_n3A_1539 = arith.select %lt3A_1526, %select_n3A_1538, %select_n3A_1491 : vector<512x128xi1>, vector<512x128xi32>
    %select_n3A_1540 = arith.select %lt3A_1526, %select_n3A_1487, %add3A_1521 : vector<512x128xi1>, vector<512x128xf32>
    %select_n3A_1541 = arith.select %lt3A_1527, %select_n3A_1540, %select_n3A_1493 : vector<512x128xi1>, vector<512x128xf32>
    %broadcast_in_dim3A_1542 = vector.shape_cast %get3A_1524 : vector<1x128xi32> to vector<1x128xi32>
    %broadcast_in_dim3A_1543 = vector.broadcast %broadcast_in_dim3A_1542 : vector<1x128xi32> to vector<512x128xi32>
    %select_n3A_1544 = arith.select %lt3A_1526, %select_n3A_1491, %broadcast_in_dim3A_1543 : vector<512x128xi1>, vector<512x128xi32>
    %select_n3A_1545 = arith.select %lt3A_1527, %select_n3A_1544, %select_n3A_1497 : vector<512x128xi1>, vector<512x128xi32>
    %select_n3A_1546 = arith.select %lt3A_1527, %select_n3A_1493, %add3A_1521 : vector<512x128xi1>, vector<512x128xf32>
    %select_n3A_1547 = arith.select %lt3A_1528, %select_n3A_1546, %select_n3A_1499 : vector<512x128xi1>, vector<512x128xf32>
    %broadcast_in_dim3A_1548 = vector.shape_cast %get3A_1524 : vector<1x128xi32> to vector<1x128xi32>
    %broadcast_in_dim3A_1549 = vector.broadcast %broadcast_in_dim3A_1548 : vector<1x128xi32> to vector<512x128xi32>
    %select_n3A_1550 = arith.select %lt3A_1527, %select_n3A_1497, %broadcast_in_dim3A_1549 : vector<512x128xi1>, vector<512x128xi32>
    %select_n3A_1551 = arith.select %lt3A_1528, %select_n3A_1550, %select_n3A_1503 : vector<512x128xi1>, vector<512x128xi32>
    %select_n3A_1552 = arith.select %lt3A_1528, %select_n3A_1499, %add3A_1521 : vector<512x128xi1>, vector<512x128xf32>
    %select_n3A_1553 = arith.select %lt3A_1529, %select_n3A_1552, %select_n3A_1505 : vector<512x128xi1>, vector<512x128xf32>
    %broadcast_in_dim3A_1554 = vector.shape_cast %get3A_1524 : vector<1x128xi32> to vector<1x128xi32>
    %broadcast_in_dim3A_1555 = vector.broadcast %broadcast_in_dim3A_1554 : vector<1x128xi32> to vector<512x128xi32>
    %select_n3A_1556 = arith.select %lt3A_1528, %select_n3A_1503, %broadcast_in_dim3A_1555 : vector<512x128xi1>, vector<512x128xi32>
    %select_n3A_1557 = arith.select %lt3A_1529, %select_n3A_1556, %select_n3A_1509 : vector<512x128xi1>, vector<512x128xi32>
    %get3A_1558 = arith.constant 4096 : index
    %get3A_1559 = arith.constant 0 : index
    %get3A_1560 = vector.load %arg4[%get3A_1558, %get3A_1559] : memref<10240x32xf32, #tpu.memory_space<vmem>>, vector<128x16xf32>
    %dot_general3A_1561 = arith.constant dense<0.000000e+00> : vector<512x128xf32>
    %dot_general3A_1562 = tpu.matmul %mul3A_3, %get3A_1560, %dot_general3A_1561 {dimension_numbers = #tpu.dot_dimension_numbers<[1], [1], [0], [0], [0, 0, 1, 0], [], []>, transpose_lhs_hint = false} : vector<512x16xf32>, vector<128x16xf32>, vector<512x128xf32> -> vector<512x128xf32>
    %get3A_1563 = arith.constant 0 : index
    %get3A_1564 = arith.constant 4096 : index
    %get3A_1565 = vector.load %arg3[%get3A_1563, %get3A_1564] : memref<1x10240xf32, #tpu.memory_space<vmem>>, vector<1x128xf32>
    %add3A_1566 = vector.broadcast %get3A_6 : vector<512x1xf32> to vector<512x128xf32>
    %add3A_1567 = vector.broadcast %get3A_1565 : vector<1x128xf32> to vector<512x128xf32>
    %add3A_1568 = arith.addf %add3A_1566, %add3A_1567 : vector<512x128xf32>
    %add3A_1569 = arith.addf %add3A_1568, %dot_general3A_1562 : vector<512x128xf32>
    %get3A_1570 = arith.constant 0 : index
    %get3A_1571 = arith.constant 4096 : index
    %get3A_1572 = vector.load %arg5[%get3A_1570, %get3A_1571] : memref<1x10240xi32, #tpu.memory_space<vmem>>, vector<1x128xi32>
    %lt3A_1573 = arith.cmpf olt, %add3A_1569, %select_n3A_1530 : vector<512x128xf32>
    %lt3A_1574 = arith.cmpf olt, %add3A_1569, %select_n3A_1535 : vector<512x128xf32>
    %lt3A_1575 = arith.cmpf olt, %add3A_1569, %select_n3A_1541 : vector<512x128xf32>
    %lt3A_1576 = arith.cmpf olt, %add3A_1569, %select_n3A_1547 : vector<512x128xf32>
    %lt3A_1577 = arith.cmpf olt, %add3A_1569, %select_n3A_1553 : vector<512x128xf32>
    %select_n3A_1578 = arith.select %lt3A_1573, %add3A_1569, %select_n3A_1530 : vector<512x128xi1>, vector<512x128xf32>
    %broadcast_in_dim3A_1579 = vector.shape_cast %get3A_1572 : vector<1x128xi32> to vector<1x128xi32>
    %broadcast_in_dim3A_1580 = vector.broadcast %broadcast_in_dim3A_1579 : vector<1x128xi32> to vector<512x128xi32>
    %select_n3A_1581 = arith.select %lt3A_1573, %broadcast_in_dim3A_1580, %select_n3A_1533 : vector<512x128xi1>, vector<512x128xi32>
    %select_n3A_1582 = arith.select %lt3A_1573, %select_n3A_1530, %add3A_1569 : vector<512x128xi1>, vector<512x128xf32>
    %select_n3A_1583 = arith.select %lt3A_1574, %select_n3A_1582, %select_n3A_1535 : vector<512x128xi1>, vector<512x128xf32>
    %broadcast_in_dim3A_1584 = vector.shape_cast %get3A_1572 : vector<1x128xi32> to vector<1x128xi32>
    %broadcast_in_dim3A_1585 = vector.broadcast %broadcast_in_dim3A_1584 : vector<1x128xi32> to vector<512x128xi32>
    %select_n3A_1586 = arith.select %lt3A_1573, %select_n3A_1533, %broadcast_in_dim3A_1585 : vector<512x128xi1>, vector<512x128xi32>
    %select_n3A_1587 = arith.select %lt3A_1574, %select_n3A_1586, %select_n3A_1539 : vector<512x128xi1>, vector<512x128xi32>
    %select_n3A_1588 = arith.select %lt3A_1574, %select_n3A_1535, %add3A_1569 : vector<512x128xi1>, vector<512x128xf32>
    %select_n3A_1589 = arith.select %lt3A_1575, %select_n3A_1588, %select_n3A_1541 : vector<512x128xi1>, vector<512x128xf32>
    %broadcast_in_dim3A_1590 = vector.shape_cast %get3A_1572 : vector<1x128xi32> to vector<1x128xi32>
    %broadcast_in_dim3A_1591 = vector.broadcast %broadcast_in_dim3A_1590 : vector<1x128xi32> to vector<512x128xi32>
    %select_n3A_1592 = arith.select %lt3A_1574, %select_n3A_1539, %broadcast_in_dim3A_1591 : vector<512x128xi1>, vector<512x128xi32>
    %select_n3A_1593 = arith.select %lt3A_1575, %select_n3A_1592, %select_n3A_1545 : vector<512x128xi1>, vector<512x128xi32>
    %select_n3A_1594 = arith.select %lt3A_1575, %select_n3A_1541, %add3A_1569 : vector<512x128xi1>, vector<512x128xf32>
    %select_n3A_1595 = arith.select %lt3A_1576, %select_n3A_1594, %select_n3A_1547 : vector<512x128xi1>, vector<512x128xf32>
    %broadcast_in_dim3A_1596 = vector.shape_cast %get3A_1572 : vector<1x128xi32> to vector<1x128xi32>
    %broadcast_in_dim3A_1597 = vector.broadcast %broadcast_in_dim3A_1596 : vector<1x128xi32> to vector<512x128xi32>
    %select_n3A_1598 = arith.select %lt3A_1575, %select_n3A_1545, %broadcast_in_dim3A_1597 : vector<512x128xi1>, vector<512x128xi32>
    %select_n3A_1599 = arith.select %lt3A_1576, %select_n3A_1598, %select_n3A_1551 : vector<512x128xi1>, vector<512x128xi32>
    %select_n3A_1600 = arith.select %lt3A_1576, %select_n3A_1547, %add3A_1569 : vector<512x128xi1>, vector<512x128xf32>
    %select_n3A_1601 = arith.select %lt3A_1577, %select_n3A_1600, %select_n3A_1553 : vector<512x128xi1>, vector<512x128xf32>
    %broadcast_in_dim3A_1602 = vector.shape_cast %get3A_1572 : vector<1x128xi32> to vector<1x128xi32>
    %broadcast_in_dim3A_1603 = vector.broadcast %broadcast_in_dim3A_1602 : vector<1x128xi32> to vector<512x128xi32>
    %select_n3A_1604 = arith.select %lt3A_1576, %select_n3A_1551, %broadcast_in_dim3A_1603 : vector<512x128xi1>, vector<512x128xi32>
    %select_n3A_1605 = arith.select %lt3A_1577, %select_n3A_1604, %select_n3A_1557 : vector<512x128xi1>, vector<512x128xi32>
    %get3A_1606 = arith.constant 4224 : index
    %get3A_1607 = arith.constant 0 : index
    %get3A_1608 = vector.load %arg4[%get3A_1606, %get3A_1607] : memref<10240x32xf32, #tpu.memory_space<vmem>>, vector<128x16xf32>
    %dot_general3A_1609 = arith.constant dense<0.000000e+00> : vector<512x128xf32>
    %dot_general3A_1610 = tpu.matmul %mul3A_3, %get3A_1608, %dot_general3A_1609 {dimension_numbers = #tpu.dot_dimension_numbers<[1], [1], [0], [0], [0, 0, 1, 0], [], []>, transpose_lhs_hint = false} : vector<512x16xf32>, vector<128x16xf32>, vector<512x128xf32> -> vector<512x128xf32>
    %get3A_1611 = arith.constant 0 : index
    %get3A_1612 = arith.constant 4224 : index
    %get3A_1613 = vector.load %arg3[%get3A_1611, %get3A_1612] : memref<1x10240xf32, #tpu.memory_space<vmem>>, vector<1x128xf32>
    %add3A_1614 = vector.broadcast %get3A_6 : vector<512x1xf32> to vector<512x128xf32>
    %add3A_1615 = vector.broadcast %get3A_1613 : vector<1x128xf32> to vector<512x128xf32>
    %add3A_1616 = arith.addf %add3A_1614, %add3A_1615 : vector<512x128xf32>
    %add3A_1617 = arith.addf %add3A_1616, %dot_general3A_1610 : vector<512x128xf32>
    %get3A_1618 = arith.constant 0 : index
    %get3A_1619 = arith.constant 4224 : index
    %get3A_1620 = vector.load %arg5[%get3A_1618, %get3A_1619] : memref<1x10240xi32, #tpu.memory_space<vmem>>, vector<1x128xi32>
    %lt3A_1621 = arith.cmpf olt, %add3A_1617, %select_n3A_1578 : vector<512x128xf32>
    %lt3A_1622 = arith.cmpf olt, %add3A_1617, %select_n3A_1583 : vector<512x128xf32>
    %lt3A_1623 = arith.cmpf olt, %add3A_1617, %select_n3A_1589 : vector<512x128xf32>
    %lt3A_1624 = arith.cmpf olt, %add3A_1617, %select_n3A_1595 : vector<512x128xf32>
    %lt3A_1625 = arith.cmpf olt, %add3A_1617, %select_n3A_1601 : vector<512x128xf32>
    %select_n3A_1626 = arith.select %lt3A_1621, %add3A_1617, %select_n3A_1578 : vector<512x128xi1>, vector<512x128xf32>
    %broadcast_in_dim3A_1627 = vector.shape_cast %get3A_1620 : vector<1x128xi32> to vector<1x128xi32>
    %broadcast_in_dim3A_1628 = vector.broadcast %broadcast_in_dim3A_1627 : vector<1x128xi32> to vector<512x128xi32>
    %select_n3A_1629 = arith.select %lt3A_1621, %broadcast_in_dim3A_1628, %select_n3A_1581 : vector<512x128xi1>, vector<512x128xi32>
    %select_n3A_1630 = arith.select %lt3A_1621, %select_n3A_1578, %add3A_1617 : vector<512x128xi1>, vector<512x128xf32>
    %select_n3A_1631 = arith.select %lt3A_1622, %select_n3A_1630, %select_n3A_1583 : vector<512x128xi1>, vector<512x128xf32>
    %broadcast_in_dim3A_1632 = vector.shape_cast %get3A_1620 : vector<1x128xi32> to vector<1x128xi32>
    %broadcast_in_dim3A_1633 = vector.broadcast %broadcast_in_dim3A_1632 : vector<1x128xi32> to vector<512x128xi32>
    %select_n3A_1634 = arith.select %lt3A_1621, %select_n3A_1581, %broadcast_in_dim3A_1633 : vector<512x128xi1>, vector<512x128xi32>
    %select_n3A_1635 = arith.select %lt3A_1622, %select_n3A_1634, %select_n3A_1587 : vector<512x128xi1>, vector<512x128xi32>
    %select_n3A_1636 = arith.select %lt3A_1622, %select_n3A_1583, %add3A_1617 : vector<512x128xi1>, vector<512x128xf32>
    %select_n3A_1637 = arith.select %lt3A_1623, %select_n3A_1636, %select_n3A_1589 : vector<512x128xi1>, vector<512x128xf32>
    %broadcast_in_dim3A_1638 = vector.shape_cast %get3A_1620 : vector<1x128xi32> to vector<1x128xi32>
    %broadcast_in_dim3A_1639 = vector.broadcast %broadcast_in_dim3A_1638 : vector<1x128xi32> to vector<512x128xi32>
    %select_n3A_1640 = arith.select %lt3A_1622, %select_n3A_1587, %broadcast_in_dim3A_1639 : vector<512x128xi1>, vector<512x128xi32>
    %select_n3A_1641 = arith.select %lt3A_1623, %select_n3A_1640, %select_n3A_1593 : vector<512x128xi1>, vector<512x128xi32>
    %select_n3A_1642 = arith.select %lt3A_1623, %select_n3A_1589, %add3A_1617 : vector<512x128xi1>, vector<512x128xf32>
    %select_n3A_1643 = arith.select %lt3A_1624, %select_n3A_1642, %select_n3A_1595 : vector<512x128xi1>, vector<512x128xf32>
    %broadcast_in_dim3A_1644 = vector.shape_cast %get3A_1620 : vector<1x128xi32> to vector<1x128xi32>
    %broadcast_in_dim3A_1645 = vector.broadcast %broadcast_in_dim3A_1644 : vector<1x128xi32> to vector<512x128xi32>
    %select_n3A_1646 = arith.select %lt3A_1623, %select_n3A_1593, %broadcast_in_dim3A_1645 : vector<512x128xi1>, vector<512x128xi32>
    %select_n3A_1647 = arith.select %lt3A_1624, %select_n3A_1646, %select_n3A_1599 : vector<512x128xi1>, vector<512x128xi32>
    %select_n3A_1648 = arith.select %lt3A_1624, %select_n3A_1595, %add3A_1617 : vector<512x128xi1>, vector<512x128xf32>
    %select_n3A_1649 = arith.select %lt3A_1625, %select_n3A_1648, %select_n3A_1601 : vector<512x128xi1>, vector<512x128xf32>
    %broadcast_in_dim3A_1650 = vector.shape_cast %get3A_1620 : vector<1x128xi32> to vector<1x128xi32>
    %broadcast_in_dim3A_1651 = vector.broadcast %broadcast_in_dim3A_1650 : vector<1x128xi32> to vector<512x128xi32>
    %select_n3A_1652 = arith.select %lt3A_1624, %select_n3A_1599, %broadcast_in_dim3A_1651 : vector<512x128xi1>, vector<512x128xi32>
    %select_n3A_1653 = arith.select %lt3A_1625, %select_n3A_1652, %select_n3A_1605 : vector<512x128xi1>, vector<512x128xi32>
    %get3A_1654 = arith.constant 4352 : index
    %get3A_1655 = arith.constant 0 : index
    %get3A_1656 = vector.load %arg4[%get3A_1654, %get3A_1655] : memref<10240x32xf32, #tpu.memory_space<vmem>>, vector<128x16xf32>
    %dot_general3A_1657 = arith.constant dense<0.000000e+00> : vector<512x128xf32>
    %dot_general3A_1658 = tpu.matmul %mul3A_3, %get3A_1656, %dot_general3A_1657 {dimension_numbers = #tpu.dot_dimension_numbers<[1], [1], [0], [0], [0, 0, 1, 0], [], []>, transpose_lhs_hint = false} : vector<512x16xf32>, vector<128x16xf32>, vector<512x128xf32> -> vector<512x128xf32>
    %get3A_1659 = arith.constant 0 : index
    %get3A_1660 = arith.constant 4352 : index
    %get3A_1661 = vector.load %arg3[%get3A_1659, %get3A_1660] : memref<1x10240xf32, #tpu.memory_space<vmem>>, vector<1x128xf32>
    %add3A_1662 = vector.broadcast %get3A_6 : vector<512x1xf32> to vector<512x128xf32>
    %add3A_1663 = vector.broadcast %get3A_1661 : vector<1x128xf32> to vector<512x128xf32>
    %add3A_1664 = arith.addf %add3A_1662, %add3A_1663 : vector<512x128xf32>
    %add3A_1665 = arith.addf %add3A_1664, %dot_general3A_1658 : vector<512x128xf32>
    %get3A_1666 = arith.constant 0 : index
    %get3A_1667 = arith.constant 4352 : index
    %get3A_1668 = vector.load %arg5[%get3A_1666, %get3A_1667] : memref<1x10240xi32, #tpu.memory_space<vmem>>, vector<1x128xi32>
    %lt3A_1669 = arith.cmpf olt, %add3A_1665, %select_n3A_1626 : vector<512x128xf32>
    %lt3A_1670 = arith.cmpf olt, %add3A_1665, %select_n3A_1631 : vector<512x128xf32>
    %lt3A_1671 = arith.cmpf olt, %add3A_1665, %select_n3A_1637 : vector<512x128xf32>
    %lt3A_1672 = arith.cmpf olt, %add3A_1665, %select_n3A_1643 : vector<512x128xf32>
    %lt3A_1673 = arith.cmpf olt, %add3A_1665, %select_n3A_1649 : vector<512x128xf32>
    %select_n3A_1674 = arith.select %lt3A_1669, %add3A_1665, %select_n3A_1626 : vector<512x128xi1>, vector<512x128xf32>
    %broadcast_in_dim3A_1675 = vector.shape_cast %get3A_1668 : vector<1x128xi32> to vector<1x128xi32>
    %broadcast_in_dim3A_1676 = vector.broadcast %broadcast_in_dim3A_1675 : vector<1x128xi32> to vector<512x128xi32>
    %select_n3A_1677 = arith.select %lt3A_1669, %broadcast_in_dim3A_1676, %select_n3A_1629 : vector<512x128xi1>, vector<512x128xi32>
    %select_n3A_1678 = arith.select %lt3A_1669, %select_n3A_1626, %add3A_1665 : vector<512x128xi1>, vector<512x128xf32>
    %select_n3A_1679 = arith.select %lt3A_1670, %select_n3A_1678, %select_n3A_1631 : vector<512x128xi1>, vector<512x128xf32>
    %broadcast_in_dim3A_1680 = vector.shape_cast %get3A_1668 : vector<1x128xi32> to vector<1x128xi32>
    %broadcast_in_dim3A_1681 = vector.broadcast %broadcast_in_dim3A_1680 : vector<1x128xi32> to vector<512x128xi32>
    %select_n3A_1682 = arith.select %lt3A_1669, %select_n3A_1629, %broadcast_in_dim3A_1681 : vector<512x128xi1>, vector<512x128xi32>
    %select_n3A_1683 = arith.select %lt3A_1670, %select_n3A_1682, %select_n3A_1635 : vector<512x128xi1>, vector<512x128xi32>
    %select_n3A_1684 = arith.select %lt3A_1670, %select_n3A_1631, %add3A_1665 : vector<512x128xi1>, vector<512x128xf32>
    %select_n3A_1685 = arith.select %lt3A_1671, %select_n3A_1684, %select_n3A_1637 : vector<512x128xi1>, vector<512x128xf32>
    %broadcast_in_dim3A_1686 = vector.shape_cast %get3A_1668 : vector<1x128xi32> to vector<1x128xi32>
    %broadcast_in_dim3A_1687 = vector.broadcast %broadcast_in_dim3A_1686 : vector<1x128xi32> to vector<512x128xi32>
    %select_n3A_1688 = arith.select %lt3A_1670, %select_n3A_1635, %broadcast_in_dim3A_1687 : vector<512x128xi1>, vector<512x128xi32>
    %select_n3A_1689 = arith.select %lt3A_1671, %select_n3A_1688, %select_n3A_1641 : vector<512x128xi1>, vector<512x128xi32>
    %select_n3A_1690 = arith.select %lt3A_1671, %select_n3A_1637, %add3A_1665 : vector<512x128xi1>, vector<512x128xf32>
    %select_n3A_1691 = arith.select %lt3A_1672, %select_n3A_1690, %select_n3A_1643 : vector<512x128xi1>, vector<512x128xf32>
    %broadcast_in_dim3A_1692 = vector.shape_cast %get3A_1668 : vector<1x128xi32> to vector<1x128xi32>
    %broadcast_in_dim3A_1693 = vector.broadcast %broadcast_in_dim3A_1692 : vector<1x128xi32> to vector<512x128xi32>
    %select_n3A_1694 = arith.select %lt3A_1671, %select_n3A_1641, %broadcast_in_dim3A_1693 : vector<512x128xi1>, vector<512x128xi32>
    %select_n3A_1695 = arith.select %lt3A_1672, %select_n3A_1694, %select_n3A_1647 : vector<512x128xi1>, vector<512x128xi32>
    %select_n3A_1696 = arith.select %lt3A_1672, %select_n3A_1643, %add3A_1665 : vector<512x128xi1>, vector<512x128xf32>
    %select_n3A_1697 = arith.select %lt3A_1673, %select_n3A_1696, %select_n3A_1649 : vector<512x128xi1>, vector<512x128xf32>
    %broadcast_in_dim3A_1698 = vector.shape_cast %get3A_1668 : vector<1x128xi32> to vector<1x128xi32>
    %broadcast_in_dim3A_1699 = vector.broadcast %broadcast_in_dim3A_1698 : vector<1x128xi32> to vector<512x128xi32>
    %select_n3A_1700 = arith.select %lt3A_1672, %select_n3A_1647, %broadcast_in_dim3A_1699 : vector<512x128xi1>, vector<512x128xi32>
    %select_n3A_1701 = arith.select %lt3A_1673, %select_n3A_1700, %select_n3A_1653 : vector<512x128xi1>, vector<512x128xi32>
    %get3A_1702 = arith.constant 4480 : index
    %get3A_1703 = arith.constant 0 : index
    %get3A_1704 = vector.load %arg4[%get3A_1702, %get3A_1703] : memref<10240x32xf32, #tpu.memory_space<vmem>>, vector<128x16xf32>
    %dot_general3A_1705 = arith.constant dense<0.000000e+00> : vector<512x128xf32>
    %dot_general3A_1706 = tpu.matmul %mul3A_3, %get3A_1704, %dot_general3A_1705 {dimension_numbers = #tpu.dot_dimension_numbers<[1], [1], [0], [0], [0, 0, 1, 0], [], []>, transpose_lhs_hint = false} : vector<512x16xf32>, vector<128x16xf32>, vector<512x128xf32> -> vector<512x128xf32>
    %get3A_1707 = arith.constant 0 : index
    %get3A_1708 = arith.constant 4480 : index
    %get3A_1709 = vector.load %arg3[%get3A_1707, %get3A_1708] : memref<1x10240xf32, #tpu.memory_space<vmem>>, vector<1x128xf32>
    %add3A_1710 = vector.broadcast %get3A_6 : vector<512x1xf32> to vector<512x128xf32>
    %add3A_1711 = vector.broadcast %get3A_1709 : vector<1x128xf32> to vector<512x128xf32>
    %add3A_1712 = arith.addf %add3A_1710, %add3A_1711 : vector<512x128xf32>
    %add3A_1713 = arith.addf %add3A_1712, %dot_general3A_1706 : vector<512x128xf32>
    %get3A_1714 = arith.constant 0 : index
    %get3A_1715 = arith.constant 4480 : index
    %get3A_1716 = vector.load %arg5[%get3A_1714, %get3A_1715] : memref<1x10240xi32, #tpu.memory_space<vmem>>, vector<1x128xi32>
    %lt3A_1717 = arith.cmpf olt, %add3A_1713, %select_n3A_1674 : vector<512x128xf32>
    %lt3A_1718 = arith.cmpf olt, %add3A_1713, %select_n3A_1679 : vector<512x128xf32>
    %lt3A_1719 = arith.cmpf olt, %add3A_1713, %select_n3A_1685 : vector<512x128xf32>
    %lt3A_1720 = arith.cmpf olt, %add3A_1713, %select_n3A_1691 : vector<512x128xf32>
    %lt3A_1721 = arith.cmpf olt, %add3A_1713, %select_n3A_1697 : vector<512x128xf32>
    %select_n3A_1722 = arith.select %lt3A_1717, %add3A_1713, %select_n3A_1674 : vector<512x128xi1>, vector<512x128xf32>
    %broadcast_in_dim3A_1723 = vector.shape_cast %get3A_1716 : vector<1x128xi32> to vector<1x128xi32>
    %broadcast_in_dim3A_1724 = vector.broadcast %broadcast_in_dim3A_1723 : vector<1x128xi32> to vector<512x128xi32>
    %select_n3A_1725 = arith.select %lt3A_1717, %broadcast_in_dim3A_1724, %select_n3A_1677 : vector<512x128xi1>, vector<512x128xi32>
    %select_n3A_1726 = arith.select %lt3A_1717, %select_n3A_1674, %add3A_1713 : vector<512x128xi1>, vector<512x128xf32>
    %select_n3A_1727 = arith.select %lt3A_1718, %select_n3A_1726, %select_n3A_1679 : vector<512x128xi1>, vector<512x128xf32>
    %broadcast_in_dim3A_1728 = vector.shape_cast %get3A_1716 : vector<1x128xi32> to vector<1x128xi32>
    %broadcast_in_dim3A_1729 = vector.broadcast %broadcast_in_dim3A_1728 : vector<1x128xi32> to vector<512x128xi32>
    %select_n3A_1730 = arith.select %lt3A_1717, %select_n3A_1677, %broadcast_in_dim3A_1729 : vector<512x128xi1>, vector<512x128xi32>
    %select_n3A_1731 = arith.select %lt3A_1718, %select_n3A_1730, %select_n3A_1683 : vector<512x128xi1>, vector<512x128xi32>
    %select_n3A_1732 = arith.select %lt3A_1718, %select_n3A_1679, %add3A_1713 : vector<512x128xi1>, vector<512x128xf32>
    %select_n3A_1733 = arith.select %lt3A_1719, %select_n3A_1732, %select_n3A_1685 : vector<512x128xi1>, vector<512x128xf32>
    %broadcast_in_dim3A_1734 = vector.shape_cast %get3A_1716 : vector<1x128xi32> to vector<1x128xi32>
    %broadcast_in_dim3A_1735 = vector.broadcast %broadcast_in_dim3A_1734 : vector<1x128xi32> to vector<512x128xi32>
    %select_n3A_1736 = arith.select %lt3A_1718, %select_n3A_1683, %broadcast_in_dim3A_1735 : vector<512x128xi1>, vector<512x128xi32>
    %select_n3A_1737 = arith.select %lt3A_1719, %select_n3A_1736, %select_n3A_1689 : vector<512x128xi1>, vector<512x128xi32>
    %select_n3A_1738 = arith.select %lt3A_1719, %select_n3A_1685, %add3A_1713 : vector<512x128xi1>, vector<512x128xf32>
    %select_n3A_1739 = arith.select %lt3A_1720, %select_n3A_1738, %select_n3A_1691 : vector<512x128xi1>, vector<512x128xf32>
    %broadcast_in_dim3A_1740 = vector.shape_cast %get3A_1716 : vector<1x128xi32> to vector<1x128xi32>
    %broadcast_in_dim3A_1741 = vector.broadcast %broadcast_in_dim3A_1740 : vector<1x128xi32> to vector<512x128xi32>
    %select_n3A_1742 = arith.select %lt3A_1719, %select_n3A_1689, %broadcast_in_dim3A_1741 : vector<512x128xi1>, vector<512x128xi32>
    %select_n3A_1743 = arith.select %lt3A_1720, %select_n3A_1742, %select_n3A_1695 : vector<512x128xi1>, vector<512x128xi32>
    %select_n3A_1744 = arith.select %lt3A_1720, %select_n3A_1691, %add3A_1713 : vector<512x128xi1>, vector<512x128xf32>
    %select_n3A_1745 = arith.select %lt3A_1721, %select_n3A_1744, %select_n3A_1697 : vector<512x128xi1>, vector<512x128xf32>
    %broadcast_in_dim3A_1746 = vector.shape_cast %get3A_1716 : vector<1x128xi32> to vector<1x128xi32>
    %broadcast_in_dim3A_1747 = vector.broadcast %broadcast_in_dim3A_1746 : vector<1x128xi32> to vector<512x128xi32>
    %select_n3A_1748 = arith.select %lt3A_1720, %select_n3A_1695, %broadcast_in_dim3A_1747 : vector<512x128xi1>, vector<512x128xi32>
    %select_n3A_1749 = arith.select %lt3A_1721, %select_n3A_1748, %select_n3A_1701 : vector<512x128xi1>, vector<512x128xi32>
    %get3A_1750 = arith.constant 4608 : index
    %get3A_1751 = arith.constant 0 : index
    %get3A_1752 = vector.load %arg4[%get3A_1750, %get3A_1751] : memref<10240x32xf32, #tpu.memory_space<vmem>>, vector<128x16xf32>
    %dot_general3A_1753 = arith.constant dense<0.000000e+00> : vector<512x128xf32>
    %dot_general3A_1754 = tpu.matmul %mul3A_3, %get3A_1752, %dot_general3A_1753 {dimension_numbers = #tpu.dot_dimension_numbers<[1], [1], [0], [0], [0, 0, 1, 0], [], []>, transpose_lhs_hint = false} : vector<512x16xf32>, vector<128x16xf32>, vector<512x128xf32> -> vector<512x128xf32>
    %get3A_1755 = arith.constant 0 : index
    %get3A_1756 = arith.constant 4608 : index
    %get3A_1757 = vector.load %arg3[%get3A_1755, %get3A_1756] : memref<1x10240xf32, #tpu.memory_space<vmem>>, vector<1x128xf32>
    %add3A_1758 = vector.broadcast %get3A_6 : vector<512x1xf32> to vector<512x128xf32>
    %add3A_1759 = vector.broadcast %get3A_1757 : vector<1x128xf32> to vector<512x128xf32>
    %add3A_1760 = arith.addf %add3A_1758, %add3A_1759 : vector<512x128xf32>
    %add3A_1761 = arith.addf %add3A_1760, %dot_general3A_1754 : vector<512x128xf32>
    %get3A_1762 = arith.constant 0 : index
    %get3A_1763 = arith.constant 4608 : index
    %get3A_1764 = vector.load %arg5[%get3A_1762, %get3A_1763] : memref<1x10240xi32, #tpu.memory_space<vmem>>, vector<1x128xi32>
    %lt3A_1765 = arith.cmpf olt, %add3A_1761, %select_n3A_1722 : vector<512x128xf32>
    %lt3A_1766 = arith.cmpf olt, %add3A_1761, %select_n3A_1727 : vector<512x128xf32>
    %lt3A_1767 = arith.cmpf olt, %add3A_1761, %select_n3A_1733 : vector<512x128xf32>
    %lt3A_1768 = arith.cmpf olt, %add3A_1761, %select_n3A_1739 : vector<512x128xf32>
    %lt3A_1769 = arith.cmpf olt, %add3A_1761, %select_n3A_1745 : vector<512x128xf32>
    %select_n3A_1770 = arith.select %lt3A_1765, %add3A_1761, %select_n3A_1722 : vector<512x128xi1>, vector<512x128xf32>
    %broadcast_in_dim3A_1771 = vector.shape_cast %get3A_1764 : vector<1x128xi32> to vector<1x128xi32>
    %broadcast_in_dim3A_1772 = vector.broadcast %broadcast_in_dim3A_1771 : vector<1x128xi32> to vector<512x128xi32>
    %select_n3A_1773 = arith.select %lt3A_1765, %broadcast_in_dim3A_1772, %select_n3A_1725 : vector<512x128xi1>, vector<512x128xi32>
    %select_n3A_1774 = arith.select %lt3A_1765, %select_n3A_1722, %add3A_1761 : vector<512x128xi1>, vector<512x128xf32>
    %select_n3A_1775 = arith.select %lt3A_1766, %select_n3A_1774, %select_n3A_1727 : vector<512x128xi1>, vector<512x128xf32>
    %broadcast_in_dim3A_1776 = vector.shape_cast %get3A_1764 : vector<1x128xi32> to vector<1x128xi32>
    %broadcast_in_dim3A_1777 = vector.broadcast %broadcast_in_dim3A_1776 : vector<1x128xi32> to vector<512x128xi32>
    %select_n3A_1778 = arith.select %lt3A_1765, %select_n3A_1725, %broadcast_in_dim3A_1777 : vector<512x128xi1>, vector<512x128xi32>
    %select_n3A_1779 = arith.select %lt3A_1766, %select_n3A_1778, %select_n3A_1731 : vector<512x128xi1>, vector<512x128xi32>
    %select_n3A_1780 = arith.select %lt3A_1766, %select_n3A_1727, %add3A_1761 : vector<512x128xi1>, vector<512x128xf32>
    %select_n3A_1781 = arith.select %lt3A_1767, %select_n3A_1780, %select_n3A_1733 : vector<512x128xi1>, vector<512x128xf32>
    %broadcast_in_dim3A_1782 = vector.shape_cast %get3A_1764 : vector<1x128xi32> to vector<1x128xi32>
    %broadcast_in_dim3A_1783 = vector.broadcast %broadcast_in_dim3A_1782 : vector<1x128xi32> to vector<512x128xi32>
    %select_n3A_1784 = arith.select %lt3A_1766, %select_n3A_1731, %broadcast_in_dim3A_1783 : vector<512x128xi1>, vector<512x128xi32>
    %select_n3A_1785 = arith.select %lt3A_1767, %select_n3A_1784, %select_n3A_1737 : vector<512x128xi1>, vector<512x128xi32>
    %select_n3A_1786 = arith.select %lt3A_1767, %select_n3A_1733, %add3A_1761 : vector<512x128xi1>, vector<512x128xf32>
    %select_n3A_1787 = arith.select %lt3A_1768, %select_n3A_1786, %select_n3A_1739 : vector<512x128xi1>, vector<512x128xf32>
    %broadcast_in_dim3A_1788 = vector.shape_cast %get3A_1764 : vector<1x128xi32> to vector<1x128xi32>
    %broadcast_in_dim3A_1789 = vector.broadcast %broadcast_in_dim3A_1788 : vector<1x128xi32> to vector<512x128xi32>
    %select_n3A_1790 = arith.select %lt3A_1767, %select_n3A_1737, %broadcast_in_dim3A_1789 : vector<512x128xi1>, vector<512x128xi32>
    %select_n3A_1791 = arith.select %lt3A_1768, %select_n3A_1790, %select_n3A_1743 : vector<512x128xi1>, vector<512x128xi32>
    %select_n3A_1792 = arith.select %lt3A_1768, %select_n3A_1739, %add3A_1761 : vector<512x128xi1>, vector<512x128xf32>
    %select_n3A_1793 = arith.select %lt3A_1769, %select_n3A_1792, %select_n3A_1745 : vector<512x128xi1>, vector<512x128xf32>
    %broadcast_in_dim3A_1794 = vector.shape_cast %get3A_1764 : vector<1x128xi32> to vector<1x128xi32>
    %broadcast_in_dim3A_1795 = vector.broadcast %broadcast_in_dim3A_1794 : vector<1x128xi32> to vector<512x128xi32>
    %select_n3A_1796 = arith.select %lt3A_1768, %select_n3A_1743, %broadcast_in_dim3A_1795 : vector<512x128xi1>, vector<512x128xi32>
    %select_n3A_1797 = arith.select %lt3A_1769, %select_n3A_1796, %select_n3A_1749 : vector<512x128xi1>, vector<512x128xi32>
    %get3A_1798 = arith.constant 4736 : index
    %get3A_1799 = arith.constant 0 : index
    %get3A_1800 = vector.load %arg4[%get3A_1798, %get3A_1799] : memref<10240x32xf32, #tpu.memory_space<vmem>>, vector<128x16xf32>
    %dot_general3A_1801 = arith.constant dense<0.000000e+00> : vector<512x128xf32>
    %dot_general3A_1802 = tpu.matmul %mul3A_3, %get3A_1800, %dot_general3A_1801 {dimension_numbers = #tpu.dot_dimension_numbers<[1], [1], [0], [0], [0, 0, 1, 0], [], []>, transpose_lhs_hint = false} : vector<512x16xf32>, vector<128x16xf32>, vector<512x128xf32> -> vector<512x128xf32>
    %get3A_1803 = arith.constant 0 : index
    %get3A_1804 = arith.constant 4736 : index
    %get3A_1805 = vector.load %arg3[%get3A_1803, %get3A_1804] : memref<1x10240xf32, #tpu.memory_space<vmem>>, vector<1x128xf32>
    %add3A_1806 = vector.broadcast %get3A_6 : vector<512x1xf32> to vector<512x128xf32>
    %add3A_1807 = vector.broadcast %get3A_1805 : vector<1x128xf32> to vector<512x128xf32>
    %add3A_1808 = arith.addf %add3A_1806, %add3A_1807 : vector<512x128xf32>
    %add3A_1809 = arith.addf %add3A_1808, %dot_general3A_1802 : vector<512x128xf32>
    %get3A_1810 = arith.constant 0 : index
    %get3A_1811 = arith.constant 4736 : index
    %get3A_1812 = vector.load %arg5[%get3A_1810, %get3A_1811] : memref<1x10240xi32, #tpu.memory_space<vmem>>, vector<1x128xi32>
    %lt3A_1813 = arith.cmpf olt, %add3A_1809, %select_n3A_1770 : vector<512x128xf32>
    %lt3A_1814 = arith.cmpf olt, %add3A_1809, %select_n3A_1775 : vector<512x128xf32>
    %lt3A_1815 = arith.cmpf olt, %add3A_1809, %select_n3A_1781 : vector<512x128xf32>
    %lt3A_1816 = arith.cmpf olt, %add3A_1809, %select_n3A_1787 : vector<512x128xf32>
    %lt3A_1817 = arith.cmpf olt, %add3A_1809, %select_n3A_1793 : vector<512x128xf32>
    %select_n3A_1818 = arith.select %lt3A_1813, %add3A_1809, %select_n3A_1770 : vector<512x128xi1>, vector<512x128xf32>
    %broadcast_in_dim3A_1819 = vector.shape_cast %get3A_1812 : vector<1x128xi32> to vector<1x128xi32>
    %broadcast_in_dim3A_1820 = vector.broadcast %broadcast_in_dim3A_1819 : vector<1x128xi32> to vector<512x128xi32>
    %select_n3A_1821 = arith.select %lt3A_1813, %broadcast_in_dim3A_1820, %select_n3A_1773 : vector<512x128xi1>, vector<512x128xi32>
    %select_n3A_1822 = arith.select %lt3A_1813, %select_n3A_1770, %add3A_1809 : vector<512x128xi1>, vector<512x128xf32>
    %select_n3A_1823 = arith.select %lt3A_1814, %select_n3A_1822, %select_n3A_1775 : vector<512x128xi1>, vector<512x128xf32>
    %broadcast_in_dim3A_1824 = vector.shape_cast %get3A_1812 : vector<1x128xi32> to vector<1x128xi32>
    %broadcast_in_dim3A_1825 = vector.broadcast %broadcast_in_dim3A_1824 : vector<1x128xi32> to vector<512x128xi32>
    %select_n3A_1826 = arith.select %lt3A_1813, %select_n3A_1773, %broadcast_in_dim3A_1825 : vector<512x128xi1>, vector<512x128xi32>
    %select_n3A_1827 = arith.select %lt3A_1814, %select_n3A_1826, %select_n3A_1779 : vector<512x128xi1>, vector<512x128xi32>
    %select_n3A_1828 = arith.select %lt3A_1814, %select_n3A_1775, %add3A_1809 : vector<512x128xi1>, vector<512x128xf32>
    %select_n3A_1829 = arith.select %lt3A_1815, %select_n3A_1828, %select_n3A_1781 : vector<512x128xi1>, vector<512x128xf32>
    %broadcast_in_dim3A_1830 = vector.shape_cast %get3A_1812 : vector<1x128xi32> to vector<1x128xi32>
    %broadcast_in_dim3A_1831 = vector.broadcast %broadcast_in_dim3A_1830 : vector<1x128xi32> to vector<512x128xi32>
    %select_n3A_1832 = arith.select %lt3A_1814, %select_n3A_1779, %broadcast_in_dim3A_1831 : vector<512x128xi1>, vector<512x128xi32>
    %select_n3A_1833 = arith.select %lt3A_1815, %select_n3A_1832, %select_n3A_1785 : vector<512x128xi1>, vector<512x128xi32>
    %select_n3A_1834 = arith.select %lt3A_1815, %select_n3A_1781, %add3A_1809 : vector<512x128xi1>, vector<512x128xf32>
    %select_n3A_1835 = arith.select %lt3A_1816, %select_n3A_1834, %select_n3A_1787 : vector<512x128xi1>, vector<512x128xf32>
    %broadcast_in_dim3A_1836 = vector.shape_cast %get3A_1812 : vector<1x128xi32> to vector<1x128xi32>
    %broadcast_in_dim3A_1837 = vector.broadcast %broadcast_in_dim3A_1836 : vector<1x128xi32> to vector<512x128xi32>
    %select_n3A_1838 = arith.select %lt3A_1815, %select_n3A_1785, %broadcast_in_dim3A_1837 : vector<512x128xi1>, vector<512x128xi32>
    %select_n3A_1839 = arith.select %lt3A_1816, %select_n3A_1838, %select_n3A_1791 : vector<512x128xi1>, vector<512x128xi32>
    %select_n3A_1840 = arith.select %lt3A_1816, %select_n3A_1787, %add3A_1809 : vector<512x128xi1>, vector<512x128xf32>
    %select_n3A_1841 = arith.select %lt3A_1817, %select_n3A_1840, %select_n3A_1793 : vector<512x128xi1>, vector<512x128xf32>
    %broadcast_in_dim3A_1842 = vector.shape_cast %get3A_1812 : vector<1x128xi32> to vector<1x128xi32>
    %broadcast_in_dim3A_1843 = vector.broadcast %broadcast_in_dim3A_1842 : vector<1x128xi32> to vector<512x128xi32>
    %select_n3A_1844 = arith.select %lt3A_1816, %select_n3A_1791, %broadcast_in_dim3A_1843 : vector<512x128xi1>, vector<512x128xi32>
    %select_n3A_1845 = arith.select %lt3A_1817, %select_n3A_1844, %select_n3A_1797 : vector<512x128xi1>, vector<512x128xi32>
    %get3A_1846 = arith.constant 4864 : index
    %get3A_1847 = arith.constant 0 : index
    %get3A_1848 = vector.load %arg4[%get3A_1846, %get3A_1847] : memref<10240x32xf32, #tpu.memory_space<vmem>>, vector<128x16xf32>
    %dot_general3A_1849 = arith.constant dense<0.000000e+00> : vector<512x128xf32>
    %dot_general3A_1850 = tpu.matmul %mul3A_3, %get3A_1848, %dot_general3A_1849 {dimension_numbers = #tpu.dot_dimension_numbers<[1], [1], [0], [0], [0, 0, 1, 0], [], []>, transpose_lhs_hint = false} : vector<512x16xf32>, vector<128x16xf32>, vector<512x128xf32> -> vector<512x128xf32>
    %get3A_1851 = arith.constant 0 : index
    %get3A_1852 = arith.constant 4864 : index
    %get3A_1853 = vector.load %arg3[%get3A_1851, %get3A_1852] : memref<1x10240xf32, #tpu.memory_space<vmem>>, vector<1x128xf32>
    %add3A_1854 = vector.broadcast %get3A_6 : vector<512x1xf32> to vector<512x128xf32>
    %add3A_1855 = vector.broadcast %get3A_1853 : vector<1x128xf32> to vector<512x128xf32>
    %add3A_1856 = arith.addf %add3A_1854, %add3A_1855 : vector<512x128xf32>
    %add3A_1857 = arith.addf %add3A_1856, %dot_general3A_1850 : vector<512x128xf32>
    %get3A_1858 = arith.constant 0 : index
    %get3A_1859 = arith.constant 4864 : index
    %get3A_1860 = vector.load %arg5[%get3A_1858, %get3A_1859] : memref<1x10240xi32, #tpu.memory_space<vmem>>, vector<1x128xi32>
    %lt3A_1861 = arith.cmpf olt, %add3A_1857, %select_n3A_1818 : vector<512x128xf32>
    %lt3A_1862 = arith.cmpf olt, %add3A_1857, %select_n3A_1823 : vector<512x128xf32>
    %lt3A_1863 = arith.cmpf olt, %add3A_1857, %select_n3A_1829 : vector<512x128xf32>
    %lt3A_1864 = arith.cmpf olt, %add3A_1857, %select_n3A_1835 : vector<512x128xf32>
    %lt3A_1865 = arith.cmpf olt, %add3A_1857, %select_n3A_1841 : vector<512x128xf32>
    %select_n3A_1866 = arith.select %lt3A_1861, %add3A_1857, %select_n3A_1818 : vector<512x128xi1>, vector<512x128xf32>
    %broadcast_in_dim3A_1867 = vector.shape_cast %get3A_1860 : vector<1x128xi32> to vector<1x128xi32>
    %broadcast_in_dim3A_1868 = vector.broadcast %broadcast_in_dim3A_1867 : vector<1x128xi32> to vector<512x128xi32>
    %select_n3A_1869 = arith.select %lt3A_1861, %broadcast_in_dim3A_1868, %select_n3A_1821 : vector<512x128xi1>, vector<512x128xi32>
    %select_n3A_1870 = arith.select %lt3A_1861, %select_n3A_1818, %add3A_1857 : vector<512x128xi1>, vector<512x128xf32>
    %select_n3A_1871 = arith.select %lt3A_1862, %select_n3A_1870, %select_n3A_1823 : vector<512x128xi1>, vector<512x128xf32>
    %broadcast_in_dim3A_1872 = vector.shape_cast %get3A_1860 : vector<1x128xi32> to vector<1x128xi32>
    %broadcast_in_dim3A_1873 = vector.broadcast %broadcast_in_dim3A_1872 : vector<1x128xi32> to vector<512x128xi32>
    %select_n3A_1874 = arith.select %lt3A_1861, %select_n3A_1821, %broadcast_in_dim3A_1873 : vector<512x128xi1>, vector<512x128xi32>
    %select_n3A_1875 = arith.select %lt3A_1862, %select_n3A_1874, %select_n3A_1827 : vector<512x128xi1>, vector<512x128xi32>
    %select_n3A_1876 = arith.select %lt3A_1862, %select_n3A_1823, %add3A_1857 : vector<512x128xi1>, vector<512x128xf32>
    %select_n3A_1877 = arith.select %lt3A_1863, %select_n3A_1876, %select_n3A_1829 : vector<512x128xi1>, vector<512x128xf32>
    %broadcast_in_dim3A_1878 = vector.shape_cast %get3A_1860 : vector<1x128xi32> to vector<1x128xi32>
    %broadcast_in_dim3A_1879 = vector.broadcast %broadcast_in_dim3A_1878 : vector<1x128xi32> to vector<512x128xi32>
    %select_n3A_1880 = arith.select %lt3A_1862, %select_n3A_1827, %broadcast_in_dim3A_1879 : vector<512x128xi1>, vector<512x128xi32>
    %select_n3A_1881 = arith.select %lt3A_1863, %select_n3A_1880, %select_n3A_1833 : vector<512x128xi1>, vector<512x128xi32>
    %select_n3A_1882 = arith.select %lt3A_1863, %select_n3A_1829, %add3A_1857 : vector<512x128xi1>, vector<512x128xf32>
    %select_n3A_1883 = arith.select %lt3A_1864, %select_n3A_1882, %select_n3A_1835 : vector<512x128xi1>, vector<512x128xf32>
    %broadcast_in_dim3A_1884 = vector.shape_cast %get3A_1860 : vector<1x128xi32> to vector<1x128xi32>
    %broadcast_in_dim3A_1885 = vector.broadcast %broadcast_in_dim3A_1884 : vector<1x128xi32> to vector<512x128xi32>
    %select_n3A_1886 = arith.select %lt3A_1863, %select_n3A_1833, %broadcast_in_dim3A_1885 : vector<512x128xi1>, vector<512x128xi32>
    %select_n3A_1887 = arith.select %lt3A_1864, %select_n3A_1886, %select_n3A_1839 : vector<512x128xi1>, vector<512x128xi32>
    %select_n3A_1888 = arith.select %lt3A_1864, %select_n3A_1835, %add3A_1857 : vector<512x128xi1>, vector<512x128xf32>
    %select_n3A_1889 = arith.select %lt3A_1865, %select_n3A_1888, %select_n3A_1841 : vector<512x128xi1>, vector<512x128xf32>
    %broadcast_in_dim3A_1890 = vector.shape_cast %get3A_1860 : vector<1x128xi32> to vector<1x128xi32>
    %broadcast_in_dim3A_1891 = vector.broadcast %broadcast_in_dim3A_1890 : vector<1x128xi32> to vector<512x128xi32>
    %select_n3A_1892 = arith.select %lt3A_1864, %select_n3A_1839, %broadcast_in_dim3A_1891 : vector<512x128xi1>, vector<512x128xi32>
    %select_n3A_1893 = arith.select %lt3A_1865, %select_n3A_1892, %select_n3A_1845 : vector<512x128xi1>, vector<512x128xi32>
    %get3A_1894 = arith.constant 4992 : index
    %get3A_1895 = arith.constant 0 : index
    %get3A_1896 = vector.load %arg4[%get3A_1894, %get3A_1895] : memref<10240x32xf32, #tpu.memory_space<vmem>>, vector<128x16xf32>
    %dot_general3A_1897 = arith.constant dense<0.000000e+00> : vector<512x128xf32>
    %dot_general3A_1898 = tpu.matmul %mul3A_3, %get3A_1896, %dot_general3A_1897 {dimension_numbers = #tpu.dot_dimension_numbers<[1], [1], [0], [0], [0, 0, 1, 0], [], []>, transpose_lhs_hint = false} : vector<512x16xf32>, vector<128x16xf32>, vector<512x128xf32> -> vector<512x128xf32>
    %get3A_1899 = arith.constant 0 : index
    %get3A_1900 = arith.constant 4992 : index
    %get3A_1901 = vector.load %arg3[%get3A_1899, %get3A_1900] : memref<1x10240xf32, #tpu.memory_space<vmem>>, vector<1x128xf32>
    %add3A_1902 = vector.broadcast %get3A_6 : vector<512x1xf32> to vector<512x128xf32>
    %add3A_1903 = vector.broadcast %get3A_1901 : vector<1x128xf32> to vector<512x128xf32>
    %add3A_1904 = arith.addf %add3A_1902, %add3A_1903 : vector<512x128xf32>
    %add3A_1905 = arith.addf %add3A_1904, %dot_general3A_1898 : vector<512x128xf32>
    %get3A_1906 = arith.constant 0 : index
    %get3A_1907 = arith.constant 4992 : index
    %get3A_1908 = vector.load %arg5[%get3A_1906, %get3A_1907] : memref<1x10240xi32, #tpu.memory_space<vmem>>, vector<1x128xi32>
    %lt3A_1909 = arith.cmpf olt, %add3A_1905, %select_n3A_1866 : vector<512x128xf32>
    %lt3A_1910 = arith.cmpf olt, %add3A_1905, %select_n3A_1871 : vector<512x128xf32>
    %lt3A_1911 = arith.cmpf olt, %add3A_1905, %select_n3A_1877 : vector<512x128xf32>
    %lt3A_1912 = arith.cmpf olt, %add3A_1905, %select_n3A_1883 : vector<512x128xf32>
    %lt3A_1913 = arith.cmpf olt, %add3A_1905, %select_n3A_1889 : vector<512x128xf32>
    %select_n3A_1914 = arith.select %lt3A_1909, %add3A_1905, %select_n3A_1866 : vector<512x128xi1>, vector<512x128xf32>
    %broadcast_in_dim3A_1915 = vector.shape_cast %get3A_1908 : vector<1x128xi32> to vector<1x128xi32>
    %broadcast_in_dim3A_1916 = vector.broadcast %broadcast_in_dim3A_1915 : vector<1x128xi32> to vector<512x128xi32>
    %select_n3A_1917 = arith.select %lt3A_1909, %broadcast_in_dim3A_1916, %select_n3A_1869 : vector<512x128xi1>, vector<512x128xi32>
    %select_n3A_1918 = arith.select %lt3A_1909, %select_n3A_1866, %add3A_1905 : vector<512x128xi1>, vector<512x128xf32>
    %select_n3A_1919 = arith.select %lt3A_1910, %select_n3A_1918, %select_n3A_1871 : vector<512x128xi1>, vector<512x128xf32>
    %broadcast_in_dim3A_1920 = vector.shape_cast %get3A_1908 : vector<1x128xi32> to vector<1x128xi32>
    %broadcast_in_dim3A_1921 = vector.broadcast %broadcast_in_dim3A_1920 : vector<1x128xi32> to vector<512x128xi32>
    %select_n3A_1922 = arith.select %lt3A_1909, %select_n3A_1869, %broadcast_in_dim3A_1921 : vector<512x128xi1>, vector<512x128xi32>
    %select_n3A_1923 = arith.select %lt3A_1910, %select_n3A_1922, %select_n3A_1875 : vector<512x128xi1>, vector<512x128xi32>
    %select_n3A_1924 = arith.select %lt3A_1910, %select_n3A_1871, %add3A_1905 : vector<512x128xi1>, vector<512x128xf32>
    %select_n3A_1925 = arith.select %lt3A_1911, %select_n3A_1924, %select_n3A_1877 : vector<512x128xi1>, vector<512x128xf32>
    %broadcast_in_dim3A_1926 = vector.shape_cast %get3A_1908 : vector<1x128xi32> to vector<1x128xi32>
    %broadcast_in_dim3A_1927 = vector.broadcast %broadcast_in_dim3A_1926 : vector<1x128xi32> to vector<512x128xi32>
    %select_n3A_1928 = arith.select %lt3A_1910, %select_n3A_1875, %broadcast_in_dim3A_1927 : vector<512x128xi1>, vector<512x128xi32>
    %select_n3A_1929 = arith.select %lt3A_1911, %select_n3A_1928, %select_n3A_1881 : vector<512x128xi1>, vector<512x128xi32>
    %select_n3A_1930 = arith.select %lt3A_1911, %select_n3A_1877, %add3A_1905 : vector<512x128xi1>, vector<512x128xf32>
    %select_n3A_1931 = arith.select %lt3A_1912, %select_n3A_1930, %select_n3A_1883 : vector<512x128xi1>, vector<512x128xf32>
    %broadcast_in_dim3A_1932 = vector.shape_cast %get3A_1908 : vector<1x128xi32> to vector<1x128xi32>
    %broadcast_in_dim3A_1933 = vector.broadcast %broadcast_in_dim3A_1932 : vector<1x128xi32> to vector<512x128xi32>
    %select_n3A_1934 = arith.select %lt3A_1911, %select_n3A_1881, %broadcast_in_dim3A_1933 : vector<512x128xi1>, vector<512x128xi32>
    %select_n3A_1935 = arith.select %lt3A_1912, %select_n3A_1934, %select_n3A_1887 : vector<512x128xi1>, vector<512x128xi32>
    %select_n3A_1936 = arith.select %lt3A_1912, %select_n3A_1883, %add3A_1905 : vector<512x128xi1>, vector<512x128xf32>
    %select_n3A_1937 = arith.select %lt3A_1913, %select_n3A_1936, %select_n3A_1889 : vector<512x128xi1>, vector<512x128xf32>
    %broadcast_in_dim3A_1938 = vector.shape_cast %get3A_1908 : vector<1x128xi32> to vector<1x128xi32>
    %broadcast_in_dim3A_1939 = vector.broadcast %broadcast_in_dim3A_1938 : vector<1x128xi32> to vector<512x128xi32>
    %select_n3A_1940 = arith.select %lt3A_1912, %select_n3A_1887, %broadcast_in_dim3A_1939 : vector<512x128xi1>, vector<512x128xi32>
    %select_n3A_1941 = arith.select %lt3A_1913, %select_n3A_1940, %select_n3A_1893 : vector<512x128xi1>, vector<512x128xi32>
    %get3A_1942 = arith.constant 5120 : index
    %get3A_1943 = arith.constant 0 : index
    %get3A_1944 = vector.load %arg4[%get3A_1942, %get3A_1943] : memref<10240x32xf32, #tpu.memory_space<vmem>>, vector<128x16xf32>
    %dot_general3A_1945 = arith.constant dense<0.000000e+00> : vector<512x128xf32>
    %dot_general3A_1946 = tpu.matmul %mul3A_3, %get3A_1944, %dot_general3A_1945 {dimension_numbers = #tpu.dot_dimension_numbers<[1], [1], [0], [0], [0, 0, 1, 0], [], []>, transpose_lhs_hint = false} : vector<512x16xf32>, vector<128x16xf32>, vector<512x128xf32> -> vector<512x128xf32>
    %get3A_1947 = arith.constant 0 : index
    %get3A_1948 = arith.constant 5120 : index
    %get3A_1949 = vector.load %arg3[%get3A_1947, %get3A_1948] : memref<1x10240xf32, #tpu.memory_space<vmem>>, vector<1x128xf32>
    %add3A_1950 = vector.broadcast %get3A_6 : vector<512x1xf32> to vector<512x128xf32>
    %add3A_1951 = vector.broadcast %get3A_1949 : vector<1x128xf32> to vector<512x128xf32>
    %add3A_1952 = arith.addf %add3A_1950, %add3A_1951 : vector<512x128xf32>
    %add3A_1953 = arith.addf %add3A_1952, %dot_general3A_1946 : vector<512x128xf32>
    %get3A_1954 = arith.constant 0 : index
    %get3A_1955 = arith.constant 5120 : index
    %get3A_1956 = vector.load %arg5[%get3A_1954, %get3A_1955] : memref<1x10240xi32, #tpu.memory_space<vmem>>, vector<1x128xi32>
    %lt3A_1957 = arith.cmpf olt, %add3A_1953, %select_n3A_1914 : vector<512x128xf32>
    %lt3A_1958 = arith.cmpf olt, %add3A_1953, %select_n3A_1919 : vector<512x128xf32>
    %lt3A_1959 = arith.cmpf olt, %add3A_1953, %select_n3A_1925 : vector<512x128xf32>
    %lt3A_1960 = arith.cmpf olt, %add3A_1953, %select_n3A_1931 : vector<512x128xf32>
    %lt3A_1961 = arith.cmpf olt, %add3A_1953, %select_n3A_1937 : vector<512x128xf32>
    %select_n3A_1962 = arith.select %lt3A_1957, %add3A_1953, %select_n3A_1914 : vector<512x128xi1>, vector<512x128xf32>
    %broadcast_in_dim3A_1963 = vector.shape_cast %get3A_1956 : vector<1x128xi32> to vector<1x128xi32>
    %broadcast_in_dim3A_1964 = vector.broadcast %broadcast_in_dim3A_1963 : vector<1x128xi32> to vector<512x128xi32>
    %select_n3A_1965 = arith.select %lt3A_1957, %broadcast_in_dim3A_1964, %select_n3A_1917 : vector<512x128xi1>, vector<512x128xi32>
    %select_n3A_1966 = arith.select %lt3A_1957, %select_n3A_1914, %add3A_1953 : vector<512x128xi1>, vector<512x128xf32>
    %select_n3A_1967 = arith.select %lt3A_1958, %select_n3A_1966, %select_n3A_1919 : vector<512x128xi1>, vector<512x128xf32>
    %broadcast_in_dim3A_1968 = vector.shape_cast %get3A_1956 : vector<1x128xi32> to vector<1x128xi32>
    %broadcast_in_dim3A_1969 = vector.broadcast %broadcast_in_dim3A_1968 : vector<1x128xi32> to vector<512x128xi32>
    %select_n3A_1970 = arith.select %lt3A_1957, %select_n3A_1917, %broadcast_in_dim3A_1969 : vector<512x128xi1>, vector<512x128xi32>
    %select_n3A_1971 = arith.select %lt3A_1958, %select_n3A_1970, %select_n3A_1923 : vector<512x128xi1>, vector<512x128xi32>
    %select_n3A_1972 = arith.select %lt3A_1958, %select_n3A_1919, %add3A_1953 : vector<512x128xi1>, vector<512x128xf32>
    %select_n3A_1973 = arith.select %lt3A_1959, %select_n3A_1972, %select_n3A_1925 : vector<512x128xi1>, vector<512x128xf32>
    %broadcast_in_dim3A_1974 = vector.shape_cast %get3A_1956 : vector<1x128xi32> to vector<1x128xi32>
    %broadcast_in_dim3A_1975 = vector.broadcast %broadcast_in_dim3A_1974 : vector<1x128xi32> to vector<512x128xi32>
    %select_n3A_1976 = arith.select %lt3A_1958, %select_n3A_1923, %broadcast_in_dim3A_1975 : vector<512x128xi1>, vector<512x128xi32>
    %select_n3A_1977 = arith.select %lt3A_1959, %select_n3A_1976, %select_n3A_1929 : vector<512x128xi1>, vector<512x128xi32>
    %select_n3A_1978 = arith.select %lt3A_1959, %select_n3A_1925, %add3A_1953 : vector<512x128xi1>, vector<512x128xf32>
    %select_n3A_1979 = arith.select %lt3A_1960, %select_n3A_1978, %select_n3A_1931 : vector<512x128xi1>, vector<512x128xf32>
    %broadcast_in_dim3A_1980 = vector.shape_cast %get3A_1956 : vector<1x128xi32> to vector<1x128xi32>
    %broadcast_in_dim3A_1981 = vector.broadcast %broadcast_in_dim3A_1980 : vector<1x128xi32> to vector<512x128xi32>
    %select_n3A_1982 = arith.select %lt3A_1959, %select_n3A_1929, %broadcast_in_dim3A_1981 : vector<512x128xi1>, vector<512x128xi32>
    %select_n3A_1983 = arith.select %lt3A_1960, %select_n3A_1982, %select_n3A_1935 : vector<512x128xi1>, vector<512x128xi32>
    %select_n3A_1984 = arith.select %lt3A_1960, %select_n3A_1931, %add3A_1953 : vector<512x128xi1>, vector<512x128xf32>
    %select_n3A_1985 = arith.select %lt3A_1961, %select_n3A_1984, %select_n3A_1937 : vector<512x128xi1>, vector<512x128xf32>
    %broadcast_in_dim3A_1986 = vector.shape_cast %get3A_1956 : vector<1x128xi32> to vector<1x128xi32>
    %broadcast_in_dim3A_1987 = vector.broadcast %broadcast_in_dim3A_1986 : vector<1x128xi32> to vector<512x128xi32>
    %select_n3A_1988 = arith.select %lt3A_1960, %select_n3A_1935, %broadcast_in_dim3A_1987 : vector<512x128xi1>, vector<512x128xi32>
    %select_n3A_1989 = arith.select %lt3A_1961, %select_n3A_1988, %select_n3A_1941 : vector<512x128xi1>, vector<512x128xi32>
    %get3A_1990 = arith.constant 5248 : index
    %get3A_1991 = arith.constant 0 : index
    %get3A_1992 = vector.load %arg4[%get3A_1990, %get3A_1991] : memref<10240x32xf32, #tpu.memory_space<vmem>>, vector<128x16xf32>
    %dot_general3A_1993 = arith.constant dense<0.000000e+00> : vector<512x128xf32>
    %dot_general3A_1994 = tpu.matmul %mul3A_3, %get3A_1992, %dot_general3A_1993 {dimension_numbers = #tpu.dot_dimension_numbers<[1], [1], [0], [0], [0, 0, 1, 0], [], []>, transpose_lhs_hint = false} : vector<512x16xf32>, vector<128x16xf32>, vector<512x128xf32> -> vector<512x128xf32>
    %get3A_1995 = arith.constant 0 : index
    %get3A_1996 = arith.constant 5248 : index
    %get3A_1997 = vector.load %arg3[%get3A_1995, %get3A_1996] : memref<1x10240xf32, #tpu.memory_space<vmem>>, vector<1x128xf32>
    %add3A_1998 = vector.broadcast %get3A_6 : vector<512x1xf32> to vector<512x128xf32>
    %add3A_1999 = vector.broadcast %get3A_1997 : vector<1x128xf32> to vector<512x128xf32>
    %add3A_2000 = arith.addf %add3A_1998, %add3A_1999 : vector<512x128xf32>
    %add3A_2001 = arith.addf %add3A_2000, %dot_general3A_1994 : vector<512x128xf32>
    %get3A_2002 = arith.constant 0 : index
    %get3A_2003 = arith.constant 5248 : index
    %get3A_2004 = vector.load %arg5[%get3A_2002, %get3A_2003] : memref<1x10240xi32, #tpu.memory_space<vmem>>, vector<1x128xi32>
    %lt3A_2005 = arith.cmpf olt, %add3A_2001, %select_n3A_1962 : vector<512x128xf32>
    %lt3A_2006 = arith.cmpf olt, %add3A_2001, %select_n3A_1967 : vector<512x128xf32>
    %lt3A_2007 = arith.cmpf olt, %add3A_2001, %select_n3A_1973 : vector<512x128xf32>
    %lt3A_2008 = arith.cmpf olt, %add3A_2001, %select_n3A_1979 : vector<512x128xf32>
    %lt3A_2009 = arith.cmpf olt, %add3A_2001, %select_n3A_1985 : vector<512x128xf32>
    %select_n3A_2010 = arith.select %lt3A_2005, %add3A_2001, %select_n3A_1962 : vector<512x128xi1>, vector<512x128xf32>
    %broadcast_in_dim3A_2011 = vector.shape_cast %get3A_2004 : vector<1x128xi32> to vector<1x128xi32>
    %broadcast_in_dim3A_2012 = vector.broadcast %broadcast_in_dim3A_2011 : vector<1x128xi32> to vector<512x128xi32>
    %select_n3A_2013 = arith.select %lt3A_2005, %broadcast_in_dim3A_2012, %select_n3A_1965 : vector<512x128xi1>, vector<512x128xi32>
    %select_n3A_2014 = arith.select %lt3A_2005, %select_n3A_1962, %add3A_2001 : vector<512x128xi1>, vector<512x128xf32>
    %select_n3A_2015 = arith.select %lt3A_2006, %select_n3A_2014, %select_n3A_1967 : vector<512x128xi1>, vector<512x128xf32>
    %broadcast_in_dim3A_2016 = vector.shape_cast %get3A_2004 : vector<1x128xi32> to vector<1x128xi32>
    %broadcast_in_dim3A_2017 = vector.broadcast %broadcast_in_dim3A_2016 : vector<1x128xi32> to vector<512x128xi32>
    %select_n3A_2018 = arith.select %lt3A_2005, %select_n3A_1965, %broadcast_in_dim3A_2017 : vector<512x128xi1>, vector<512x128xi32>
    %select_n3A_2019 = arith.select %lt3A_2006, %select_n3A_2018, %select_n3A_1971 : vector<512x128xi1>, vector<512x128xi32>
    %select_n3A_2020 = arith.select %lt3A_2006, %select_n3A_1967, %add3A_2001 : vector<512x128xi1>, vector<512x128xf32>
    %select_n3A_2021 = arith.select %lt3A_2007, %select_n3A_2020, %select_n3A_1973 : vector<512x128xi1>, vector<512x128xf32>
    %broadcast_in_dim3A_2022 = vector.shape_cast %get3A_2004 : vector<1x128xi32> to vector<1x128xi32>
    %broadcast_in_dim3A_2023 = vector.broadcast %broadcast_in_dim3A_2022 : vector<1x128xi32> to vector<512x128xi32>
    %select_n3A_2024 = arith.select %lt3A_2006, %select_n3A_1971, %broadcast_in_dim3A_2023 : vector<512x128xi1>, vector<512x128xi32>
    %select_n3A_2025 = arith.select %lt3A_2007, %select_n3A_2024, %select_n3A_1977 : vector<512x128xi1>, vector<512x128xi32>
    %select_n3A_2026 = arith.select %lt3A_2007, %select_n3A_1973, %add3A_2001 : vector<512x128xi1>, vector<512x128xf32>
    %select_n3A_2027 = arith.select %lt3A_2008, %select_n3A_2026, %select_n3A_1979 : vector<512x128xi1>, vector<512x128xf32>
    %broadcast_in_dim3A_2028 = vector.shape_cast %get3A_2004 : vector<1x128xi32> to vector<1x128xi32>
    %broadcast_in_dim3A_2029 = vector.broadcast %broadcast_in_dim3A_2028 : vector<1x128xi32> to vector<512x128xi32>
    %select_n3A_2030 = arith.select %lt3A_2007, %select_n3A_1977, %broadcast_in_dim3A_2029 : vector<512x128xi1>, vector<512x128xi32>
    %select_n3A_2031 = arith.select %lt3A_2008, %select_n3A_2030, %select_n3A_1983 : vector<512x128xi1>, vector<512x128xi32>
    %select_n3A_2032 = arith.select %lt3A_2008, %select_n3A_1979, %add3A_2001 : vector<512x128xi1>, vector<512x128xf32>
    %select_n3A_2033 = arith.select %lt3A_2009, %select_n3A_2032, %select_n3A_1985 : vector<512x128xi1>, vector<512x128xf32>
    %broadcast_in_dim3A_2034 = vector.shape_cast %get3A_2004 : vector<1x128xi32> to vector<1x128xi32>
    %broadcast_in_dim3A_2035 = vector.broadcast %broadcast_in_dim3A_2034 : vector<1x128xi32> to vector<512x128xi32>
    %select_n3A_2036 = arith.select %lt3A_2008, %select_n3A_1983, %broadcast_in_dim3A_2035 : vector<512x128xi1>, vector<512x128xi32>
    %select_n3A_2037 = arith.select %lt3A_2009, %select_n3A_2036, %select_n3A_1989 : vector<512x128xi1>, vector<512x128xi32>
    %get3A_2038 = arith.constant 5376 : index
    %get3A_2039 = arith.constant 0 : index
    %get3A_2040 = vector.load %arg4[%get3A_2038, %get3A_2039] : memref<10240x32xf32, #tpu.memory_space<vmem>>, vector<128x16xf32>
    %dot_general3A_2041 = arith.constant dense<0.000000e+00> : vector<512x128xf32>
    %dot_general3A_2042 = tpu.matmul %mul3A_3, %get3A_2040, %dot_general3A_2041 {dimension_numbers = #tpu.dot_dimension_numbers<[1], [1], [0], [0], [0, 0, 1, 0], [], []>, transpose_lhs_hint = false} : vector<512x16xf32>, vector<128x16xf32>, vector<512x128xf32> -> vector<512x128xf32>
    %get3A_2043 = arith.constant 0 : index
    %get3A_2044 = arith.constant 5376 : index
    %get3A_2045 = vector.load %arg3[%get3A_2043, %get3A_2044] : memref<1x10240xf32, #tpu.memory_space<vmem>>, vector<1x128xf32>
    %add3A_2046 = vector.broadcast %get3A_6 : vector<512x1xf32> to vector<512x128xf32>
    %add3A_2047 = vector.broadcast %get3A_2045 : vector<1x128xf32> to vector<512x128xf32>
    %add3A_2048 = arith.addf %add3A_2046, %add3A_2047 : vector<512x128xf32>
    %add3A_2049 = arith.addf %add3A_2048, %dot_general3A_2042 : vector<512x128xf32>
    %get3A_2050 = arith.constant 0 : index
    %get3A_2051 = arith.constant 5376 : index
    %get3A_2052 = vector.load %arg5[%get3A_2050, %get3A_2051] : memref<1x10240xi32, #tpu.memory_space<vmem>>, vector<1x128xi32>
    %lt3A_2053 = arith.cmpf olt, %add3A_2049, %select_n3A_2010 : vector<512x128xf32>
    %lt3A_2054 = arith.cmpf olt, %add3A_2049, %select_n3A_2015 : vector<512x128xf32>
    %lt3A_2055 = arith.cmpf olt, %add3A_2049, %select_n3A_2021 : vector<512x128xf32>
    %lt3A_2056 = arith.cmpf olt, %add3A_2049, %select_n3A_2027 : vector<512x128xf32>
    %lt3A_2057 = arith.cmpf olt, %add3A_2049, %select_n3A_2033 : vector<512x128xf32>
    %select_n3A_2058 = arith.select %lt3A_2053, %add3A_2049, %select_n3A_2010 : vector<512x128xi1>, vector<512x128xf32>
    %broadcast_in_dim3A_2059 = vector.shape_cast %get3A_2052 : vector<1x128xi32> to vector<1x128xi32>
    %broadcast_in_dim3A_2060 = vector.broadcast %broadcast_in_dim3A_2059 : vector<1x128xi32> to vector<512x128xi32>
    %select_n3A_2061 = arith.select %lt3A_2053, %broadcast_in_dim3A_2060, %select_n3A_2013 : vector<512x128xi1>, vector<512x128xi32>
    %select_n3A_2062 = arith.select %lt3A_2053, %select_n3A_2010, %add3A_2049 : vector<512x128xi1>, vector<512x128xf32>
    %select_n3A_2063 = arith.select %lt3A_2054, %select_n3A_2062, %select_n3A_2015 : vector<512x128xi1>, vector<512x128xf32>
    %broadcast_in_dim3A_2064 = vector.shape_cast %get3A_2052 : vector<1x128xi32> to vector<1x128xi32>
    %broadcast_in_dim3A_2065 = vector.broadcast %broadcast_in_dim3A_2064 : vector<1x128xi32> to vector<512x128xi32>
    %select_n3A_2066 = arith.select %lt3A_2053, %select_n3A_2013, %broadcast_in_dim3A_2065 : vector<512x128xi1>, vector<512x128xi32>
    %select_n3A_2067 = arith.select %lt3A_2054, %select_n3A_2066, %select_n3A_2019 : vector<512x128xi1>, vector<512x128xi32>
    %select_n3A_2068 = arith.select %lt3A_2054, %select_n3A_2015, %add3A_2049 : vector<512x128xi1>, vector<512x128xf32>
    %select_n3A_2069 = arith.select %lt3A_2055, %select_n3A_2068, %select_n3A_2021 : vector<512x128xi1>, vector<512x128xf32>
    %broadcast_in_dim3A_2070 = vector.shape_cast %get3A_2052 : vector<1x128xi32> to vector<1x128xi32>
    %broadcast_in_dim3A_2071 = vector.broadcast %broadcast_in_dim3A_2070 : vector<1x128xi32> to vector<512x128xi32>
    %select_n3A_2072 = arith.select %lt3A_2054, %select_n3A_2019, %broadcast_in_dim3A_2071 : vector<512x128xi1>, vector<512x128xi32>
    %select_n3A_2073 = arith.select %lt3A_2055, %select_n3A_2072, %select_n3A_2025 : vector<512x128xi1>, vector<512x128xi32>
    %select_n3A_2074 = arith.select %lt3A_2055, %select_n3A_2021, %add3A_2049 : vector<512x128xi1>, vector<512x128xf32>
    %select_n3A_2075 = arith.select %lt3A_2056, %select_n3A_2074, %select_n3A_2027 : vector<512x128xi1>, vector<512x128xf32>
    %broadcast_in_dim3A_2076 = vector.shape_cast %get3A_2052 : vector<1x128xi32> to vector<1x128xi32>
    %broadcast_in_dim3A_2077 = vector.broadcast %broadcast_in_dim3A_2076 : vector<1x128xi32> to vector<512x128xi32>
    %select_n3A_2078 = arith.select %lt3A_2055, %select_n3A_2025, %broadcast_in_dim3A_2077 : vector<512x128xi1>, vector<512x128xi32>
    %select_n3A_2079 = arith.select %lt3A_2056, %select_n3A_2078, %select_n3A_2031 : vector<512x128xi1>, vector<512x128xi32>
    %select_n3A_2080 = arith.select %lt3A_2056, %select_n3A_2027, %add3A_2049 : vector<512x128xi1>, vector<512x128xf32>
    %select_n3A_2081 = arith.select %lt3A_2057, %select_n3A_2080, %select_n3A_2033 : vector<512x128xi1>, vector<512x128xf32>
    %broadcast_in_dim3A_2082 = vector.shape_cast %get3A_2052 : vector<1x128xi32> to vector<1x128xi32>
    %broadcast_in_dim3A_2083 = vector.broadcast %broadcast_in_dim3A_2082 : vector<1x128xi32> to vector<512x128xi32>
    %select_n3A_2084 = arith.select %lt3A_2056, %select_n3A_2031, %broadcast_in_dim3A_2083 : vector<512x128xi1>, vector<512x128xi32>
    %select_n3A_2085 = arith.select %lt3A_2057, %select_n3A_2084, %select_n3A_2037 : vector<512x128xi1>, vector<512x128xi32>
    %get3A_2086 = arith.constant 5504 : index
    %get3A_2087 = arith.constant 0 : index
    %get3A_2088 = vector.load %arg4[%get3A_2086, %get3A_2087] : memref<10240x32xf32, #tpu.memory_space<vmem>>, vector<128x16xf32>
    %dot_general3A_2089 = arith.constant dense<0.000000e+00> : vector<512x128xf32>
    %dot_general3A_2090 = tpu.matmul %mul3A_3, %get3A_2088, %dot_general3A_2089 {dimension_numbers = #tpu.dot_dimension_numbers<[1], [1], [0], [0], [0, 0, 1, 0], [], []>, transpose_lhs_hint = false} : vector<512x16xf32>, vector<128x16xf32>, vector<512x128xf32> -> vector<512x128xf32>
    %get3A_2091 = arith.constant 0 : index
    %get3A_2092 = arith.constant 5504 : index
    %get3A_2093 = vector.load %arg3[%get3A_2091, %get3A_2092] : memref<1x10240xf32, #tpu.memory_space<vmem>>, vector<1x128xf32>
    %add3A_2094 = vector.broadcast %get3A_6 : vector<512x1xf32> to vector<512x128xf32>
    %add3A_2095 = vector.broadcast %get3A_2093 : vector<1x128xf32> to vector<512x128xf32>
    %add3A_2096 = arith.addf %add3A_2094, %add3A_2095 : vector<512x128xf32>
    %add3A_2097 = arith.addf %add3A_2096, %dot_general3A_2090 : vector<512x128xf32>
    %get3A_2098 = arith.constant 0 : index
    %get3A_2099 = arith.constant 5504 : index
    %get3A_2100 = vector.load %arg5[%get3A_2098, %get3A_2099] : memref<1x10240xi32, #tpu.memory_space<vmem>>, vector<1x128xi32>
    %lt3A_2101 = arith.cmpf olt, %add3A_2097, %select_n3A_2058 : vector<512x128xf32>
    %lt3A_2102 = arith.cmpf olt, %add3A_2097, %select_n3A_2063 : vector<512x128xf32>
    %lt3A_2103 = arith.cmpf olt, %add3A_2097, %select_n3A_2069 : vector<512x128xf32>
    %lt3A_2104 = arith.cmpf olt, %add3A_2097, %select_n3A_2075 : vector<512x128xf32>
    %lt3A_2105 = arith.cmpf olt, %add3A_2097, %select_n3A_2081 : vector<512x128xf32>
    %select_n3A_2106 = arith.select %lt3A_2101, %add3A_2097, %select_n3A_2058 : vector<512x128xi1>, vector<512x128xf32>
    %broadcast_in_dim3A_2107 = vector.shape_cast %get3A_2100 : vector<1x128xi32> to vector<1x128xi32>
    %broadcast_in_dim3A_2108 = vector.broadcast %broadcast_in_dim3A_2107 : vector<1x128xi32> to vector<512x128xi32>
    %select_n3A_2109 = arith.select %lt3A_2101, %broadcast_in_dim3A_2108, %select_n3A_2061 : vector<512x128xi1>, vector<512x128xi32>
    %select_n3A_2110 = arith.select %lt3A_2101, %select_n3A_2058, %add3A_2097 : vector<512x128xi1>, vector<512x128xf32>
    %select_n3A_2111 = arith.select %lt3A_2102, %select_n3A_2110, %select_n3A_2063 : vector<512x128xi1>, vector<512x128xf32>
    %broadcast_in_dim3A_2112 = vector.shape_cast %get3A_2100 : vector<1x128xi32> to vector<1x128xi32>
    %broadcast_in_dim3A_2113 = vector.broadcast %broadcast_in_dim3A_2112 : vector<1x128xi32> to vector<512x128xi32>
    %select_n3A_2114 = arith.select %lt3A_2101, %select_n3A_2061, %broadcast_in_dim3A_2113 : vector<512x128xi1>, vector<512x128xi32>
    %select_n3A_2115 = arith.select %lt3A_2102, %select_n3A_2114, %select_n3A_2067 : vector<512x128xi1>, vector<512x128xi32>
    %select_n3A_2116 = arith.select %lt3A_2102, %select_n3A_2063, %add3A_2097 : vector<512x128xi1>, vector<512x128xf32>
    %select_n3A_2117 = arith.select %lt3A_2103, %select_n3A_2116, %select_n3A_2069 : vector<512x128xi1>, vector<512x128xf32>
    %broadcast_in_dim3A_2118 = vector.shape_cast %get3A_2100 : vector<1x128xi32> to vector<1x128xi32>
    %broadcast_in_dim3A_2119 = vector.broadcast %broadcast_in_dim3A_2118 : vector<1x128xi32> to vector<512x128xi32>
    %select_n3A_2120 = arith.select %lt3A_2102, %select_n3A_2067, %broadcast_in_dim3A_2119 : vector<512x128xi1>, vector<512x128xi32>
    %select_n3A_2121 = arith.select %lt3A_2103, %select_n3A_2120, %select_n3A_2073 : vector<512x128xi1>, vector<512x128xi32>
    %select_n3A_2122 = arith.select %lt3A_2103, %select_n3A_2069, %add3A_2097 : vector<512x128xi1>, vector<512x128xf32>
    %select_n3A_2123 = arith.select %lt3A_2104, %select_n3A_2122, %select_n3A_2075 : vector<512x128xi1>, vector<512x128xf32>
    %broadcast_in_dim3A_2124 = vector.shape_cast %get3A_2100 : vector<1x128xi32> to vector<1x128xi32>
    %broadcast_in_dim3A_2125 = vector.broadcast %broadcast_in_dim3A_2124 : vector<1x128xi32> to vector<512x128xi32>
    %select_n3A_2126 = arith.select %lt3A_2103, %select_n3A_2073, %broadcast_in_dim3A_2125 : vector<512x128xi1>, vector<512x128xi32>
    %select_n3A_2127 = arith.select %lt3A_2104, %select_n3A_2126, %select_n3A_2079 : vector<512x128xi1>, vector<512x128xi32>
    %select_n3A_2128 = arith.select %lt3A_2104, %select_n3A_2075, %add3A_2097 : vector<512x128xi1>, vector<512x128xf32>
    %select_n3A_2129 = arith.select %lt3A_2105, %select_n3A_2128, %select_n3A_2081 : vector<512x128xi1>, vector<512x128xf32>
    %broadcast_in_dim3A_2130 = vector.shape_cast %get3A_2100 : vector<1x128xi32> to vector<1x128xi32>
    %broadcast_in_dim3A_2131 = vector.broadcast %broadcast_in_dim3A_2130 : vector<1x128xi32> to vector<512x128xi32>
    %select_n3A_2132 = arith.select %lt3A_2104, %select_n3A_2079, %broadcast_in_dim3A_2131 : vector<512x128xi1>, vector<512x128xi32>
    %select_n3A_2133 = arith.select %lt3A_2105, %select_n3A_2132, %select_n3A_2085 : vector<512x128xi1>, vector<512x128xi32>
    %get3A_2134 = arith.constant 5632 : index
    %get3A_2135 = arith.constant 0 : index
    %get3A_2136 = vector.load %arg4[%get3A_2134, %get3A_2135] : memref<10240x32xf32, #tpu.memory_space<vmem>>, vector<128x16xf32>
    %dot_general3A_2137 = arith.constant dense<0.000000e+00> : vector<512x128xf32>
    %dot_general3A_2138 = tpu.matmul %mul3A_3, %get3A_2136, %dot_general3A_2137 {dimension_numbers = #tpu.dot_dimension_numbers<[1], [1], [0], [0], [0, 0, 1, 0], [], []>, transpose_lhs_hint = false} : vector<512x16xf32>, vector<128x16xf32>, vector<512x128xf32> -> vector<512x128xf32>
    %get3A_2139 = arith.constant 0 : index
    %get3A_2140 = arith.constant 5632 : index
    %get3A_2141 = vector.load %arg3[%get3A_2139, %get3A_2140] : memref<1x10240xf32, #tpu.memory_space<vmem>>, vector<1x128xf32>
    %add3A_2142 = vector.broadcast %get3A_6 : vector<512x1xf32> to vector<512x128xf32>
    %add3A_2143 = vector.broadcast %get3A_2141 : vector<1x128xf32> to vector<512x128xf32>
    %add3A_2144 = arith.addf %add3A_2142, %add3A_2143 : vector<512x128xf32>
    %add3A_2145 = arith.addf %add3A_2144, %dot_general3A_2138 : vector<512x128xf32>
    %get3A_2146 = arith.constant 0 : index
    %get3A_2147 = arith.constant 5632 : index
    %get3A_2148 = vector.load %arg5[%get3A_2146, %get3A_2147] : memref<1x10240xi32, #tpu.memory_space<vmem>>, vector<1x128xi32>
    %lt3A_2149 = arith.cmpf olt, %add3A_2145, %select_n3A_2106 : vector<512x128xf32>
    %lt3A_2150 = arith.cmpf olt, %add3A_2145, %select_n3A_2111 : vector<512x128xf32>
    %lt3A_2151 = arith.cmpf olt, %add3A_2145, %select_n3A_2117 : vector<512x128xf32>
    %lt3A_2152 = arith.cmpf olt, %add3A_2145, %select_n3A_2123 : vector<512x128xf32>
    %lt3A_2153 = arith.cmpf olt, %add3A_2145, %select_n3A_2129 : vector<512x128xf32>
    %select_n3A_2154 = arith.select %lt3A_2149, %add3A_2145, %select_n3A_2106 : vector<512x128xi1>, vector<512x128xf32>
    %broadcast_in_dim3A_2155 = vector.shape_cast %get3A_2148 : vector<1x128xi32> to vector<1x128xi32>
    %broadcast_in_dim3A_2156 = vector.broadcast %broadcast_in_dim3A_2155 : vector<1x128xi32> to vector<512x128xi32>
    %select_n3A_2157 = arith.select %lt3A_2149, %broadcast_in_dim3A_2156, %select_n3A_2109 : vector<512x128xi1>, vector<512x128xi32>
    %select_n3A_2158 = arith.select %lt3A_2149, %select_n3A_2106, %add3A_2145 : vector<512x128xi1>, vector<512x128xf32>
    %select_n3A_2159 = arith.select %lt3A_2150, %select_n3A_2158, %select_n3A_2111 : vector<512x128xi1>, vector<512x128xf32>
    %broadcast_in_dim3A_2160 = vector.shape_cast %get3A_2148 : vector<1x128xi32> to vector<1x128xi32>
    %broadcast_in_dim3A_2161 = vector.broadcast %broadcast_in_dim3A_2160 : vector<1x128xi32> to vector<512x128xi32>
    %select_n3A_2162 = arith.select %lt3A_2149, %select_n3A_2109, %broadcast_in_dim3A_2161 : vector<512x128xi1>, vector<512x128xi32>
    %select_n3A_2163 = arith.select %lt3A_2150, %select_n3A_2162, %select_n3A_2115 : vector<512x128xi1>, vector<512x128xi32>
    %select_n3A_2164 = arith.select %lt3A_2150, %select_n3A_2111, %add3A_2145 : vector<512x128xi1>, vector<512x128xf32>
    %select_n3A_2165 = arith.select %lt3A_2151, %select_n3A_2164, %select_n3A_2117 : vector<512x128xi1>, vector<512x128xf32>
    %broadcast_in_dim3A_2166 = vector.shape_cast %get3A_2148 : vector<1x128xi32> to vector<1x128xi32>
    %broadcast_in_dim3A_2167 = vector.broadcast %broadcast_in_dim3A_2166 : vector<1x128xi32> to vector<512x128xi32>
    %select_n3A_2168 = arith.select %lt3A_2150, %select_n3A_2115, %broadcast_in_dim3A_2167 : vector<512x128xi1>, vector<512x128xi32>
    %select_n3A_2169 = arith.select %lt3A_2151, %select_n3A_2168, %select_n3A_2121 : vector<512x128xi1>, vector<512x128xi32>
    %select_n3A_2170 = arith.select %lt3A_2151, %select_n3A_2117, %add3A_2145 : vector<512x128xi1>, vector<512x128xf32>
    %select_n3A_2171 = arith.select %lt3A_2152, %select_n3A_2170, %select_n3A_2123 : vector<512x128xi1>, vector<512x128xf32>
    %broadcast_in_dim3A_2172 = vector.shape_cast %get3A_2148 : vector<1x128xi32> to vector<1x128xi32>
    %broadcast_in_dim3A_2173 = vector.broadcast %broadcast_in_dim3A_2172 : vector<1x128xi32> to vector<512x128xi32>
    %select_n3A_2174 = arith.select %lt3A_2151, %select_n3A_2121, %broadcast_in_dim3A_2173 : vector<512x128xi1>, vector<512x128xi32>
    %select_n3A_2175 = arith.select %lt3A_2152, %select_n3A_2174, %select_n3A_2127 : vector<512x128xi1>, vector<512x128xi32>
    %select_n3A_2176 = arith.select %lt3A_2152, %select_n3A_2123, %add3A_2145 : vector<512x128xi1>, vector<512x128xf32>
    %select_n3A_2177 = arith.select %lt3A_2153, %select_n3A_2176, %select_n3A_2129 : vector<512x128xi1>, vector<512x128xf32>
    %broadcast_in_dim3A_2178 = vector.shape_cast %get3A_2148 : vector<1x128xi32> to vector<1x128xi32>
    %broadcast_in_dim3A_2179 = vector.broadcast %broadcast_in_dim3A_2178 : vector<1x128xi32> to vector<512x128xi32>
    %select_n3A_2180 = arith.select %lt3A_2152, %select_n3A_2127, %broadcast_in_dim3A_2179 : vector<512x128xi1>, vector<512x128xi32>
    %select_n3A_2181 = arith.select %lt3A_2153, %select_n3A_2180, %select_n3A_2133 : vector<512x128xi1>, vector<512x128xi32>
    %get3A_2182 = arith.constant 5760 : index
    %get3A_2183 = arith.constant 0 : index
    %get3A_2184 = vector.load %arg4[%get3A_2182, %get3A_2183] : memref<10240x32xf32, #tpu.memory_space<vmem>>, vector<128x16xf32>
    %dot_general3A_2185 = arith.constant dense<0.000000e+00> : vector<512x128xf32>
    %dot_general3A_2186 = tpu.matmul %mul3A_3, %get3A_2184, %dot_general3A_2185 {dimension_numbers = #tpu.dot_dimension_numbers<[1], [1], [0], [0], [0, 0, 1, 0], [], []>, transpose_lhs_hint = false} : vector<512x16xf32>, vector<128x16xf32>, vector<512x128xf32> -> vector<512x128xf32>
    %get3A_2187 = arith.constant 0 : index
    %get3A_2188 = arith.constant 5760 : index
    %get3A_2189 = vector.load %arg3[%get3A_2187, %get3A_2188] : memref<1x10240xf32, #tpu.memory_space<vmem>>, vector<1x128xf32>
    %add3A_2190 = vector.broadcast %get3A_6 : vector<512x1xf32> to vector<512x128xf32>
    %add3A_2191 = vector.broadcast %get3A_2189 : vector<1x128xf32> to vector<512x128xf32>
    %add3A_2192 = arith.addf %add3A_2190, %add3A_2191 : vector<512x128xf32>
    %add3A_2193 = arith.addf %add3A_2192, %dot_general3A_2186 : vector<512x128xf32>
    %get3A_2194 = arith.constant 0 : index
    %get3A_2195 = arith.constant 5760 : index
    %get3A_2196 = vector.load %arg5[%get3A_2194, %get3A_2195] : memref<1x10240xi32, #tpu.memory_space<vmem>>, vector<1x128xi32>
    %lt3A_2197 = arith.cmpf olt, %add3A_2193, %select_n3A_2154 : vector<512x128xf32>
    %lt3A_2198 = arith.cmpf olt, %add3A_2193, %select_n3A_2159 : vector<512x128xf32>
    %lt3A_2199 = arith.cmpf olt, %add3A_2193, %select_n3A_2165 : vector<512x128xf32>
    %lt3A_2200 = arith.cmpf olt, %add3A_2193, %select_n3A_2171 : vector<512x128xf32>
    %lt3A_2201 = arith.cmpf olt, %add3A_2193, %select_n3A_2177 : vector<512x128xf32>
    %select_n3A_2202 = arith.select %lt3A_2197, %add3A_2193, %select_n3A_2154 : vector<512x128xi1>, vector<512x128xf32>
    %broadcast_in_dim3A_2203 = vector.shape_cast %get3A_2196 : vector<1x128xi32> to vector<1x128xi32>
    %broadcast_in_dim3A_2204 = vector.broadcast %broadcast_in_dim3A_2203 : vector<1x128xi32> to vector<512x128xi32>
    %select_n3A_2205 = arith.select %lt3A_2197, %broadcast_in_dim3A_2204, %select_n3A_2157 : vector<512x128xi1>, vector<512x128xi32>
    %select_n3A_2206 = arith.select %lt3A_2197, %select_n3A_2154, %add3A_2193 : vector<512x128xi1>, vector<512x128xf32>
    %select_n3A_2207 = arith.select %lt3A_2198, %select_n3A_2206, %select_n3A_2159 : vector<512x128xi1>, vector<512x128xf32>
    %broadcast_in_dim3A_2208 = vector.shape_cast %get3A_2196 : vector<1x128xi32> to vector<1x128xi32>
    %broadcast_in_dim3A_2209 = vector.broadcast %broadcast_in_dim3A_2208 : vector<1x128xi32> to vector<512x128xi32>
    %select_n3A_2210 = arith.select %lt3A_2197, %select_n3A_2157, %broadcast_in_dim3A_2209 : vector<512x128xi1>, vector<512x128xi32>
    %select_n3A_2211 = arith.select %lt3A_2198, %select_n3A_2210, %select_n3A_2163 : vector<512x128xi1>, vector<512x128xi32>
    %select_n3A_2212 = arith.select %lt3A_2198, %select_n3A_2159, %add3A_2193 : vector<512x128xi1>, vector<512x128xf32>
    %select_n3A_2213 = arith.select %lt3A_2199, %select_n3A_2212, %select_n3A_2165 : vector<512x128xi1>, vector<512x128xf32>
    %broadcast_in_dim3A_2214 = vector.shape_cast %get3A_2196 : vector<1x128xi32> to vector<1x128xi32>
    %broadcast_in_dim3A_2215 = vector.broadcast %broadcast_in_dim3A_2214 : vector<1x128xi32> to vector<512x128xi32>
    %select_n3A_2216 = arith.select %lt3A_2198, %select_n3A_2163, %broadcast_in_dim3A_2215 : vector<512x128xi1>, vector<512x128xi32>
    %select_n3A_2217 = arith.select %lt3A_2199, %select_n3A_2216, %select_n3A_2169 : vector<512x128xi1>, vector<512x128xi32>
    %select_n3A_2218 = arith.select %lt3A_2199, %select_n3A_2165, %add3A_2193 : vector<512x128xi1>, vector<512x128xf32>
    %select_n3A_2219 = arith.select %lt3A_2200, %select_n3A_2218, %select_n3A_2171 : vector<512x128xi1>, vector<512x128xf32>
    %broadcast_in_dim3A_2220 = vector.shape_cast %get3A_2196 : vector<1x128xi32> to vector<1x128xi32>
    %broadcast_in_dim3A_2221 = vector.broadcast %broadcast_in_dim3A_2220 : vector<1x128xi32> to vector<512x128xi32>
    %select_n3A_2222 = arith.select %lt3A_2199, %select_n3A_2169, %broadcast_in_dim3A_2221 : vector<512x128xi1>, vector<512x128xi32>
    %select_n3A_2223 = arith.select %lt3A_2200, %select_n3A_2222, %select_n3A_2175 : vector<512x128xi1>, vector<512x128xi32>
    %select_n3A_2224 = arith.select %lt3A_2200, %select_n3A_2171, %add3A_2193 : vector<512x128xi1>, vector<512x128xf32>
    %select_n3A_2225 = arith.select %lt3A_2201, %select_n3A_2224, %select_n3A_2177 : vector<512x128xi1>, vector<512x128xf32>
    %broadcast_in_dim3A_2226 = vector.shape_cast %get3A_2196 : vector<1x128xi32> to vector<1x128xi32>
    %broadcast_in_dim3A_2227 = vector.broadcast %broadcast_in_dim3A_2226 : vector<1x128xi32> to vector<512x128xi32>
    %select_n3A_2228 = arith.select %lt3A_2200, %select_n3A_2175, %broadcast_in_dim3A_2227 : vector<512x128xi1>, vector<512x128xi32>
    %select_n3A_2229 = arith.select %lt3A_2201, %select_n3A_2228, %select_n3A_2181 : vector<512x128xi1>, vector<512x128xi32>
    %get3A_2230 = arith.constant 5888 : index
    %get3A_2231 = arith.constant 0 : index
    %get3A_2232 = vector.load %arg4[%get3A_2230, %get3A_2231] : memref<10240x32xf32, #tpu.memory_space<vmem>>, vector<128x16xf32>
    %dot_general3A_2233 = arith.constant dense<0.000000e+00> : vector<512x128xf32>
    %dot_general3A_2234 = tpu.matmul %mul3A_3, %get3A_2232, %dot_general3A_2233 {dimension_numbers = #tpu.dot_dimension_numbers<[1], [1], [0], [0], [0, 0, 1, 0], [], []>, transpose_lhs_hint = false} : vector<512x16xf32>, vector<128x16xf32>, vector<512x128xf32> -> vector<512x128xf32>
    %get3A_2235 = arith.constant 0 : index
    %get3A_2236 = arith.constant 5888 : index
    %get3A_2237 = vector.load %arg3[%get3A_2235, %get3A_2236] : memref<1x10240xf32, #tpu.memory_space<vmem>>, vector<1x128xf32>
    %add3A_2238 = vector.broadcast %get3A_6 : vector<512x1xf32> to vector<512x128xf32>
    %add3A_2239 = vector.broadcast %get3A_2237 : vector<1x128xf32> to vector<512x128xf32>
    %add3A_2240 = arith.addf %add3A_2238, %add3A_2239 : vector<512x128xf32>
    %add3A_2241 = arith.addf %add3A_2240, %dot_general3A_2234 : vector<512x128xf32>
    %get3A_2242 = arith.constant 0 : index
    %get3A_2243 = arith.constant 5888 : index
    %get3A_2244 = vector.load %arg5[%get3A_2242, %get3A_2243] : memref<1x10240xi32, #tpu.memory_space<vmem>>, vector<1x128xi32>
    %lt3A_2245 = arith.cmpf olt, %add3A_2241, %select_n3A_2202 : vector<512x128xf32>
    %lt3A_2246 = arith.cmpf olt, %add3A_2241, %select_n3A_2207 : vector<512x128xf32>
    %lt3A_2247 = arith.cmpf olt, %add3A_2241, %select_n3A_2213 : vector<512x128xf32>
    %lt3A_2248 = arith.cmpf olt, %add3A_2241, %select_n3A_2219 : vector<512x128xf32>
    %lt3A_2249 = arith.cmpf olt, %add3A_2241, %select_n3A_2225 : vector<512x128xf32>
    %select_n3A_2250 = arith.select %lt3A_2245, %add3A_2241, %select_n3A_2202 : vector<512x128xi1>, vector<512x128xf32>
    %broadcast_in_dim3A_2251 = vector.shape_cast %get3A_2244 : vector<1x128xi32> to vector<1x128xi32>
    %broadcast_in_dim3A_2252 = vector.broadcast %broadcast_in_dim3A_2251 : vector<1x128xi32> to vector<512x128xi32>
    %select_n3A_2253 = arith.select %lt3A_2245, %broadcast_in_dim3A_2252, %select_n3A_2205 : vector<512x128xi1>, vector<512x128xi32>
    %select_n3A_2254 = arith.select %lt3A_2245, %select_n3A_2202, %add3A_2241 : vector<512x128xi1>, vector<512x128xf32>
    %select_n3A_2255 = arith.select %lt3A_2246, %select_n3A_2254, %select_n3A_2207 : vector<512x128xi1>, vector<512x128xf32>
    %broadcast_in_dim3A_2256 = vector.shape_cast %get3A_2244 : vector<1x128xi32> to vector<1x128xi32>
    %broadcast_in_dim3A_2257 = vector.broadcast %broadcast_in_dim3A_2256 : vector<1x128xi32> to vector<512x128xi32>
    %select_n3A_2258 = arith.select %lt3A_2245, %select_n3A_2205, %broadcast_in_dim3A_2257 : vector<512x128xi1>, vector<512x128xi32>
    %select_n3A_2259 = arith.select %lt3A_2246, %select_n3A_2258, %select_n3A_2211 : vector<512x128xi1>, vector<512x128xi32>
    %select_n3A_2260 = arith.select %lt3A_2246, %select_n3A_2207, %add3A_2241 : vector<512x128xi1>, vector<512x128xf32>
    %select_n3A_2261 = arith.select %lt3A_2247, %select_n3A_2260, %select_n3A_2213 : vector<512x128xi1>, vector<512x128xf32>
    %broadcast_in_dim3A_2262 = vector.shape_cast %get3A_2244 : vector<1x128xi32> to vector<1x128xi32>
    %broadcast_in_dim3A_2263 = vector.broadcast %broadcast_in_dim3A_2262 : vector<1x128xi32> to vector<512x128xi32>
    %select_n3A_2264 = arith.select %lt3A_2246, %select_n3A_2211, %broadcast_in_dim3A_2263 : vector<512x128xi1>, vector<512x128xi32>
    %select_n3A_2265 = arith.select %lt3A_2247, %select_n3A_2264, %select_n3A_2217 : vector<512x128xi1>, vector<512x128xi32>
    %select_n3A_2266 = arith.select %lt3A_2247, %select_n3A_2213, %add3A_2241 : vector<512x128xi1>, vector<512x128xf32>
    %select_n3A_2267 = arith.select %lt3A_2248, %select_n3A_2266, %select_n3A_2219 : vector<512x128xi1>, vector<512x128xf32>
    %broadcast_in_dim3A_2268 = vector.shape_cast %get3A_2244 : vector<1x128xi32> to vector<1x128xi32>
    %broadcast_in_dim3A_2269 = vector.broadcast %broadcast_in_dim3A_2268 : vector<1x128xi32> to vector<512x128xi32>
    %select_n3A_2270 = arith.select %lt3A_2247, %select_n3A_2217, %broadcast_in_dim3A_2269 : vector<512x128xi1>, vector<512x128xi32>
    %select_n3A_2271 = arith.select %lt3A_2248, %select_n3A_2270, %select_n3A_2223 : vector<512x128xi1>, vector<512x128xi32>
    %select_n3A_2272 = arith.select %lt3A_2248, %select_n3A_2219, %add3A_2241 : vector<512x128xi1>, vector<512x128xf32>
    %select_n3A_2273 = arith.select %lt3A_2249, %select_n3A_2272, %select_n3A_2225 : vector<512x128xi1>, vector<512x128xf32>
    %broadcast_in_dim3A_2274 = vector.shape_cast %get3A_2244 : vector<1x128xi32> to vector<1x128xi32>
    %broadcast_in_dim3A_2275 = vector.broadcast %broadcast_in_dim3A_2274 : vector<1x128xi32> to vector<512x128xi32>
    %select_n3A_2276 = arith.select %lt3A_2248, %select_n3A_2223, %broadcast_in_dim3A_2275 : vector<512x128xi1>, vector<512x128xi32>
    %select_n3A_2277 = arith.select %lt3A_2249, %select_n3A_2276, %select_n3A_2229 : vector<512x128xi1>, vector<512x128xi32>
    %get3A_2278 = arith.constant 6016 : index
    %get3A_2279 = arith.constant 0 : index
    %get3A_2280 = vector.load %arg4[%get3A_2278, %get3A_2279] : memref<10240x32xf32, #tpu.memory_space<vmem>>, vector<128x16xf32>
    %dot_general3A_2281 = arith.constant dense<0.000000e+00> : vector<512x128xf32>
    %dot_general3A_2282 = tpu.matmul %mul3A_3, %get3A_2280, %dot_general3A_2281 {dimension_numbers = #tpu.dot_dimension_numbers<[1], [1], [0], [0], [0, 0, 1, 0], [], []>, transpose_lhs_hint = false} : vector<512x16xf32>, vector<128x16xf32>, vector<512x128xf32> -> vector<512x128xf32>
    %get3A_2283 = arith.constant 0 : index
    %get3A_2284 = arith.constant 6016 : index
    %get3A_2285 = vector.load %arg3[%get3A_2283, %get3A_2284] : memref<1x10240xf32, #tpu.memory_space<vmem>>, vector<1x128xf32>
    %add3A_2286 = vector.broadcast %get3A_6 : vector<512x1xf32> to vector<512x128xf32>
    %add3A_2287 = vector.broadcast %get3A_2285 : vector<1x128xf32> to vector<512x128xf32>
    %add3A_2288 = arith.addf %add3A_2286, %add3A_2287 : vector<512x128xf32>
    %add3A_2289 = arith.addf %add3A_2288, %dot_general3A_2282 : vector<512x128xf32>
    %get3A_2290 = arith.constant 0 : index
    %get3A_2291 = arith.constant 6016 : index
    %get3A_2292 = vector.load %arg5[%get3A_2290, %get3A_2291] : memref<1x10240xi32, #tpu.memory_space<vmem>>, vector<1x128xi32>
    %lt3A_2293 = arith.cmpf olt, %add3A_2289, %select_n3A_2250 : vector<512x128xf32>
    %lt3A_2294 = arith.cmpf olt, %add3A_2289, %select_n3A_2255 : vector<512x128xf32>
    %lt3A_2295 = arith.cmpf olt, %add3A_2289, %select_n3A_2261 : vector<512x128xf32>
    %lt3A_2296 = arith.cmpf olt, %add3A_2289, %select_n3A_2267 : vector<512x128xf32>
    %lt3A_2297 = arith.cmpf olt, %add3A_2289, %select_n3A_2273 : vector<512x128xf32>
    %select_n3A_2298 = arith.select %lt3A_2293, %add3A_2289, %select_n3A_2250 : vector<512x128xi1>, vector<512x128xf32>
    %broadcast_in_dim3A_2299 = vector.shape_cast %get3A_2292 : vector<1x128xi32> to vector<1x128xi32>
    %broadcast_in_dim3A_2300 = vector.broadcast %broadcast_in_dim3A_2299 : vector<1x128xi32> to vector<512x128xi32>
    %select_n3A_2301 = arith.select %lt3A_2293, %broadcast_in_dim3A_2300, %select_n3A_2253 : vector<512x128xi1>, vector<512x128xi32>
    %select_n3A_2302 = arith.select %lt3A_2293, %select_n3A_2250, %add3A_2289 : vector<512x128xi1>, vector<512x128xf32>
    %select_n3A_2303 = arith.select %lt3A_2294, %select_n3A_2302, %select_n3A_2255 : vector<512x128xi1>, vector<512x128xf32>
    %broadcast_in_dim3A_2304 = vector.shape_cast %get3A_2292 : vector<1x128xi32> to vector<1x128xi32>
    %broadcast_in_dim3A_2305 = vector.broadcast %broadcast_in_dim3A_2304 : vector<1x128xi32> to vector<512x128xi32>
    %select_n3A_2306 = arith.select %lt3A_2293, %select_n3A_2253, %broadcast_in_dim3A_2305 : vector<512x128xi1>, vector<512x128xi32>
    %select_n3A_2307 = arith.select %lt3A_2294, %select_n3A_2306, %select_n3A_2259 : vector<512x128xi1>, vector<512x128xi32>
    %select_n3A_2308 = arith.select %lt3A_2294, %select_n3A_2255, %add3A_2289 : vector<512x128xi1>, vector<512x128xf32>
    %select_n3A_2309 = arith.select %lt3A_2295, %select_n3A_2308, %select_n3A_2261 : vector<512x128xi1>, vector<512x128xf32>
    %broadcast_in_dim3A_2310 = vector.shape_cast %get3A_2292 : vector<1x128xi32> to vector<1x128xi32>
    %broadcast_in_dim3A_2311 = vector.broadcast %broadcast_in_dim3A_2310 : vector<1x128xi32> to vector<512x128xi32>
    %select_n3A_2312 = arith.select %lt3A_2294, %select_n3A_2259, %broadcast_in_dim3A_2311 : vector<512x128xi1>, vector<512x128xi32>
    %select_n3A_2313 = arith.select %lt3A_2295, %select_n3A_2312, %select_n3A_2265 : vector<512x128xi1>, vector<512x128xi32>
    %select_n3A_2314 = arith.select %lt3A_2295, %select_n3A_2261, %add3A_2289 : vector<512x128xi1>, vector<512x128xf32>
    %select_n3A_2315 = arith.select %lt3A_2296, %select_n3A_2314, %select_n3A_2267 : vector<512x128xi1>, vector<512x128xf32>
    %broadcast_in_dim3A_2316 = vector.shape_cast %get3A_2292 : vector<1x128xi32> to vector<1x128xi32>
    %broadcast_in_dim3A_2317 = vector.broadcast %broadcast_in_dim3A_2316 : vector<1x128xi32> to vector<512x128xi32>
    %select_n3A_2318 = arith.select %lt3A_2295, %select_n3A_2265, %broadcast_in_dim3A_2317 : vector<512x128xi1>, vector<512x128xi32>
    %select_n3A_2319 = arith.select %lt3A_2296, %select_n3A_2318, %select_n3A_2271 : vector<512x128xi1>, vector<512x128xi32>
    %select_n3A_2320 = arith.select %lt3A_2296, %select_n3A_2267, %add3A_2289 : vector<512x128xi1>, vector<512x128xf32>
    %select_n3A_2321 = arith.select %lt3A_2297, %select_n3A_2320, %select_n3A_2273 : vector<512x128xi1>, vector<512x128xf32>
    %broadcast_in_dim3A_2322 = vector.shape_cast %get3A_2292 : vector<1x128xi32> to vector<1x128xi32>
    %broadcast_in_dim3A_2323 = vector.broadcast %broadcast_in_dim3A_2322 : vector<1x128xi32> to vector<512x128xi32>
    %select_n3A_2324 = arith.select %lt3A_2296, %select_n3A_2271, %broadcast_in_dim3A_2323 : vector<512x128xi1>, vector<512x128xi32>
    %select_n3A_2325 = arith.select %lt3A_2297, %select_n3A_2324, %select_n3A_2277 : vector<512x128xi1>, vector<512x128xi32>
    %get3A_2326 = arith.constant 6144 : index
    %get3A_2327 = arith.constant 0 : index
    %get3A_2328 = vector.load %arg4[%get3A_2326, %get3A_2327] : memref<10240x32xf32, #tpu.memory_space<vmem>>, vector<128x16xf32>
    %dot_general3A_2329 = arith.constant dense<0.000000e+00> : vector<512x128xf32>
    %dot_general3A_2330 = tpu.matmul %mul3A_3, %get3A_2328, %dot_general3A_2329 {dimension_numbers = #tpu.dot_dimension_numbers<[1], [1], [0], [0], [0, 0, 1, 0], [], []>, transpose_lhs_hint = false} : vector<512x16xf32>, vector<128x16xf32>, vector<512x128xf32> -> vector<512x128xf32>
    %get3A_2331 = arith.constant 0 : index
    %get3A_2332 = arith.constant 6144 : index
    %get3A_2333 = vector.load %arg3[%get3A_2331, %get3A_2332] : memref<1x10240xf32, #tpu.memory_space<vmem>>, vector<1x128xf32>
    %add3A_2334 = vector.broadcast %get3A_6 : vector<512x1xf32> to vector<512x128xf32>
    %add3A_2335 = vector.broadcast %get3A_2333 : vector<1x128xf32> to vector<512x128xf32>
    %add3A_2336 = arith.addf %add3A_2334, %add3A_2335 : vector<512x128xf32>
    %add3A_2337 = arith.addf %add3A_2336, %dot_general3A_2330 : vector<512x128xf32>
    %get3A_2338 = arith.constant 0 : index
    %get3A_2339 = arith.constant 6144 : index
    %get3A_2340 = vector.load %arg5[%get3A_2338, %get3A_2339] : memref<1x10240xi32, #tpu.memory_space<vmem>>, vector<1x128xi32>
    %lt3A_2341 = arith.cmpf olt, %add3A_2337, %select_n3A_2298 : vector<512x128xf32>
    %lt3A_2342 = arith.cmpf olt, %add3A_2337, %select_n3A_2303 : vector<512x128xf32>
    %lt3A_2343 = arith.cmpf olt, %add3A_2337, %select_n3A_2309 : vector<512x128xf32>
    %lt3A_2344 = arith.cmpf olt, %add3A_2337, %select_n3A_2315 : vector<512x128xf32>
    %lt3A_2345 = arith.cmpf olt, %add3A_2337, %select_n3A_2321 : vector<512x128xf32>
    %select_n3A_2346 = arith.select %lt3A_2341, %add3A_2337, %select_n3A_2298 : vector<512x128xi1>, vector<512x128xf32>
    %broadcast_in_dim3A_2347 = vector.shape_cast %get3A_2340 : vector<1x128xi32> to vector<1x128xi32>
    %broadcast_in_dim3A_2348 = vector.broadcast %broadcast_in_dim3A_2347 : vector<1x128xi32> to vector<512x128xi32>
    %select_n3A_2349 = arith.select %lt3A_2341, %broadcast_in_dim3A_2348, %select_n3A_2301 : vector<512x128xi1>, vector<512x128xi32>
    %select_n3A_2350 = arith.select %lt3A_2341, %select_n3A_2298, %add3A_2337 : vector<512x128xi1>, vector<512x128xf32>
    %select_n3A_2351 = arith.select %lt3A_2342, %select_n3A_2350, %select_n3A_2303 : vector<512x128xi1>, vector<512x128xf32>
    %broadcast_in_dim3A_2352 = vector.shape_cast %get3A_2340 : vector<1x128xi32> to vector<1x128xi32>
    %broadcast_in_dim3A_2353 = vector.broadcast %broadcast_in_dim3A_2352 : vector<1x128xi32> to vector<512x128xi32>
    %select_n3A_2354 = arith.select %lt3A_2341, %select_n3A_2301, %broadcast_in_dim3A_2353 : vector<512x128xi1>, vector<512x128xi32>
    %select_n3A_2355 = arith.select %lt3A_2342, %select_n3A_2354, %select_n3A_2307 : vector<512x128xi1>, vector<512x128xi32>
    %select_n3A_2356 = arith.select %lt3A_2342, %select_n3A_2303, %add3A_2337 : vector<512x128xi1>, vector<512x128xf32>
    %select_n3A_2357 = arith.select %lt3A_2343, %select_n3A_2356, %select_n3A_2309 : vector<512x128xi1>, vector<512x128xf32>
    %broadcast_in_dim3A_2358 = vector.shape_cast %get3A_2340 : vector<1x128xi32> to vector<1x128xi32>
    %broadcast_in_dim3A_2359 = vector.broadcast %broadcast_in_dim3A_2358 : vector<1x128xi32> to vector<512x128xi32>
    %select_n3A_2360 = arith.select %lt3A_2342, %select_n3A_2307, %broadcast_in_dim3A_2359 : vector<512x128xi1>, vector<512x128xi32>
    %select_n3A_2361 = arith.select %lt3A_2343, %select_n3A_2360, %select_n3A_2313 : vector<512x128xi1>, vector<512x128xi32>
    %select_n3A_2362 = arith.select %lt3A_2343, %select_n3A_2309, %add3A_2337 : vector<512x128xi1>, vector<512x128xf32>
    %select_n3A_2363 = arith.select %lt3A_2344, %select_n3A_2362, %select_n3A_2315 : vector<512x128xi1>, vector<512x128xf32>
    %broadcast_in_dim3A_2364 = vector.shape_cast %get3A_2340 : vector<1x128xi32> to vector<1x128xi32>
    %broadcast_in_dim3A_2365 = vector.broadcast %broadcast_in_dim3A_2364 : vector<1x128xi32> to vector<512x128xi32>
    %select_n3A_2366 = arith.select %lt3A_2343, %select_n3A_2313, %broadcast_in_dim3A_2365 : vector<512x128xi1>, vector<512x128xi32>
    %select_n3A_2367 = arith.select %lt3A_2344, %select_n3A_2366, %select_n3A_2319 : vector<512x128xi1>, vector<512x128xi32>
    %select_n3A_2368 = arith.select %lt3A_2344, %select_n3A_2315, %add3A_2337 : vector<512x128xi1>, vector<512x128xf32>
    %select_n3A_2369 = arith.select %lt3A_2345, %select_n3A_2368, %select_n3A_2321 : vector<512x128xi1>, vector<512x128xf32>
    %broadcast_in_dim3A_2370 = vector.shape_cast %get3A_2340 : vector<1x128xi32> to vector<1x128xi32>
    %broadcast_in_dim3A_2371 = vector.broadcast %broadcast_in_dim3A_2370 : vector<1x128xi32> to vector<512x128xi32>
    %select_n3A_2372 = arith.select %lt3A_2344, %select_n3A_2319, %broadcast_in_dim3A_2371 : vector<512x128xi1>, vector<512x128xi32>
    %select_n3A_2373 = arith.select %lt3A_2345, %select_n3A_2372, %select_n3A_2325 : vector<512x128xi1>, vector<512x128xi32>
    %get3A_2374 = arith.constant 6272 : index
    %get3A_2375 = arith.constant 0 : index
    %get3A_2376 = vector.load %arg4[%get3A_2374, %get3A_2375] : memref<10240x32xf32, #tpu.memory_space<vmem>>, vector<128x16xf32>
    %dot_general3A_2377 = arith.constant dense<0.000000e+00> : vector<512x128xf32>
    %dot_general3A_2378 = tpu.matmul %mul3A_3, %get3A_2376, %dot_general3A_2377 {dimension_numbers = #tpu.dot_dimension_numbers<[1], [1], [0], [0], [0, 0, 1, 0], [], []>, transpose_lhs_hint = false} : vector<512x16xf32>, vector<128x16xf32>, vector<512x128xf32> -> vector<512x128xf32>
    %get3A_2379 = arith.constant 0 : index
    %get3A_2380 = arith.constant 6272 : index
    %get3A_2381 = vector.load %arg3[%get3A_2379, %get3A_2380] : memref<1x10240xf32, #tpu.memory_space<vmem>>, vector<1x128xf32>
    %add3A_2382 = vector.broadcast %get3A_6 : vector<512x1xf32> to vector<512x128xf32>
    %add3A_2383 = vector.broadcast %get3A_2381 : vector<1x128xf32> to vector<512x128xf32>
    %add3A_2384 = arith.addf %add3A_2382, %add3A_2383 : vector<512x128xf32>
    %add3A_2385 = arith.addf %add3A_2384, %dot_general3A_2378 : vector<512x128xf32>
    %get3A_2386 = arith.constant 0 : index
    %get3A_2387 = arith.constant 6272 : index
    %get3A_2388 = vector.load %arg5[%get3A_2386, %get3A_2387] : memref<1x10240xi32, #tpu.memory_space<vmem>>, vector<1x128xi32>
    %lt3A_2389 = arith.cmpf olt, %add3A_2385, %select_n3A_2346 : vector<512x128xf32>
    %lt3A_2390 = arith.cmpf olt, %add3A_2385, %select_n3A_2351 : vector<512x128xf32>
    %lt3A_2391 = arith.cmpf olt, %add3A_2385, %select_n3A_2357 : vector<512x128xf32>
    %lt3A_2392 = arith.cmpf olt, %add3A_2385, %select_n3A_2363 : vector<512x128xf32>
    %lt3A_2393 = arith.cmpf olt, %add3A_2385, %select_n3A_2369 : vector<512x128xf32>
    %select_n3A_2394 = arith.select %lt3A_2389, %add3A_2385, %select_n3A_2346 : vector<512x128xi1>, vector<512x128xf32>
    %broadcast_in_dim3A_2395 = vector.shape_cast %get3A_2388 : vector<1x128xi32> to vector<1x128xi32>
    %broadcast_in_dim3A_2396 = vector.broadcast %broadcast_in_dim3A_2395 : vector<1x128xi32> to vector<512x128xi32>
    %select_n3A_2397 = arith.select %lt3A_2389, %broadcast_in_dim3A_2396, %select_n3A_2349 : vector<512x128xi1>, vector<512x128xi32>
    %select_n3A_2398 = arith.select %lt3A_2389, %select_n3A_2346, %add3A_2385 : vector<512x128xi1>, vector<512x128xf32>
    %select_n3A_2399 = arith.select %lt3A_2390, %select_n3A_2398, %select_n3A_2351 : vector<512x128xi1>, vector<512x128xf32>
    %broadcast_in_dim3A_2400 = vector.shape_cast %get3A_2388 : vector<1x128xi32> to vector<1x128xi32>
    %broadcast_in_dim3A_2401 = vector.broadcast %broadcast_in_dim3A_2400 : vector<1x128xi32> to vector<512x128xi32>
    %select_n3A_2402 = arith.select %lt3A_2389, %select_n3A_2349, %broadcast_in_dim3A_2401 : vector<512x128xi1>, vector<512x128xi32>
    %select_n3A_2403 = arith.select %lt3A_2390, %select_n3A_2402, %select_n3A_2355 : vector<512x128xi1>, vector<512x128xi32>
    %select_n3A_2404 = arith.select %lt3A_2390, %select_n3A_2351, %add3A_2385 : vector<512x128xi1>, vector<512x128xf32>
    %select_n3A_2405 = arith.select %lt3A_2391, %select_n3A_2404, %select_n3A_2357 : vector<512x128xi1>, vector<512x128xf32>
    %broadcast_in_dim3A_2406 = vector.shape_cast %get3A_2388 : vector<1x128xi32> to vector<1x128xi32>
    %broadcast_in_dim3A_2407 = vector.broadcast %broadcast_in_dim3A_2406 : vector<1x128xi32> to vector<512x128xi32>
    %select_n3A_2408 = arith.select %lt3A_2390, %select_n3A_2355, %broadcast_in_dim3A_2407 : vector<512x128xi1>, vector<512x128xi32>
    %select_n3A_2409 = arith.select %lt3A_2391, %select_n3A_2408, %select_n3A_2361 : vector<512x128xi1>, vector<512x128xi32>
    %select_n3A_2410 = arith.select %lt3A_2391, %select_n3A_2357, %add3A_2385 : vector<512x128xi1>, vector<512x128xf32>
    %select_n3A_2411 = arith.select %lt3A_2392, %select_n3A_2410, %select_n3A_2363 : vector<512x128xi1>, vector<512x128xf32>
    %broadcast_in_dim3A_2412 = vector.shape_cast %get3A_2388 : vector<1x128xi32> to vector<1x128xi32>
    %broadcast_in_dim3A_2413 = vector.broadcast %broadcast_in_dim3A_2412 : vector<1x128xi32> to vector<512x128xi32>
    %select_n3A_2414 = arith.select %lt3A_2391, %select_n3A_2361, %broadcast_in_dim3A_2413 : vector<512x128xi1>, vector<512x128xi32>
    %select_n3A_2415 = arith.select %lt3A_2392, %select_n3A_2414, %select_n3A_2367 : vector<512x128xi1>, vector<512x128xi32>
    %select_n3A_2416 = arith.select %lt3A_2392, %select_n3A_2363, %add3A_2385 : vector<512x128xi1>, vector<512x128xf32>
    %select_n3A_2417 = arith.select %lt3A_2393, %select_n3A_2416, %select_n3A_2369 : vector<512x128xi1>, vector<512x128xf32>
    %broadcast_in_dim3A_2418 = vector.shape_cast %get3A_2388 : vector<1x128xi32> to vector<1x128xi32>
    %broadcast_in_dim3A_2419 = vector.broadcast %broadcast_in_dim3A_2418 : vector<1x128xi32> to vector<512x128xi32>
    %select_n3A_2420 = arith.select %lt3A_2392, %select_n3A_2367, %broadcast_in_dim3A_2419 : vector<512x128xi1>, vector<512x128xi32>
    %select_n3A_2421 = arith.select %lt3A_2393, %select_n3A_2420, %select_n3A_2373 : vector<512x128xi1>, vector<512x128xi32>
    %get3A_2422 = arith.constant 6400 : index
    %get3A_2423 = arith.constant 0 : index
    %get3A_2424 = vector.load %arg4[%get3A_2422, %get3A_2423] : memref<10240x32xf32, #tpu.memory_space<vmem>>, vector<128x16xf32>
    %dot_general3A_2425 = arith.constant dense<0.000000e+00> : vector<512x128xf32>
    %dot_general3A_2426 = tpu.matmul %mul3A_3, %get3A_2424, %dot_general3A_2425 {dimension_numbers = #tpu.dot_dimension_numbers<[1], [1], [0], [0], [0, 0, 1, 0], [], []>, transpose_lhs_hint = false} : vector<512x16xf32>, vector<128x16xf32>, vector<512x128xf32> -> vector<512x128xf32>
    %get3A_2427 = arith.constant 0 : index
    %get3A_2428 = arith.constant 6400 : index
    %get3A_2429 = vector.load %arg3[%get3A_2427, %get3A_2428] : memref<1x10240xf32, #tpu.memory_space<vmem>>, vector<1x128xf32>
    %add3A_2430 = vector.broadcast %get3A_6 : vector<512x1xf32> to vector<512x128xf32>
    %add3A_2431 = vector.broadcast %get3A_2429 : vector<1x128xf32> to vector<512x128xf32>
    %add3A_2432 = arith.addf %add3A_2430, %add3A_2431 : vector<512x128xf32>
    %add3A_2433 = arith.addf %add3A_2432, %dot_general3A_2426 : vector<512x128xf32>
    %get3A_2434 = arith.constant 0 : index
    %get3A_2435 = arith.constant 6400 : index
    %get3A_2436 = vector.load %arg5[%get3A_2434, %get3A_2435] : memref<1x10240xi32, #tpu.memory_space<vmem>>, vector<1x128xi32>
    %lt3A_2437 = arith.cmpf olt, %add3A_2433, %select_n3A_2394 : vector<512x128xf32>
    %lt3A_2438 = arith.cmpf olt, %add3A_2433, %select_n3A_2399 : vector<512x128xf32>
    %lt3A_2439 = arith.cmpf olt, %add3A_2433, %select_n3A_2405 : vector<512x128xf32>
    %lt3A_2440 = arith.cmpf olt, %add3A_2433, %select_n3A_2411 : vector<512x128xf32>
    %lt3A_2441 = arith.cmpf olt, %add3A_2433, %select_n3A_2417 : vector<512x128xf32>
    %select_n3A_2442 = arith.select %lt3A_2437, %add3A_2433, %select_n3A_2394 : vector<512x128xi1>, vector<512x128xf32>
    %broadcast_in_dim3A_2443 = vector.shape_cast %get3A_2436 : vector<1x128xi32> to vector<1x128xi32>
    %broadcast_in_dim3A_2444 = vector.broadcast %broadcast_in_dim3A_2443 : vector<1x128xi32> to vector<512x128xi32>
    %select_n3A_2445 = arith.select %lt3A_2437, %broadcast_in_dim3A_2444, %select_n3A_2397 : vector<512x128xi1>, vector<512x128xi32>
    %select_n3A_2446 = arith.select %lt3A_2437, %select_n3A_2394, %add3A_2433 : vector<512x128xi1>, vector<512x128xf32>
    %select_n3A_2447 = arith.select %lt3A_2438, %select_n3A_2446, %select_n3A_2399 : vector<512x128xi1>, vector<512x128xf32>
    %broadcast_in_dim3A_2448 = vector.shape_cast %get3A_2436 : vector<1x128xi32> to vector<1x128xi32>
    %broadcast_in_dim3A_2449 = vector.broadcast %broadcast_in_dim3A_2448 : vector<1x128xi32> to vector<512x128xi32>
    %select_n3A_2450 = arith.select %lt3A_2437, %select_n3A_2397, %broadcast_in_dim3A_2449 : vector<512x128xi1>, vector<512x128xi32>
    %select_n3A_2451 = arith.select %lt3A_2438, %select_n3A_2450, %select_n3A_2403 : vector<512x128xi1>, vector<512x128xi32>
    %select_n3A_2452 = arith.select %lt3A_2438, %select_n3A_2399, %add3A_2433 : vector<512x128xi1>, vector<512x128xf32>
    %select_n3A_2453 = arith.select %lt3A_2439, %select_n3A_2452, %select_n3A_2405 : vector<512x128xi1>, vector<512x128xf32>
    %broadcast_in_dim3A_2454 = vector.shape_cast %get3A_2436 : vector<1x128xi32> to vector<1x128xi32>
    %broadcast_in_dim3A_2455 = vector.broadcast %broadcast_in_dim3A_2454 : vector<1x128xi32> to vector<512x128xi32>
    %select_n3A_2456 = arith.select %lt3A_2438, %select_n3A_2403, %broadcast_in_dim3A_2455 : vector<512x128xi1>, vector<512x128xi32>
    %select_n3A_2457 = arith.select %lt3A_2439, %select_n3A_2456, %select_n3A_2409 : vector<512x128xi1>, vector<512x128xi32>
    %select_n3A_2458 = arith.select %lt3A_2439, %select_n3A_2405, %add3A_2433 : vector<512x128xi1>, vector<512x128xf32>
    %select_n3A_2459 = arith.select %lt3A_2440, %select_n3A_2458, %select_n3A_2411 : vector<512x128xi1>, vector<512x128xf32>
    %broadcast_in_dim3A_2460 = vector.shape_cast %get3A_2436 : vector<1x128xi32> to vector<1x128xi32>
    %broadcast_in_dim3A_2461 = vector.broadcast %broadcast_in_dim3A_2460 : vector<1x128xi32> to vector<512x128xi32>
    %select_n3A_2462 = arith.select %lt3A_2439, %select_n3A_2409, %broadcast_in_dim3A_2461 : vector<512x128xi1>, vector<512x128xi32>
    %select_n3A_2463 = arith.select %lt3A_2440, %select_n3A_2462, %select_n3A_2415 : vector<512x128xi1>, vector<512x128xi32>
    %select_n3A_2464 = arith.select %lt3A_2440, %select_n3A_2411, %add3A_2433 : vector<512x128xi1>, vector<512x128xf32>
    %select_n3A_2465 = arith.select %lt3A_2441, %select_n3A_2464, %select_n3A_2417 : vector<512x128xi1>, vector<512x128xf32>
    %broadcast_in_dim3A_2466 = vector.shape_cast %get3A_2436 : vector<1x128xi32> to vector<1x128xi32>
    %broadcast_in_dim3A_2467 = vector.broadcast %broadcast_in_dim3A_2466 : vector<1x128xi32> to vector<512x128xi32>
    %select_n3A_2468 = arith.select %lt3A_2440, %select_n3A_2415, %broadcast_in_dim3A_2467 : vector<512x128xi1>, vector<512x128xi32>
    %select_n3A_2469 = arith.select %lt3A_2441, %select_n3A_2468, %select_n3A_2421 : vector<512x128xi1>, vector<512x128xi32>
    %get3A_2470 = arith.constant 6528 : index
    %get3A_2471 = arith.constant 0 : index
    %get3A_2472 = vector.load %arg4[%get3A_2470, %get3A_2471] : memref<10240x32xf32, #tpu.memory_space<vmem>>, vector<128x16xf32>
    %dot_general3A_2473 = arith.constant dense<0.000000e+00> : vector<512x128xf32>
    %dot_general3A_2474 = tpu.matmul %mul3A_3, %get3A_2472, %dot_general3A_2473 {dimension_numbers = #tpu.dot_dimension_numbers<[1], [1], [0], [0], [0, 0, 1, 0], [], []>, transpose_lhs_hint = false} : vector<512x16xf32>, vector<128x16xf32>, vector<512x128xf32> -> vector<512x128xf32>
    %get3A_2475 = arith.constant 0 : index
    %get3A_2476 = arith.constant 6528 : index
    %get3A_2477 = vector.load %arg3[%get3A_2475, %get3A_2476] : memref<1x10240xf32, #tpu.memory_space<vmem>>, vector<1x128xf32>
    %add3A_2478 = vector.broadcast %get3A_6 : vector<512x1xf32> to vector<512x128xf32>
    %add3A_2479 = vector.broadcast %get3A_2477 : vector<1x128xf32> to vector<512x128xf32>
    %add3A_2480 = arith.addf %add3A_2478, %add3A_2479 : vector<512x128xf32>
    %add3A_2481 = arith.addf %add3A_2480, %dot_general3A_2474 : vector<512x128xf32>
    %get3A_2482 = arith.constant 0 : index
    %get3A_2483 = arith.constant 6528 : index
    %get3A_2484 = vector.load %arg5[%get3A_2482, %get3A_2483] : memref<1x10240xi32, #tpu.memory_space<vmem>>, vector<1x128xi32>
    %lt3A_2485 = arith.cmpf olt, %add3A_2481, %select_n3A_2442 : vector<512x128xf32>
    %lt3A_2486 = arith.cmpf olt, %add3A_2481, %select_n3A_2447 : vector<512x128xf32>
    %lt3A_2487 = arith.cmpf olt, %add3A_2481, %select_n3A_2453 : vector<512x128xf32>
    %lt3A_2488 = arith.cmpf olt, %add3A_2481, %select_n3A_2459 : vector<512x128xf32>
    %lt3A_2489 = arith.cmpf olt, %add3A_2481, %select_n3A_2465 : vector<512x128xf32>
    %select_n3A_2490 = arith.select %lt3A_2485, %add3A_2481, %select_n3A_2442 : vector<512x128xi1>, vector<512x128xf32>
    %broadcast_in_dim3A_2491 = vector.shape_cast %get3A_2484 : vector<1x128xi32> to vector<1x128xi32>
    %broadcast_in_dim3A_2492 = vector.broadcast %broadcast_in_dim3A_2491 : vector<1x128xi32> to vector<512x128xi32>
    %select_n3A_2493 = arith.select %lt3A_2485, %broadcast_in_dim3A_2492, %select_n3A_2445 : vector<512x128xi1>, vector<512x128xi32>
    %select_n3A_2494 = arith.select %lt3A_2485, %select_n3A_2442, %add3A_2481 : vector<512x128xi1>, vector<512x128xf32>
    %select_n3A_2495 = arith.select %lt3A_2486, %select_n3A_2494, %select_n3A_2447 : vector<512x128xi1>, vector<512x128xf32>
    %broadcast_in_dim3A_2496 = vector.shape_cast %get3A_2484 : vector<1x128xi32> to vector<1x128xi32>
    %broadcast_in_dim3A_2497 = vector.broadcast %broadcast_in_dim3A_2496 : vector<1x128xi32> to vector<512x128xi32>
    %select_n3A_2498 = arith.select %lt3A_2485, %select_n3A_2445, %broadcast_in_dim3A_2497 : vector<512x128xi1>, vector<512x128xi32>
    %select_n3A_2499 = arith.select %lt3A_2486, %select_n3A_2498, %select_n3A_2451 : vector<512x128xi1>, vector<512x128xi32>
    %select_n3A_2500 = arith.select %lt3A_2486, %select_n3A_2447, %add3A_2481 : vector<512x128xi1>, vector<512x128xf32>
    %select_n3A_2501 = arith.select %lt3A_2487, %select_n3A_2500, %select_n3A_2453 : vector<512x128xi1>, vector<512x128xf32>
    %broadcast_in_dim3A_2502 = vector.shape_cast %get3A_2484 : vector<1x128xi32> to vector<1x128xi32>
    %broadcast_in_dim3A_2503 = vector.broadcast %broadcast_in_dim3A_2502 : vector<1x128xi32> to vector<512x128xi32>
    %select_n3A_2504 = arith.select %lt3A_2486, %select_n3A_2451, %broadcast_in_dim3A_2503 : vector<512x128xi1>, vector<512x128xi32>
    %select_n3A_2505 = arith.select %lt3A_2487, %select_n3A_2504, %select_n3A_2457 : vector<512x128xi1>, vector<512x128xi32>
    %select_n3A_2506 = arith.select %lt3A_2487, %select_n3A_2453, %add3A_2481 : vector<512x128xi1>, vector<512x128xf32>
    %select_n3A_2507 = arith.select %lt3A_2488, %select_n3A_2506, %select_n3A_2459 : vector<512x128xi1>, vector<512x128xf32>
    %broadcast_in_dim3A_2508 = vector.shape_cast %get3A_2484 : vector<1x128xi32> to vector<1x128xi32>
    %broadcast_in_dim3A_2509 = vector.broadcast %broadcast_in_dim3A_2508 : vector<1x128xi32> to vector<512x128xi32>
    %select_n3A_2510 = arith.select %lt3A_2487, %select_n3A_2457, %broadcast_in_dim3A_2509 : vector<512x128xi1>, vector<512x128xi32>
    %select_n3A_2511 = arith.select %lt3A_2488, %select_n3A_2510, %select_n3A_2463 : vector<512x128xi1>, vector<512x128xi32>
    %select_n3A_2512 = arith.select %lt3A_2488, %select_n3A_2459, %add3A_2481 : vector<512x128xi1>, vector<512x128xf32>
    %select_n3A_2513 = arith.select %lt3A_2489, %select_n3A_2512, %select_n3A_2465 : vector<512x128xi1>, vector<512x128xf32>
    %broadcast_in_dim3A_2514 = vector.shape_cast %get3A_2484 : vector<1x128xi32> to vector<1x128xi32>
    %broadcast_in_dim3A_2515 = vector.broadcast %broadcast_in_dim3A_2514 : vector<1x128xi32> to vector<512x128xi32>
    %select_n3A_2516 = arith.select %lt3A_2488, %select_n3A_2463, %broadcast_in_dim3A_2515 : vector<512x128xi1>, vector<512x128xi32>
    %select_n3A_2517 = arith.select %lt3A_2489, %select_n3A_2516, %select_n3A_2469 : vector<512x128xi1>, vector<512x128xi32>
    %get3A_2518 = arith.constant 6656 : index
    %get3A_2519 = arith.constant 0 : index
    %get3A_2520 = vector.load %arg4[%get3A_2518, %get3A_2519] : memref<10240x32xf32, #tpu.memory_space<vmem>>, vector<128x16xf32>
    %dot_general3A_2521 = arith.constant dense<0.000000e+00> : vector<512x128xf32>
    %dot_general3A_2522 = tpu.matmul %mul3A_3, %get3A_2520, %dot_general3A_2521 {dimension_numbers = #tpu.dot_dimension_numbers<[1], [1], [0], [0], [0, 0, 1, 0], [], []>, transpose_lhs_hint = false} : vector<512x16xf32>, vector<128x16xf32>, vector<512x128xf32> -> vector<512x128xf32>
    %get3A_2523 = arith.constant 0 : index
    %get3A_2524 = arith.constant 6656 : index
    %get3A_2525 = vector.load %arg3[%get3A_2523, %get3A_2524] : memref<1x10240xf32, #tpu.memory_space<vmem>>, vector<1x128xf32>
    %add3A_2526 = vector.broadcast %get3A_6 : vector<512x1xf32> to vector<512x128xf32>
    %add3A_2527 = vector.broadcast %get3A_2525 : vector<1x128xf32> to vector<512x128xf32>
    %add3A_2528 = arith.addf %add3A_2526, %add3A_2527 : vector<512x128xf32>
    %add3A_2529 = arith.addf %add3A_2528, %dot_general3A_2522 : vector<512x128xf32>
    %get3A_2530 = arith.constant 0 : index
    %get3A_2531 = arith.constant 6656 : index
    %get3A_2532 = vector.load %arg5[%get3A_2530, %get3A_2531] : memref<1x10240xi32, #tpu.memory_space<vmem>>, vector<1x128xi32>
    %lt3A_2533 = arith.cmpf olt, %add3A_2529, %select_n3A_2490 : vector<512x128xf32>
    %lt3A_2534 = arith.cmpf olt, %add3A_2529, %select_n3A_2495 : vector<512x128xf32>
    %lt3A_2535 = arith.cmpf olt, %add3A_2529, %select_n3A_2501 : vector<512x128xf32>
    %lt3A_2536 = arith.cmpf olt, %add3A_2529, %select_n3A_2507 : vector<512x128xf32>
    %lt3A_2537 = arith.cmpf olt, %add3A_2529, %select_n3A_2513 : vector<512x128xf32>
    %select_n3A_2538 = arith.select %lt3A_2533, %add3A_2529, %select_n3A_2490 : vector<512x128xi1>, vector<512x128xf32>
    %broadcast_in_dim3A_2539 = vector.shape_cast %get3A_2532 : vector<1x128xi32> to vector<1x128xi32>
    %broadcast_in_dim3A_2540 = vector.broadcast %broadcast_in_dim3A_2539 : vector<1x128xi32> to vector<512x128xi32>
    %select_n3A_2541 = arith.select %lt3A_2533, %broadcast_in_dim3A_2540, %select_n3A_2493 : vector<512x128xi1>, vector<512x128xi32>
    %select_n3A_2542 = arith.select %lt3A_2533, %select_n3A_2490, %add3A_2529 : vector<512x128xi1>, vector<512x128xf32>
    %select_n3A_2543 = arith.select %lt3A_2534, %select_n3A_2542, %select_n3A_2495 : vector<512x128xi1>, vector<512x128xf32>
    %broadcast_in_dim3A_2544 = vector.shape_cast %get3A_2532 : vector<1x128xi32> to vector<1x128xi32>
    %broadcast_in_dim3A_2545 = vector.broadcast %broadcast_in_dim3A_2544 : vector<1x128xi32> to vector<512x128xi32>
    %select_n3A_2546 = arith.select %lt3A_2533, %select_n3A_2493, %broadcast_in_dim3A_2545 : vector<512x128xi1>, vector<512x128xi32>
    %select_n3A_2547 = arith.select %lt3A_2534, %select_n3A_2546, %select_n3A_2499 : vector<512x128xi1>, vector<512x128xi32>
    %select_n3A_2548 = arith.select %lt3A_2534, %select_n3A_2495, %add3A_2529 : vector<512x128xi1>, vector<512x128xf32>
    %select_n3A_2549 = arith.select %lt3A_2535, %select_n3A_2548, %select_n3A_2501 : vector<512x128xi1>, vector<512x128xf32>
    %broadcast_in_dim3A_2550 = vector.shape_cast %get3A_2532 : vector<1x128xi32> to vector<1x128xi32>
    %broadcast_in_dim3A_2551 = vector.broadcast %broadcast_in_dim3A_2550 : vector<1x128xi32> to vector<512x128xi32>
    %select_n3A_2552 = arith.select %lt3A_2534, %select_n3A_2499, %broadcast_in_dim3A_2551 : vector<512x128xi1>, vector<512x128xi32>
    %select_n3A_2553 = arith.select %lt3A_2535, %select_n3A_2552, %select_n3A_2505 : vector<512x128xi1>, vector<512x128xi32>
    %select_n3A_2554 = arith.select %lt3A_2535, %select_n3A_2501, %add3A_2529 : vector<512x128xi1>, vector<512x128xf32>
    %select_n3A_2555 = arith.select %lt3A_2536, %select_n3A_2554, %select_n3A_2507 : vector<512x128xi1>, vector<512x128xf32>
    %broadcast_in_dim3A_2556 = vector.shape_cast %get3A_2532 : vector<1x128xi32> to vector<1x128xi32>
    %broadcast_in_dim3A_2557 = vector.broadcast %broadcast_in_dim3A_2556 : vector<1x128xi32> to vector<512x128xi32>
    %select_n3A_2558 = arith.select %lt3A_2535, %select_n3A_2505, %broadcast_in_dim3A_2557 : vector<512x128xi1>, vector<512x128xi32>
    %select_n3A_2559 = arith.select %lt3A_2536, %select_n3A_2558, %select_n3A_2511 : vector<512x128xi1>, vector<512x128xi32>
    %select_n3A_2560 = arith.select %lt3A_2536, %select_n3A_2507, %add3A_2529 : vector<512x128xi1>, vector<512x128xf32>
    %select_n3A_2561 = arith.select %lt3A_2537, %select_n3A_2560, %select_n3A_2513 : vector<512x128xi1>, vector<512x128xf32>
    %broadcast_in_dim3A_2562 = vector.shape_cast %get3A_2532 : vector<1x128xi32> to vector<1x128xi32>
    %broadcast_in_dim3A_2563 = vector.broadcast %broadcast_in_dim3A_2562 : vector<1x128xi32> to vector<512x128xi32>
    %select_n3A_2564 = arith.select %lt3A_2536, %select_n3A_2511, %broadcast_in_dim3A_2563 : vector<512x128xi1>, vector<512x128xi32>
    %select_n3A_2565 = arith.select %lt3A_2537, %select_n3A_2564, %select_n3A_2517 : vector<512x128xi1>, vector<512x128xi32>
    %get3A_2566 = arith.constant 6784 : index
    %get3A_2567 = arith.constant 0 : index
    %get3A_2568 = vector.load %arg4[%get3A_2566, %get3A_2567] : memref<10240x32xf32, #tpu.memory_space<vmem>>, vector<128x16xf32>
    %dot_general3A_2569 = arith.constant dense<0.000000e+00> : vector<512x128xf32>
    %dot_general3A_2570 = tpu.matmul %mul3A_3, %get3A_2568, %dot_general3A_2569 {dimension_numbers = #tpu.dot_dimension_numbers<[1], [1], [0], [0], [0, 0, 1, 0], [], []>, transpose_lhs_hint = false} : vector<512x16xf32>, vector<128x16xf32>, vector<512x128xf32> -> vector<512x128xf32>
    %get3A_2571 = arith.constant 0 : index
    %get3A_2572 = arith.constant 6784 : index
    %get3A_2573 = vector.load %arg3[%get3A_2571, %get3A_2572] : memref<1x10240xf32, #tpu.memory_space<vmem>>, vector<1x128xf32>
    %add3A_2574 = vector.broadcast %get3A_6 : vector<512x1xf32> to vector<512x128xf32>
    %add3A_2575 = vector.broadcast %get3A_2573 : vector<1x128xf32> to vector<512x128xf32>
    %add3A_2576 = arith.addf %add3A_2574, %add3A_2575 : vector<512x128xf32>
    %add3A_2577 = arith.addf %add3A_2576, %dot_general3A_2570 : vector<512x128xf32>
    %get3A_2578 = arith.constant 0 : index
    %get3A_2579 = arith.constant 6784 : index
    %get3A_2580 = vector.load %arg5[%get3A_2578, %get3A_2579] : memref<1x10240xi32, #tpu.memory_space<vmem>>, vector<1x128xi32>
    %lt3A_2581 = arith.cmpf olt, %add3A_2577, %select_n3A_2538 : vector<512x128xf32>
    %lt3A_2582 = arith.cmpf olt, %add3A_2577, %select_n3A_2543 : vector<512x128xf32>
    %lt3A_2583 = arith.cmpf olt, %add3A_2577, %select_n3A_2549 : vector<512x128xf32>
    %lt3A_2584 = arith.cmpf olt, %add3A_2577, %select_n3A_2555 : vector<512x128xf32>
    %lt3A_2585 = arith.cmpf olt, %add3A_2577, %select_n3A_2561 : vector<512x128xf32>
    %select_n3A_2586 = arith.select %lt3A_2581, %add3A_2577, %select_n3A_2538 : vector<512x128xi1>, vector<512x128xf32>
    %broadcast_in_dim3A_2587 = vector.shape_cast %get3A_2580 : vector<1x128xi32> to vector<1x128xi32>
    %broadcast_in_dim3A_2588 = vector.broadcast %broadcast_in_dim3A_2587 : vector<1x128xi32> to vector<512x128xi32>
    %select_n3A_2589 = arith.select %lt3A_2581, %broadcast_in_dim3A_2588, %select_n3A_2541 : vector<512x128xi1>, vector<512x128xi32>
    %select_n3A_2590 = arith.select %lt3A_2581, %select_n3A_2538, %add3A_2577 : vector<512x128xi1>, vector<512x128xf32>
    %select_n3A_2591 = arith.select %lt3A_2582, %select_n3A_2590, %select_n3A_2543 : vector<512x128xi1>, vector<512x128xf32>
    %broadcast_in_dim3A_2592 = vector.shape_cast %get3A_2580 : vector<1x128xi32> to vector<1x128xi32>
    %broadcast_in_dim3A_2593 = vector.broadcast %broadcast_in_dim3A_2592 : vector<1x128xi32> to vector<512x128xi32>
    %select_n3A_2594 = arith.select %lt3A_2581, %select_n3A_2541, %broadcast_in_dim3A_2593 : vector<512x128xi1>, vector<512x128xi32>
    %select_n3A_2595 = arith.select %lt3A_2582, %select_n3A_2594, %select_n3A_2547 : vector<512x128xi1>, vector<512x128xi32>
    %select_n3A_2596 = arith.select %lt3A_2582, %select_n3A_2543, %add3A_2577 : vector<512x128xi1>, vector<512x128xf32>
    %select_n3A_2597 = arith.select %lt3A_2583, %select_n3A_2596, %select_n3A_2549 : vector<512x128xi1>, vector<512x128xf32>
    %broadcast_in_dim3A_2598 = vector.shape_cast %get3A_2580 : vector<1x128xi32> to vector<1x128xi32>
    %broadcast_in_dim3A_2599 = vector.broadcast %broadcast_in_dim3A_2598 : vector<1x128xi32> to vector<512x128xi32>
    %select_n3A_2600 = arith.select %lt3A_2582, %select_n3A_2547, %broadcast_in_dim3A_2599 : vector<512x128xi1>, vector<512x128xi32>
    %select_n3A_2601 = arith.select %lt3A_2583, %select_n3A_2600, %select_n3A_2553 : vector<512x128xi1>, vector<512x128xi32>
    %select_n3A_2602 = arith.select %lt3A_2583, %select_n3A_2549, %add3A_2577 : vector<512x128xi1>, vector<512x128xf32>
    %select_n3A_2603 = arith.select %lt3A_2584, %select_n3A_2602, %select_n3A_2555 : vector<512x128xi1>, vector<512x128xf32>
    %broadcast_in_dim3A_2604 = vector.shape_cast %get3A_2580 : vector<1x128xi32> to vector<1x128xi32>
    %broadcast_in_dim3A_2605 = vector.broadcast %broadcast_in_dim3A_2604 : vector<1x128xi32> to vector<512x128xi32>
    %select_n3A_2606 = arith.select %lt3A_2583, %select_n3A_2553, %broadcast_in_dim3A_2605 : vector<512x128xi1>, vector<512x128xi32>
    %select_n3A_2607 = arith.select %lt3A_2584, %select_n3A_2606, %select_n3A_2559 : vector<512x128xi1>, vector<512x128xi32>
    %select_n3A_2608 = arith.select %lt3A_2584, %select_n3A_2555, %add3A_2577 : vector<512x128xi1>, vector<512x128xf32>
    %select_n3A_2609 = arith.select %lt3A_2585, %select_n3A_2608, %select_n3A_2561 : vector<512x128xi1>, vector<512x128xf32>
    %broadcast_in_dim3A_2610 = vector.shape_cast %get3A_2580 : vector<1x128xi32> to vector<1x128xi32>
    %broadcast_in_dim3A_2611 = vector.broadcast %broadcast_in_dim3A_2610 : vector<1x128xi32> to vector<512x128xi32>
    %select_n3A_2612 = arith.select %lt3A_2584, %select_n3A_2559, %broadcast_in_dim3A_2611 : vector<512x128xi1>, vector<512x128xi32>
    %select_n3A_2613 = arith.select %lt3A_2585, %select_n3A_2612, %select_n3A_2565 : vector<512x128xi1>, vector<512x128xi32>
    %get3A_2614 = arith.constant 6912 : index
    %get3A_2615 = arith.constant 0 : index
    %get3A_2616 = vector.load %arg4[%get3A_2614, %get3A_2615] : memref<10240x32xf32, #tpu.memory_space<vmem>>, vector<128x16xf32>
    %dot_general3A_2617 = arith.constant dense<0.000000e+00> : vector<512x128xf32>
    %dot_general3A_2618 = tpu.matmul %mul3A_3, %get3A_2616, %dot_general3A_2617 {dimension_numbers = #tpu.dot_dimension_numbers<[1], [1], [0], [0], [0, 0, 1, 0], [], []>, transpose_lhs_hint = false} : vector<512x16xf32>, vector<128x16xf32>, vector<512x128xf32> -> vector<512x128xf32>
    %get3A_2619 = arith.constant 0 : index
    %get3A_2620 = arith.constant 6912 : index
    %get3A_2621 = vector.load %arg3[%get3A_2619, %get3A_2620] : memref<1x10240xf32, #tpu.memory_space<vmem>>, vector<1x128xf32>
    %add3A_2622 = vector.broadcast %get3A_6 : vector<512x1xf32> to vector<512x128xf32>
    %add3A_2623 = vector.broadcast %get3A_2621 : vector<1x128xf32> to vector<512x128xf32>
    %add3A_2624 = arith.addf %add3A_2622, %add3A_2623 : vector<512x128xf32>
    %add3A_2625 = arith.addf %add3A_2624, %dot_general3A_2618 : vector<512x128xf32>
    %get3A_2626 = arith.constant 0 : index
    %get3A_2627 = arith.constant 6912 : index
    %get3A_2628 = vector.load %arg5[%get3A_2626, %get3A_2627] : memref<1x10240xi32, #tpu.memory_space<vmem>>, vector<1x128xi32>
    %lt3A_2629 = arith.cmpf olt, %add3A_2625, %select_n3A_2586 : vector<512x128xf32>
    %lt3A_2630 = arith.cmpf olt, %add3A_2625, %select_n3A_2591 : vector<512x128xf32>
    %lt3A_2631 = arith.cmpf olt, %add3A_2625, %select_n3A_2597 : vector<512x128xf32>
    %lt3A_2632 = arith.cmpf olt, %add3A_2625, %select_n3A_2603 : vector<512x128xf32>
    %lt3A_2633 = arith.cmpf olt, %add3A_2625, %select_n3A_2609 : vector<512x128xf32>
    %select_n3A_2634 = arith.select %lt3A_2629, %add3A_2625, %select_n3A_2586 : vector<512x128xi1>, vector<512x128xf32>
    %broadcast_in_dim3A_2635 = vector.shape_cast %get3A_2628 : vector<1x128xi32> to vector<1x128xi32>
    %broadcast_in_dim3A_2636 = vector.broadcast %broadcast_in_dim3A_2635 : vector<1x128xi32> to vector<512x128xi32>
    %select_n3A_2637 = arith.select %lt3A_2629, %broadcast_in_dim3A_2636, %select_n3A_2589 : vector<512x128xi1>, vector<512x128xi32>
    %select_n3A_2638 = arith.select %lt3A_2629, %select_n3A_2586, %add3A_2625 : vector<512x128xi1>, vector<512x128xf32>
    %select_n3A_2639 = arith.select %lt3A_2630, %select_n3A_2638, %select_n3A_2591 : vector<512x128xi1>, vector<512x128xf32>
    %broadcast_in_dim3A_2640 = vector.shape_cast %get3A_2628 : vector<1x128xi32> to vector<1x128xi32>
    %broadcast_in_dim3A_2641 = vector.broadcast %broadcast_in_dim3A_2640 : vector<1x128xi32> to vector<512x128xi32>
    %select_n3A_2642 = arith.select %lt3A_2629, %select_n3A_2589, %broadcast_in_dim3A_2641 : vector<512x128xi1>, vector<512x128xi32>
    %select_n3A_2643 = arith.select %lt3A_2630, %select_n3A_2642, %select_n3A_2595 : vector<512x128xi1>, vector<512x128xi32>
    %select_n3A_2644 = arith.select %lt3A_2630, %select_n3A_2591, %add3A_2625 : vector<512x128xi1>, vector<512x128xf32>
    %select_n3A_2645 = arith.select %lt3A_2631, %select_n3A_2644, %select_n3A_2597 : vector<512x128xi1>, vector<512x128xf32>
    %broadcast_in_dim3A_2646 = vector.shape_cast %get3A_2628 : vector<1x128xi32> to vector<1x128xi32>
    %broadcast_in_dim3A_2647 = vector.broadcast %broadcast_in_dim3A_2646 : vector<1x128xi32> to vector<512x128xi32>
    %select_n3A_2648 = arith.select %lt3A_2630, %select_n3A_2595, %broadcast_in_dim3A_2647 : vector<512x128xi1>, vector<512x128xi32>
    %select_n3A_2649 = arith.select %lt3A_2631, %select_n3A_2648, %select_n3A_2601 : vector<512x128xi1>, vector<512x128xi32>
    %select_n3A_2650 = arith.select %lt3A_2631, %select_n3A_2597, %add3A_2625 : vector<512x128xi1>, vector<512x128xf32>
    %select_n3A_2651 = arith.select %lt3A_2632, %select_n3A_2650, %select_n3A_2603 : vector<512x128xi1>, vector<512x128xf32>
    %broadcast_in_dim3A_2652 = vector.shape_cast %get3A_2628 : vector<1x128xi32> to vector<1x128xi32>
    %broadcast_in_dim3A_2653 = vector.broadcast %broadcast_in_dim3A_2652 : vector<1x128xi32> to vector<512x128xi32>
    %select_n3A_2654 = arith.select %lt3A_2631, %select_n3A_2601, %broadcast_in_dim3A_2653 : vector<512x128xi1>, vector<512x128xi32>
    %select_n3A_2655 = arith.select %lt3A_2632, %select_n3A_2654, %select_n3A_2607 : vector<512x128xi1>, vector<512x128xi32>
    %select_n3A_2656 = arith.select %lt3A_2632, %select_n3A_2603, %add3A_2625 : vector<512x128xi1>, vector<512x128xf32>
    %select_n3A_2657 = arith.select %lt3A_2633, %select_n3A_2656, %select_n3A_2609 : vector<512x128xi1>, vector<512x128xf32>
    %broadcast_in_dim3A_2658 = vector.shape_cast %get3A_2628 : vector<1x128xi32> to vector<1x128xi32>
    %broadcast_in_dim3A_2659 = vector.broadcast %broadcast_in_dim3A_2658 : vector<1x128xi32> to vector<512x128xi32>
    %select_n3A_2660 = arith.select %lt3A_2632, %select_n3A_2607, %broadcast_in_dim3A_2659 : vector<512x128xi1>, vector<512x128xi32>
    %select_n3A_2661 = arith.select %lt3A_2633, %select_n3A_2660, %select_n3A_2613 : vector<512x128xi1>, vector<512x128xi32>
    %get3A_2662 = arith.constant 7040 : index
    %get3A_2663 = arith.constant 0 : index
    %get3A_2664 = vector.load %arg4[%get3A_2662, %get3A_2663] : memref<10240x32xf32, #tpu.memory_space<vmem>>, vector<128x16xf32>
    %dot_general3A_2665 = arith.constant dense<0.000000e+00> : vector<512x128xf32>
    %dot_general3A_2666 = tpu.matmul %mul3A_3, %get3A_2664, %dot_general3A_2665 {dimension_numbers = #tpu.dot_dimension_numbers<[1], [1], [0], [0], [0, 0, 1, 0], [], []>, transpose_lhs_hint = false} : vector<512x16xf32>, vector<128x16xf32>, vector<512x128xf32> -> vector<512x128xf32>
    %get3A_2667 = arith.constant 0 : index
    %get3A_2668 = arith.constant 7040 : index
    %get3A_2669 = vector.load %arg3[%get3A_2667, %get3A_2668] : memref<1x10240xf32, #tpu.memory_space<vmem>>, vector<1x128xf32>
    %add3A_2670 = vector.broadcast %get3A_6 : vector<512x1xf32> to vector<512x128xf32>
    %add3A_2671 = vector.broadcast %get3A_2669 : vector<1x128xf32> to vector<512x128xf32>
    %add3A_2672 = arith.addf %add3A_2670, %add3A_2671 : vector<512x128xf32>
    %add3A_2673 = arith.addf %add3A_2672, %dot_general3A_2666 : vector<512x128xf32>
    %get3A_2674 = arith.constant 0 : index
    %get3A_2675 = arith.constant 7040 : index
    %get3A_2676 = vector.load %arg5[%get3A_2674, %get3A_2675] : memref<1x10240xi32, #tpu.memory_space<vmem>>, vector<1x128xi32>
    %lt3A_2677 = arith.cmpf olt, %add3A_2673, %select_n3A_2634 : vector<512x128xf32>
    %lt3A_2678 = arith.cmpf olt, %add3A_2673, %select_n3A_2639 : vector<512x128xf32>
    %lt3A_2679 = arith.cmpf olt, %add3A_2673, %select_n3A_2645 : vector<512x128xf32>
    %lt3A_2680 = arith.cmpf olt, %add3A_2673, %select_n3A_2651 : vector<512x128xf32>
    %lt3A_2681 = arith.cmpf olt, %add3A_2673, %select_n3A_2657 : vector<512x128xf32>
    %select_n3A_2682 = arith.select %lt3A_2677, %add3A_2673, %select_n3A_2634 : vector<512x128xi1>, vector<512x128xf32>
    %broadcast_in_dim3A_2683 = vector.shape_cast %get3A_2676 : vector<1x128xi32> to vector<1x128xi32>
    %broadcast_in_dim3A_2684 = vector.broadcast %broadcast_in_dim3A_2683 : vector<1x128xi32> to vector<512x128xi32>
    %select_n3A_2685 = arith.select %lt3A_2677, %broadcast_in_dim3A_2684, %select_n3A_2637 : vector<512x128xi1>, vector<512x128xi32>
    %select_n3A_2686 = arith.select %lt3A_2677, %select_n3A_2634, %add3A_2673 : vector<512x128xi1>, vector<512x128xf32>
    %select_n3A_2687 = arith.select %lt3A_2678, %select_n3A_2686, %select_n3A_2639 : vector<512x128xi1>, vector<512x128xf32>
    %broadcast_in_dim3A_2688 = vector.shape_cast %get3A_2676 : vector<1x128xi32> to vector<1x128xi32>
    %broadcast_in_dim3A_2689 = vector.broadcast %broadcast_in_dim3A_2688 : vector<1x128xi32> to vector<512x128xi32>
    %select_n3A_2690 = arith.select %lt3A_2677, %select_n3A_2637, %broadcast_in_dim3A_2689 : vector<512x128xi1>, vector<512x128xi32>
    %select_n3A_2691 = arith.select %lt3A_2678, %select_n3A_2690, %select_n3A_2643 : vector<512x128xi1>, vector<512x128xi32>
    %select_n3A_2692 = arith.select %lt3A_2678, %select_n3A_2639, %add3A_2673 : vector<512x128xi1>, vector<512x128xf32>
    %select_n3A_2693 = arith.select %lt3A_2679, %select_n3A_2692, %select_n3A_2645 : vector<512x128xi1>, vector<512x128xf32>
    %broadcast_in_dim3A_2694 = vector.shape_cast %get3A_2676 : vector<1x128xi32> to vector<1x128xi32>
    %broadcast_in_dim3A_2695 = vector.broadcast %broadcast_in_dim3A_2694 : vector<1x128xi32> to vector<512x128xi32>
    %select_n3A_2696 = arith.select %lt3A_2678, %select_n3A_2643, %broadcast_in_dim3A_2695 : vector<512x128xi1>, vector<512x128xi32>
    %select_n3A_2697 = arith.select %lt3A_2679, %select_n3A_2696, %select_n3A_2649 : vector<512x128xi1>, vector<512x128xi32>
    %select_n3A_2698 = arith.select %lt3A_2679, %select_n3A_2645, %add3A_2673 : vector<512x128xi1>, vector<512x128xf32>
    %select_n3A_2699 = arith.select %lt3A_2680, %select_n3A_2698, %select_n3A_2651 : vector<512x128xi1>, vector<512x128xf32>
    %broadcast_in_dim3A_2700 = vector.shape_cast %get3A_2676 : vector<1x128xi32> to vector<1x128xi32>
    %broadcast_in_dim3A_2701 = vector.broadcast %broadcast_in_dim3A_2700 : vector<1x128xi32> to vector<512x128xi32>
    %select_n3A_2702 = arith.select %lt3A_2679, %select_n3A_2649, %broadcast_in_dim3A_2701 : vector<512x128xi1>, vector<512x128xi32>
    %select_n3A_2703 = arith.select %lt3A_2680, %select_n3A_2702, %select_n3A_2655 : vector<512x128xi1>, vector<512x128xi32>
    %select_n3A_2704 = arith.select %lt3A_2680, %select_n3A_2651, %add3A_2673 : vector<512x128xi1>, vector<512x128xf32>
    %select_n3A_2705 = arith.select %lt3A_2681, %select_n3A_2704, %select_n3A_2657 : vector<512x128xi1>, vector<512x128xf32>
    %broadcast_in_dim3A_2706 = vector.shape_cast %get3A_2676 : vector<1x128xi32> to vector<1x128xi32>
    %broadcast_in_dim3A_2707 = vector.broadcast %broadcast_in_dim3A_2706 : vector<1x128xi32> to vector<512x128xi32>
    %select_n3A_2708 = arith.select %lt3A_2680, %select_n3A_2655, %broadcast_in_dim3A_2707 : vector<512x128xi1>, vector<512x128xi32>
    %select_n3A_2709 = arith.select %lt3A_2681, %select_n3A_2708, %select_n3A_2661 : vector<512x128xi1>, vector<512x128xi32>
    %get3A_2710 = arith.constant 7168 : index
    %get3A_2711 = arith.constant 0 : index
    %get3A_2712 = vector.load %arg4[%get3A_2710, %get3A_2711] : memref<10240x32xf32, #tpu.memory_space<vmem>>, vector<128x16xf32>
    %dot_general3A_2713 = arith.constant dense<0.000000e+00> : vector<512x128xf32>
    %dot_general3A_2714 = tpu.matmul %mul3A_3, %get3A_2712, %dot_general3A_2713 {dimension_numbers = #tpu.dot_dimension_numbers<[1], [1], [0], [0], [0, 0, 1, 0], [], []>, transpose_lhs_hint = false} : vector<512x16xf32>, vector<128x16xf32>, vector<512x128xf32> -> vector<512x128xf32>
    %get3A_2715 = arith.constant 0 : index
    %get3A_2716 = arith.constant 7168 : index
    %get3A_2717 = vector.load %arg3[%get3A_2715, %get3A_2716] : memref<1x10240xf32, #tpu.memory_space<vmem>>, vector<1x128xf32>
    %add3A_2718 = vector.broadcast %get3A_6 : vector<512x1xf32> to vector<512x128xf32>
    %add3A_2719 = vector.broadcast %get3A_2717 : vector<1x128xf32> to vector<512x128xf32>
    %add3A_2720 = arith.addf %add3A_2718, %add3A_2719 : vector<512x128xf32>
    %add3A_2721 = arith.addf %add3A_2720, %dot_general3A_2714 : vector<512x128xf32>
    %get3A_2722 = arith.constant 0 : index
    %get3A_2723 = arith.constant 7168 : index
    %get3A_2724 = vector.load %arg5[%get3A_2722, %get3A_2723] : memref<1x10240xi32, #tpu.memory_space<vmem>>, vector<1x128xi32>
    %lt3A_2725 = arith.cmpf olt, %add3A_2721, %select_n3A_2682 : vector<512x128xf32>
    %lt3A_2726 = arith.cmpf olt, %add3A_2721, %select_n3A_2687 : vector<512x128xf32>
    %lt3A_2727 = arith.cmpf olt, %add3A_2721, %select_n3A_2693 : vector<512x128xf32>
    %lt3A_2728 = arith.cmpf olt, %add3A_2721, %select_n3A_2699 : vector<512x128xf32>
    %lt3A_2729 = arith.cmpf olt, %add3A_2721, %select_n3A_2705 : vector<512x128xf32>
    %select_n3A_2730 = arith.select %lt3A_2725, %add3A_2721, %select_n3A_2682 : vector<512x128xi1>, vector<512x128xf32>
    %broadcast_in_dim3A_2731 = vector.shape_cast %get3A_2724 : vector<1x128xi32> to vector<1x128xi32>
    %broadcast_in_dim3A_2732 = vector.broadcast %broadcast_in_dim3A_2731 : vector<1x128xi32> to vector<512x128xi32>
    %select_n3A_2733 = arith.select %lt3A_2725, %broadcast_in_dim3A_2732, %select_n3A_2685 : vector<512x128xi1>, vector<512x128xi32>
    %select_n3A_2734 = arith.select %lt3A_2725, %select_n3A_2682, %add3A_2721 : vector<512x128xi1>, vector<512x128xf32>
    %select_n3A_2735 = arith.select %lt3A_2726, %select_n3A_2734, %select_n3A_2687 : vector<512x128xi1>, vector<512x128xf32>
    %broadcast_in_dim3A_2736 = vector.shape_cast %get3A_2724 : vector<1x128xi32> to vector<1x128xi32>
    %broadcast_in_dim3A_2737 = vector.broadcast %broadcast_in_dim3A_2736 : vector<1x128xi32> to vector<512x128xi32>
    %select_n3A_2738 = arith.select %lt3A_2725, %select_n3A_2685, %broadcast_in_dim3A_2737 : vector<512x128xi1>, vector<512x128xi32>
    %select_n3A_2739 = arith.select %lt3A_2726, %select_n3A_2738, %select_n3A_2691 : vector<512x128xi1>, vector<512x128xi32>
    %select_n3A_2740 = arith.select %lt3A_2726, %select_n3A_2687, %add3A_2721 : vector<512x128xi1>, vector<512x128xf32>
    %select_n3A_2741 = arith.select %lt3A_2727, %select_n3A_2740, %select_n3A_2693 : vector<512x128xi1>, vector<512x128xf32>
    %broadcast_in_dim3A_2742 = vector.shape_cast %get3A_2724 : vector<1x128xi32> to vector<1x128xi32>
    %broadcast_in_dim3A_2743 = vector.broadcast %broadcast_in_dim3A_2742 : vector<1x128xi32> to vector<512x128xi32>
    %select_n3A_2744 = arith.select %lt3A_2726, %select_n3A_2691, %broadcast_in_dim3A_2743 : vector<512x128xi1>, vector<512x128xi32>
    %select_n3A_2745 = arith.select %lt3A_2727, %select_n3A_2744, %select_n3A_2697 : vector<512x128xi1>, vector<512x128xi32>
    %select_n3A_2746 = arith.select %lt3A_2727, %select_n3A_2693, %add3A_2721 : vector<512x128xi1>, vector<512x128xf32>
    %select_n3A_2747 = arith.select %lt3A_2728, %select_n3A_2746, %select_n3A_2699 : vector<512x128xi1>, vector<512x128xf32>
    %broadcast_in_dim3A_2748 = vector.shape_cast %get3A_2724 : vector<1x128xi32> to vector<1x128xi32>
    %broadcast_in_dim3A_2749 = vector.broadcast %broadcast_in_dim3A_2748 : vector<1x128xi32> to vector<512x128xi32>
    %select_n3A_2750 = arith.select %lt3A_2727, %select_n3A_2697, %broadcast_in_dim3A_2749 : vector<512x128xi1>, vector<512x128xi32>
    %select_n3A_2751 = arith.select %lt3A_2728, %select_n3A_2750, %select_n3A_2703 : vector<512x128xi1>, vector<512x128xi32>
    %select_n3A_2752 = arith.select %lt3A_2728, %select_n3A_2699, %add3A_2721 : vector<512x128xi1>, vector<512x128xf32>
    %select_n3A_2753 = arith.select %lt3A_2729, %select_n3A_2752, %select_n3A_2705 : vector<512x128xi1>, vector<512x128xf32>
    %broadcast_in_dim3A_2754 = vector.shape_cast %get3A_2724 : vector<1x128xi32> to vector<1x128xi32>
    %broadcast_in_dim3A_2755 = vector.broadcast %broadcast_in_dim3A_2754 : vector<1x128xi32> to vector<512x128xi32>
    %select_n3A_2756 = arith.select %lt3A_2728, %select_n3A_2703, %broadcast_in_dim3A_2755 : vector<512x128xi1>, vector<512x128xi32>
    %select_n3A_2757 = arith.select %lt3A_2729, %select_n3A_2756, %select_n3A_2709 : vector<512x128xi1>, vector<512x128xi32>
    %get3A_2758 = arith.constant 7296 : index
    %get3A_2759 = arith.constant 0 : index
    %get3A_2760 = vector.load %arg4[%get3A_2758, %get3A_2759] : memref<10240x32xf32, #tpu.memory_space<vmem>>, vector<128x16xf32>
    %dot_general3A_2761 = arith.constant dense<0.000000e+00> : vector<512x128xf32>
    %dot_general3A_2762 = tpu.matmul %mul3A_3, %get3A_2760, %dot_general3A_2761 {dimension_numbers = #tpu.dot_dimension_numbers<[1], [1], [0], [0], [0, 0, 1, 0], [], []>, transpose_lhs_hint = false} : vector<512x16xf32>, vector<128x16xf32>, vector<512x128xf32> -> vector<512x128xf32>
    %get3A_2763 = arith.constant 0 : index
    %get3A_2764 = arith.constant 7296 : index
    %get3A_2765 = vector.load %arg3[%get3A_2763, %get3A_2764] : memref<1x10240xf32, #tpu.memory_space<vmem>>, vector<1x128xf32>
    %add3A_2766 = vector.broadcast %get3A_6 : vector<512x1xf32> to vector<512x128xf32>
    %add3A_2767 = vector.broadcast %get3A_2765 : vector<1x128xf32> to vector<512x128xf32>
    %add3A_2768 = arith.addf %add3A_2766, %add3A_2767 : vector<512x128xf32>
    %add3A_2769 = arith.addf %add3A_2768, %dot_general3A_2762 : vector<512x128xf32>
    %get3A_2770 = arith.constant 0 : index
    %get3A_2771 = arith.constant 7296 : index
    %get3A_2772 = vector.load %arg5[%get3A_2770, %get3A_2771] : memref<1x10240xi32, #tpu.memory_space<vmem>>, vector<1x128xi32>
    %lt3A_2773 = arith.cmpf olt, %add3A_2769, %select_n3A_2730 : vector<512x128xf32>
    %lt3A_2774 = arith.cmpf olt, %add3A_2769, %select_n3A_2735 : vector<512x128xf32>
    %lt3A_2775 = arith.cmpf olt, %add3A_2769, %select_n3A_2741 : vector<512x128xf32>
    %lt3A_2776 = arith.cmpf olt, %add3A_2769, %select_n3A_2747 : vector<512x128xf32>
    %lt3A_2777 = arith.cmpf olt, %add3A_2769, %select_n3A_2753 : vector<512x128xf32>
    %select_n3A_2778 = arith.select %lt3A_2773, %add3A_2769, %select_n3A_2730 : vector<512x128xi1>, vector<512x128xf32>
    %broadcast_in_dim3A_2779 = vector.shape_cast %get3A_2772 : vector<1x128xi32> to vector<1x128xi32>
    %broadcast_in_dim3A_2780 = vector.broadcast %broadcast_in_dim3A_2779 : vector<1x128xi32> to vector<512x128xi32>
    %select_n3A_2781 = arith.select %lt3A_2773, %broadcast_in_dim3A_2780, %select_n3A_2733 : vector<512x128xi1>, vector<512x128xi32>
    %select_n3A_2782 = arith.select %lt3A_2773, %select_n3A_2730, %add3A_2769 : vector<512x128xi1>, vector<512x128xf32>
    %select_n3A_2783 = arith.select %lt3A_2774, %select_n3A_2782, %select_n3A_2735 : vector<512x128xi1>, vector<512x128xf32>
    %broadcast_in_dim3A_2784 = vector.shape_cast %get3A_2772 : vector<1x128xi32> to vector<1x128xi32>
    %broadcast_in_dim3A_2785 = vector.broadcast %broadcast_in_dim3A_2784 : vector<1x128xi32> to vector<512x128xi32>
    %select_n3A_2786 = arith.select %lt3A_2773, %select_n3A_2733, %broadcast_in_dim3A_2785 : vector<512x128xi1>, vector<512x128xi32>
    %select_n3A_2787 = arith.select %lt3A_2774, %select_n3A_2786, %select_n3A_2739 : vector<512x128xi1>, vector<512x128xi32>
    %select_n3A_2788 = arith.select %lt3A_2774, %select_n3A_2735, %add3A_2769 : vector<512x128xi1>, vector<512x128xf32>
    %select_n3A_2789 = arith.select %lt3A_2775, %select_n3A_2788, %select_n3A_2741 : vector<512x128xi1>, vector<512x128xf32>
    %broadcast_in_dim3A_2790 = vector.shape_cast %get3A_2772 : vector<1x128xi32> to vector<1x128xi32>
    %broadcast_in_dim3A_2791 = vector.broadcast %broadcast_in_dim3A_2790 : vector<1x128xi32> to vector<512x128xi32>
    %select_n3A_2792 = arith.select %lt3A_2774, %select_n3A_2739, %broadcast_in_dim3A_2791 : vector<512x128xi1>, vector<512x128xi32>
    %select_n3A_2793 = arith.select %lt3A_2775, %select_n3A_2792, %select_n3A_2745 : vector<512x128xi1>, vector<512x128xi32>
    %select_n3A_2794 = arith.select %lt3A_2775, %select_n3A_2741, %add3A_2769 : vector<512x128xi1>, vector<512x128xf32>
    %select_n3A_2795 = arith.select %lt3A_2776, %select_n3A_2794, %select_n3A_2747 : vector<512x128xi1>, vector<512x128xf32>
    %broadcast_in_dim3A_2796 = vector.shape_cast %get3A_2772 : vector<1x128xi32> to vector<1x128xi32>
    %broadcast_in_dim3A_2797 = vector.broadcast %broadcast_in_dim3A_2796 : vector<1x128xi32> to vector<512x128xi32>
    %select_n3A_2798 = arith.select %lt3A_2775, %select_n3A_2745, %broadcast_in_dim3A_2797 : vector<512x128xi1>, vector<512x128xi32>
    %select_n3A_2799 = arith.select %lt3A_2776, %select_n3A_2798, %select_n3A_2751 : vector<512x128xi1>, vector<512x128xi32>
    %select_n3A_2800 = arith.select %lt3A_2776, %select_n3A_2747, %add3A_2769 : vector<512x128xi1>, vector<512x128xf32>
    %select_n3A_2801 = arith.select %lt3A_2777, %select_n3A_2800, %select_n3A_2753 : vector<512x128xi1>, vector<512x128xf32>
    %broadcast_in_dim3A_2802 = vector.shape_cast %get3A_2772 : vector<1x128xi32> to vector<1x128xi32>
    %broadcast_in_dim3A_2803 = vector.broadcast %broadcast_in_dim3A_2802 : vector<1x128xi32> to vector<512x128xi32>
    %select_n3A_2804 = arith.select %lt3A_2776, %select_n3A_2751, %broadcast_in_dim3A_2803 : vector<512x128xi1>, vector<512x128xi32>
    %select_n3A_2805 = arith.select %lt3A_2777, %select_n3A_2804, %select_n3A_2757 : vector<512x128xi1>, vector<512x128xi32>
    %get3A_2806 = arith.constant 7424 : index
    %get3A_2807 = arith.constant 0 : index
    %get3A_2808 = vector.load %arg4[%get3A_2806, %get3A_2807] : memref<10240x32xf32, #tpu.memory_space<vmem>>, vector<128x16xf32>
    %dot_general3A_2809 = arith.constant dense<0.000000e+00> : vector<512x128xf32>
    %dot_general3A_2810 = tpu.matmul %mul3A_3, %get3A_2808, %dot_general3A_2809 {dimension_numbers = #tpu.dot_dimension_numbers<[1], [1], [0], [0], [0, 0, 1, 0], [], []>, transpose_lhs_hint = false} : vector<512x16xf32>, vector<128x16xf32>, vector<512x128xf32> -> vector<512x128xf32>
    %get3A_2811 = arith.constant 0 : index
    %get3A_2812 = arith.constant 7424 : index
    %get3A_2813 = vector.load %arg3[%get3A_2811, %get3A_2812] : memref<1x10240xf32, #tpu.memory_space<vmem>>, vector<1x128xf32>
    %add3A_2814 = vector.broadcast %get3A_6 : vector<512x1xf32> to vector<512x128xf32>
    %add3A_2815 = vector.broadcast %get3A_2813 : vector<1x128xf32> to vector<512x128xf32>
    %add3A_2816 = arith.addf %add3A_2814, %add3A_2815 : vector<512x128xf32>
    %add3A_2817 = arith.addf %add3A_2816, %dot_general3A_2810 : vector<512x128xf32>
    %get3A_2818 = arith.constant 0 : index
    %get3A_2819 = arith.constant 7424 : index
    %get3A_2820 = vector.load %arg5[%get3A_2818, %get3A_2819] : memref<1x10240xi32, #tpu.memory_space<vmem>>, vector<1x128xi32>
    %lt3A_2821 = arith.cmpf olt, %add3A_2817, %select_n3A_2778 : vector<512x128xf32>
    %lt3A_2822 = arith.cmpf olt, %add3A_2817, %select_n3A_2783 : vector<512x128xf32>
    %lt3A_2823 = arith.cmpf olt, %add3A_2817, %select_n3A_2789 : vector<512x128xf32>
    %lt3A_2824 = arith.cmpf olt, %add3A_2817, %select_n3A_2795 : vector<512x128xf32>
    %lt3A_2825 = arith.cmpf olt, %add3A_2817, %select_n3A_2801 : vector<512x128xf32>
    %select_n3A_2826 = arith.select %lt3A_2821, %add3A_2817, %select_n3A_2778 : vector<512x128xi1>, vector<512x128xf32>
    %broadcast_in_dim3A_2827 = vector.shape_cast %get3A_2820 : vector<1x128xi32> to vector<1x128xi32>
    %broadcast_in_dim3A_2828 = vector.broadcast %broadcast_in_dim3A_2827 : vector<1x128xi32> to vector<512x128xi32>
    %select_n3A_2829 = arith.select %lt3A_2821, %broadcast_in_dim3A_2828, %select_n3A_2781 : vector<512x128xi1>, vector<512x128xi32>
    %select_n3A_2830 = arith.select %lt3A_2821, %select_n3A_2778, %add3A_2817 : vector<512x128xi1>, vector<512x128xf32>
    %select_n3A_2831 = arith.select %lt3A_2822, %select_n3A_2830, %select_n3A_2783 : vector<512x128xi1>, vector<512x128xf32>
    %broadcast_in_dim3A_2832 = vector.shape_cast %get3A_2820 : vector<1x128xi32> to vector<1x128xi32>
    %broadcast_in_dim3A_2833 = vector.broadcast %broadcast_in_dim3A_2832 : vector<1x128xi32> to vector<512x128xi32>
    %select_n3A_2834 = arith.select %lt3A_2821, %select_n3A_2781, %broadcast_in_dim3A_2833 : vector<512x128xi1>, vector<512x128xi32>
    %select_n3A_2835 = arith.select %lt3A_2822, %select_n3A_2834, %select_n3A_2787 : vector<512x128xi1>, vector<512x128xi32>
    %select_n3A_2836 = arith.select %lt3A_2822, %select_n3A_2783, %add3A_2817 : vector<512x128xi1>, vector<512x128xf32>
    %select_n3A_2837 = arith.select %lt3A_2823, %select_n3A_2836, %select_n3A_2789 : vector<512x128xi1>, vector<512x128xf32>
    %broadcast_in_dim3A_2838 = vector.shape_cast %get3A_2820 : vector<1x128xi32> to vector<1x128xi32>
    %broadcast_in_dim3A_2839 = vector.broadcast %broadcast_in_dim3A_2838 : vector<1x128xi32> to vector<512x128xi32>
    %select_n3A_2840 = arith.select %lt3A_2822, %select_n3A_2787, %broadcast_in_dim3A_2839 : vector<512x128xi1>, vector<512x128xi32>
    %select_n3A_2841 = arith.select %lt3A_2823, %select_n3A_2840, %select_n3A_2793 : vector<512x128xi1>, vector<512x128xi32>
    %select_n3A_2842 = arith.select %lt3A_2823, %select_n3A_2789, %add3A_2817 : vector<512x128xi1>, vector<512x128xf32>
    %select_n3A_2843 = arith.select %lt3A_2824, %select_n3A_2842, %select_n3A_2795 : vector<512x128xi1>, vector<512x128xf32>
    %broadcast_in_dim3A_2844 = vector.shape_cast %get3A_2820 : vector<1x128xi32> to vector<1x128xi32>
    %broadcast_in_dim3A_2845 = vector.broadcast %broadcast_in_dim3A_2844 : vector<1x128xi32> to vector<512x128xi32>
    %select_n3A_2846 = arith.select %lt3A_2823, %select_n3A_2793, %broadcast_in_dim3A_2845 : vector<512x128xi1>, vector<512x128xi32>
    %select_n3A_2847 = arith.select %lt3A_2824, %select_n3A_2846, %select_n3A_2799 : vector<512x128xi1>, vector<512x128xi32>
    %select_n3A_2848 = arith.select %lt3A_2824, %select_n3A_2795, %add3A_2817 : vector<512x128xi1>, vector<512x128xf32>
    %select_n3A_2849 = arith.select %lt3A_2825, %select_n3A_2848, %select_n3A_2801 : vector<512x128xi1>, vector<512x128xf32>
    %broadcast_in_dim3A_2850 = vector.shape_cast %get3A_2820 : vector<1x128xi32> to vector<1x128xi32>
    %broadcast_in_dim3A_2851 = vector.broadcast %broadcast_in_dim3A_2850 : vector<1x128xi32> to vector<512x128xi32>
    %select_n3A_2852 = arith.select %lt3A_2824, %select_n3A_2799, %broadcast_in_dim3A_2851 : vector<512x128xi1>, vector<512x128xi32>
    %select_n3A_2853 = arith.select %lt3A_2825, %select_n3A_2852, %select_n3A_2805 : vector<512x128xi1>, vector<512x128xi32>
    %get3A_2854 = arith.constant 7552 : index
    %get3A_2855 = arith.constant 0 : index
    %get3A_2856 = vector.load %arg4[%get3A_2854, %get3A_2855] : memref<10240x32xf32, #tpu.memory_space<vmem>>, vector<128x16xf32>
    %dot_general3A_2857 = arith.constant dense<0.000000e+00> : vector<512x128xf32>
    %dot_general3A_2858 = tpu.matmul %mul3A_3, %get3A_2856, %dot_general3A_2857 {dimension_numbers = #tpu.dot_dimension_numbers<[1], [1], [0], [0], [0, 0, 1, 0], [], []>, transpose_lhs_hint = false} : vector<512x16xf32>, vector<128x16xf32>, vector<512x128xf32> -> vector<512x128xf32>
    %get3A_2859 = arith.constant 0 : index
    %get3A_2860 = arith.constant 7552 : index
    %get3A_2861 = vector.load %arg3[%get3A_2859, %get3A_2860] : memref<1x10240xf32, #tpu.memory_space<vmem>>, vector<1x128xf32>
    %add3A_2862 = vector.broadcast %get3A_6 : vector<512x1xf32> to vector<512x128xf32>
    %add3A_2863 = vector.broadcast %get3A_2861 : vector<1x128xf32> to vector<512x128xf32>
    %add3A_2864 = arith.addf %add3A_2862, %add3A_2863 : vector<512x128xf32>
    %add3A_2865 = arith.addf %add3A_2864, %dot_general3A_2858 : vector<512x128xf32>
    %get3A_2866 = arith.constant 0 : index
    %get3A_2867 = arith.constant 7552 : index
    %get3A_2868 = vector.load %arg5[%get3A_2866, %get3A_2867] : memref<1x10240xi32, #tpu.memory_space<vmem>>, vector<1x128xi32>
    %lt3A_2869 = arith.cmpf olt, %add3A_2865, %select_n3A_2826 : vector<512x128xf32>
    %lt3A_2870 = arith.cmpf olt, %add3A_2865, %select_n3A_2831 : vector<512x128xf32>
    %lt3A_2871 = arith.cmpf olt, %add3A_2865, %select_n3A_2837 : vector<512x128xf32>
    %lt3A_2872 = arith.cmpf olt, %add3A_2865, %select_n3A_2843 : vector<512x128xf32>
    %lt3A_2873 = arith.cmpf olt, %add3A_2865, %select_n3A_2849 : vector<512x128xf32>
    %select_n3A_2874 = arith.select %lt3A_2869, %add3A_2865, %select_n3A_2826 : vector<512x128xi1>, vector<512x128xf32>
    %broadcast_in_dim3A_2875 = vector.shape_cast %get3A_2868 : vector<1x128xi32> to vector<1x128xi32>
    %broadcast_in_dim3A_2876 = vector.broadcast %broadcast_in_dim3A_2875 : vector<1x128xi32> to vector<512x128xi32>
    %select_n3A_2877 = arith.select %lt3A_2869, %broadcast_in_dim3A_2876, %select_n3A_2829 : vector<512x128xi1>, vector<512x128xi32>
    %select_n3A_2878 = arith.select %lt3A_2869, %select_n3A_2826, %add3A_2865 : vector<512x128xi1>, vector<512x128xf32>
    %select_n3A_2879 = arith.select %lt3A_2870, %select_n3A_2878, %select_n3A_2831 : vector<512x128xi1>, vector<512x128xf32>
    %broadcast_in_dim3A_2880 = vector.shape_cast %get3A_2868 : vector<1x128xi32> to vector<1x128xi32>
    %broadcast_in_dim3A_2881 = vector.broadcast %broadcast_in_dim3A_2880 : vector<1x128xi32> to vector<512x128xi32>
    %select_n3A_2882 = arith.select %lt3A_2869, %select_n3A_2829, %broadcast_in_dim3A_2881 : vector<512x128xi1>, vector<512x128xi32>
    %select_n3A_2883 = arith.select %lt3A_2870, %select_n3A_2882, %select_n3A_2835 : vector<512x128xi1>, vector<512x128xi32>
    %select_n3A_2884 = arith.select %lt3A_2870, %select_n3A_2831, %add3A_2865 : vector<512x128xi1>, vector<512x128xf32>
    %select_n3A_2885 = arith.select %lt3A_2871, %select_n3A_2884, %select_n3A_2837 : vector<512x128xi1>, vector<512x128xf32>
    %broadcast_in_dim3A_2886 = vector.shape_cast %get3A_2868 : vector<1x128xi32> to vector<1x128xi32>
    %broadcast_in_dim3A_2887 = vector.broadcast %broadcast_in_dim3A_2886 : vector<1x128xi32> to vector<512x128xi32>
    %select_n3A_2888 = arith.select %lt3A_2870, %select_n3A_2835, %broadcast_in_dim3A_2887 : vector<512x128xi1>, vector<512x128xi32>
    %select_n3A_2889 = arith.select %lt3A_2871, %select_n3A_2888, %select_n3A_2841 : vector<512x128xi1>, vector<512x128xi32>
    %select_n3A_2890 = arith.select %lt3A_2871, %select_n3A_2837, %add3A_2865 : vector<512x128xi1>, vector<512x128xf32>
    %select_n3A_2891 = arith.select %lt3A_2872, %select_n3A_2890, %select_n3A_2843 : vector<512x128xi1>, vector<512x128xf32>
    %broadcast_in_dim3A_2892 = vector.shape_cast %get3A_2868 : vector<1x128xi32> to vector<1x128xi32>
    %broadcast_in_dim3A_2893 = vector.broadcast %broadcast_in_dim3A_2892 : vector<1x128xi32> to vector<512x128xi32>
    %select_n3A_2894 = arith.select %lt3A_2871, %select_n3A_2841, %broadcast_in_dim3A_2893 : vector<512x128xi1>, vector<512x128xi32>
    %select_n3A_2895 = arith.select %lt3A_2872, %select_n3A_2894, %select_n3A_2847 : vector<512x128xi1>, vector<512x128xi32>
    %select_n3A_2896 = arith.select %lt3A_2872, %select_n3A_2843, %add3A_2865 : vector<512x128xi1>, vector<512x128xf32>
    %select_n3A_2897 = arith.select %lt3A_2873, %select_n3A_2896, %select_n3A_2849 : vector<512x128xi1>, vector<512x128xf32>
    %broadcast_in_dim3A_2898 = vector.shape_cast %get3A_2868 : vector<1x128xi32> to vector<1x128xi32>
    %broadcast_in_dim3A_2899 = vector.broadcast %broadcast_in_dim3A_2898 : vector<1x128xi32> to vector<512x128xi32>
    %select_n3A_2900 = arith.select %lt3A_2872, %select_n3A_2847, %broadcast_in_dim3A_2899 : vector<512x128xi1>, vector<512x128xi32>
    %select_n3A_2901 = arith.select %lt3A_2873, %select_n3A_2900, %select_n3A_2853 : vector<512x128xi1>, vector<512x128xi32>
    %get3A_2902 = arith.constant 7680 : index
    %get3A_2903 = arith.constant 0 : index
    %get3A_2904 = vector.load %arg4[%get3A_2902, %get3A_2903] : memref<10240x32xf32, #tpu.memory_space<vmem>>, vector<128x16xf32>
    %dot_general3A_2905 = arith.constant dense<0.000000e+00> : vector<512x128xf32>
    %dot_general3A_2906 = tpu.matmul %mul3A_3, %get3A_2904, %dot_general3A_2905 {dimension_numbers = #tpu.dot_dimension_numbers<[1], [1], [0], [0], [0, 0, 1, 0], [], []>, transpose_lhs_hint = false} : vector<512x16xf32>, vector<128x16xf32>, vector<512x128xf32> -> vector<512x128xf32>
    %get3A_2907 = arith.constant 0 : index
    %get3A_2908 = arith.constant 7680 : index
    %get3A_2909 = vector.load %arg3[%get3A_2907, %get3A_2908] : memref<1x10240xf32, #tpu.memory_space<vmem>>, vector<1x128xf32>
    %add3A_2910 = vector.broadcast %get3A_6 : vector<512x1xf32> to vector<512x128xf32>
    %add3A_2911 = vector.broadcast %get3A_2909 : vector<1x128xf32> to vector<512x128xf32>
    %add3A_2912 = arith.addf %add3A_2910, %add3A_2911 : vector<512x128xf32>
    %add3A_2913 = arith.addf %add3A_2912, %dot_general3A_2906 : vector<512x128xf32>
    %get3A_2914 = arith.constant 0 : index
    %get3A_2915 = arith.constant 7680 : index
    %get3A_2916 = vector.load %arg5[%get3A_2914, %get3A_2915] : memref<1x10240xi32, #tpu.memory_space<vmem>>, vector<1x128xi32>
    %lt3A_2917 = arith.cmpf olt, %add3A_2913, %select_n3A_2874 : vector<512x128xf32>
    %lt3A_2918 = arith.cmpf olt, %add3A_2913, %select_n3A_2879 : vector<512x128xf32>
    %lt3A_2919 = arith.cmpf olt, %add3A_2913, %select_n3A_2885 : vector<512x128xf32>
    %lt3A_2920 = arith.cmpf olt, %add3A_2913, %select_n3A_2891 : vector<512x128xf32>
    %lt3A_2921 = arith.cmpf olt, %add3A_2913, %select_n3A_2897 : vector<512x128xf32>
    %select_n3A_2922 = arith.select %lt3A_2917, %add3A_2913, %select_n3A_2874 : vector<512x128xi1>, vector<512x128xf32>
    %broadcast_in_dim3A_2923 = vector.shape_cast %get3A_2916 : vector<1x128xi32> to vector<1x128xi32>
    %broadcast_in_dim3A_2924 = vector.broadcast %broadcast_in_dim3A_2923 : vector<1x128xi32> to vector<512x128xi32>
    %select_n3A_2925 = arith.select %lt3A_2917, %broadcast_in_dim3A_2924, %select_n3A_2877 : vector<512x128xi1>, vector<512x128xi32>
    %select_n3A_2926 = arith.select %lt3A_2917, %select_n3A_2874, %add3A_2913 : vector<512x128xi1>, vector<512x128xf32>
    %select_n3A_2927 = arith.select %lt3A_2918, %select_n3A_2926, %select_n3A_2879 : vector<512x128xi1>, vector<512x128xf32>
    %broadcast_in_dim3A_2928 = vector.shape_cast %get3A_2916 : vector<1x128xi32> to vector<1x128xi32>
    %broadcast_in_dim3A_2929 = vector.broadcast %broadcast_in_dim3A_2928 : vector<1x128xi32> to vector<512x128xi32>
    %select_n3A_2930 = arith.select %lt3A_2917, %select_n3A_2877, %broadcast_in_dim3A_2929 : vector<512x128xi1>, vector<512x128xi32>
    %select_n3A_2931 = arith.select %lt3A_2918, %select_n3A_2930, %select_n3A_2883 : vector<512x128xi1>, vector<512x128xi32>
    %select_n3A_2932 = arith.select %lt3A_2918, %select_n3A_2879, %add3A_2913 : vector<512x128xi1>, vector<512x128xf32>
    %select_n3A_2933 = arith.select %lt3A_2919, %select_n3A_2932, %select_n3A_2885 : vector<512x128xi1>, vector<512x128xf32>
    %broadcast_in_dim3A_2934 = vector.shape_cast %get3A_2916 : vector<1x128xi32> to vector<1x128xi32>
    %broadcast_in_dim3A_2935 = vector.broadcast %broadcast_in_dim3A_2934 : vector<1x128xi32> to vector<512x128xi32>
    %select_n3A_2936 = arith.select %lt3A_2918, %select_n3A_2883, %broadcast_in_dim3A_2935 : vector<512x128xi1>, vector<512x128xi32>
    %select_n3A_2937 = arith.select %lt3A_2919, %select_n3A_2936, %select_n3A_2889 : vector<512x128xi1>, vector<512x128xi32>
    %select_n3A_2938 = arith.select %lt3A_2919, %select_n3A_2885, %add3A_2913 : vector<512x128xi1>, vector<512x128xf32>
    %select_n3A_2939 = arith.select %lt3A_2920, %select_n3A_2938, %select_n3A_2891 : vector<512x128xi1>, vector<512x128xf32>
    %broadcast_in_dim3A_2940 = vector.shape_cast %get3A_2916 : vector<1x128xi32> to vector<1x128xi32>
    %broadcast_in_dim3A_2941 = vector.broadcast %broadcast_in_dim3A_2940 : vector<1x128xi32> to vector<512x128xi32>
    %select_n3A_2942 = arith.select %lt3A_2919, %select_n3A_2889, %broadcast_in_dim3A_2941 : vector<512x128xi1>, vector<512x128xi32>
    %select_n3A_2943 = arith.select %lt3A_2920, %select_n3A_2942, %select_n3A_2895 : vector<512x128xi1>, vector<512x128xi32>
    %select_n3A_2944 = arith.select %lt3A_2920, %select_n3A_2891, %add3A_2913 : vector<512x128xi1>, vector<512x128xf32>
    %select_n3A_2945 = arith.select %lt3A_2921, %select_n3A_2944, %select_n3A_2897 : vector<512x128xi1>, vector<512x128xf32>
    %broadcast_in_dim3A_2946 = vector.shape_cast %get3A_2916 : vector<1x128xi32> to vector<1x128xi32>
    %broadcast_in_dim3A_2947 = vector.broadcast %broadcast_in_dim3A_2946 : vector<1x128xi32> to vector<512x128xi32>
    %select_n3A_2948 = arith.select %lt3A_2920, %select_n3A_2895, %broadcast_in_dim3A_2947 : vector<512x128xi1>, vector<512x128xi32>
    %select_n3A_2949 = arith.select %lt3A_2921, %select_n3A_2948, %select_n3A_2901 : vector<512x128xi1>, vector<512x128xi32>
    %get3A_2950 = arith.constant 7808 : index
    %get3A_2951 = arith.constant 0 : index
    %get3A_2952 = vector.load %arg4[%get3A_2950, %get3A_2951] : memref<10240x32xf32, #tpu.memory_space<vmem>>, vector<128x16xf32>
    %dot_general3A_2953 = arith.constant dense<0.000000e+00> : vector<512x128xf32>
    %dot_general3A_2954 = tpu.matmul %mul3A_3, %get3A_2952, %dot_general3A_2953 {dimension_numbers = #tpu.dot_dimension_numbers<[1], [1], [0], [0], [0, 0, 1, 0], [], []>, transpose_lhs_hint = false} : vector<512x16xf32>, vector<128x16xf32>, vector<512x128xf32> -> vector<512x128xf32>
    %get3A_2955 = arith.constant 0 : index
    %get3A_2956 = arith.constant 7808 : index
    %get3A_2957 = vector.load %arg3[%get3A_2955, %get3A_2956] : memref<1x10240xf32, #tpu.memory_space<vmem>>, vector<1x128xf32>
    %add3A_2958 = vector.broadcast %get3A_6 : vector<512x1xf32> to vector<512x128xf32>
    %add3A_2959 = vector.broadcast %get3A_2957 : vector<1x128xf32> to vector<512x128xf32>
    %add3A_2960 = arith.addf %add3A_2958, %add3A_2959 : vector<512x128xf32>
    %add3A_2961 = arith.addf %add3A_2960, %dot_general3A_2954 : vector<512x128xf32>
    %get3A_2962 = arith.constant 0 : index
    %get3A_2963 = arith.constant 7808 : index
    %get3A_2964 = vector.load %arg5[%get3A_2962, %get3A_2963] : memref<1x10240xi32, #tpu.memory_space<vmem>>, vector<1x128xi32>
    %lt3A_2965 = arith.cmpf olt, %add3A_2961, %select_n3A_2922 : vector<512x128xf32>
    %lt3A_2966 = arith.cmpf olt, %add3A_2961, %select_n3A_2927 : vector<512x128xf32>
    %lt3A_2967 = arith.cmpf olt, %add3A_2961, %select_n3A_2933 : vector<512x128xf32>
    %lt3A_2968 = arith.cmpf olt, %add3A_2961, %select_n3A_2939 : vector<512x128xf32>
    %lt3A_2969 = arith.cmpf olt, %add3A_2961, %select_n3A_2945 : vector<512x128xf32>
    %select_n3A_2970 = arith.select %lt3A_2965, %add3A_2961, %select_n3A_2922 : vector<512x128xi1>, vector<512x128xf32>
    %broadcast_in_dim3A_2971 = vector.shape_cast %get3A_2964 : vector<1x128xi32> to vector<1x128xi32>
    %broadcast_in_dim3A_2972 = vector.broadcast %broadcast_in_dim3A_2971 : vector<1x128xi32> to vector<512x128xi32>
    %select_n3A_2973 = arith.select %lt3A_2965, %broadcast_in_dim3A_2972, %select_n3A_2925 : vector<512x128xi1>, vector<512x128xi32>
    %select_n3A_2974 = arith.select %lt3A_2965, %select_n3A_2922, %add3A_2961 : vector<512x128xi1>, vector<512x128xf32>
    %select_n3A_2975 = arith.select %lt3A_2966, %select_n3A_2974, %select_n3A_2927 : vector<512x128xi1>, vector<512x128xf32>
    %broadcast_in_dim3A_2976 = vector.shape_cast %get3A_2964 : vector<1x128xi32> to vector<1x128xi32>
    %broadcast_in_dim3A_2977 = vector.broadcast %broadcast_in_dim3A_2976 : vector<1x128xi32> to vector<512x128xi32>
    %select_n3A_2978 = arith.select %lt3A_2965, %select_n3A_2925, %broadcast_in_dim3A_2977 : vector<512x128xi1>, vector<512x128xi32>
    %select_n3A_2979 = arith.select %lt3A_2966, %select_n3A_2978, %select_n3A_2931 : vector<512x128xi1>, vector<512x128xi32>
    %select_n3A_2980 = arith.select %lt3A_2966, %select_n3A_2927, %add3A_2961 : vector<512x128xi1>, vector<512x128xf32>
    %select_n3A_2981 = arith.select %lt3A_2967, %select_n3A_2980, %select_n3A_2933 : vector<512x128xi1>, vector<512x128xf32>
    %broadcast_in_dim3A_2982 = vector.shape_cast %get3A_2964 : vector<1x128xi32> to vector<1x128xi32>
    %broadcast_in_dim3A_2983 = vector.broadcast %broadcast_in_dim3A_2982 : vector<1x128xi32> to vector<512x128xi32>
    %select_n3A_2984 = arith.select %lt3A_2966, %select_n3A_2931, %broadcast_in_dim3A_2983 : vector<512x128xi1>, vector<512x128xi32>
    %select_n3A_2985 = arith.select %lt3A_2967, %select_n3A_2984, %select_n3A_2937 : vector<512x128xi1>, vector<512x128xi32>
    %select_n3A_2986 = arith.select %lt3A_2967, %select_n3A_2933, %add3A_2961 : vector<512x128xi1>, vector<512x128xf32>
    %select_n3A_2987 = arith.select %lt3A_2968, %select_n3A_2986, %select_n3A_2939 : vector<512x128xi1>, vector<512x128xf32>
    %broadcast_in_dim3A_2988 = vector.shape_cast %get3A_2964 : vector<1x128xi32> to vector<1x128xi32>
    %broadcast_in_dim3A_2989 = vector.broadcast %broadcast_in_dim3A_2988 : vector<1x128xi32> to vector<512x128xi32>
    %select_n3A_2990 = arith.select %lt3A_2967, %select_n3A_2937, %broadcast_in_dim3A_2989 : vector<512x128xi1>, vector<512x128xi32>
    %select_n3A_2991 = arith.select %lt3A_2968, %select_n3A_2990, %select_n3A_2943 : vector<512x128xi1>, vector<512x128xi32>
    %select_n3A_2992 = arith.select %lt3A_2968, %select_n3A_2939, %add3A_2961 : vector<512x128xi1>, vector<512x128xf32>
    %select_n3A_2993 = arith.select %lt3A_2969, %select_n3A_2992, %select_n3A_2945 : vector<512x128xi1>, vector<512x128xf32>
    %broadcast_in_dim3A_2994 = vector.shape_cast %get3A_2964 : vector<1x128xi32> to vector<1x128xi32>
    %broadcast_in_dim3A_2995 = vector.broadcast %broadcast_in_dim3A_2994 : vector<1x128xi32> to vector<512x128xi32>
    %select_n3A_2996 = arith.select %lt3A_2968, %select_n3A_2943, %broadcast_in_dim3A_2995 : vector<512x128xi1>, vector<512x128xi32>
    %select_n3A_2997 = arith.select %lt3A_2969, %select_n3A_2996, %select_n3A_2949 : vector<512x128xi1>, vector<512x128xi32>
    %get3A_2998 = arith.constant 7936 : index
    %get3A_2999 = arith.constant 0 : index
    %get3A_3000 = vector.load %arg4[%get3A_2998, %get3A_2999] : memref<10240x32xf32, #tpu.memory_space<vmem>>, vector<128x16xf32>
    %dot_general3A_3001 = arith.constant dense<0.000000e+00> : vector<512x128xf32>
    %dot_general3A_3002 = tpu.matmul %mul3A_3, %get3A_3000, %dot_general3A_3001 {dimension_numbers = #tpu.dot_dimension_numbers<[1], [1], [0], [0], [0, 0, 1, 0], [], []>, transpose_lhs_hint = false} : vector<512x16xf32>, vector<128x16xf32>, vector<512x128xf32> -> vector<512x128xf32>
    %get3A_3003 = arith.constant 0 : index
    %get3A_3004 = arith.constant 7936 : index
    %get3A_3005 = vector.load %arg3[%get3A_3003, %get3A_3004] : memref<1x10240xf32, #tpu.memory_space<vmem>>, vector<1x128xf32>
    %add3A_3006 = vector.broadcast %get3A_6 : vector<512x1xf32> to vector<512x128xf32>
    %add3A_3007 = vector.broadcast %get3A_3005 : vector<1x128xf32> to vector<512x128xf32>
    %add3A_3008 = arith.addf %add3A_3006, %add3A_3007 : vector<512x128xf32>
    %add3A_3009 = arith.addf %add3A_3008, %dot_general3A_3002 : vector<512x128xf32>
    %get3A_3010 = arith.constant 0 : index
    %get3A_3011 = arith.constant 7936 : index
    %get3A_3012 = vector.load %arg5[%get3A_3010, %get3A_3011] : memref<1x10240xi32, #tpu.memory_space<vmem>>, vector<1x128xi32>
    %lt3A_3013 = arith.cmpf olt, %add3A_3009, %select_n3A_2970 : vector<512x128xf32>
    %lt3A_3014 = arith.cmpf olt, %add3A_3009, %select_n3A_2975 : vector<512x128xf32>
    %lt3A_3015 = arith.cmpf olt, %add3A_3009, %select_n3A_2981 : vector<512x128xf32>
    %lt3A_3016 = arith.cmpf olt, %add3A_3009, %select_n3A_2987 : vector<512x128xf32>
    %lt3A_3017 = arith.cmpf olt, %add3A_3009, %select_n3A_2993 : vector<512x128xf32>
    %select_n3A_3018 = arith.select %lt3A_3013, %add3A_3009, %select_n3A_2970 : vector<512x128xi1>, vector<512x128xf32>
    %broadcast_in_dim3A_3019 = vector.shape_cast %get3A_3012 : vector<1x128xi32> to vector<1x128xi32>
    %broadcast_in_dim3A_3020 = vector.broadcast %broadcast_in_dim3A_3019 : vector<1x128xi32> to vector<512x128xi32>
    %select_n3A_3021 = arith.select %lt3A_3013, %broadcast_in_dim3A_3020, %select_n3A_2973 : vector<512x128xi1>, vector<512x128xi32>
    %select_n3A_3022 = arith.select %lt3A_3013, %select_n3A_2970, %add3A_3009 : vector<512x128xi1>, vector<512x128xf32>
    %select_n3A_3023 = arith.select %lt3A_3014, %select_n3A_3022, %select_n3A_2975 : vector<512x128xi1>, vector<512x128xf32>
    %broadcast_in_dim3A_3024 = vector.shape_cast %get3A_3012 : vector<1x128xi32> to vector<1x128xi32>
    %broadcast_in_dim3A_3025 = vector.broadcast %broadcast_in_dim3A_3024 : vector<1x128xi32> to vector<512x128xi32>
    %select_n3A_3026 = arith.select %lt3A_3013, %select_n3A_2973, %broadcast_in_dim3A_3025 : vector<512x128xi1>, vector<512x128xi32>
    %select_n3A_3027 = arith.select %lt3A_3014, %select_n3A_3026, %select_n3A_2979 : vector<512x128xi1>, vector<512x128xi32>
    %select_n3A_3028 = arith.select %lt3A_3014, %select_n3A_2975, %add3A_3009 : vector<512x128xi1>, vector<512x128xf32>
    %select_n3A_3029 = arith.select %lt3A_3015, %select_n3A_3028, %select_n3A_2981 : vector<512x128xi1>, vector<512x128xf32>
    %broadcast_in_dim3A_3030 = vector.shape_cast %get3A_3012 : vector<1x128xi32> to vector<1x128xi32>
    %broadcast_in_dim3A_3031 = vector.broadcast %broadcast_in_dim3A_3030 : vector<1x128xi32> to vector<512x128xi32>
    %select_n3A_3032 = arith.select %lt3A_3014, %select_n3A_2979, %broadcast_in_dim3A_3031 : vector<512x128xi1>, vector<512x128xi32>
    %select_n3A_3033 = arith.select %lt3A_3015, %select_n3A_3032, %select_n3A_2985 : vector<512x128xi1>, vector<512x128xi32>
    %select_n3A_3034 = arith.select %lt3A_3015, %select_n3A_2981, %add3A_3009 : vector<512x128xi1>, vector<512x128xf32>
    %select_n3A_3035 = arith.select %lt3A_3016, %select_n3A_3034, %select_n3A_2987 : vector<512x128xi1>, vector<512x128xf32>
    %broadcast_in_dim3A_3036 = vector.shape_cast %get3A_3012 : vector<1x128xi32> to vector<1x128xi32>
    %broadcast_in_dim3A_3037 = vector.broadcast %broadcast_in_dim3A_3036 : vector<1x128xi32> to vector<512x128xi32>
    %select_n3A_3038 = arith.select %lt3A_3015, %select_n3A_2985, %broadcast_in_dim3A_3037 : vector<512x128xi1>, vector<512x128xi32>
    %select_n3A_3039 = arith.select %lt3A_3016, %select_n3A_3038, %select_n3A_2991 : vector<512x128xi1>, vector<512x128xi32>
    %select_n3A_3040 = arith.select %lt3A_3016, %select_n3A_2987, %add3A_3009 : vector<512x128xi1>, vector<512x128xf32>
    %select_n3A_3041 = arith.select %lt3A_3017, %select_n3A_3040, %select_n3A_2993 : vector<512x128xi1>, vector<512x128xf32>
    %broadcast_in_dim3A_3042 = vector.shape_cast %get3A_3012 : vector<1x128xi32> to vector<1x128xi32>
    %broadcast_in_dim3A_3043 = vector.broadcast %broadcast_in_dim3A_3042 : vector<1x128xi32> to vector<512x128xi32>
    %select_n3A_3044 = arith.select %lt3A_3016, %select_n3A_2991, %broadcast_in_dim3A_3043 : vector<512x128xi1>, vector<512x128xi32>
    %select_n3A_3045 = arith.select %lt3A_3017, %select_n3A_3044, %select_n3A_2997 : vector<512x128xi1>, vector<512x128xi32>
    %get3A_3046 = arith.constant 8064 : index
    %get3A_3047 = arith.constant 0 : index
    %get3A_3048 = vector.load %arg4[%get3A_3046, %get3A_3047] : memref<10240x32xf32, #tpu.memory_space<vmem>>, vector<128x16xf32>
    %dot_general3A_3049 = arith.constant dense<0.000000e+00> : vector<512x128xf32>
    %dot_general3A_3050 = tpu.matmul %mul3A_3, %get3A_3048, %dot_general3A_3049 {dimension_numbers = #tpu.dot_dimension_numbers<[1], [1], [0], [0], [0, 0, 1, 0], [], []>, transpose_lhs_hint = false} : vector<512x16xf32>, vector<128x16xf32>, vector<512x128xf32> -> vector<512x128xf32>
    %get3A_3051 = arith.constant 0 : index
    %get3A_3052 = arith.constant 8064 : index
    %get3A_3053 = vector.load %arg3[%get3A_3051, %get3A_3052] : memref<1x10240xf32, #tpu.memory_space<vmem>>, vector<1x128xf32>
    %add3A_3054 = vector.broadcast %get3A_6 : vector<512x1xf32> to vector<512x128xf32>
    %add3A_3055 = vector.broadcast %get3A_3053 : vector<1x128xf32> to vector<512x128xf32>
    %add3A_3056 = arith.addf %add3A_3054, %add3A_3055 : vector<512x128xf32>
    %add3A_3057 = arith.addf %add3A_3056, %dot_general3A_3050 : vector<512x128xf32>
    %get3A_3058 = arith.constant 0 : index
    %get3A_3059 = arith.constant 8064 : index
    %get3A_3060 = vector.load %arg5[%get3A_3058, %get3A_3059] : memref<1x10240xi32, #tpu.memory_space<vmem>>, vector<1x128xi32>
    %lt3A_3061 = arith.cmpf olt, %add3A_3057, %select_n3A_3018 : vector<512x128xf32>
    %lt3A_3062 = arith.cmpf olt, %add3A_3057, %select_n3A_3023 : vector<512x128xf32>
    %lt3A_3063 = arith.cmpf olt, %add3A_3057, %select_n3A_3029 : vector<512x128xf32>
    %lt3A_3064 = arith.cmpf olt, %add3A_3057, %select_n3A_3035 : vector<512x128xf32>
    %lt3A_3065 = arith.cmpf olt, %add3A_3057, %select_n3A_3041 : vector<512x128xf32>
    %select_n3A_3066 = arith.select %lt3A_3061, %add3A_3057, %select_n3A_3018 : vector<512x128xi1>, vector<512x128xf32>
    %broadcast_in_dim3A_3067 = vector.shape_cast %get3A_3060 : vector<1x128xi32> to vector<1x128xi32>
    %broadcast_in_dim3A_3068 = vector.broadcast %broadcast_in_dim3A_3067 : vector<1x128xi32> to vector<512x128xi32>
    %select_n3A_3069 = arith.select %lt3A_3061, %broadcast_in_dim3A_3068, %select_n3A_3021 : vector<512x128xi1>, vector<512x128xi32>
    %select_n3A_3070 = arith.select %lt3A_3061, %select_n3A_3018, %add3A_3057 : vector<512x128xi1>, vector<512x128xf32>
    %select_n3A_3071 = arith.select %lt3A_3062, %select_n3A_3070, %select_n3A_3023 : vector<512x128xi1>, vector<512x128xf32>
    %broadcast_in_dim3A_3072 = vector.shape_cast %get3A_3060 : vector<1x128xi32> to vector<1x128xi32>
    %broadcast_in_dim3A_3073 = vector.broadcast %broadcast_in_dim3A_3072 : vector<1x128xi32> to vector<512x128xi32>
    %select_n3A_3074 = arith.select %lt3A_3061, %select_n3A_3021, %broadcast_in_dim3A_3073 : vector<512x128xi1>, vector<512x128xi32>
    %select_n3A_3075 = arith.select %lt3A_3062, %select_n3A_3074, %select_n3A_3027 : vector<512x128xi1>, vector<512x128xi32>
    %select_n3A_3076 = arith.select %lt3A_3062, %select_n3A_3023, %add3A_3057 : vector<512x128xi1>, vector<512x128xf32>
    %select_n3A_3077 = arith.select %lt3A_3063, %select_n3A_3076, %select_n3A_3029 : vector<512x128xi1>, vector<512x128xf32>
    %broadcast_in_dim3A_3078 = vector.shape_cast %get3A_3060 : vector<1x128xi32> to vector<1x128xi32>
    %broadcast_in_dim3A_3079 = vector.broadcast %broadcast_in_dim3A_3078 : vector<1x128xi32> to vector<512x128xi32>
    %select_n3A_3080 = arith.select %lt3A_3062, %select_n3A_3027, %broadcast_in_dim3A_3079 : vector<512x128xi1>, vector<512x128xi32>
    %select_n3A_3081 = arith.select %lt3A_3063, %select_n3A_3080, %select_n3A_3033 : vector<512x128xi1>, vector<512x128xi32>
    %select_n3A_3082 = arith.select %lt3A_3063, %select_n3A_3029, %add3A_3057 : vector<512x128xi1>, vector<512x128xf32>
    %select_n3A_3083 = arith.select %lt3A_3064, %select_n3A_3082, %select_n3A_3035 : vector<512x128xi1>, vector<512x128xf32>
    %broadcast_in_dim3A_3084 = vector.shape_cast %get3A_3060 : vector<1x128xi32> to vector<1x128xi32>
    %broadcast_in_dim3A_3085 = vector.broadcast %broadcast_in_dim3A_3084 : vector<1x128xi32> to vector<512x128xi32>
    %select_n3A_3086 = arith.select %lt3A_3063, %select_n3A_3033, %broadcast_in_dim3A_3085 : vector<512x128xi1>, vector<512x128xi32>
    %select_n3A_3087 = arith.select %lt3A_3064, %select_n3A_3086, %select_n3A_3039 : vector<512x128xi1>, vector<512x128xi32>
    %select_n3A_3088 = arith.select %lt3A_3064, %select_n3A_3035, %add3A_3057 : vector<512x128xi1>, vector<512x128xf32>
    %select_n3A_3089 = arith.select %lt3A_3065, %select_n3A_3088, %select_n3A_3041 : vector<512x128xi1>, vector<512x128xf32>
    %broadcast_in_dim3A_3090 = vector.shape_cast %get3A_3060 : vector<1x128xi32> to vector<1x128xi32>
    %broadcast_in_dim3A_3091 = vector.broadcast %broadcast_in_dim3A_3090 : vector<1x128xi32> to vector<512x128xi32>
    %select_n3A_3092 = arith.select %lt3A_3064, %select_n3A_3039, %broadcast_in_dim3A_3091 : vector<512x128xi1>, vector<512x128xi32>
    %select_n3A_3093 = arith.select %lt3A_3065, %select_n3A_3092, %select_n3A_3045 : vector<512x128xi1>, vector<512x128xi32>
    %get3A_3094 = arith.constant 8192 : index
    %get3A_3095 = arith.constant 0 : index
    %get3A_3096 = vector.load %arg4[%get3A_3094, %get3A_3095] : memref<10240x32xf32, #tpu.memory_space<vmem>>, vector<128x16xf32>
    %dot_general3A_3097 = arith.constant dense<0.000000e+00> : vector<512x128xf32>
    %dot_general3A_3098 = tpu.matmul %mul3A_3, %get3A_3096, %dot_general3A_3097 {dimension_numbers = #tpu.dot_dimension_numbers<[1], [1], [0], [0], [0, 0, 1, 0], [], []>, transpose_lhs_hint = false} : vector<512x16xf32>, vector<128x16xf32>, vector<512x128xf32> -> vector<512x128xf32>
    %get3A_3099 = arith.constant 0 : index
    %get3A_3100 = arith.constant 8192 : index
    %get3A_3101 = vector.load %arg3[%get3A_3099, %get3A_3100] : memref<1x10240xf32, #tpu.memory_space<vmem>>, vector<1x128xf32>
    %add3A_3102 = vector.broadcast %get3A_6 : vector<512x1xf32> to vector<512x128xf32>
    %add3A_3103 = vector.broadcast %get3A_3101 : vector<1x128xf32> to vector<512x128xf32>
    %add3A_3104 = arith.addf %add3A_3102, %add3A_3103 : vector<512x128xf32>
    %add3A_3105 = arith.addf %add3A_3104, %dot_general3A_3098 : vector<512x128xf32>
    %get3A_3106 = arith.constant 0 : index
    %get3A_3107 = arith.constant 8192 : index
    %get3A_3108 = vector.load %arg5[%get3A_3106, %get3A_3107] : memref<1x10240xi32, #tpu.memory_space<vmem>>, vector<1x128xi32>
    %lt3A_3109 = arith.cmpf olt, %add3A_3105, %select_n3A_3066 : vector<512x128xf32>
    %lt3A_3110 = arith.cmpf olt, %add3A_3105, %select_n3A_3071 : vector<512x128xf32>
    %lt3A_3111 = arith.cmpf olt, %add3A_3105, %select_n3A_3077 : vector<512x128xf32>
    %lt3A_3112 = arith.cmpf olt, %add3A_3105, %select_n3A_3083 : vector<512x128xf32>
    %lt3A_3113 = arith.cmpf olt, %add3A_3105, %select_n3A_3089 : vector<512x128xf32>
    %select_n3A_3114 = arith.select %lt3A_3109, %add3A_3105, %select_n3A_3066 : vector<512x128xi1>, vector<512x128xf32>
    %broadcast_in_dim3A_3115 = vector.shape_cast %get3A_3108 : vector<1x128xi32> to vector<1x128xi32>
    %broadcast_in_dim3A_3116 = vector.broadcast %broadcast_in_dim3A_3115 : vector<1x128xi32> to vector<512x128xi32>
    %select_n3A_3117 = arith.select %lt3A_3109, %broadcast_in_dim3A_3116, %select_n3A_3069 : vector<512x128xi1>, vector<512x128xi32>
    %select_n3A_3118 = arith.select %lt3A_3109, %select_n3A_3066, %add3A_3105 : vector<512x128xi1>, vector<512x128xf32>
    %select_n3A_3119 = arith.select %lt3A_3110, %select_n3A_3118, %select_n3A_3071 : vector<512x128xi1>, vector<512x128xf32>
    %broadcast_in_dim3A_3120 = vector.shape_cast %get3A_3108 : vector<1x128xi32> to vector<1x128xi32>
    %broadcast_in_dim3A_3121 = vector.broadcast %broadcast_in_dim3A_3120 : vector<1x128xi32> to vector<512x128xi32>
    %select_n3A_3122 = arith.select %lt3A_3109, %select_n3A_3069, %broadcast_in_dim3A_3121 : vector<512x128xi1>, vector<512x128xi32>
    %select_n3A_3123 = arith.select %lt3A_3110, %select_n3A_3122, %select_n3A_3075 : vector<512x128xi1>, vector<512x128xi32>
    %select_n3A_3124 = arith.select %lt3A_3110, %select_n3A_3071, %add3A_3105 : vector<512x128xi1>, vector<512x128xf32>
    %select_n3A_3125 = arith.select %lt3A_3111, %select_n3A_3124, %select_n3A_3077 : vector<512x128xi1>, vector<512x128xf32>
    %broadcast_in_dim3A_3126 = vector.shape_cast %get3A_3108 : vector<1x128xi32> to vector<1x128xi32>
    %broadcast_in_dim3A_3127 = vector.broadcast %broadcast_in_dim3A_3126 : vector<1x128xi32> to vector<512x128xi32>
    %select_n3A_3128 = arith.select %lt3A_3110, %select_n3A_3075, %broadcast_in_dim3A_3127 : vector<512x128xi1>, vector<512x128xi32>
    %select_n3A_3129 = arith.select %lt3A_3111, %select_n3A_3128, %select_n3A_3081 : vector<512x128xi1>, vector<512x128xi32>
    %select_n3A_3130 = arith.select %lt3A_3111, %select_n3A_3077, %add3A_3105 : vector<512x128xi1>, vector<512x128xf32>
    %select_n3A_3131 = arith.select %lt3A_3112, %select_n3A_3130, %select_n3A_3083 : vector<512x128xi1>, vector<512x128xf32>
    %broadcast_in_dim3A_3132 = vector.shape_cast %get3A_3108 : vector<1x128xi32> to vector<1x128xi32>
    %broadcast_in_dim3A_3133 = vector.broadcast %broadcast_in_dim3A_3132 : vector<1x128xi32> to vector<512x128xi32>
    %select_n3A_3134 = arith.select %lt3A_3111, %select_n3A_3081, %broadcast_in_dim3A_3133 : vector<512x128xi1>, vector<512x128xi32>
    %select_n3A_3135 = arith.select %lt3A_3112, %select_n3A_3134, %select_n3A_3087 : vector<512x128xi1>, vector<512x128xi32>
    %select_n3A_3136 = arith.select %lt3A_3112, %select_n3A_3083, %add3A_3105 : vector<512x128xi1>, vector<512x128xf32>
    %select_n3A_3137 = arith.select %lt3A_3113, %select_n3A_3136, %select_n3A_3089 : vector<512x128xi1>, vector<512x128xf32>
    %broadcast_in_dim3A_3138 = vector.shape_cast %get3A_3108 : vector<1x128xi32> to vector<1x128xi32>
    %broadcast_in_dim3A_3139 = vector.broadcast %broadcast_in_dim3A_3138 : vector<1x128xi32> to vector<512x128xi32>
    %select_n3A_3140 = arith.select %lt3A_3112, %select_n3A_3087, %broadcast_in_dim3A_3139 : vector<512x128xi1>, vector<512x128xi32>
    %select_n3A_3141 = arith.select %lt3A_3113, %select_n3A_3140, %select_n3A_3093 : vector<512x128xi1>, vector<512x128xi32>
    %get3A_3142 = arith.constant 8320 : index
    %get3A_3143 = arith.constant 0 : index
    %get3A_3144 = vector.load %arg4[%get3A_3142, %get3A_3143] : memref<10240x32xf32, #tpu.memory_space<vmem>>, vector<128x16xf32>
    %dot_general3A_3145 = arith.constant dense<0.000000e+00> : vector<512x128xf32>
    %dot_general3A_3146 = tpu.matmul %mul3A_3, %get3A_3144, %dot_general3A_3145 {dimension_numbers = #tpu.dot_dimension_numbers<[1], [1], [0], [0], [0, 0, 1, 0], [], []>, transpose_lhs_hint = false} : vector<512x16xf32>, vector<128x16xf32>, vector<512x128xf32> -> vector<512x128xf32>
    %get3A_3147 = arith.constant 0 : index
    %get3A_3148 = arith.constant 8320 : index
    %get3A_3149 = vector.load %arg3[%get3A_3147, %get3A_3148] : memref<1x10240xf32, #tpu.memory_space<vmem>>, vector<1x128xf32>
    %add3A_3150 = vector.broadcast %get3A_6 : vector<512x1xf32> to vector<512x128xf32>
    %add3A_3151 = vector.broadcast %get3A_3149 : vector<1x128xf32> to vector<512x128xf32>
    %add3A_3152 = arith.addf %add3A_3150, %add3A_3151 : vector<512x128xf32>
    %add3A_3153 = arith.addf %add3A_3152, %dot_general3A_3146 : vector<512x128xf32>
    %get3A_3154 = arith.constant 0 : index
    %get3A_3155 = arith.constant 8320 : index
    %get3A_3156 = vector.load %arg5[%get3A_3154, %get3A_3155] : memref<1x10240xi32, #tpu.memory_space<vmem>>, vector<1x128xi32>
    %lt3A_3157 = arith.cmpf olt, %add3A_3153, %select_n3A_3114 : vector<512x128xf32>
    %lt3A_3158 = arith.cmpf olt, %add3A_3153, %select_n3A_3119 : vector<512x128xf32>
    %lt3A_3159 = arith.cmpf olt, %add3A_3153, %select_n3A_3125 : vector<512x128xf32>
    %lt3A_3160 = arith.cmpf olt, %add3A_3153, %select_n3A_3131 : vector<512x128xf32>
    %lt3A_3161 = arith.cmpf olt, %add3A_3153, %select_n3A_3137 : vector<512x128xf32>
    %select_n3A_3162 = arith.select %lt3A_3157, %add3A_3153, %select_n3A_3114 : vector<512x128xi1>, vector<512x128xf32>
    %broadcast_in_dim3A_3163 = vector.shape_cast %get3A_3156 : vector<1x128xi32> to vector<1x128xi32>
    %broadcast_in_dim3A_3164 = vector.broadcast %broadcast_in_dim3A_3163 : vector<1x128xi32> to vector<512x128xi32>
    %select_n3A_3165 = arith.select %lt3A_3157, %broadcast_in_dim3A_3164, %select_n3A_3117 : vector<512x128xi1>, vector<512x128xi32>
    %select_n3A_3166 = arith.select %lt3A_3157, %select_n3A_3114, %add3A_3153 : vector<512x128xi1>, vector<512x128xf32>
    %select_n3A_3167 = arith.select %lt3A_3158, %select_n3A_3166, %select_n3A_3119 : vector<512x128xi1>, vector<512x128xf32>
    %broadcast_in_dim3A_3168 = vector.shape_cast %get3A_3156 : vector<1x128xi32> to vector<1x128xi32>
    %broadcast_in_dim3A_3169 = vector.broadcast %broadcast_in_dim3A_3168 : vector<1x128xi32> to vector<512x128xi32>
    %select_n3A_3170 = arith.select %lt3A_3157, %select_n3A_3117, %broadcast_in_dim3A_3169 : vector<512x128xi1>, vector<512x128xi32>
    %select_n3A_3171 = arith.select %lt3A_3158, %select_n3A_3170, %select_n3A_3123 : vector<512x128xi1>, vector<512x128xi32>
    %select_n3A_3172 = arith.select %lt3A_3158, %select_n3A_3119, %add3A_3153 : vector<512x128xi1>, vector<512x128xf32>
    %select_n3A_3173 = arith.select %lt3A_3159, %select_n3A_3172, %select_n3A_3125 : vector<512x128xi1>, vector<512x128xf32>
    %broadcast_in_dim3A_3174 = vector.shape_cast %get3A_3156 : vector<1x128xi32> to vector<1x128xi32>
    %broadcast_in_dim3A_3175 = vector.broadcast %broadcast_in_dim3A_3174 : vector<1x128xi32> to vector<512x128xi32>
    %select_n3A_3176 = arith.select %lt3A_3158, %select_n3A_3123, %broadcast_in_dim3A_3175 : vector<512x128xi1>, vector<512x128xi32>
    %select_n3A_3177 = arith.select %lt3A_3159, %select_n3A_3176, %select_n3A_3129 : vector<512x128xi1>, vector<512x128xi32>
    %select_n3A_3178 = arith.select %lt3A_3159, %select_n3A_3125, %add3A_3153 : vector<512x128xi1>, vector<512x128xf32>
    %select_n3A_3179 = arith.select %lt3A_3160, %select_n3A_3178, %select_n3A_3131 : vector<512x128xi1>, vector<512x128xf32>
    %broadcast_in_dim3A_3180 = vector.shape_cast %get3A_3156 : vector<1x128xi32> to vector<1x128xi32>
    %broadcast_in_dim3A_3181 = vector.broadcast %broadcast_in_dim3A_3180 : vector<1x128xi32> to vector<512x128xi32>
    %select_n3A_3182 = arith.select %lt3A_3159, %select_n3A_3129, %broadcast_in_dim3A_3181 : vector<512x128xi1>, vector<512x128xi32>
    %select_n3A_3183 = arith.select %lt3A_3160, %select_n3A_3182, %select_n3A_3135 : vector<512x128xi1>, vector<512x128xi32>
    %select_n3A_3184 = arith.select %lt3A_3160, %select_n3A_3131, %add3A_3153 : vector<512x128xi1>, vector<512x128xf32>
    %select_n3A_3185 = arith.select %lt3A_3161, %select_n3A_3184, %select_n3A_3137 : vector<512x128xi1>, vector<512x128xf32>
    %broadcast_in_dim3A_3186 = vector.shape_cast %get3A_3156 : vector<1x128xi32> to vector<1x128xi32>
    %broadcast_in_dim3A_3187 = vector.broadcast %broadcast_in_dim3A_3186 : vector<1x128xi32> to vector<512x128xi32>
    %select_n3A_3188 = arith.select %lt3A_3160, %select_n3A_3135, %broadcast_in_dim3A_3187 : vector<512x128xi1>, vector<512x128xi32>
    %select_n3A_3189 = arith.select %lt3A_3161, %select_n3A_3188, %select_n3A_3141 : vector<512x128xi1>, vector<512x128xi32>
    %get3A_3190 = arith.constant 8448 : index
    %get3A_3191 = arith.constant 0 : index
    %get3A_3192 = vector.load %arg4[%get3A_3190, %get3A_3191] : memref<10240x32xf32, #tpu.memory_space<vmem>>, vector<128x16xf32>
    %dot_general3A_3193 = arith.constant dense<0.000000e+00> : vector<512x128xf32>
    %dot_general3A_3194 = tpu.matmul %mul3A_3, %get3A_3192, %dot_general3A_3193 {dimension_numbers = #tpu.dot_dimension_numbers<[1], [1], [0], [0], [0, 0, 1, 0], [], []>, transpose_lhs_hint = false} : vector<512x16xf32>, vector<128x16xf32>, vector<512x128xf32> -> vector<512x128xf32>
    %get3A_3195 = arith.constant 0 : index
    %get3A_3196 = arith.constant 8448 : index
    %get3A_3197 = vector.load %arg3[%get3A_3195, %get3A_3196] : memref<1x10240xf32, #tpu.memory_space<vmem>>, vector<1x128xf32>
    %add3A_3198 = vector.broadcast %get3A_6 : vector<512x1xf32> to vector<512x128xf32>
    %add3A_3199 = vector.broadcast %get3A_3197 : vector<1x128xf32> to vector<512x128xf32>
    %add3A_3200 = arith.addf %add3A_3198, %add3A_3199 : vector<512x128xf32>
    %add3A_3201 = arith.addf %add3A_3200, %dot_general3A_3194 : vector<512x128xf32>
    %get3A_3202 = arith.constant 0 : index
    %get3A_3203 = arith.constant 8448 : index
    %get3A_3204 = vector.load %arg5[%get3A_3202, %get3A_3203] : memref<1x10240xi32, #tpu.memory_space<vmem>>, vector<1x128xi32>
    %lt3A_3205 = arith.cmpf olt, %add3A_3201, %select_n3A_3162 : vector<512x128xf32>
    %lt3A_3206 = arith.cmpf olt, %add3A_3201, %select_n3A_3167 : vector<512x128xf32>
    %lt3A_3207 = arith.cmpf olt, %add3A_3201, %select_n3A_3173 : vector<512x128xf32>
    %lt3A_3208 = arith.cmpf olt, %add3A_3201, %select_n3A_3179 : vector<512x128xf32>
    %lt3A_3209 = arith.cmpf olt, %add3A_3201, %select_n3A_3185 : vector<512x128xf32>
    %select_n3A_3210 = arith.select %lt3A_3205, %add3A_3201, %select_n3A_3162 : vector<512x128xi1>, vector<512x128xf32>
    %broadcast_in_dim3A_3211 = vector.shape_cast %get3A_3204 : vector<1x128xi32> to vector<1x128xi32>
    %broadcast_in_dim3A_3212 = vector.broadcast %broadcast_in_dim3A_3211 : vector<1x128xi32> to vector<512x128xi32>
    %select_n3A_3213 = arith.select %lt3A_3205, %broadcast_in_dim3A_3212, %select_n3A_3165 : vector<512x128xi1>, vector<512x128xi32>
    %select_n3A_3214 = arith.select %lt3A_3205, %select_n3A_3162, %add3A_3201 : vector<512x128xi1>, vector<512x128xf32>
    %select_n3A_3215 = arith.select %lt3A_3206, %select_n3A_3214, %select_n3A_3167 : vector<512x128xi1>, vector<512x128xf32>
    %broadcast_in_dim3A_3216 = vector.shape_cast %get3A_3204 : vector<1x128xi32> to vector<1x128xi32>
    %broadcast_in_dim3A_3217 = vector.broadcast %broadcast_in_dim3A_3216 : vector<1x128xi32> to vector<512x128xi32>
    %select_n3A_3218 = arith.select %lt3A_3205, %select_n3A_3165, %broadcast_in_dim3A_3217 : vector<512x128xi1>, vector<512x128xi32>
    %select_n3A_3219 = arith.select %lt3A_3206, %select_n3A_3218, %select_n3A_3171 : vector<512x128xi1>, vector<512x128xi32>
    %select_n3A_3220 = arith.select %lt3A_3206, %select_n3A_3167, %add3A_3201 : vector<512x128xi1>, vector<512x128xf32>
    %select_n3A_3221 = arith.select %lt3A_3207, %select_n3A_3220, %select_n3A_3173 : vector<512x128xi1>, vector<512x128xf32>
    %broadcast_in_dim3A_3222 = vector.shape_cast %get3A_3204 : vector<1x128xi32> to vector<1x128xi32>
    %broadcast_in_dim3A_3223 = vector.broadcast %broadcast_in_dim3A_3222 : vector<1x128xi32> to vector<512x128xi32>
    %select_n3A_3224 = arith.select %lt3A_3206, %select_n3A_3171, %broadcast_in_dim3A_3223 : vector<512x128xi1>, vector<512x128xi32>
    %select_n3A_3225 = arith.select %lt3A_3207, %select_n3A_3224, %select_n3A_3177 : vector<512x128xi1>, vector<512x128xi32>
    %select_n3A_3226 = arith.select %lt3A_3207, %select_n3A_3173, %add3A_3201 : vector<512x128xi1>, vector<512x128xf32>
    %select_n3A_3227 = arith.select %lt3A_3208, %select_n3A_3226, %select_n3A_3179 : vector<512x128xi1>, vector<512x128xf32>
    %broadcast_in_dim3A_3228 = vector.shape_cast %get3A_3204 : vector<1x128xi32> to vector<1x128xi32>
    %broadcast_in_dim3A_3229 = vector.broadcast %broadcast_in_dim3A_3228 : vector<1x128xi32> to vector<512x128xi32>
    %select_n3A_3230 = arith.select %lt3A_3207, %select_n3A_3177, %broadcast_in_dim3A_3229 : vector<512x128xi1>, vector<512x128xi32>
    %select_n3A_3231 = arith.select %lt3A_3208, %select_n3A_3230, %select_n3A_3183 : vector<512x128xi1>, vector<512x128xi32>
    %select_n3A_3232 = arith.select %lt3A_3208, %select_n3A_3179, %add3A_3201 : vector<512x128xi1>, vector<512x128xf32>
    %select_n3A_3233 = arith.select %lt3A_3209, %select_n3A_3232, %select_n3A_3185 : vector<512x128xi1>, vector<512x128xf32>
    %broadcast_in_dim3A_3234 = vector.shape_cast %get3A_3204 : vector<1x128xi32> to vector<1x128xi32>
    %broadcast_in_dim3A_3235 = vector.broadcast %broadcast_in_dim3A_3234 : vector<1x128xi32> to vector<512x128xi32>
    %select_n3A_3236 = arith.select %lt3A_3208, %select_n3A_3183, %broadcast_in_dim3A_3235 : vector<512x128xi1>, vector<512x128xi32>
    %select_n3A_3237 = arith.select %lt3A_3209, %select_n3A_3236, %select_n3A_3189 : vector<512x128xi1>, vector<512x128xi32>
    %get3A_3238 = arith.constant 8576 : index
    %get3A_3239 = arith.constant 0 : index
    %get3A_3240 = vector.load %arg4[%get3A_3238, %get3A_3239] : memref<10240x32xf32, #tpu.memory_space<vmem>>, vector<128x16xf32>
    %dot_general3A_3241 = arith.constant dense<0.000000e+00> : vector<512x128xf32>
    %dot_general3A_3242 = tpu.matmul %mul3A_3, %get3A_3240, %dot_general3A_3241 {dimension_numbers = #tpu.dot_dimension_numbers<[1], [1], [0], [0], [0, 0, 1, 0], [], []>, transpose_lhs_hint = false} : vector<512x16xf32>, vector<128x16xf32>, vector<512x128xf32> -> vector<512x128xf32>
    %get3A_3243 = arith.constant 0 : index
    %get3A_3244 = arith.constant 8576 : index
    %get3A_3245 = vector.load %arg3[%get3A_3243, %get3A_3244] : memref<1x10240xf32, #tpu.memory_space<vmem>>, vector<1x128xf32>
    %add3A_3246 = vector.broadcast %get3A_6 : vector<512x1xf32> to vector<512x128xf32>
    %add3A_3247 = vector.broadcast %get3A_3245 : vector<1x128xf32> to vector<512x128xf32>
    %add3A_3248 = arith.addf %add3A_3246, %add3A_3247 : vector<512x128xf32>
    %add3A_3249 = arith.addf %add3A_3248, %dot_general3A_3242 : vector<512x128xf32>
    %get3A_3250 = arith.constant 0 : index
    %get3A_3251 = arith.constant 8576 : index
    %get3A_3252 = vector.load %arg5[%get3A_3250, %get3A_3251] : memref<1x10240xi32, #tpu.memory_space<vmem>>, vector<1x128xi32>
    %lt3A_3253 = arith.cmpf olt, %add3A_3249, %select_n3A_3210 : vector<512x128xf32>
    %lt3A_3254 = arith.cmpf olt, %add3A_3249, %select_n3A_3215 : vector<512x128xf32>
    %lt3A_3255 = arith.cmpf olt, %add3A_3249, %select_n3A_3221 : vector<512x128xf32>
    %lt3A_3256 = arith.cmpf olt, %add3A_3249, %select_n3A_3227 : vector<512x128xf32>
    %lt3A_3257 = arith.cmpf olt, %add3A_3249, %select_n3A_3233 : vector<512x128xf32>
    %select_n3A_3258 = arith.select %lt3A_3253, %add3A_3249, %select_n3A_3210 : vector<512x128xi1>, vector<512x128xf32>
    %broadcast_in_dim3A_3259 = vector.shape_cast %get3A_3252 : vector<1x128xi32> to vector<1x128xi32>
    %broadcast_in_dim3A_3260 = vector.broadcast %broadcast_in_dim3A_3259 : vector<1x128xi32> to vector<512x128xi32>
    %select_n3A_3261 = arith.select %lt3A_3253, %broadcast_in_dim3A_3260, %select_n3A_3213 : vector<512x128xi1>, vector<512x128xi32>
    %select_n3A_3262 = arith.select %lt3A_3253, %select_n3A_3210, %add3A_3249 : vector<512x128xi1>, vector<512x128xf32>
    %select_n3A_3263 = arith.select %lt3A_3254, %select_n3A_3262, %select_n3A_3215 : vector<512x128xi1>, vector<512x128xf32>
    %broadcast_in_dim3A_3264 = vector.shape_cast %get3A_3252 : vector<1x128xi32> to vector<1x128xi32>
    %broadcast_in_dim3A_3265 = vector.broadcast %broadcast_in_dim3A_3264 : vector<1x128xi32> to vector<512x128xi32>
    %select_n3A_3266 = arith.select %lt3A_3253, %select_n3A_3213, %broadcast_in_dim3A_3265 : vector<512x128xi1>, vector<512x128xi32>
    %select_n3A_3267 = arith.select %lt3A_3254, %select_n3A_3266, %select_n3A_3219 : vector<512x128xi1>, vector<512x128xi32>
    %select_n3A_3268 = arith.select %lt3A_3254, %select_n3A_3215, %add3A_3249 : vector<512x128xi1>, vector<512x128xf32>
    %select_n3A_3269 = arith.select %lt3A_3255, %select_n3A_3268, %select_n3A_3221 : vector<512x128xi1>, vector<512x128xf32>
    %broadcast_in_dim3A_3270 = vector.shape_cast %get3A_3252 : vector<1x128xi32> to vector<1x128xi32>
    %broadcast_in_dim3A_3271 = vector.broadcast %broadcast_in_dim3A_3270 : vector<1x128xi32> to vector<512x128xi32>
    %select_n3A_3272 = arith.select %lt3A_3254, %select_n3A_3219, %broadcast_in_dim3A_3271 : vector<512x128xi1>, vector<512x128xi32>
    %select_n3A_3273 = arith.select %lt3A_3255, %select_n3A_3272, %select_n3A_3225 : vector<512x128xi1>, vector<512x128xi32>
    %select_n3A_3274 = arith.select %lt3A_3255, %select_n3A_3221, %add3A_3249 : vector<512x128xi1>, vector<512x128xf32>
    %select_n3A_3275 = arith.select %lt3A_3256, %select_n3A_3274, %select_n3A_3227 : vector<512x128xi1>, vector<512x128xf32>
    %broadcast_in_dim3A_3276 = vector.shape_cast %get3A_3252 : vector<1x128xi32> to vector<1x128xi32>
    %broadcast_in_dim3A_3277 = vector.broadcast %broadcast_in_dim3A_3276 : vector<1x128xi32> to vector<512x128xi32>
    %select_n3A_3278 = arith.select %lt3A_3255, %select_n3A_3225, %broadcast_in_dim3A_3277 : vector<512x128xi1>, vector<512x128xi32>
    %select_n3A_3279 = arith.select %lt3A_3256, %select_n3A_3278, %select_n3A_3231 : vector<512x128xi1>, vector<512x128xi32>
    %select_n3A_3280 = arith.select %lt3A_3256, %select_n3A_3227, %add3A_3249 : vector<512x128xi1>, vector<512x128xf32>
    %select_n3A_3281 = arith.select %lt3A_3257, %select_n3A_3280, %select_n3A_3233 : vector<512x128xi1>, vector<512x128xf32>
    %broadcast_in_dim3A_3282 = vector.shape_cast %get3A_3252 : vector<1x128xi32> to vector<1x128xi32>
    %broadcast_in_dim3A_3283 = vector.broadcast %broadcast_in_dim3A_3282 : vector<1x128xi32> to vector<512x128xi32>
    %select_n3A_3284 = arith.select %lt3A_3256, %select_n3A_3231, %broadcast_in_dim3A_3283 : vector<512x128xi1>, vector<512x128xi32>
    %select_n3A_3285 = arith.select %lt3A_3257, %select_n3A_3284, %select_n3A_3237 : vector<512x128xi1>, vector<512x128xi32>
    %get3A_3286 = arith.constant 8704 : index
    %get3A_3287 = arith.constant 0 : index
    %get3A_3288 = vector.load %arg4[%get3A_3286, %get3A_3287] : memref<10240x32xf32, #tpu.memory_space<vmem>>, vector<128x16xf32>
    %dot_general3A_3289 = arith.constant dense<0.000000e+00> : vector<512x128xf32>
    %dot_general3A_3290 = tpu.matmul %mul3A_3, %get3A_3288, %dot_general3A_3289 {dimension_numbers = #tpu.dot_dimension_numbers<[1], [1], [0], [0], [0, 0, 1, 0], [], []>, transpose_lhs_hint = false} : vector<512x16xf32>, vector<128x16xf32>, vector<512x128xf32> -> vector<512x128xf32>
    %get3A_3291 = arith.constant 0 : index
    %get3A_3292 = arith.constant 8704 : index
    %get3A_3293 = vector.load %arg3[%get3A_3291, %get3A_3292] : memref<1x10240xf32, #tpu.memory_space<vmem>>, vector<1x128xf32>
    %add3A_3294 = vector.broadcast %get3A_6 : vector<512x1xf32> to vector<512x128xf32>
    %add3A_3295 = vector.broadcast %get3A_3293 : vector<1x128xf32> to vector<512x128xf32>
    %add3A_3296 = arith.addf %add3A_3294, %add3A_3295 : vector<512x128xf32>
    %add3A_3297 = arith.addf %add3A_3296, %dot_general3A_3290 : vector<512x128xf32>
    %get3A_3298 = arith.constant 0 : index
    %get3A_3299 = arith.constant 8704 : index
    %get3A_3300 = vector.load %arg5[%get3A_3298, %get3A_3299] : memref<1x10240xi32, #tpu.memory_space<vmem>>, vector<1x128xi32>
    %lt3A_3301 = arith.cmpf olt, %add3A_3297, %select_n3A_3258 : vector<512x128xf32>
    %lt3A_3302 = arith.cmpf olt, %add3A_3297, %select_n3A_3263 : vector<512x128xf32>
    %lt3A_3303 = arith.cmpf olt, %add3A_3297, %select_n3A_3269 : vector<512x128xf32>
    %lt3A_3304 = arith.cmpf olt, %add3A_3297, %select_n3A_3275 : vector<512x128xf32>
    %lt3A_3305 = arith.cmpf olt, %add3A_3297, %select_n3A_3281 : vector<512x128xf32>
    %select_n3A_3306 = arith.select %lt3A_3301, %add3A_3297, %select_n3A_3258 : vector<512x128xi1>, vector<512x128xf32>
    %broadcast_in_dim3A_3307 = vector.shape_cast %get3A_3300 : vector<1x128xi32> to vector<1x128xi32>
    %broadcast_in_dim3A_3308 = vector.broadcast %broadcast_in_dim3A_3307 : vector<1x128xi32> to vector<512x128xi32>
    %select_n3A_3309 = arith.select %lt3A_3301, %broadcast_in_dim3A_3308, %select_n3A_3261 : vector<512x128xi1>, vector<512x128xi32>
    %select_n3A_3310 = arith.select %lt3A_3301, %select_n3A_3258, %add3A_3297 : vector<512x128xi1>, vector<512x128xf32>
    %select_n3A_3311 = arith.select %lt3A_3302, %select_n3A_3310, %select_n3A_3263 : vector<512x128xi1>, vector<512x128xf32>
    %broadcast_in_dim3A_3312 = vector.shape_cast %get3A_3300 : vector<1x128xi32> to vector<1x128xi32>
    %broadcast_in_dim3A_3313 = vector.broadcast %broadcast_in_dim3A_3312 : vector<1x128xi32> to vector<512x128xi32>
    %select_n3A_3314 = arith.select %lt3A_3301, %select_n3A_3261, %broadcast_in_dim3A_3313 : vector<512x128xi1>, vector<512x128xi32>
    %select_n3A_3315 = arith.select %lt3A_3302, %select_n3A_3314, %select_n3A_3267 : vector<512x128xi1>, vector<512x128xi32>
    %select_n3A_3316 = arith.select %lt3A_3302, %select_n3A_3263, %add3A_3297 : vector<512x128xi1>, vector<512x128xf32>
    %select_n3A_3317 = arith.select %lt3A_3303, %select_n3A_3316, %select_n3A_3269 : vector<512x128xi1>, vector<512x128xf32>
    %broadcast_in_dim3A_3318 = vector.shape_cast %get3A_3300 : vector<1x128xi32> to vector<1x128xi32>
    %broadcast_in_dim3A_3319 = vector.broadcast %broadcast_in_dim3A_3318 : vector<1x128xi32> to vector<512x128xi32>
    %select_n3A_3320 = arith.select %lt3A_3302, %select_n3A_3267, %broadcast_in_dim3A_3319 : vector<512x128xi1>, vector<512x128xi32>
    %select_n3A_3321 = arith.select %lt3A_3303, %select_n3A_3320, %select_n3A_3273 : vector<512x128xi1>, vector<512x128xi32>
    %select_n3A_3322 = arith.select %lt3A_3303, %select_n3A_3269, %add3A_3297 : vector<512x128xi1>, vector<512x128xf32>
    %select_n3A_3323 = arith.select %lt3A_3304, %select_n3A_3322, %select_n3A_3275 : vector<512x128xi1>, vector<512x128xf32>
    %broadcast_in_dim3A_3324 = vector.shape_cast %get3A_3300 : vector<1x128xi32> to vector<1x128xi32>
    %broadcast_in_dim3A_3325 = vector.broadcast %broadcast_in_dim3A_3324 : vector<1x128xi32> to vector<512x128xi32>
    %select_n3A_3326 = arith.select %lt3A_3303, %select_n3A_3273, %broadcast_in_dim3A_3325 : vector<512x128xi1>, vector<512x128xi32>
    %select_n3A_3327 = arith.select %lt3A_3304, %select_n3A_3326, %select_n3A_3279 : vector<512x128xi1>, vector<512x128xi32>
    %select_n3A_3328 = arith.select %lt3A_3304, %select_n3A_3275, %add3A_3297 : vector<512x128xi1>, vector<512x128xf32>
    %select_n3A_3329 = arith.select %lt3A_3305, %select_n3A_3328, %select_n3A_3281 : vector<512x128xi1>, vector<512x128xf32>
    %broadcast_in_dim3A_3330 = vector.shape_cast %get3A_3300 : vector<1x128xi32> to vector<1x128xi32>
    %broadcast_in_dim3A_3331 = vector.broadcast %broadcast_in_dim3A_3330 : vector<1x128xi32> to vector<512x128xi32>
    %select_n3A_3332 = arith.select %lt3A_3304, %select_n3A_3279, %broadcast_in_dim3A_3331 : vector<512x128xi1>, vector<512x128xi32>
    %select_n3A_3333 = arith.select %lt3A_3305, %select_n3A_3332, %select_n3A_3285 : vector<512x128xi1>, vector<512x128xi32>
    %get3A_3334 = arith.constant 8832 : index
    %get3A_3335 = arith.constant 0 : index
    %get3A_3336 = vector.load %arg4[%get3A_3334, %get3A_3335] : memref<10240x32xf32, #tpu.memory_space<vmem>>, vector<128x16xf32>
    %dot_general3A_3337 = arith.constant dense<0.000000e+00> : vector<512x128xf32>
    %dot_general3A_3338 = tpu.matmul %mul3A_3, %get3A_3336, %dot_general3A_3337 {dimension_numbers = #tpu.dot_dimension_numbers<[1], [1], [0], [0], [0, 0, 1, 0], [], []>, transpose_lhs_hint = false} : vector<512x16xf32>, vector<128x16xf32>, vector<512x128xf32> -> vector<512x128xf32>
    %get3A_3339 = arith.constant 0 : index
    %get3A_3340 = arith.constant 8832 : index
    %get3A_3341 = vector.load %arg3[%get3A_3339, %get3A_3340] : memref<1x10240xf32, #tpu.memory_space<vmem>>, vector<1x128xf32>
    %add3A_3342 = vector.broadcast %get3A_6 : vector<512x1xf32> to vector<512x128xf32>
    %add3A_3343 = vector.broadcast %get3A_3341 : vector<1x128xf32> to vector<512x128xf32>
    %add3A_3344 = arith.addf %add3A_3342, %add3A_3343 : vector<512x128xf32>
    %add3A_3345 = arith.addf %add3A_3344, %dot_general3A_3338 : vector<512x128xf32>
    %get3A_3346 = arith.constant 0 : index
    %get3A_3347 = arith.constant 8832 : index
    %get3A_3348 = vector.load %arg5[%get3A_3346, %get3A_3347] : memref<1x10240xi32, #tpu.memory_space<vmem>>, vector<1x128xi32>
    %lt3A_3349 = arith.cmpf olt, %add3A_3345, %select_n3A_3306 : vector<512x128xf32>
    %lt3A_3350 = arith.cmpf olt, %add3A_3345, %select_n3A_3311 : vector<512x128xf32>
    %lt3A_3351 = arith.cmpf olt, %add3A_3345, %select_n3A_3317 : vector<512x128xf32>
    %lt3A_3352 = arith.cmpf olt, %add3A_3345, %select_n3A_3323 : vector<512x128xf32>
    %lt3A_3353 = arith.cmpf olt, %add3A_3345, %select_n3A_3329 : vector<512x128xf32>
    %select_n3A_3354 = arith.select %lt3A_3349, %add3A_3345, %select_n3A_3306 : vector<512x128xi1>, vector<512x128xf32>
    %broadcast_in_dim3A_3355 = vector.shape_cast %get3A_3348 : vector<1x128xi32> to vector<1x128xi32>
    %broadcast_in_dim3A_3356 = vector.broadcast %broadcast_in_dim3A_3355 : vector<1x128xi32> to vector<512x128xi32>
    %select_n3A_3357 = arith.select %lt3A_3349, %broadcast_in_dim3A_3356, %select_n3A_3309 : vector<512x128xi1>, vector<512x128xi32>
    %select_n3A_3358 = arith.select %lt3A_3349, %select_n3A_3306, %add3A_3345 : vector<512x128xi1>, vector<512x128xf32>
    %select_n3A_3359 = arith.select %lt3A_3350, %select_n3A_3358, %select_n3A_3311 : vector<512x128xi1>, vector<512x128xf32>
    %broadcast_in_dim3A_3360 = vector.shape_cast %get3A_3348 : vector<1x128xi32> to vector<1x128xi32>
    %broadcast_in_dim3A_3361 = vector.broadcast %broadcast_in_dim3A_3360 : vector<1x128xi32> to vector<512x128xi32>
    %select_n3A_3362 = arith.select %lt3A_3349, %select_n3A_3309, %broadcast_in_dim3A_3361 : vector<512x128xi1>, vector<512x128xi32>
    %select_n3A_3363 = arith.select %lt3A_3350, %select_n3A_3362, %select_n3A_3315 : vector<512x128xi1>, vector<512x128xi32>
    %select_n3A_3364 = arith.select %lt3A_3350, %select_n3A_3311, %add3A_3345 : vector<512x128xi1>, vector<512x128xf32>
    %select_n3A_3365 = arith.select %lt3A_3351, %select_n3A_3364, %select_n3A_3317 : vector<512x128xi1>, vector<512x128xf32>
    %broadcast_in_dim3A_3366 = vector.shape_cast %get3A_3348 : vector<1x128xi32> to vector<1x128xi32>
    %broadcast_in_dim3A_3367 = vector.broadcast %broadcast_in_dim3A_3366 : vector<1x128xi32> to vector<512x128xi32>
    %select_n3A_3368 = arith.select %lt3A_3350, %select_n3A_3315, %broadcast_in_dim3A_3367 : vector<512x128xi1>, vector<512x128xi32>
    %select_n3A_3369 = arith.select %lt3A_3351, %select_n3A_3368, %select_n3A_3321 : vector<512x128xi1>, vector<512x128xi32>
    %select_n3A_3370 = arith.select %lt3A_3351, %select_n3A_3317, %add3A_3345 : vector<512x128xi1>, vector<512x128xf32>
    %select_n3A_3371 = arith.select %lt3A_3352, %select_n3A_3370, %select_n3A_3323 : vector<512x128xi1>, vector<512x128xf32>
    %broadcast_in_dim3A_3372 = vector.shape_cast %get3A_3348 : vector<1x128xi32> to vector<1x128xi32>
    %broadcast_in_dim3A_3373 = vector.broadcast %broadcast_in_dim3A_3372 : vector<1x128xi32> to vector<512x128xi32>
    %select_n3A_3374 = arith.select %lt3A_3351, %select_n3A_3321, %broadcast_in_dim3A_3373 : vector<512x128xi1>, vector<512x128xi32>
    %select_n3A_3375 = arith.select %lt3A_3352, %select_n3A_3374, %select_n3A_3327 : vector<512x128xi1>, vector<512x128xi32>
    %select_n3A_3376 = arith.select %lt3A_3352, %select_n3A_3323, %add3A_3345 : vector<512x128xi1>, vector<512x128xf32>
    %select_n3A_3377 = arith.select %lt3A_3353, %select_n3A_3376, %select_n3A_3329 : vector<512x128xi1>, vector<512x128xf32>
    %broadcast_in_dim3A_3378 = vector.shape_cast %get3A_3348 : vector<1x128xi32> to vector<1x128xi32>
    %broadcast_in_dim3A_3379 = vector.broadcast %broadcast_in_dim3A_3378 : vector<1x128xi32> to vector<512x128xi32>
    %select_n3A_3380 = arith.select %lt3A_3352, %select_n3A_3327, %broadcast_in_dim3A_3379 : vector<512x128xi1>, vector<512x128xi32>
    %select_n3A_3381 = arith.select %lt3A_3353, %select_n3A_3380, %select_n3A_3333 : vector<512x128xi1>, vector<512x128xi32>
    %get3A_3382 = arith.constant 8960 : index
    %get3A_3383 = arith.constant 0 : index
    %get3A_3384 = vector.load %arg4[%get3A_3382, %get3A_3383] : memref<10240x32xf32, #tpu.memory_space<vmem>>, vector<128x16xf32>
    %dot_general3A_3385 = arith.constant dense<0.000000e+00> : vector<512x128xf32>
    %dot_general3A_3386 = tpu.matmul %mul3A_3, %get3A_3384, %dot_general3A_3385 {dimension_numbers = #tpu.dot_dimension_numbers<[1], [1], [0], [0], [0, 0, 1, 0], [], []>, transpose_lhs_hint = false} : vector<512x16xf32>, vector<128x16xf32>, vector<512x128xf32> -> vector<512x128xf32>
    %get3A_3387 = arith.constant 0 : index
    %get3A_3388 = arith.constant 8960 : index
    %get3A_3389 = vector.load %arg3[%get3A_3387, %get3A_3388] : memref<1x10240xf32, #tpu.memory_space<vmem>>, vector<1x128xf32>
    %add3A_3390 = vector.broadcast %get3A_6 : vector<512x1xf32> to vector<512x128xf32>
    %add3A_3391 = vector.broadcast %get3A_3389 : vector<1x128xf32> to vector<512x128xf32>
    %add3A_3392 = arith.addf %add3A_3390, %add3A_3391 : vector<512x128xf32>
    %add3A_3393 = arith.addf %add3A_3392, %dot_general3A_3386 : vector<512x128xf32>
    %get3A_3394 = arith.constant 0 : index
    %get3A_3395 = arith.constant 8960 : index
    %get3A_3396 = vector.load %arg5[%get3A_3394, %get3A_3395] : memref<1x10240xi32, #tpu.memory_space<vmem>>, vector<1x128xi32>
    %lt3A_3397 = arith.cmpf olt, %add3A_3393, %select_n3A_3354 : vector<512x128xf32>
    %lt3A_3398 = arith.cmpf olt, %add3A_3393, %select_n3A_3359 : vector<512x128xf32>
    %lt3A_3399 = arith.cmpf olt, %add3A_3393, %select_n3A_3365 : vector<512x128xf32>
    %lt3A_3400 = arith.cmpf olt, %add3A_3393, %select_n3A_3371 : vector<512x128xf32>
    %lt3A_3401 = arith.cmpf olt, %add3A_3393, %select_n3A_3377 : vector<512x128xf32>
    %select_n3A_3402 = arith.select %lt3A_3397, %add3A_3393, %select_n3A_3354 : vector<512x128xi1>, vector<512x128xf32>
    %broadcast_in_dim3A_3403 = vector.shape_cast %get3A_3396 : vector<1x128xi32> to vector<1x128xi32>
    %broadcast_in_dim3A_3404 = vector.broadcast %broadcast_in_dim3A_3403 : vector<1x128xi32> to vector<512x128xi32>
    %select_n3A_3405 = arith.select %lt3A_3397, %broadcast_in_dim3A_3404, %select_n3A_3357 : vector<512x128xi1>, vector<512x128xi32>
    %select_n3A_3406 = arith.select %lt3A_3397, %select_n3A_3354, %add3A_3393 : vector<512x128xi1>, vector<512x128xf32>
    %select_n3A_3407 = arith.select %lt3A_3398, %select_n3A_3406, %select_n3A_3359 : vector<512x128xi1>, vector<512x128xf32>
    %broadcast_in_dim3A_3408 = vector.shape_cast %get3A_3396 : vector<1x128xi32> to vector<1x128xi32>
    %broadcast_in_dim3A_3409 = vector.broadcast %broadcast_in_dim3A_3408 : vector<1x128xi32> to vector<512x128xi32>
    %select_n3A_3410 = arith.select %lt3A_3397, %select_n3A_3357, %broadcast_in_dim3A_3409 : vector<512x128xi1>, vector<512x128xi32>
    %select_n3A_3411 = arith.select %lt3A_3398, %select_n3A_3410, %select_n3A_3363 : vector<512x128xi1>, vector<512x128xi32>
    %select_n3A_3412 = arith.select %lt3A_3398, %select_n3A_3359, %add3A_3393 : vector<512x128xi1>, vector<512x128xf32>
    %select_n3A_3413 = arith.select %lt3A_3399, %select_n3A_3412, %select_n3A_3365 : vector<512x128xi1>, vector<512x128xf32>
    %broadcast_in_dim3A_3414 = vector.shape_cast %get3A_3396 : vector<1x128xi32> to vector<1x128xi32>
    %broadcast_in_dim3A_3415 = vector.broadcast %broadcast_in_dim3A_3414 : vector<1x128xi32> to vector<512x128xi32>
    %select_n3A_3416 = arith.select %lt3A_3398, %select_n3A_3363, %broadcast_in_dim3A_3415 : vector<512x128xi1>, vector<512x128xi32>
    %select_n3A_3417 = arith.select %lt3A_3399, %select_n3A_3416, %select_n3A_3369 : vector<512x128xi1>, vector<512x128xi32>
    %select_n3A_3418 = arith.select %lt3A_3399, %select_n3A_3365, %add3A_3393 : vector<512x128xi1>, vector<512x128xf32>
    %select_n3A_3419 = arith.select %lt3A_3400, %select_n3A_3418, %select_n3A_3371 : vector<512x128xi1>, vector<512x128xf32>
    %broadcast_in_dim3A_3420 = vector.shape_cast %get3A_3396 : vector<1x128xi32> to vector<1x128xi32>
    %broadcast_in_dim3A_3421 = vector.broadcast %broadcast_in_dim3A_3420 : vector<1x128xi32> to vector<512x128xi32>
    %select_n3A_3422 = arith.select %lt3A_3399, %select_n3A_3369, %broadcast_in_dim3A_3421 : vector<512x128xi1>, vector<512x128xi32>
    %select_n3A_3423 = arith.select %lt3A_3400, %select_n3A_3422, %select_n3A_3375 : vector<512x128xi1>, vector<512x128xi32>
    %select_n3A_3424 = arith.select %lt3A_3400, %select_n3A_3371, %add3A_3393 : vector<512x128xi1>, vector<512x128xf32>
    %select_n3A_3425 = arith.select %lt3A_3401, %select_n3A_3424, %select_n3A_3377 : vector<512x128xi1>, vector<512x128xf32>
    %broadcast_in_dim3A_3426 = vector.shape_cast %get3A_3396 : vector<1x128xi32> to vector<1x128xi32>
    %broadcast_in_dim3A_3427 = vector.broadcast %broadcast_in_dim3A_3426 : vector<1x128xi32> to vector<512x128xi32>
    %select_n3A_3428 = arith.select %lt3A_3400, %select_n3A_3375, %broadcast_in_dim3A_3427 : vector<512x128xi1>, vector<512x128xi32>
    %select_n3A_3429 = arith.select %lt3A_3401, %select_n3A_3428, %select_n3A_3381 : vector<512x128xi1>, vector<512x128xi32>
    %get3A_3430 = arith.constant 9088 : index
    %get3A_3431 = arith.constant 0 : index
    %get3A_3432 = vector.load %arg4[%get3A_3430, %get3A_3431] : memref<10240x32xf32, #tpu.memory_space<vmem>>, vector<128x16xf32>
    %dot_general3A_3433 = arith.constant dense<0.000000e+00> : vector<512x128xf32>
    %dot_general3A_3434 = tpu.matmul %mul3A_3, %get3A_3432, %dot_general3A_3433 {dimension_numbers = #tpu.dot_dimension_numbers<[1], [1], [0], [0], [0, 0, 1, 0], [], []>, transpose_lhs_hint = false} : vector<512x16xf32>, vector<128x16xf32>, vector<512x128xf32> -> vector<512x128xf32>
    %get3A_3435 = arith.constant 0 : index
    %get3A_3436 = arith.constant 9088 : index
    %get3A_3437 = vector.load %arg3[%get3A_3435, %get3A_3436] : memref<1x10240xf32, #tpu.memory_space<vmem>>, vector<1x128xf32>
    %add3A_3438 = vector.broadcast %get3A_6 : vector<512x1xf32> to vector<512x128xf32>
    %add3A_3439 = vector.broadcast %get3A_3437 : vector<1x128xf32> to vector<512x128xf32>
    %add3A_3440 = arith.addf %add3A_3438, %add3A_3439 : vector<512x128xf32>
    %add3A_3441 = arith.addf %add3A_3440, %dot_general3A_3434 : vector<512x128xf32>
    %get3A_3442 = arith.constant 0 : index
    %get3A_3443 = arith.constant 9088 : index
    %get3A_3444 = vector.load %arg5[%get3A_3442, %get3A_3443] : memref<1x10240xi32, #tpu.memory_space<vmem>>, vector<1x128xi32>
    %lt3A_3445 = arith.cmpf olt, %add3A_3441, %select_n3A_3402 : vector<512x128xf32>
    %lt3A_3446 = arith.cmpf olt, %add3A_3441, %select_n3A_3407 : vector<512x128xf32>
    %lt3A_3447 = arith.cmpf olt, %add3A_3441, %select_n3A_3413 : vector<512x128xf32>
    %lt3A_3448 = arith.cmpf olt, %add3A_3441, %select_n3A_3419 : vector<512x128xf32>
    %lt3A_3449 = arith.cmpf olt, %add3A_3441, %select_n3A_3425 : vector<512x128xf32>
    %select_n3A_3450 = arith.select %lt3A_3445, %add3A_3441, %select_n3A_3402 : vector<512x128xi1>, vector<512x128xf32>
    %broadcast_in_dim3A_3451 = vector.shape_cast %get3A_3444 : vector<1x128xi32> to vector<1x128xi32>
    %broadcast_in_dim3A_3452 = vector.broadcast %broadcast_in_dim3A_3451 : vector<1x128xi32> to vector<512x128xi32>
    %select_n3A_3453 = arith.select %lt3A_3445, %broadcast_in_dim3A_3452, %select_n3A_3405 : vector<512x128xi1>, vector<512x128xi32>
    %select_n3A_3454 = arith.select %lt3A_3445, %select_n3A_3402, %add3A_3441 : vector<512x128xi1>, vector<512x128xf32>
    %select_n3A_3455 = arith.select %lt3A_3446, %select_n3A_3454, %select_n3A_3407 : vector<512x128xi1>, vector<512x128xf32>
    %broadcast_in_dim3A_3456 = vector.shape_cast %get3A_3444 : vector<1x128xi32> to vector<1x128xi32>
    %broadcast_in_dim3A_3457 = vector.broadcast %broadcast_in_dim3A_3456 : vector<1x128xi32> to vector<512x128xi32>
    %select_n3A_3458 = arith.select %lt3A_3445, %select_n3A_3405, %broadcast_in_dim3A_3457 : vector<512x128xi1>, vector<512x128xi32>
    %select_n3A_3459 = arith.select %lt3A_3446, %select_n3A_3458, %select_n3A_3411 : vector<512x128xi1>, vector<512x128xi32>
    %select_n3A_3460 = arith.select %lt3A_3446, %select_n3A_3407, %add3A_3441 : vector<512x128xi1>, vector<512x128xf32>
    %select_n3A_3461 = arith.select %lt3A_3447, %select_n3A_3460, %select_n3A_3413 : vector<512x128xi1>, vector<512x128xf32>
    %broadcast_in_dim3A_3462 = vector.shape_cast %get3A_3444 : vector<1x128xi32> to vector<1x128xi32>
    %broadcast_in_dim3A_3463 = vector.broadcast %broadcast_in_dim3A_3462 : vector<1x128xi32> to vector<512x128xi32>
    %select_n3A_3464 = arith.select %lt3A_3446, %select_n3A_3411, %broadcast_in_dim3A_3463 : vector<512x128xi1>, vector<512x128xi32>
    %select_n3A_3465 = arith.select %lt3A_3447, %select_n3A_3464, %select_n3A_3417 : vector<512x128xi1>, vector<512x128xi32>
    %select_n3A_3466 = arith.select %lt3A_3447, %select_n3A_3413, %add3A_3441 : vector<512x128xi1>, vector<512x128xf32>
    %select_n3A_3467 = arith.select %lt3A_3448, %select_n3A_3466, %select_n3A_3419 : vector<512x128xi1>, vector<512x128xf32>
    %broadcast_in_dim3A_3468 = vector.shape_cast %get3A_3444 : vector<1x128xi32> to vector<1x128xi32>
    %broadcast_in_dim3A_3469 = vector.broadcast %broadcast_in_dim3A_3468 : vector<1x128xi32> to vector<512x128xi32>
    %select_n3A_3470 = arith.select %lt3A_3447, %select_n3A_3417, %broadcast_in_dim3A_3469 : vector<512x128xi1>, vector<512x128xi32>
    %select_n3A_3471 = arith.select %lt3A_3448, %select_n3A_3470, %select_n3A_3423 : vector<512x128xi1>, vector<512x128xi32>
    %select_n3A_3472 = arith.select %lt3A_3448, %select_n3A_3419, %add3A_3441 : vector<512x128xi1>, vector<512x128xf32>
    %select_n3A_3473 = arith.select %lt3A_3449, %select_n3A_3472, %select_n3A_3425 : vector<512x128xi1>, vector<512x128xf32>
    %broadcast_in_dim3A_3474 = vector.shape_cast %get3A_3444 : vector<1x128xi32> to vector<1x128xi32>
    %broadcast_in_dim3A_3475 = vector.broadcast %broadcast_in_dim3A_3474 : vector<1x128xi32> to vector<512x128xi32>
    %select_n3A_3476 = arith.select %lt3A_3448, %select_n3A_3423, %broadcast_in_dim3A_3475 : vector<512x128xi1>, vector<512x128xi32>
    %select_n3A_3477 = arith.select %lt3A_3449, %select_n3A_3476, %select_n3A_3429 : vector<512x128xi1>, vector<512x128xi32>
    %get3A_3478 = arith.constant 9216 : index
    %get3A_3479 = arith.constant 0 : index
    %get3A_3480 = vector.load %arg4[%get3A_3478, %get3A_3479] : memref<10240x32xf32, #tpu.memory_space<vmem>>, vector<128x16xf32>
    %dot_general3A_3481 = arith.constant dense<0.000000e+00> : vector<512x128xf32>
    %dot_general3A_3482 = tpu.matmul %mul3A_3, %get3A_3480, %dot_general3A_3481 {dimension_numbers = #tpu.dot_dimension_numbers<[1], [1], [0], [0], [0, 0, 1, 0], [], []>, transpose_lhs_hint = false} : vector<512x16xf32>, vector<128x16xf32>, vector<512x128xf32> -> vector<512x128xf32>
    %get3A_3483 = arith.constant 0 : index
    %get3A_3484 = arith.constant 9216 : index
    %get3A_3485 = vector.load %arg3[%get3A_3483, %get3A_3484] : memref<1x10240xf32, #tpu.memory_space<vmem>>, vector<1x128xf32>
    %add3A_3486 = vector.broadcast %get3A_6 : vector<512x1xf32> to vector<512x128xf32>
    %add3A_3487 = vector.broadcast %get3A_3485 : vector<1x128xf32> to vector<512x128xf32>
    %add3A_3488 = arith.addf %add3A_3486, %add3A_3487 : vector<512x128xf32>
    %add3A_3489 = arith.addf %add3A_3488, %dot_general3A_3482 : vector<512x128xf32>
    %get3A_3490 = arith.constant 0 : index
    %get3A_3491 = arith.constant 9216 : index
    %get3A_3492 = vector.load %arg5[%get3A_3490, %get3A_3491] : memref<1x10240xi32, #tpu.memory_space<vmem>>, vector<1x128xi32>
    %lt3A_3493 = arith.cmpf olt, %add3A_3489, %select_n3A_3450 : vector<512x128xf32>
    %lt3A_3494 = arith.cmpf olt, %add3A_3489, %select_n3A_3455 : vector<512x128xf32>
    %lt3A_3495 = arith.cmpf olt, %add3A_3489, %select_n3A_3461 : vector<512x128xf32>
    %lt3A_3496 = arith.cmpf olt, %add3A_3489, %select_n3A_3467 : vector<512x128xf32>
    %lt3A_3497 = arith.cmpf olt, %add3A_3489, %select_n3A_3473 : vector<512x128xf32>
    %select_n3A_3498 = arith.select %lt3A_3493, %add3A_3489, %select_n3A_3450 : vector<512x128xi1>, vector<512x128xf32>
    %broadcast_in_dim3A_3499 = vector.shape_cast %get3A_3492 : vector<1x128xi32> to vector<1x128xi32>
    %broadcast_in_dim3A_3500 = vector.broadcast %broadcast_in_dim3A_3499 : vector<1x128xi32> to vector<512x128xi32>
    %select_n3A_3501 = arith.select %lt3A_3493, %broadcast_in_dim3A_3500, %select_n3A_3453 : vector<512x128xi1>, vector<512x128xi32>
    %select_n3A_3502 = arith.select %lt3A_3493, %select_n3A_3450, %add3A_3489 : vector<512x128xi1>, vector<512x128xf32>
    %select_n3A_3503 = arith.select %lt3A_3494, %select_n3A_3502, %select_n3A_3455 : vector<512x128xi1>, vector<512x128xf32>
    %broadcast_in_dim3A_3504 = vector.shape_cast %get3A_3492 : vector<1x128xi32> to vector<1x128xi32>
    %broadcast_in_dim3A_3505 = vector.broadcast %broadcast_in_dim3A_3504 : vector<1x128xi32> to vector<512x128xi32>
    %select_n3A_3506 = arith.select %lt3A_3493, %select_n3A_3453, %broadcast_in_dim3A_3505 : vector<512x128xi1>, vector<512x128xi32>
    %select_n3A_3507 = arith.select %lt3A_3494, %select_n3A_3506, %select_n3A_3459 : vector<512x128xi1>, vector<512x128xi32>
    %select_n3A_3508 = arith.select %lt3A_3494, %select_n3A_3455, %add3A_3489 : vector<512x128xi1>, vector<512x128xf32>
    %select_n3A_3509 = arith.select %lt3A_3495, %select_n3A_3508, %select_n3A_3461 : vector<512x128xi1>, vector<512x128xf32>
    %broadcast_in_dim3A_3510 = vector.shape_cast %get3A_3492 : vector<1x128xi32> to vector<1x128xi32>
    %broadcast_in_dim3A_3511 = vector.broadcast %broadcast_in_dim3A_3510 : vector<1x128xi32> to vector<512x128xi32>
    %select_n3A_3512 = arith.select %lt3A_3494, %select_n3A_3459, %broadcast_in_dim3A_3511 : vector<512x128xi1>, vector<512x128xi32>
    %select_n3A_3513 = arith.select %lt3A_3495, %select_n3A_3512, %select_n3A_3465 : vector<512x128xi1>, vector<512x128xi32>
    %select_n3A_3514 = arith.select %lt3A_3495, %select_n3A_3461, %add3A_3489 : vector<512x128xi1>, vector<512x128xf32>
    %select_n3A_3515 = arith.select %lt3A_3496, %select_n3A_3514, %select_n3A_3467 : vector<512x128xi1>, vector<512x128xf32>
    %broadcast_in_dim3A_3516 = vector.shape_cast %get3A_3492 : vector<1x128xi32> to vector<1x128xi32>
    %broadcast_in_dim3A_3517 = vector.broadcast %broadcast_in_dim3A_3516 : vector<1x128xi32> to vector<512x128xi32>
    %select_n3A_3518 = arith.select %lt3A_3495, %select_n3A_3465, %broadcast_in_dim3A_3517 : vector<512x128xi1>, vector<512x128xi32>
    %select_n3A_3519 = arith.select %lt3A_3496, %select_n3A_3518, %select_n3A_3471 : vector<512x128xi1>, vector<512x128xi32>
    %select_n3A_3520 = arith.select %lt3A_3496, %select_n3A_3467, %add3A_3489 : vector<512x128xi1>, vector<512x128xf32>
    %select_n3A_3521 = arith.select %lt3A_3497, %select_n3A_3520, %select_n3A_3473 : vector<512x128xi1>, vector<512x128xf32>
    %broadcast_in_dim3A_3522 = vector.shape_cast %get3A_3492 : vector<1x128xi32> to vector<1x128xi32>
    %broadcast_in_dim3A_3523 = vector.broadcast %broadcast_in_dim3A_3522 : vector<1x128xi32> to vector<512x128xi32>
    %select_n3A_3524 = arith.select %lt3A_3496, %select_n3A_3471, %broadcast_in_dim3A_3523 : vector<512x128xi1>, vector<512x128xi32>
    %select_n3A_3525 = arith.select %lt3A_3497, %select_n3A_3524, %select_n3A_3477 : vector<512x128xi1>, vector<512x128xi32>
    %get3A_3526 = arith.constant 9344 : index
    %get3A_3527 = arith.constant 0 : index
    %get3A_3528 = vector.load %arg4[%get3A_3526, %get3A_3527] : memref<10240x32xf32, #tpu.memory_space<vmem>>, vector<128x16xf32>
    %dot_general3A_3529 = arith.constant dense<0.000000e+00> : vector<512x128xf32>
    %dot_general3A_3530 = tpu.matmul %mul3A_3, %get3A_3528, %dot_general3A_3529 {dimension_numbers = #tpu.dot_dimension_numbers<[1], [1], [0], [0], [0, 0, 1, 0], [], []>, transpose_lhs_hint = false} : vector<512x16xf32>, vector<128x16xf32>, vector<512x128xf32> -> vector<512x128xf32>
    %get3A_3531 = arith.constant 0 : index
    %get3A_3532 = arith.constant 9344 : index
    %get3A_3533 = vector.load %arg3[%get3A_3531, %get3A_3532] : memref<1x10240xf32, #tpu.memory_space<vmem>>, vector<1x128xf32>
    %add3A_3534 = vector.broadcast %get3A_6 : vector<512x1xf32> to vector<512x128xf32>
    %add3A_3535 = vector.broadcast %get3A_3533 : vector<1x128xf32> to vector<512x128xf32>
    %add3A_3536 = arith.addf %add3A_3534, %add3A_3535 : vector<512x128xf32>
    %add3A_3537 = arith.addf %add3A_3536, %dot_general3A_3530 : vector<512x128xf32>
    %get3A_3538 = arith.constant 0 : index
    %get3A_3539 = arith.constant 9344 : index
    %get3A_3540 = vector.load %arg5[%get3A_3538, %get3A_3539] : memref<1x10240xi32, #tpu.memory_space<vmem>>, vector<1x128xi32>
    %lt3A_3541 = arith.cmpf olt, %add3A_3537, %select_n3A_3498 : vector<512x128xf32>
    %lt3A_3542 = arith.cmpf olt, %add3A_3537, %select_n3A_3503 : vector<512x128xf32>
    %lt3A_3543 = arith.cmpf olt, %add3A_3537, %select_n3A_3509 : vector<512x128xf32>
    %lt3A_3544 = arith.cmpf olt, %add3A_3537, %select_n3A_3515 : vector<512x128xf32>
    %lt3A_3545 = arith.cmpf olt, %add3A_3537, %select_n3A_3521 : vector<512x128xf32>
    %select_n3A_3546 = arith.select %lt3A_3541, %add3A_3537, %select_n3A_3498 : vector<512x128xi1>, vector<512x128xf32>
    %broadcast_in_dim3A_3547 = vector.shape_cast %get3A_3540 : vector<1x128xi32> to vector<1x128xi32>
    %broadcast_in_dim3A_3548 = vector.broadcast %broadcast_in_dim3A_3547 : vector<1x128xi32> to vector<512x128xi32>
    %select_n3A_3549 = arith.select %lt3A_3541, %broadcast_in_dim3A_3548, %select_n3A_3501 : vector<512x128xi1>, vector<512x128xi32>
    %select_n3A_3550 = arith.select %lt3A_3541, %select_n3A_3498, %add3A_3537 : vector<512x128xi1>, vector<512x128xf32>
    %select_n3A_3551 = arith.select %lt3A_3542, %select_n3A_3550, %select_n3A_3503 : vector<512x128xi1>, vector<512x128xf32>
    %broadcast_in_dim3A_3552 = vector.shape_cast %get3A_3540 : vector<1x128xi32> to vector<1x128xi32>
    %broadcast_in_dim3A_3553 = vector.broadcast %broadcast_in_dim3A_3552 : vector<1x128xi32> to vector<512x128xi32>
    %select_n3A_3554 = arith.select %lt3A_3541, %select_n3A_3501, %broadcast_in_dim3A_3553 : vector<512x128xi1>, vector<512x128xi32>
    %select_n3A_3555 = arith.select %lt3A_3542, %select_n3A_3554, %select_n3A_3507 : vector<512x128xi1>, vector<512x128xi32>
    %select_n3A_3556 = arith.select %lt3A_3542, %select_n3A_3503, %add3A_3537 : vector<512x128xi1>, vector<512x128xf32>
    %select_n3A_3557 = arith.select %lt3A_3543, %select_n3A_3556, %select_n3A_3509 : vector<512x128xi1>, vector<512x128xf32>
    %broadcast_in_dim3A_3558 = vector.shape_cast %get3A_3540 : vector<1x128xi32> to vector<1x128xi32>
    %broadcast_in_dim3A_3559 = vector.broadcast %broadcast_in_dim3A_3558 : vector<1x128xi32> to vector<512x128xi32>
    %select_n3A_3560 = arith.select %lt3A_3542, %select_n3A_3507, %broadcast_in_dim3A_3559 : vector<512x128xi1>, vector<512x128xi32>
    %select_n3A_3561 = arith.select %lt3A_3543, %select_n3A_3560, %select_n3A_3513 : vector<512x128xi1>, vector<512x128xi32>
    %select_n3A_3562 = arith.select %lt3A_3543, %select_n3A_3509, %add3A_3537 : vector<512x128xi1>, vector<512x128xf32>
    %select_n3A_3563 = arith.select %lt3A_3544, %select_n3A_3562, %select_n3A_3515 : vector<512x128xi1>, vector<512x128xf32>
    %broadcast_in_dim3A_3564 = vector.shape_cast %get3A_3540 : vector<1x128xi32> to vector<1x128xi32>
    %broadcast_in_dim3A_3565 = vector.broadcast %broadcast_in_dim3A_3564 : vector<1x128xi32> to vector<512x128xi32>
    %select_n3A_3566 = arith.select %lt3A_3543, %select_n3A_3513, %broadcast_in_dim3A_3565 : vector<512x128xi1>, vector<512x128xi32>
    %select_n3A_3567 = arith.select %lt3A_3544, %select_n3A_3566, %select_n3A_3519 : vector<512x128xi1>, vector<512x128xi32>
    %select_n3A_3568 = arith.select %lt3A_3544, %select_n3A_3515, %add3A_3537 : vector<512x128xi1>, vector<512x128xf32>
    %select_n3A_3569 = arith.select %lt3A_3545, %select_n3A_3568, %select_n3A_3521 : vector<512x128xi1>, vector<512x128xf32>
    %broadcast_in_dim3A_3570 = vector.shape_cast %get3A_3540 : vector<1x128xi32> to vector<1x128xi32>
    %broadcast_in_dim3A_3571 = vector.broadcast %broadcast_in_dim3A_3570 : vector<1x128xi32> to vector<512x128xi32>
    %select_n3A_3572 = arith.select %lt3A_3544, %select_n3A_3519, %broadcast_in_dim3A_3571 : vector<512x128xi1>, vector<512x128xi32>
    %select_n3A_3573 = arith.select %lt3A_3545, %select_n3A_3572, %select_n3A_3525 : vector<512x128xi1>, vector<512x128xi32>
    %get3A_3574 = arith.constant 9472 : index
    %get3A_3575 = arith.constant 0 : index
    %get3A_3576 = vector.load %arg4[%get3A_3574, %get3A_3575] : memref<10240x32xf32, #tpu.memory_space<vmem>>, vector<128x16xf32>
    %dot_general3A_3577 = arith.constant dense<0.000000e+00> : vector<512x128xf32>
    %dot_general3A_3578 = tpu.matmul %mul3A_3, %get3A_3576, %dot_general3A_3577 {dimension_numbers = #tpu.dot_dimension_numbers<[1], [1], [0], [0], [0, 0, 1, 0], [], []>, transpose_lhs_hint = false} : vector<512x16xf32>, vector<128x16xf32>, vector<512x128xf32> -> vector<512x128xf32>
    %get3A_3579 = arith.constant 0 : index
    %get3A_3580 = arith.constant 9472 : index
    %get3A_3581 = vector.load %arg3[%get3A_3579, %get3A_3580] : memref<1x10240xf32, #tpu.memory_space<vmem>>, vector<1x128xf32>
    %add3A_3582 = vector.broadcast %get3A_6 : vector<512x1xf32> to vector<512x128xf32>
    %add3A_3583 = vector.broadcast %get3A_3581 : vector<1x128xf32> to vector<512x128xf32>
    %add3A_3584 = arith.addf %add3A_3582, %add3A_3583 : vector<512x128xf32>
    %add3A_3585 = arith.addf %add3A_3584, %dot_general3A_3578 : vector<512x128xf32>
    %get3A_3586 = arith.constant 0 : index
    %get3A_3587 = arith.constant 9472 : index
    %get3A_3588 = vector.load %arg5[%get3A_3586, %get3A_3587] : memref<1x10240xi32, #tpu.memory_space<vmem>>, vector<1x128xi32>
    %lt3A_3589 = arith.cmpf olt, %add3A_3585, %select_n3A_3546 : vector<512x128xf32>
    %lt3A_3590 = arith.cmpf olt, %add3A_3585, %select_n3A_3551 : vector<512x128xf32>
    %lt3A_3591 = arith.cmpf olt, %add3A_3585, %select_n3A_3557 : vector<512x128xf32>
    %lt3A_3592 = arith.cmpf olt, %add3A_3585, %select_n3A_3563 : vector<512x128xf32>
    %lt3A_3593 = arith.cmpf olt, %add3A_3585, %select_n3A_3569 : vector<512x128xf32>
    %select_n3A_3594 = arith.select %lt3A_3589, %add3A_3585, %select_n3A_3546 : vector<512x128xi1>, vector<512x128xf32>
    %broadcast_in_dim3A_3595 = vector.shape_cast %get3A_3588 : vector<1x128xi32> to vector<1x128xi32>
    %broadcast_in_dim3A_3596 = vector.broadcast %broadcast_in_dim3A_3595 : vector<1x128xi32> to vector<512x128xi32>
    %select_n3A_3597 = arith.select %lt3A_3589, %broadcast_in_dim3A_3596, %select_n3A_3549 : vector<512x128xi1>, vector<512x128xi32>
    %select_n3A_3598 = arith.select %lt3A_3589, %select_n3A_3546, %add3A_3585 : vector<512x128xi1>, vector<512x128xf32>
    %select_n3A_3599 = arith.select %lt3A_3590, %select_n3A_3598, %select_n3A_3551 : vector<512x128xi1>, vector<512x128xf32>
    %broadcast_in_dim3A_3600 = vector.shape_cast %get3A_3588 : vector<1x128xi32> to vector<1x128xi32>
    %broadcast_in_dim3A_3601 = vector.broadcast %broadcast_in_dim3A_3600 : vector<1x128xi32> to vector<512x128xi32>
    %select_n3A_3602 = arith.select %lt3A_3589, %select_n3A_3549, %broadcast_in_dim3A_3601 : vector<512x128xi1>, vector<512x128xi32>
    %select_n3A_3603 = arith.select %lt3A_3590, %select_n3A_3602, %select_n3A_3555 : vector<512x128xi1>, vector<512x128xi32>
    %select_n3A_3604 = arith.select %lt3A_3590, %select_n3A_3551, %add3A_3585 : vector<512x128xi1>, vector<512x128xf32>
    %select_n3A_3605 = arith.select %lt3A_3591, %select_n3A_3604, %select_n3A_3557 : vector<512x128xi1>, vector<512x128xf32>
    %broadcast_in_dim3A_3606 = vector.shape_cast %get3A_3588 : vector<1x128xi32> to vector<1x128xi32>
    %broadcast_in_dim3A_3607 = vector.broadcast %broadcast_in_dim3A_3606 : vector<1x128xi32> to vector<512x128xi32>
    %select_n3A_3608 = arith.select %lt3A_3590, %select_n3A_3555, %broadcast_in_dim3A_3607 : vector<512x128xi1>, vector<512x128xi32>
    %select_n3A_3609 = arith.select %lt3A_3591, %select_n3A_3608, %select_n3A_3561 : vector<512x128xi1>, vector<512x128xi32>
    %select_n3A_3610 = arith.select %lt3A_3591, %select_n3A_3557, %add3A_3585 : vector<512x128xi1>, vector<512x128xf32>
    %select_n3A_3611 = arith.select %lt3A_3592, %select_n3A_3610, %select_n3A_3563 : vector<512x128xi1>, vector<512x128xf32>
    %broadcast_in_dim3A_3612 = vector.shape_cast %get3A_3588 : vector<1x128xi32> to vector<1x128xi32>
    %broadcast_in_dim3A_3613 = vector.broadcast %broadcast_in_dim3A_3612 : vector<1x128xi32> to vector<512x128xi32>
    %select_n3A_3614 = arith.select %lt3A_3591, %select_n3A_3561, %broadcast_in_dim3A_3613 : vector<512x128xi1>, vector<512x128xi32>
    %select_n3A_3615 = arith.select %lt3A_3592, %select_n3A_3614, %select_n3A_3567 : vector<512x128xi1>, vector<512x128xi32>
    %select_n3A_3616 = arith.select %lt3A_3592, %select_n3A_3563, %add3A_3585 : vector<512x128xi1>, vector<512x128xf32>
    %select_n3A_3617 = arith.select %lt3A_3593, %select_n3A_3616, %select_n3A_3569 : vector<512x128xi1>, vector<512x128xf32>
    %broadcast_in_dim3A_3618 = vector.shape_cast %get3A_3588 : vector<1x128xi32> to vector<1x128xi32>
    %broadcast_in_dim3A_3619 = vector.broadcast %broadcast_in_dim3A_3618 : vector<1x128xi32> to vector<512x128xi32>
    %select_n3A_3620 = arith.select %lt3A_3592, %select_n3A_3567, %broadcast_in_dim3A_3619 : vector<512x128xi1>, vector<512x128xi32>
    %select_n3A_3621 = arith.select %lt3A_3593, %select_n3A_3620, %select_n3A_3573 : vector<512x128xi1>, vector<512x128xi32>
    %get3A_3622 = arith.constant 9600 : index
    %get3A_3623 = arith.constant 0 : index
    %get3A_3624 = vector.load %arg4[%get3A_3622, %get3A_3623] : memref<10240x32xf32, #tpu.memory_space<vmem>>, vector<128x16xf32>
    %dot_general3A_3625 = arith.constant dense<0.000000e+00> : vector<512x128xf32>
    %dot_general3A_3626 = tpu.matmul %mul3A_3, %get3A_3624, %dot_general3A_3625 {dimension_numbers = #tpu.dot_dimension_numbers<[1], [1], [0], [0], [0, 0, 1, 0], [], []>, transpose_lhs_hint = false} : vector<512x16xf32>, vector<128x16xf32>, vector<512x128xf32> -> vector<512x128xf32>
    %get3A_3627 = arith.constant 0 : index
    %get3A_3628 = arith.constant 9600 : index
    %get3A_3629 = vector.load %arg3[%get3A_3627, %get3A_3628] : memref<1x10240xf32, #tpu.memory_space<vmem>>, vector<1x128xf32>
    %add3A_3630 = vector.broadcast %get3A_6 : vector<512x1xf32> to vector<512x128xf32>
    %add3A_3631 = vector.broadcast %get3A_3629 : vector<1x128xf32> to vector<512x128xf32>
    %add3A_3632 = arith.addf %add3A_3630, %add3A_3631 : vector<512x128xf32>
    %add3A_3633 = arith.addf %add3A_3632, %dot_general3A_3626 : vector<512x128xf32>
    %get3A_3634 = arith.constant 0 : index
    %get3A_3635 = arith.constant 9600 : index
    %get3A_3636 = vector.load %arg5[%get3A_3634, %get3A_3635] : memref<1x10240xi32, #tpu.memory_space<vmem>>, vector<1x128xi32>
    %lt3A_3637 = arith.cmpf olt, %add3A_3633, %select_n3A_3594 : vector<512x128xf32>
    %lt3A_3638 = arith.cmpf olt, %add3A_3633, %select_n3A_3599 : vector<512x128xf32>
    %lt3A_3639 = arith.cmpf olt, %add3A_3633, %select_n3A_3605 : vector<512x128xf32>
    %lt3A_3640 = arith.cmpf olt, %add3A_3633, %select_n3A_3611 : vector<512x128xf32>
    %lt3A_3641 = arith.cmpf olt, %add3A_3633, %select_n3A_3617 : vector<512x128xf32>
    %select_n3A_3642 = arith.select %lt3A_3637, %add3A_3633, %select_n3A_3594 : vector<512x128xi1>, vector<512x128xf32>
    %broadcast_in_dim3A_3643 = vector.shape_cast %get3A_3636 : vector<1x128xi32> to vector<1x128xi32>
    %broadcast_in_dim3A_3644 = vector.broadcast %broadcast_in_dim3A_3643 : vector<1x128xi32> to vector<512x128xi32>
    %select_n3A_3645 = arith.select %lt3A_3637, %broadcast_in_dim3A_3644, %select_n3A_3597 : vector<512x128xi1>, vector<512x128xi32>
    %select_n3A_3646 = arith.select %lt3A_3637, %select_n3A_3594, %add3A_3633 : vector<512x128xi1>, vector<512x128xf32>
    %select_n3A_3647 = arith.select %lt3A_3638, %select_n3A_3646, %select_n3A_3599 : vector<512x128xi1>, vector<512x128xf32>
    %broadcast_in_dim3A_3648 = vector.shape_cast %get3A_3636 : vector<1x128xi32> to vector<1x128xi32>
    %broadcast_in_dim3A_3649 = vector.broadcast %broadcast_in_dim3A_3648 : vector<1x128xi32> to vector<512x128xi32>
    %select_n3A_3650 = arith.select %lt3A_3637, %select_n3A_3597, %broadcast_in_dim3A_3649 : vector<512x128xi1>, vector<512x128xi32>
    %select_n3A_3651 = arith.select %lt3A_3638, %select_n3A_3650, %select_n3A_3603 : vector<512x128xi1>, vector<512x128xi32>
    %select_n3A_3652 = arith.select %lt3A_3638, %select_n3A_3599, %add3A_3633 : vector<512x128xi1>, vector<512x128xf32>
    %select_n3A_3653 = arith.select %lt3A_3639, %select_n3A_3652, %select_n3A_3605 : vector<512x128xi1>, vector<512x128xf32>
    %broadcast_in_dim3A_3654 = vector.shape_cast %get3A_3636 : vector<1x128xi32> to vector<1x128xi32>
    %broadcast_in_dim3A_3655 = vector.broadcast %broadcast_in_dim3A_3654 : vector<1x128xi32> to vector<512x128xi32>
    %select_n3A_3656 = arith.select %lt3A_3638, %select_n3A_3603, %broadcast_in_dim3A_3655 : vector<512x128xi1>, vector<512x128xi32>
    %select_n3A_3657 = arith.select %lt3A_3639, %select_n3A_3656, %select_n3A_3609 : vector<512x128xi1>, vector<512x128xi32>
    %select_n3A_3658 = arith.select %lt3A_3639, %select_n3A_3605, %add3A_3633 : vector<512x128xi1>, vector<512x128xf32>
    %select_n3A_3659 = arith.select %lt3A_3640, %select_n3A_3658, %select_n3A_3611 : vector<512x128xi1>, vector<512x128xf32>
    %broadcast_in_dim3A_3660 = vector.shape_cast %get3A_3636 : vector<1x128xi32> to vector<1x128xi32>
    %broadcast_in_dim3A_3661 = vector.broadcast %broadcast_in_dim3A_3660 : vector<1x128xi32> to vector<512x128xi32>
    %select_n3A_3662 = arith.select %lt3A_3639, %select_n3A_3609, %broadcast_in_dim3A_3661 : vector<512x128xi1>, vector<512x128xi32>
    %select_n3A_3663 = arith.select %lt3A_3640, %select_n3A_3662, %select_n3A_3615 : vector<512x128xi1>, vector<512x128xi32>
    %select_n3A_3664 = arith.select %lt3A_3640, %select_n3A_3611, %add3A_3633 : vector<512x128xi1>, vector<512x128xf32>
    %select_n3A_3665 = arith.select %lt3A_3641, %select_n3A_3664, %select_n3A_3617 : vector<512x128xi1>, vector<512x128xf32>
    %broadcast_in_dim3A_3666 = vector.shape_cast %get3A_3636 : vector<1x128xi32> to vector<1x128xi32>
    %broadcast_in_dim3A_3667 = vector.broadcast %broadcast_in_dim3A_3666 : vector<1x128xi32> to vector<512x128xi32>
    %select_n3A_3668 = arith.select %lt3A_3640, %select_n3A_3615, %broadcast_in_dim3A_3667 : vector<512x128xi1>, vector<512x128xi32>
    %select_n3A_3669 = arith.select %lt3A_3641, %select_n3A_3668, %select_n3A_3621 : vector<512x128xi1>, vector<512x128xi32>
    %get3A_3670 = arith.constant 9728 : index
    %get3A_3671 = arith.constant 0 : index
    %get3A_3672 = vector.load %arg4[%get3A_3670, %get3A_3671] : memref<10240x32xf32, #tpu.memory_space<vmem>>, vector<128x16xf32>
    %dot_general3A_3673 = arith.constant dense<0.000000e+00> : vector<512x128xf32>
    %dot_general3A_3674 = tpu.matmul %mul3A_3, %get3A_3672, %dot_general3A_3673 {dimension_numbers = #tpu.dot_dimension_numbers<[1], [1], [0], [0], [0, 0, 1, 0], [], []>, transpose_lhs_hint = false} : vector<512x16xf32>, vector<128x16xf32>, vector<512x128xf32> -> vector<512x128xf32>
    %get3A_3675 = arith.constant 0 : index
    %get3A_3676 = arith.constant 9728 : index
    %get3A_3677 = vector.load %arg3[%get3A_3675, %get3A_3676] : memref<1x10240xf32, #tpu.memory_space<vmem>>, vector<1x128xf32>
    %add3A_3678 = vector.broadcast %get3A_6 : vector<512x1xf32> to vector<512x128xf32>
    %add3A_3679 = vector.broadcast %get3A_3677 : vector<1x128xf32> to vector<512x128xf32>
    %add3A_3680 = arith.addf %add3A_3678, %add3A_3679 : vector<512x128xf32>
    %add3A_3681 = arith.addf %add3A_3680, %dot_general3A_3674 : vector<512x128xf32>
    %get3A_3682 = arith.constant 0 : index
    %get3A_3683 = arith.constant 9728 : index
    %get3A_3684 = vector.load %arg5[%get3A_3682, %get3A_3683] : memref<1x10240xi32, #tpu.memory_space<vmem>>, vector<1x128xi32>
    %lt3A_3685 = arith.cmpf olt, %add3A_3681, %select_n3A_3642 : vector<512x128xf32>
    %lt3A_3686 = arith.cmpf olt, %add3A_3681, %select_n3A_3647 : vector<512x128xf32>
    %lt3A_3687 = arith.cmpf olt, %add3A_3681, %select_n3A_3653 : vector<512x128xf32>
    %lt3A_3688 = arith.cmpf olt, %add3A_3681, %select_n3A_3659 : vector<512x128xf32>
    %lt3A_3689 = arith.cmpf olt, %add3A_3681, %select_n3A_3665 : vector<512x128xf32>
    %select_n3A_3690 = arith.select %lt3A_3685, %add3A_3681, %select_n3A_3642 : vector<512x128xi1>, vector<512x128xf32>
    %broadcast_in_dim3A_3691 = vector.shape_cast %get3A_3684 : vector<1x128xi32> to vector<1x128xi32>
    %broadcast_in_dim3A_3692 = vector.broadcast %broadcast_in_dim3A_3691 : vector<1x128xi32> to vector<512x128xi32>
    %select_n3A_3693 = arith.select %lt3A_3685, %broadcast_in_dim3A_3692, %select_n3A_3645 : vector<512x128xi1>, vector<512x128xi32>
    %select_n3A_3694 = arith.select %lt3A_3685, %select_n3A_3642, %add3A_3681 : vector<512x128xi1>, vector<512x128xf32>
    %select_n3A_3695 = arith.select %lt3A_3686, %select_n3A_3694, %select_n3A_3647 : vector<512x128xi1>, vector<512x128xf32>
    %broadcast_in_dim3A_3696 = vector.shape_cast %get3A_3684 : vector<1x128xi32> to vector<1x128xi32>
    %broadcast_in_dim3A_3697 = vector.broadcast %broadcast_in_dim3A_3696 : vector<1x128xi32> to vector<512x128xi32>
    %select_n3A_3698 = arith.select %lt3A_3685, %select_n3A_3645, %broadcast_in_dim3A_3697 : vector<512x128xi1>, vector<512x128xi32>
    %select_n3A_3699 = arith.select %lt3A_3686, %select_n3A_3698, %select_n3A_3651 : vector<512x128xi1>, vector<512x128xi32>
    %select_n3A_3700 = arith.select %lt3A_3686, %select_n3A_3647, %add3A_3681 : vector<512x128xi1>, vector<512x128xf32>
    %select_n3A_3701 = arith.select %lt3A_3687, %select_n3A_3700, %select_n3A_3653 : vector<512x128xi1>, vector<512x128xf32>
    %broadcast_in_dim3A_3702 = vector.shape_cast %get3A_3684 : vector<1x128xi32> to vector<1x128xi32>
    %broadcast_in_dim3A_3703 = vector.broadcast %broadcast_in_dim3A_3702 : vector<1x128xi32> to vector<512x128xi32>
    %select_n3A_3704 = arith.select %lt3A_3686, %select_n3A_3651, %broadcast_in_dim3A_3703 : vector<512x128xi1>, vector<512x128xi32>
    %select_n3A_3705 = arith.select %lt3A_3687, %select_n3A_3704, %select_n3A_3657 : vector<512x128xi1>, vector<512x128xi32>
    %select_n3A_3706 = arith.select %lt3A_3687, %select_n3A_3653, %add3A_3681 : vector<512x128xi1>, vector<512x128xf32>
    %select_n3A_3707 = arith.select %lt3A_3688, %select_n3A_3706, %select_n3A_3659 : vector<512x128xi1>, vector<512x128xf32>
    %broadcast_in_dim3A_3708 = vector.shape_cast %get3A_3684 : vector<1x128xi32> to vector<1x128xi32>
    %broadcast_in_dim3A_3709 = vector.broadcast %broadcast_in_dim3A_3708 : vector<1x128xi32> to vector<512x128xi32>
    %select_n3A_3710 = arith.select %lt3A_3687, %select_n3A_3657, %broadcast_in_dim3A_3709 : vector<512x128xi1>, vector<512x128xi32>
    %select_n3A_3711 = arith.select %lt3A_3688, %select_n3A_3710, %select_n3A_3663 : vector<512x128xi1>, vector<512x128xi32>
    %select_n3A_3712 = arith.select %lt3A_3688, %select_n3A_3659, %add3A_3681 : vector<512x128xi1>, vector<512x128xf32>
    %select_n3A_3713 = arith.select %lt3A_3689, %select_n3A_3712, %select_n3A_3665 : vector<512x128xi1>, vector<512x128xf32>
    %broadcast_in_dim3A_3714 = vector.shape_cast %get3A_3684 : vector<1x128xi32> to vector<1x128xi32>
    %broadcast_in_dim3A_3715 = vector.broadcast %broadcast_in_dim3A_3714 : vector<1x128xi32> to vector<512x128xi32>
    %select_n3A_3716 = arith.select %lt3A_3688, %select_n3A_3663, %broadcast_in_dim3A_3715 : vector<512x128xi1>, vector<512x128xi32>
    %select_n3A_3717 = arith.select %lt3A_3689, %select_n3A_3716, %select_n3A_3669 : vector<512x128xi1>, vector<512x128xi32>
    %get3A_3718 = arith.constant 9856 : index
    %get3A_3719 = arith.constant 0 : index
    %get3A_3720 = vector.load %arg4[%get3A_3718, %get3A_3719] : memref<10240x32xf32, #tpu.memory_space<vmem>>, vector<128x16xf32>
    %dot_general3A_3721 = arith.constant dense<0.000000e+00> : vector<512x128xf32>
    %dot_general3A_3722 = tpu.matmul %mul3A_3, %get3A_3720, %dot_general3A_3721 {dimension_numbers = #tpu.dot_dimension_numbers<[1], [1], [0], [0], [0, 0, 1, 0], [], []>, transpose_lhs_hint = false} : vector<512x16xf32>, vector<128x16xf32>, vector<512x128xf32> -> vector<512x128xf32>
    %get3A_3723 = arith.constant 0 : index
    %get3A_3724 = arith.constant 9856 : index
    %get3A_3725 = vector.load %arg3[%get3A_3723, %get3A_3724] : memref<1x10240xf32, #tpu.memory_space<vmem>>, vector<1x128xf32>
    %add3A_3726 = vector.broadcast %get3A_6 : vector<512x1xf32> to vector<512x128xf32>
    %add3A_3727 = vector.broadcast %get3A_3725 : vector<1x128xf32> to vector<512x128xf32>
    %add3A_3728 = arith.addf %add3A_3726, %add3A_3727 : vector<512x128xf32>
    %add3A_3729 = arith.addf %add3A_3728, %dot_general3A_3722 : vector<512x128xf32>
    %get3A_3730 = arith.constant 0 : index
    %get3A_3731 = arith.constant 9856 : index
    %get3A_3732 = vector.load %arg5[%get3A_3730, %get3A_3731] : memref<1x10240xi32, #tpu.memory_space<vmem>>, vector<1x128xi32>
    %lt3A_3733 = arith.cmpf olt, %add3A_3729, %select_n3A_3690 : vector<512x128xf32>
    %lt3A_3734 = arith.cmpf olt, %add3A_3729, %select_n3A_3695 : vector<512x128xf32>
    %lt3A_3735 = arith.cmpf olt, %add3A_3729, %select_n3A_3701 : vector<512x128xf32>
    %lt3A_3736 = arith.cmpf olt, %add3A_3729, %select_n3A_3707 : vector<512x128xf32>
    %lt3A_3737 = arith.cmpf olt, %add3A_3729, %select_n3A_3713 : vector<512x128xf32>
    %select_n3A_3738 = arith.select %lt3A_3733, %add3A_3729, %select_n3A_3690 : vector<512x128xi1>, vector<512x128xf32>
    %broadcast_in_dim3A_3739 = vector.shape_cast %get3A_3732 : vector<1x128xi32> to vector<1x128xi32>
    %broadcast_in_dim3A_3740 = vector.broadcast %broadcast_in_dim3A_3739 : vector<1x128xi32> to vector<512x128xi32>
    %select_n3A_3741 = arith.select %lt3A_3733, %broadcast_in_dim3A_3740, %select_n3A_3693 : vector<512x128xi1>, vector<512x128xi32>
    %select_n3A_3742 = arith.select %lt3A_3733, %select_n3A_3690, %add3A_3729 : vector<512x128xi1>, vector<512x128xf32>
    %select_n3A_3743 = arith.select %lt3A_3734, %select_n3A_3742, %select_n3A_3695 : vector<512x128xi1>, vector<512x128xf32>
    %broadcast_in_dim3A_3744 = vector.shape_cast %get3A_3732 : vector<1x128xi32> to vector<1x128xi32>
    %broadcast_in_dim3A_3745 = vector.broadcast %broadcast_in_dim3A_3744 : vector<1x128xi32> to vector<512x128xi32>
    %select_n3A_3746 = arith.select %lt3A_3733, %select_n3A_3693, %broadcast_in_dim3A_3745 : vector<512x128xi1>, vector<512x128xi32>
    %select_n3A_3747 = arith.select %lt3A_3734, %select_n3A_3746, %select_n3A_3699 : vector<512x128xi1>, vector<512x128xi32>
    %select_n3A_3748 = arith.select %lt3A_3734, %select_n3A_3695, %add3A_3729 : vector<512x128xi1>, vector<512x128xf32>
    %select_n3A_3749 = arith.select %lt3A_3735, %select_n3A_3748, %select_n3A_3701 : vector<512x128xi1>, vector<512x128xf32>
    %broadcast_in_dim3A_3750 = vector.shape_cast %get3A_3732 : vector<1x128xi32> to vector<1x128xi32>
    %broadcast_in_dim3A_3751 = vector.broadcast %broadcast_in_dim3A_3750 : vector<1x128xi32> to vector<512x128xi32>
    %select_n3A_3752 = arith.select %lt3A_3734, %select_n3A_3699, %broadcast_in_dim3A_3751 : vector<512x128xi1>, vector<512x128xi32>
    %select_n3A_3753 = arith.select %lt3A_3735, %select_n3A_3752, %select_n3A_3705 : vector<512x128xi1>, vector<512x128xi32>
    %select_n3A_3754 = arith.select %lt3A_3735, %select_n3A_3701, %add3A_3729 : vector<512x128xi1>, vector<512x128xf32>
    %select_n3A_3755 = arith.select %lt3A_3736, %select_n3A_3754, %select_n3A_3707 : vector<512x128xi1>, vector<512x128xf32>
    %broadcast_in_dim3A_3756 = vector.shape_cast %get3A_3732 : vector<1x128xi32> to vector<1x128xi32>
    %broadcast_in_dim3A_3757 = vector.broadcast %broadcast_in_dim3A_3756 : vector<1x128xi32> to vector<512x128xi32>
    %select_n3A_3758 = arith.select %lt3A_3735, %select_n3A_3705, %broadcast_in_dim3A_3757 : vector<512x128xi1>, vector<512x128xi32>
    %select_n3A_3759 = arith.select %lt3A_3736, %select_n3A_3758, %select_n3A_3711 : vector<512x128xi1>, vector<512x128xi32>
    %select_n3A_3760 = arith.select %lt3A_3736, %select_n3A_3707, %add3A_3729 : vector<512x128xi1>, vector<512x128xf32>
    %select_n3A_3761 = arith.select %lt3A_3737, %select_n3A_3760, %select_n3A_3713 : vector<512x128xi1>, vector<512x128xf32>
    %broadcast_in_dim3A_3762 = vector.shape_cast %get3A_3732 : vector<1x128xi32> to vector<1x128xi32>
    %broadcast_in_dim3A_3763 = vector.broadcast %broadcast_in_dim3A_3762 : vector<1x128xi32> to vector<512x128xi32>
    %select_n3A_3764 = arith.select %lt3A_3736, %select_n3A_3711, %broadcast_in_dim3A_3763 : vector<512x128xi1>, vector<512x128xi32>
    %select_n3A_3765 = arith.select %lt3A_3737, %select_n3A_3764, %select_n3A_3717 : vector<512x128xi1>, vector<512x128xi32>
    %get3A_3766 = arith.constant 9984 : index
    %get3A_3767 = arith.constant 0 : index
    %get3A_3768 = vector.load %arg4[%get3A_3766, %get3A_3767] : memref<10240x32xf32, #tpu.memory_space<vmem>>, vector<128x16xf32>
    %dot_general3A_3769 = arith.constant dense<0.000000e+00> : vector<512x128xf32>
    %dot_general3A_3770 = tpu.matmul %mul3A_3, %get3A_3768, %dot_general3A_3769 {dimension_numbers = #tpu.dot_dimension_numbers<[1], [1], [0], [0], [0, 0, 1, 0], [], []>, transpose_lhs_hint = false} : vector<512x16xf32>, vector<128x16xf32>, vector<512x128xf32> -> vector<512x128xf32>
    %get3A_3771 = arith.constant 0 : index
    %get3A_3772 = arith.constant 9984 : index
    %get3A_3773 = vector.load %arg3[%get3A_3771, %get3A_3772] : memref<1x10240xf32, #tpu.memory_space<vmem>>, vector<1x128xf32>
    %add3A_3774 = vector.broadcast %get3A_6 : vector<512x1xf32> to vector<512x128xf32>
    %add3A_3775 = vector.broadcast %get3A_3773 : vector<1x128xf32> to vector<512x128xf32>
    %add3A_3776 = arith.addf %add3A_3774, %add3A_3775 : vector<512x128xf32>
    %add3A_3777 = arith.addf %add3A_3776, %dot_general3A_3770 : vector<512x128xf32>
    %get3A_3778 = arith.constant 0 : index
    %get3A_3779 = arith.constant 9984 : index
    %get3A_3780 = vector.load %arg5[%get3A_3778, %get3A_3779] : memref<1x10240xi32, #tpu.memory_space<vmem>>, vector<1x128xi32>
    %lt3A_3781 = arith.cmpf olt, %add3A_3777, %select_n3A_3738 : vector<512x128xf32>
    %lt3A_3782 = arith.cmpf olt, %add3A_3777, %select_n3A_3743 : vector<512x128xf32>
    %lt3A_3783 = arith.cmpf olt, %add3A_3777, %select_n3A_3749 : vector<512x128xf32>
    %lt3A_3784 = arith.cmpf olt, %add3A_3777, %select_n3A_3755 : vector<512x128xf32>
    %lt3A_3785 = arith.cmpf olt, %add3A_3777, %select_n3A_3761 : vector<512x128xf32>
    %select_n3A_3786 = arith.select %lt3A_3781, %add3A_3777, %select_n3A_3738 : vector<512x128xi1>, vector<512x128xf32>
    %broadcast_in_dim3A_3787 = vector.shape_cast %get3A_3780 : vector<1x128xi32> to vector<1x128xi32>
    %broadcast_in_dim3A_3788 = vector.broadcast %broadcast_in_dim3A_3787 : vector<1x128xi32> to vector<512x128xi32>
    %select_n3A_3789 = arith.select %lt3A_3781, %broadcast_in_dim3A_3788, %select_n3A_3741 : vector<512x128xi1>, vector<512x128xi32>
    %select_n3A_3790 = arith.select %lt3A_3781, %select_n3A_3738, %add3A_3777 : vector<512x128xi1>, vector<512x128xf32>
    %select_n3A_3791 = arith.select %lt3A_3782, %select_n3A_3790, %select_n3A_3743 : vector<512x128xi1>, vector<512x128xf32>
    %broadcast_in_dim3A_3792 = vector.shape_cast %get3A_3780 : vector<1x128xi32> to vector<1x128xi32>
    %broadcast_in_dim3A_3793 = vector.broadcast %broadcast_in_dim3A_3792 : vector<1x128xi32> to vector<512x128xi32>
    %select_n3A_3794 = arith.select %lt3A_3781, %select_n3A_3741, %broadcast_in_dim3A_3793 : vector<512x128xi1>, vector<512x128xi32>
    %select_n3A_3795 = arith.select %lt3A_3782, %select_n3A_3794, %select_n3A_3747 : vector<512x128xi1>, vector<512x128xi32>
    %select_n3A_3796 = arith.select %lt3A_3782, %select_n3A_3743, %add3A_3777 : vector<512x128xi1>, vector<512x128xf32>
    %select_n3A_3797 = arith.select %lt3A_3783, %select_n3A_3796, %select_n3A_3749 : vector<512x128xi1>, vector<512x128xf32>
    %broadcast_in_dim3A_3798 = vector.shape_cast %get3A_3780 : vector<1x128xi32> to vector<1x128xi32>
    %broadcast_in_dim3A_3799 = vector.broadcast %broadcast_in_dim3A_3798 : vector<1x128xi32> to vector<512x128xi32>
    %select_n3A_3800 = arith.select %lt3A_3782, %select_n3A_3747, %broadcast_in_dim3A_3799 : vector<512x128xi1>, vector<512x128xi32>
    %select_n3A_3801 = arith.select %lt3A_3783, %select_n3A_3800, %select_n3A_3753 : vector<512x128xi1>, vector<512x128xi32>
    %select_n3A_3802 = arith.select %lt3A_3783, %select_n3A_3749, %add3A_3777 : vector<512x128xi1>, vector<512x128xf32>
    %select_n3A_3803 = arith.select %lt3A_3784, %select_n3A_3802, %select_n3A_3755 : vector<512x128xi1>, vector<512x128xf32>
    %broadcast_in_dim3A_3804 = vector.shape_cast %get3A_3780 : vector<1x128xi32> to vector<1x128xi32>
    %broadcast_in_dim3A_3805 = vector.broadcast %broadcast_in_dim3A_3804 : vector<1x128xi32> to vector<512x128xi32>
    %select_n3A_3806 = arith.select %lt3A_3783, %select_n3A_3753, %broadcast_in_dim3A_3805 : vector<512x128xi1>, vector<512x128xi32>
    %select_n3A_3807 = arith.select %lt3A_3784, %select_n3A_3806, %select_n3A_3759 : vector<512x128xi1>, vector<512x128xi32>
    %select_n3A_3808 = arith.select %lt3A_3784, %select_n3A_3755, %add3A_3777 : vector<512x128xi1>, vector<512x128xf32>
    %select_n3A_3809 = arith.select %lt3A_3785, %select_n3A_3808, %select_n3A_3761 : vector<512x128xi1>, vector<512x128xf32>
    %broadcast_in_dim3A_3810 = vector.shape_cast %get3A_3780 : vector<1x128xi32> to vector<1x128xi32>
    %broadcast_in_dim3A_3811 = vector.broadcast %broadcast_in_dim3A_3810 : vector<1x128xi32> to vector<512x128xi32>
    %select_n3A_3812 = arith.select %lt3A_3784, %select_n3A_3759, %broadcast_in_dim3A_3811 : vector<512x128xi1>, vector<512x128xi32>
    %select_n3A_3813 = arith.select %lt3A_3785, %select_n3A_3812, %select_n3A_3765 : vector<512x128xi1>, vector<512x128xi32>
    %get3A_3814 = arith.constant 10112 : index
    %get3A_3815 = arith.constant 0 : index
    %get3A_3816 = vector.load %arg4[%get3A_3814, %get3A_3815] : memref<10240x32xf32, #tpu.memory_space<vmem>>, vector<128x16xf32>
    %dot_general3A_3817 = arith.constant dense<0.000000e+00> : vector<512x128xf32>
    %dot_general3A_3818 = tpu.matmul %mul3A_3, %get3A_3816, %dot_general3A_3817 {dimension_numbers = #tpu.dot_dimension_numbers<[1], [1], [0], [0], [0, 0, 1, 0], [], []>, transpose_lhs_hint = false} : vector<512x16xf32>, vector<128x16xf32>, vector<512x128xf32> -> vector<512x128xf32>
    %get3A_3819 = arith.constant 0 : index
    %get3A_3820 = arith.constant 10112 : index
    %get3A_3821 = vector.load %arg3[%get3A_3819, %get3A_3820] : memref<1x10240xf32, #tpu.memory_space<vmem>>, vector<1x128xf32>
    %add3A_3822 = vector.broadcast %get3A_6 : vector<512x1xf32> to vector<512x128xf32>
    %add3A_3823 = vector.broadcast %get3A_3821 : vector<1x128xf32> to vector<512x128xf32>
    %add3A_3824 = arith.addf %add3A_3822, %add3A_3823 : vector<512x128xf32>
    %add3A_3825 = arith.addf %add3A_3824, %dot_general3A_3818 : vector<512x128xf32>
    %get3A_3826 = arith.constant 0 : index
    %get3A_3827 = arith.constant 10112 : index
    %get3A_3828 = vector.load %arg5[%get3A_3826, %get3A_3827] : memref<1x10240xi32, #tpu.memory_space<vmem>>, vector<1x128xi32>
    %lt3A_3829 = arith.cmpf olt, %add3A_3825, %select_n3A_3786 : vector<512x128xf32>
    %lt3A_3830 = arith.cmpf olt, %add3A_3825, %select_n3A_3791 : vector<512x128xf32>
    %lt3A_3831 = arith.cmpf olt, %add3A_3825, %select_n3A_3797 : vector<512x128xf32>
    %lt3A_3832 = arith.cmpf olt, %add3A_3825, %select_n3A_3803 : vector<512x128xf32>
    %lt3A_3833 = arith.cmpf olt, %add3A_3825, %select_n3A_3809 : vector<512x128xf32>
    %select_n3A_3834 = arith.select %lt3A_3829, %add3A_3825, %select_n3A_3786 : vector<512x128xi1>, vector<512x128xf32>
    %broadcast_in_dim3A_3835 = vector.shape_cast %get3A_3828 : vector<1x128xi32> to vector<1x128xi32>
    %broadcast_in_dim3A_3836 = vector.broadcast %broadcast_in_dim3A_3835 : vector<1x128xi32> to vector<512x128xi32>
    %select_n3A_3837 = arith.select %lt3A_3829, %broadcast_in_dim3A_3836, %select_n3A_3789 : vector<512x128xi1>, vector<512x128xi32>
    %select_n3A_3838 = arith.select %lt3A_3829, %select_n3A_3786, %add3A_3825 : vector<512x128xi1>, vector<512x128xf32>
    %select_n3A_3839 = arith.select %lt3A_3830, %select_n3A_3838, %select_n3A_3791 : vector<512x128xi1>, vector<512x128xf32>
    %broadcast_in_dim3A_3840 = vector.shape_cast %get3A_3828 : vector<1x128xi32> to vector<1x128xi32>
    %broadcast_in_dim3A_3841 = vector.broadcast %broadcast_in_dim3A_3840 : vector<1x128xi32> to vector<512x128xi32>
    %select_n3A_3842 = arith.select %lt3A_3829, %select_n3A_3789, %broadcast_in_dim3A_3841 : vector<512x128xi1>, vector<512x128xi32>
    %select_n3A_3843 = arith.select %lt3A_3830, %select_n3A_3842, %select_n3A_3795 : vector<512x128xi1>, vector<512x128xi32>
    %select_n3A_3844 = arith.select %lt3A_3830, %select_n3A_3791, %add3A_3825 : vector<512x128xi1>, vector<512x128xf32>
    %select_n3A_3845 = arith.select %lt3A_3831, %select_n3A_3844, %select_n3A_3797 : vector<512x128xi1>, vector<512x128xf32>
    %broadcast_in_dim3A_3846 = vector.shape_cast %get3A_3828 : vector<1x128xi32> to vector<1x128xi32>
    %broadcast_in_dim3A_3847 = vector.broadcast %broadcast_in_dim3A_3846 : vector<1x128xi32> to vector<512x128xi32>
    %select_n3A_3848 = arith.select %lt3A_3830, %select_n3A_3795, %broadcast_in_dim3A_3847 : vector<512x128xi1>, vector<512x128xi32>
    %select_n3A_3849 = arith.select %lt3A_3831, %select_n3A_3848, %select_n3A_3801 : vector<512x128xi1>, vector<512x128xi32>
    %select_n3A_3850 = arith.select %lt3A_3831, %select_n3A_3797, %add3A_3825 : vector<512x128xi1>, vector<512x128xf32>
    %select_n3A_3851 = arith.select %lt3A_3832, %select_n3A_3850, %select_n3A_3803 : vector<512x128xi1>, vector<512x128xf32>
    %broadcast_in_dim3A_3852 = vector.shape_cast %get3A_3828 : vector<1x128xi32> to vector<1x128xi32>
    %broadcast_in_dim3A_3853 = vector.broadcast %broadcast_in_dim3A_3852 : vector<1x128xi32> to vector<512x128xi32>
    %select_n3A_3854 = arith.select %lt3A_3831, %select_n3A_3801, %broadcast_in_dim3A_3853 : vector<512x128xi1>, vector<512x128xi32>
    %select_n3A_3855 = arith.select %lt3A_3832, %select_n3A_3854, %select_n3A_3807 : vector<512x128xi1>, vector<512x128xi32>
    %select_n3A_3856 = arith.select %lt3A_3832, %select_n3A_3803, %add3A_3825 : vector<512x128xi1>, vector<512x128xf32>
    %select_n3A_3857 = arith.select %lt3A_3833, %select_n3A_3856, %select_n3A_3809 : vector<512x128xi1>, vector<512x128xf32>
    %broadcast_in_dim3A_3858 = vector.shape_cast %get3A_3828 : vector<1x128xi32> to vector<1x128xi32>
    %broadcast_in_dim3A_3859 = vector.broadcast %broadcast_in_dim3A_3858 : vector<1x128xi32> to vector<512x128xi32>
    %select_n3A_3860 = arith.select %lt3A_3832, %select_n3A_3807, %broadcast_in_dim3A_3859 : vector<512x128xi1>, vector<512x128xi32>
    %select_n3A_3861 = arith.select %lt3A_3833, %select_n3A_3860, %select_n3A_3813 : vector<512x128xi1>, vector<512x128xi32>
    %concatenate3A = tpu.concatenate %select_n3A_3834, %select_n3A_3839, %select_n3A_3845, %select_n3A_3851, %select_n3A_3857 in 1 : vector<512x128xf32>, vector<512x128xf32>, vector<512x128xf32>, vector<512x128xf32>, vector<512x128xf32> -> vector<512x640xf32>
    %concatenate3A_3862 = tpu.concatenate %select_n3A_3837, %select_n3A_3843, %select_n3A_3849, %select_n3A_3855, %select_n3A_3861 in 1 : vector<512x128xi32>, vector<512x128xi32>, vector<512x128xi32>, vector<512x128xi32>, vector<512x128xi32> -> vector<512x640xi32>
    %iota3A = tpu.iota {dimensions = array<i32: 1>} : vector<512x10xi32>
    %broadcast_in_dim3A_3863 = arith.constant 0.000000e+00 : f32
    %broadcast_in_dim3A_3864 = vector.broadcast %broadcast_in_dim3A_3863 : f32 to vector<512x10xf32>
    %reduce_min3A = arith.constant dense<0x7F800000> : vector<512xf32>
    %reduce_min3A_3865 = vector.multi_reduction <minimumf>, %concatenate3A, %reduce_min3A [1] : vector<512x640xf32> to vector<512xf32>
    %broadcast_in_dim3A_3866 = vector.shape_cast %reduce_min3A_3865 : vector<512xf32> to vector<512x1xf32>
    %eq3A = vector.broadcast %broadcast_in_dim3A_3866 : vector<512x1xf32> to vector<512x640xf32>
    %eq3A_3867 = arith.cmpf oeq, %concatenate3A, %eq3A : vector<512x640xf32>
    %jit3A = arith.constant 1073741824 : i32
    %broadcast_in_dim3A_3868 = vector.broadcast %jit3A : i32 to vector<512x640xi32>
    %select_n3A_3869 = arith.select %eq3A_3867, %concatenate3A_3862, %broadcast_in_dim3A_3868 : vector<512x640xi1>, vector<512x640xi32>
    %reduce_min3A_3870 = arith.constant dense<2147483647> : vector<512xi32>
    %reduce_min3A_3871 = vector.multi_reduction <minsi>, %select_n3A_3869, %reduce_min3A_3870 [1] : vector<512x640xi32> to vector<512xi32>
    %broadcast_in_dim3A_3872 = vector.shape_cast %reduce_min3A_3871 : vector<512xi32> to vector<512x1xi32>
    %and3A = arith.constant 15 : i32
    %and3A_3873 = vector.broadcast %and3A : i32 to vector<512x1xi32>
    %and3A_3874 = arith.andi %broadcast_in_dim3A_3872, %and3A_3873 : vector<512x1xi32>
    %eq3A_3875 = vector.broadcast %and3A_3874 : vector<512x1xi32> to vector<512x10xi32>
    %eq3A_3876 = arith.cmpi eq, %iota3A, %eq3A_3875 : vector<512x10xi32>
    %convert_element_type3A = arith.extui %eq3A_3876 : vector<512x10xi1> to vector<512x10xi32>
    %convert_element_type3A_3877 = arith.sitofp %convert_element_type3A : vector<512x10xi32> to vector<512x10xf32>
    %add3A_3878 = arith.addf %broadcast_in_dim3A_3864, %convert_element_type3A_3877 : vector<512x10xf32>
    %eq3A_3879 = vector.broadcast %broadcast_in_dim3A_3872 : vector<512x1xi32> to vector<512x640xi32>
    %eq3A_3880 = arith.cmpi eq, %concatenate3A_3862, %eq3A_3879 : vector<512x640xi32>
    %jit3A_3881 = arith.constant 0x7F800000 : f32
    %broadcast_in_dim3A_3882 = vector.broadcast %jit3A_3881 : f32 to vector<512x640xf32>
    %select_n3A_3883 = arith.select %eq3A_3880, %broadcast_in_dim3A_3882, %concatenate3A : vector<512x640xi1>, vector<512x640xf32>
    %reduce_min3A_3884 = arith.constant dense<0x7F800000> : vector<512xf32>
    %reduce_min3A_3885 = vector.multi_reduction <minimumf>, %select_n3A_3883, %reduce_min3A_3884 [1] : vector<512x640xf32> to vector<512xf32>
    %broadcast_in_dim3A_3886 = vector.shape_cast %reduce_min3A_3885 : vector<512xf32> to vector<512x1xf32>
    %eq3A_3887 = vector.broadcast %broadcast_in_dim3A_3886 : vector<512x1xf32> to vector<512x640xf32>
    %eq3A_3888 = arith.cmpf oeq, %select_n3A_3883, %eq3A_3887 : vector<512x640xf32>
    %jit3A_3889 = arith.constant 1073741824 : i32
    %broadcast_in_dim3A_3890 = vector.broadcast %jit3A_3889 : i32 to vector<512x640xi32>
    %select_n3A_3891 = arith.select %eq3A_3888, %concatenate3A_3862, %broadcast_in_dim3A_3890 : vector<512x640xi1>, vector<512x640xi32>
    %reduce_min3A_3892 = arith.constant dense<2147483647> : vector<512xi32>
    %reduce_min3A_3893 = vector.multi_reduction <minsi>, %select_n3A_3891, %reduce_min3A_3892 [1] : vector<512x640xi32> to vector<512xi32>
    %broadcast_in_dim3A_3894 = vector.shape_cast %reduce_min3A_3893 : vector<512xi32> to vector<512x1xi32>
    %and3A_3895 = arith.constant 15 : i32
    %and3A_3896 = vector.broadcast %and3A_3895 : i32 to vector<512x1xi32>
    %and3A_3897 = arith.andi %broadcast_in_dim3A_3894, %and3A_3896 : vector<512x1xi32>
    %eq3A_3898 = vector.broadcast %and3A_3897 : vector<512x1xi32> to vector<512x10xi32>
    %eq3A_3899 = arith.cmpi eq, %iota3A, %eq3A_3898 : vector<512x10xi32>
    %convert_element_type3A_3900 = arith.extui %eq3A_3899 : vector<512x10xi1> to vector<512x10xi32>
    %convert_element_type3A_3901 = arith.sitofp %convert_element_type3A_3900 : vector<512x10xi32> to vector<512x10xf32>
    %add3A_3902 = arith.addf %add3A_3878, %convert_element_type3A_3901 : vector<512x10xf32>
    %eq3A_3903 = vector.broadcast %broadcast_in_dim3A_3894 : vector<512x1xi32> to vector<512x640xi32>
    %eq3A_3904 = arith.cmpi eq, %concatenate3A_3862, %eq3A_3903 : vector<512x640xi32>
    %jit3A_3905 = arith.constant 0x7F800000 : f32
    %broadcast_in_dim3A_3906 = vector.broadcast %jit3A_3905 : f32 to vector<512x640xf32>
    %select_n3A_3907 = arith.select %eq3A_3904, %broadcast_in_dim3A_3906, %select_n3A_3883 : vector<512x640xi1>, vector<512x640xf32>
    %reduce_min3A_3908 = arith.constant dense<0x7F800000> : vector<512xf32>
    %reduce_min3A_3909 = vector.multi_reduction <minimumf>, %select_n3A_3907, %reduce_min3A_3908 [1] : vector<512x640xf32> to vector<512xf32>
    %broadcast_in_dim3A_3910 = vector.shape_cast %reduce_min3A_3909 : vector<512xf32> to vector<512x1xf32>
    %eq3A_3911 = vector.broadcast %broadcast_in_dim3A_3910 : vector<512x1xf32> to vector<512x640xf32>
    %eq3A_3912 = arith.cmpf oeq, %select_n3A_3907, %eq3A_3911 : vector<512x640xf32>
    %jit3A_3913 = arith.constant 1073741824 : i32
    %broadcast_in_dim3A_3914 = vector.broadcast %jit3A_3913 : i32 to vector<512x640xi32>
    %select_n3A_3915 = arith.select %eq3A_3912, %concatenate3A_3862, %broadcast_in_dim3A_3914 : vector<512x640xi1>, vector<512x640xi32>
    %reduce_min3A_3916 = arith.constant dense<2147483647> : vector<512xi32>
    %reduce_min3A_3917 = vector.multi_reduction <minsi>, %select_n3A_3915, %reduce_min3A_3916 [1] : vector<512x640xi32> to vector<512xi32>
    %broadcast_in_dim3A_3918 = vector.shape_cast %reduce_min3A_3917 : vector<512xi32> to vector<512x1xi32>
    %and3A_3919 = arith.constant 15 : i32
    %and3A_3920 = vector.broadcast %and3A_3919 : i32 to vector<512x1xi32>
    %and3A_3921 = arith.andi %broadcast_in_dim3A_3918, %and3A_3920 : vector<512x1xi32>
    %eq3A_3922 = vector.broadcast %and3A_3921 : vector<512x1xi32> to vector<512x10xi32>
    %eq3A_3923 = arith.cmpi eq, %iota3A, %eq3A_3922 : vector<512x10xi32>
    %convert_element_type3A_3924 = arith.extui %eq3A_3923 : vector<512x10xi1> to vector<512x10xi32>
    %convert_element_type3A_3925 = arith.sitofp %convert_element_type3A_3924 : vector<512x10xi32> to vector<512x10xf32>
    %add3A_3926 = arith.addf %add3A_3902, %convert_element_type3A_3925 : vector<512x10xf32>
    %eq3A_3927 = vector.broadcast %broadcast_in_dim3A_3918 : vector<512x1xi32> to vector<512x640xi32>
    %eq3A_3928 = arith.cmpi eq, %concatenate3A_3862, %eq3A_3927 : vector<512x640xi32>
    %jit3A_3929 = arith.constant 0x7F800000 : f32
    %broadcast_in_dim3A_3930 = vector.broadcast %jit3A_3929 : f32 to vector<512x640xf32>
    %select_n3A_3931 = arith.select %eq3A_3928, %broadcast_in_dim3A_3930, %select_n3A_3907 : vector<512x640xi1>, vector<512x640xf32>
    %reduce_min3A_3932 = arith.constant dense<0x7F800000> : vector<512xf32>
    %reduce_min3A_3933 = vector.multi_reduction <minimumf>, %select_n3A_3931, %reduce_min3A_3932 [1] : vector<512x640xf32> to vector<512xf32>
    %broadcast_in_dim3A_3934 = vector.shape_cast %reduce_min3A_3933 : vector<512xf32> to vector<512x1xf32>
    %eq3A_3935 = vector.broadcast %broadcast_in_dim3A_3934 : vector<512x1xf32> to vector<512x640xf32>
    %eq3A_3936 = arith.cmpf oeq, %select_n3A_3931, %eq3A_3935 : vector<512x640xf32>
    %jit3A_3937 = arith.constant 1073741824 : i32
    %broadcast_in_dim3A_3938 = vector.broadcast %jit3A_3937 : i32 to vector<512x640xi32>
    %select_n3A_3939 = arith.select %eq3A_3936, %concatenate3A_3862, %broadcast_in_dim3A_3938 : vector<512x640xi1>, vector<512x640xi32>
    %reduce_min3A_3940 = arith.constant dense<2147483647> : vector<512xi32>
    %reduce_min3A_3941 = vector.multi_reduction <minsi>, %select_n3A_3939, %reduce_min3A_3940 [1] : vector<512x640xi32> to vector<512xi32>
    %broadcast_in_dim3A_3942 = vector.shape_cast %reduce_min3A_3941 : vector<512xi32> to vector<512x1xi32>
    %and3A_3943 = arith.constant 15 : i32
    %and3A_3944 = vector.broadcast %and3A_3943 : i32 to vector<512x1xi32>
    %and3A_3945 = arith.andi %broadcast_in_dim3A_3942, %and3A_3944 : vector<512x1xi32>
    %eq3A_3946 = vector.broadcast %and3A_3945 : vector<512x1xi32> to vector<512x10xi32>
    %eq3A_3947 = arith.cmpi eq, %iota3A, %eq3A_3946 : vector<512x10xi32>
    %convert_element_type3A_3948 = arith.extui %eq3A_3947 : vector<512x10xi1> to vector<512x10xi32>
    %convert_element_type3A_3949 = arith.sitofp %convert_element_type3A_3948 : vector<512x10xi32> to vector<512x10xf32>
    %add3A_3950 = arith.addf %add3A_3926, %convert_element_type3A_3949 : vector<512x10xf32>
    %eq3A_3951 = vector.broadcast %broadcast_in_dim3A_3942 : vector<512x1xi32> to vector<512x640xi32>
    %eq3A_3952 = arith.cmpi eq, %concatenate3A_3862, %eq3A_3951 : vector<512x640xi32>
    %jit3A_3953 = arith.constant 0x7F800000 : f32
    %broadcast_in_dim3A_3954 = vector.broadcast %jit3A_3953 : f32 to vector<512x640xf32>
    %select_n3A_3955 = arith.select %eq3A_3952, %broadcast_in_dim3A_3954, %select_n3A_3931 : vector<512x640xi1>, vector<512x640xf32>
    %reduce_min3A_3956 = arith.constant dense<0x7F800000> : vector<512xf32>
    %reduce_min3A_3957 = vector.multi_reduction <minimumf>, %select_n3A_3955, %reduce_min3A_3956 [1] : vector<512x640xf32> to vector<512xf32>
    %broadcast_in_dim3A_3958 = vector.shape_cast %reduce_min3A_3957 : vector<512xf32> to vector<512x1xf32>
    %eq3A_3959 = vector.broadcast %broadcast_in_dim3A_3958 : vector<512x1xf32> to vector<512x640xf32>
    %eq3A_3960 = arith.cmpf oeq, %select_n3A_3955, %eq3A_3959 : vector<512x640xf32>
    %jit3A_3961 = arith.constant 1073741824 : i32
    %broadcast_in_dim3A_3962 = vector.broadcast %jit3A_3961 : i32 to vector<512x640xi32>
    %select_n3A_3963 = arith.select %eq3A_3960, %concatenate3A_3862, %broadcast_in_dim3A_3962 : vector<512x640xi1>, vector<512x640xi32>
    %reduce_min3A_3964 = arith.constant dense<2147483647> : vector<512xi32>
    %reduce_min3A_3965 = vector.multi_reduction <minsi>, %select_n3A_3963, %reduce_min3A_3964 [1] : vector<512x640xi32> to vector<512xi32>
    %broadcast_in_dim3A_3966 = vector.shape_cast %reduce_min3A_3965 : vector<512xi32> to vector<512x1xi32>
    %and3A_3967 = arith.constant 15 : i32
    %and3A_3968 = vector.broadcast %and3A_3967 : i32 to vector<512x1xi32>
    %and3A_3969 = arith.andi %broadcast_in_dim3A_3966, %and3A_3968 : vector<512x1xi32>
    %eq3A_3970 = vector.broadcast %and3A_3969 : vector<512x1xi32> to vector<512x10xi32>
    %eq3A_3971 = arith.cmpi eq, %iota3A, %eq3A_3970 : vector<512x10xi32>
    %convert_element_type3A_3972 = arith.extui %eq3A_3971 : vector<512x10xi1> to vector<512x10xi32>
    %convert_element_type3A_3973 = arith.sitofp %convert_element_type3A_3972 : vector<512x10xi32> to vector<512x10xf32>
    %add3A_3974 = arith.addf %add3A_3950, %convert_element_type3A_3973 : vector<512x10xf32>
    %reduce_max3A = arith.constant dense<0xFF800000> : vector<512xf32>
    %reduce_max3A_3975 = vector.multi_reduction <maximumf>, %add3A_3974, %reduce_max3A [1] : vector<512x10xf32> to vector<512xf32>
    %broadcast_in_dim3A_3976 = vector.shape_cast %reduce_max3A_3975 : vector<512xf32> to vector<512x1xf32>
    %eq3A_3977 = vector.broadcast %broadcast_in_dim3A_3976 : vector<512x1xf32> to vector<512x10xf32>
    %eq3A_3978 = arith.cmpf oeq, %add3A_3974, %eq3A_3977 : vector<512x10xf32>
    %jit3A_3979 = arith.constant 10 : i32
    %broadcast_in_dim3A_3980 = vector.broadcast %jit3A_3979 : i32 to vector<512x10xi32>
    %select_n3A_3981 = arith.select %eq3A_3978, %iota3A, %broadcast_in_dim3A_3980 : vector<512x10xi1>, vector<512x10xi32>
    %reduce_min3A_3982 = arith.constant dense<2147483647> : vector<512xi32>
    %reduce_min3A_3983 = vector.multi_reduction <minsi>, %select_n3A_3981, %reduce_min3A_3982 [1] : vector<512x10xi32> to vector<512xi32>
    %broadcast_in_dim3A_3984 = vector.shape_cast %reduce_min3A_3983 : vector<512xi32> to vector<512x1xi32>
    %eq3A_3985 = vector.broadcast %broadcast_in_dim3A_3984 : vector<512x1xi32> to vector<512x10xi32>
    %eq3A_3986 = arith.cmpi eq, %iota3A, %eq3A_3985 : vector<512x10xi32>
    %convert_element_type3A_3987 = arith.extui %eq3A_3986 : vector<512x10xi1> to vector<512x10xi32>
    %convert_element_type3A_3988 = arith.sitofp %convert_element_type3A_3987 : vector<512x10xi32> to vector<512x10xf32>
    %swap3A = arith.constant 0 : index
    %swap3A_3989 = arith.constant 0 : index
    %swap3A_3990 = vector.load %arg6[%swap3A, %swap3A_3989] : memref<512x10xf32, #tpu.memory_space<vmem>>, vector<512x10xf32>
    tpu.vector_store %arg6[%swap3A, %swap3A_3989], %convert_element_type3A_3988 {strides = array<i32>} : memref<512x10xf32, #tpu.memory_space<vmem>>, vector<512x10xf32>,
    return
  }
  func.func @transform_0(%arg0: i32) -> (i32, i32) {
    %c0_i32 = arith.constant 0 : i32
    %c0_i32_0 = arith.constant 0 : i32
    return %arg0, %c0_i32 : i32, i32
  }
  func.func @transform_1(%arg0: i32) -> (i32, i32) {
    %c0_i32 = arith.constant 0 : i32
    %c0_i32_0 = arith.constant 0 : i32
    return %arg0, %c0_i32 : i32, i32
  }
  func.func @transform_2(%arg0: i32) -> (i32, i32) {
    %c0_i32 = arith.constant 0 : i32
    %c0_i32_0 = arith.constant 0 : i32
    %c0_i32_1 = arith.constant 0 : i32
    return %c0_i32, %c0_i32_0 : i32, i32
  }
  func.func @transform_3(%arg0: i32) -> (i32, i32) {
    %c0_i32 = arith.constant 0 : i32
    %c0_i32_0 = arith.constant 0 : i32
    %c0_i32_1 = arith.constant 0 : i32
    return %c0_i32, %c0_i32_0 : i32, i32
  }
  func.func @transform_4(%arg0: i32) -> (i32, i32) {
    %c0_i32 = arith.constant 0 : i32
    %c0_i32_0 = arith.constant 0 : i32
    %c0_i32_1 = arith.constant 0 : i32
    return %c0_i32, %c0_i32_0 : i32, i32
  }
  func.func @transform_5(%arg0: i32) -> (i32, i32) {
    %c0_i32 = arith.constant 0 : i32
    %c0_i32_0 = arith.constant 0 : i32
    return %arg0, %c0_i32 : i32, i32
  }
}

</mosaic_0001>

<sc_bundles>
// kernel: kernel.4.cloned.1.call-start
scs
__scs_entry_jumppad:
0x0: {  	(pc) =	sbr.rel $0x88, $3  }
0x1: {  	(tag) =	ssettag $0x0;
	lr =	simm.s32 $0x1  }
0x2: {  	[smem:$0x3F9E] =	sst lr;
	_ =	strace $0xD0000000  }
0x3: {  	_ = 	snop  }
0x4: {  	_ = 	snop  }
0x5: {  	_ = 	snop  }
0x6: {  	_ = 	snop  }
0x7: {  	_ = 	snop  }
__scs_overlays_trampoline_lowered:
0x8: {  	[smem:$0x3FAD] =	sst s0  }
0x9: {  	[smem:$0x3FAE] =	sst s1  }
0xa: {  	[smem:$0x3FAF] =	sst s2  }
0xb: {  	[smem:$0x3FB0] =	sst s3  }
0xc: {  	[smem:$0x3FB1] =	sst s4  }
0xd: {  	[smem:$0x3FB2] =	sst s5  }
0xe: {  	[smem:$0x3FB3] =	sst s6  }
0xf: {  	[smem:$0x3FB4] =	sst s7  }
0x10: {  	[smem:$0x3FB5] =	sst s8  }
0x11: {  	[smem:$0x3FB6] =	sst s9;
	s0 =	simm.s32 @!p0 $0x0  }
0x12: {  	s1 =	sld [smem:$0x3F9C];
	s0 =	simm.s32 @p0 $0x1  }
0x13: {  	[smem:$0x3FB7] =	sst s0;
	s0 =	simm.s32 @!p1 $0x0  }
0x14: {  	s2 =	sld [smem:$0x3F9B];
	s0 =	simm.s32 @p1 $0x1  }
0x15: {  	[smem:$0x3FB8] =	sst s0;
	s0 =	simm.s32 @!p2 $0x0  }
0x16: {  	s3 =	sld [smem:$0x3FDB];
	s0 =	simm.s32 @p2 $0x1  }
0x17: {  	s4 =	simm.s32 $0x1BF5;
	[smem:$0x3FBA] =	sst s0  }
0x18: {  	s0 =	sld [smem:$0x3F9D];
	_ =	swait.ge [sflag:s4], $0x0  }
0x19: {  	s7 =	sld [smem:$0x3F9E]  }
0x1a: {  	s8 =	sadd.s32 $0xFFFFE003, lr  }
0x1b: {  	s9 =	sadd.s32 $0xFFFFFEF7, lr;
	s5 =	simm.s32 $0xFFFFFFFF;
	p2 =	slt.u32 s8, $0xFFFFF086  }
0x1c: {  	p1 =	slt.u32 s9, $0xF7A;
	s5 =	simm.s32 @!p2 $0x0  }
0x1d: {  	s5 =	simm.s32 @p1 $0x1;
	p0 =	seq.s32 s7, s2  }
0x1e: {  	s7 =	smul.u32 @!p0 $0xF7A, s2;
	p2 =	seq.s32 @!p0 s5, $0x0  }
0x1f: {  	s9 =	smul.u32 $0xF7A, s1;
	s8 =	simm.s32 @!p0 $0x1BF5;
	p2 =	por !p2, p0  }
0x20: {  	[sflag:s8] =	ssyncset.s32 @!p0 $0xFFFFF086;
	s6 =	sadd.s32 @!p0 s3, s7;
	s7 =	simm.s32 @!p0 $0x108  }
0x21: {  	s3 =	sadd.s32 s3, s9;
	s6 =	sadd.s32 @!p0 $0x88, s6;
	s7 =	simm.s32 @p2 $0x1082  }
0x22: {  	[simem:s7], [sflag:s8] =	dma.local @!p0 [hbm:s6], $0xF7A  }
0x23: {  	s9 =	sor.u32 $0xD0000000, s2;
	s6 =	simm.s32 $0x108;
	_ =	swait.ge @!p0 [sflag:s8], $0x0  }
0x24: {  	s3 =	sadd.s32 $0x88, s3;
	s6 =	simm.s32 @!p1 $0x1082;
	[sflag:s4] =	ssyncset.s32 $0xFFFFF086  }
0x25: {  	[simem:s6], [sflag:s4] =	dma.local [hbm:s3], $0xF7A  }
0x26: {  	[smem:$0x3F9E] =	sst s1;
	(tag) =	ssettag s2;
	_ =	strace s9  }
0x27: {  	s1 =	sld [smem:$0x3FAE]  }
0x28: {  	s2 =	sld [smem:$0x3FAF]  }
0x29: {  	s4 =	sld [smem:$0x3FB1]  }
0x2a: {  	p0 =	seq.s32 s5, $0x0;
	s5 =	sld [smem:$0x3FB2]  }
0x2b: {  	s6 =	sld [smem:$0x3FB3]  }
0x2c: {  	s7 =	sld [smem:$0x3FB4]  }
0x2d: {  	s3 =	simm.s32 $0x108;
	s8 =	sld [smem:$0x3FB5]  }
0x2e: {  	s3 =	simm.s32 @!p0 $0x1082;
	s9 =	sld [smem:$0x3FB6]  }
0x2f: {  	lr =	sadd.s32 s0, s3;
	s0 =	sld [smem:$0x3FAD]  }
0x30: {  	s3 =	sld [smem:$0x3FB0]  }
0x31: {  	[smem:$0x3FB9] =	sst s10  }
0x32: {  	s10 =	sld [smem:$0x3FB7];
	_ =	sdelay $0x3  }
0x33: {  	p0 =	seq.s32 s10, $0x1;
	s10 =	sld [smem:$0x3FB9];
	_ =	sdelay $0x3  }
0x34: {  	[smem:$0x3FB9] =	sst s10  }
0x35: {  	s10 =	sld [smem:$0x3FB8];
	_ =	sdelay $0x3  }
0x36: {  	p1 =	seq.s32 s10, $0x1;
	s10 =	sld [smem:$0x3FB9];
	_ =	sdelay $0x3  }
0x37: {  	[smem:$0x3FB9] =	sst s10  }
0x38: {  	s10 =	sld [smem:$0x3FBA]  }
0x39: {  	_ = 	snop;
	(pc) =	sbr.ind lr, $3  }
0x3a: {  	_ = 	snop  }
0x3b: {  	_ = 	snop  }
0x3c: {  	p2 =	seq.s32 s10, $0x1;
	s10 =	sld [smem:$0x3FB9]  }
0x3d: {  	_ =	shalt  }
0x3e: {  	_ =	shalt  }
0x3f: {  	_ =	shalt  }
0x40: {  	_ =	shalt  }
0x41: {  	_ =	shalt  }
0x42: {  	_ =	shalt  }
0x43: {  	_ =	shalt  }
0x44: {  	_ =	shalt  }
0x45: {  	_ =	shalt  }
0x46: {  	_ =	shalt  }
0x47: {  	_ =	shalt  }
0x48: {  	_ =	shalt  }
0x49: {  	_ =	shalt  }
0x4a: {  	_ =	shalt  }
0x4b: {  	_ =	shalt  }
0x4c: {  	_ =	shalt  }
0x4d: {  	_ =	shalt  }
0x4e: {  	_ =	shalt  }
0x4f: {  	_ =	shalt  }
0x50: {  	_ =	shalt  }
0x51: {  	_ =	shalt  }
0x52: {  	_ =	shalt  }
0x53: {  	_ =	shalt  }
0x54: {  	_ =	shalt  }
0x55: {  	_ =	shalt  }
0x56: {  	_ =	shalt  }
0x57: {  	_ =	shalt  }
0x58: {  	_ =	shalt  }
0x59: {  	_ =	shalt  }
0x5a: {  	_ =	shalt  }
0x5b: {  	_ =	shalt  }
0x5c: {  	_ =	shalt  }
0x5d: {  	_ =	shalt  }
0x5e: {  	_ =	shalt  }
0x5f: {  	_ =	shalt  }
0x60: {  	_ =	shalt  }
0x61: {  	_ =	shalt  }
0x62: {  	_ =	shalt  }
0x63: {  	_ =	shalt  }
0x64: {  	_ =	shalt  }
0x65: {  	_ =	shalt  }
0x66: {  	_ =	shalt  }
0x67: {  	_ =	shalt  }
0x68: {  	_ =	shalt  }
0x69: {  	_ =	shalt  }
0x6a: {  	_ =	shalt  }
0x6b: {  	_ =	shalt  }
0x6c: {  	_ =	shalt  }
0x6d: {  	_ =	shalt  }
0x6e: {  	_ =	shalt  }
0x6f: {  	_ =	shalt  }
0x70: {  	_ =	shalt  }
0x71: {  	_ =	shalt  }
0x72: {  	_ =	shalt  }
0x73: {  	_ =	shalt  }
0x74: {  	_ =	shalt  }
0x75: {  	_ =	shalt  }
0x76: {  	_ =	shalt  }
0x77: {  	_ =	shalt  }
0x78: {  	_ =	shalt  }
0x79: {  	_ =	shalt  }
0x7a: {  	_ =	shalt  }
0x7b: {  	_ =	shalt  }
0x7c: {  	_ =	shalt  }
0x7d: {  	_ =	shalt  }
0x7e: {  	_ =	shalt  }
0x7f: {  	_ =	shalt  }
0x80: {  	_ =	shalt  }
0x81: {  	_ =	shalt  }
0x82: {  	_ =	shalt  }
0x83: {  	_ =	shalt  }
0x84: {  	_ =	shalt  }
0x85: {  	_ =	shalt  }
0x86: {  	_ =	shalt  }
0x87: {  	_ =	shalt  }
.Lfunc_end0:
.L_simem_size_0:
called_computation_lowered:
.L_overlay_start_0:
0x88: {  	s2 =	sld [smem:$0x3FD9]  }
0x89: {  	s3 =	sld [smem:$0x3FFE];
	_ =	sdelay $0x1  }
0x8a: {  	s1 =	srdreg.scid  }
0x8b: {  	s0 =	sand.u32 $0x1, s1  }
0x8c: {  	s17 =	sshll.u32 s0, $0xA;
	s2 =	sadd.s32 s3, s2  }
0x8d: {  	s2 =	sadd.s32 s2, s17  }
0x8e: {  	[smem:$0x3FC5] =	sst s2  }
0x8f: {  	_ = 	snop  }
0x90: {  	s2 =	sld [smem:$0x3FD0];
	(tm) =	ssettm $0x1  }
0x91: {  	s18 =	sld [smem:$0x3FFB];
	_ =	sdelay $0x3  }
0x92: {  	_ =	strace s18  }
0x93: {  	s3 =	sld [smem:$0x3FFC];
	_ =	sdelay $0x3  }
0x94: {  	_ =	strace s3  }
0x95: {  	s3 =	sld [smem:$0x3FFD];
	_ =	sdelay $0x3  }
0x96: {  	_ =	strace s3  }
0x97: {  	_ =	strace $0x8FFFFFFF  }
0x98: {  	s19 =	sld [smem:$0x3FDB];
	_ =	sdelay $0x1  }
0x99: {  	s4 =	simm.s32 $_scs_section_size  }
0x9a: {  	s5 =	simm.s32 $_size__tile_overlayer_lowered;
	s6 =	simm.s32 $_tile_overlayer_lowered  }
0x9b: {  	s22 =	simm.s32 $0x1BFF;
	s21 =	sshll.u32 s6, $0x1;
	s3 =	sadd.s32 s4, s19  }
0x9c: {  	s7 =	simm.s32 $0x0;
	s20 =	sshll.u32 s5, $0x1;
	s5 =	sadd.s32 s21, s3  }
0x9d: {  	[timem:s7], [sflag:s22] =	dma.local [hbm:s5], s20  }
0x9e: {  	_ =	swait.ge [sflag:s22], s20  }
0x9f: {  	s4 =	ssub.s32 $0x0, s20;
	[sflag:s22] =	ssyncset.done $0x0  }
0xa0: {  	[sflag:s22] =	ssyncadd.s32 s4;
	_ =	sdelay $0x1  }
0xa1: {  	s23 =	simm.s32 $0x1B8B  }
0xa2: {  	_ =	swait.ge [sflag:s23], $0x1  }
0xa3: {  	[sflag:s23] =	ssyncset.done $0x0  }
0xa4: {  	s25 =	simm.s32 $0x1B8E;
	s24 =	sld [smem:$0x3FFE];
	[sflag:s23] =	ssyncadd.s32 $0xFFFFFFFF  }
0xa5: {  	s26 =	simm.s32 $execute0_lowered;
	[smem:$0x3FD2] =	sst s25  }
0xa6: {  	s5 =	sshll.u32 s26, $0x1;
	_ =	strace $0x80000046;
	[dreg:$0x1] =	wrdreg $0xFFFFFFFF  }
0xa7: {  	s28 =	simm.s32 $_size_execute0_lowered;
	s3 =	sadd.s32 s3, s5;
	[dreg:$0x0] =	wrdreg $0x0  }
0xa8: {  	s5 =	sshll.u32 s28, $0x1;
	[dreg:$0x2] =	wrdreg s3  }
0xa9: {  	[dreg:$0x3] =	wrdreg s5  }
0xaa: {  	[dreg:$0x4] =	wrdreg $0xC0  }
0xab: {  	_ =	task [dreg:s7], $0x5FFFF  }
0xac: {  	[dreg:$0x1] =	wrdreg $0xFFFFFFFF  }
0xad: {  	[dreg:$0x0] =	wrdreg $0x60  }
0xae: {  	[dreg:$0x2] =	wrdreg s24  }
0xaf: {  	[dreg:$0x3] =	wrdreg s2  }
0xb0: {  	[dreg:$0x4] =	wrdreg $0x9  }
0xb1: {  	_ =	task.clear_ibuf [dreg:s7], $0x5FFFF;
	_ =	strace $0x90000046  }
0xb2: {  	s29 =	simm.s32 $0x9;
	_ =	strace $0x80000048  }
0xb3: {  	_ =	swait.ge [sflag:s29], $0x1  }
0xb4: {  	[sflag:s29] =	ssyncadd.s32 $0xFFFFFFFF  }
0xb5: {  	_ =	strace $0x90000048  }
0xb6: {  	_ =	sfence  }
0xb7: {  	s30 =	sld [smem:$0x0];
	_ =	sdelay $0x2  }
0xb8: {  	s31 =	sshll.u32 s1, $0xD;
	s1 =	sshrl.u32 s1, $0x2  }
0xb9: {  	s3 =	sand.u32 $0x4000, s31;
	s1 =	sadd.s32 s1, s30  }
0xba: {  	s0 =	sor.u32 s3, s0;
	s1 =	sshll.u32 s1, $0x11  }
0xbb: {  	s0 =	sor.u32 s1, s0  }
0xbc: {  	s0 =	sadd.s32 $0x8F2B, s0  }
0xbd: {  	[sflag:s0] =	ssyncadd.remote.s32 $0x1  }
0xbe: {  	_ =	sfence.sel $0xFFFF  }
0xbf: {  	[dreg:$0x0] =	wrdreg $0xFFFFFFFF;
	(pc) =	sbr.abs _section_cstart, $3  }
0xc0: {  	[dreg:$0x1] =	wrdreg $0xFFFFFFFF  }
0xc1: {  	_ =	task.clear_ibuf [dreg:s7], $0x2FFFF;
	_ =	strace $0x9FFFFFFF  }
0xc2: {  	(tm) =	ssettm $0x7FFFFFFF  }
0xc3: {  	_ =	shalt  }
tec
execute0_lowered:
.L_overlay_start_1:
0x0: {  	(tag) =	ssettag $0x1  }
0x1: {  	s1 =	srdreg.scid;
	s0 =	stileid.u32  }
0x2: {  	s2 =	rddreg [dreg:$0x0];
	s16 =	sand.u32 $0x1, s1;
	s29 =	sshll.u32 s0, $0x1  }
0x3: {  	s4 =	rddreg [dreg:$0x1];
	s17 =	sor.u32 s16, s29  }
0x4: {  	s3 =	simm.s32 $0x0;
	s1 =	rddreg [dreg:$0x2];
	s5 =	smul.u32 $0x28, s17  }
0x5: {  	[smem:$0x7FF] =	sst s3  }
0x6: {  	_ =	strace $0x80000047;
	s5 =	sadd.s32 s4, s5;
	s4 =	simm.s32 $0x2  }
0x7: {  	[tilespmem:s3], [sflag:$0x2] =	stream.linear.gather [hbm4b:s5+s3], $0x140, $0x38;
	[tilespmem:$0x2940] =	vst v63  }
0x8: {  	_ =	swait.ge [sflag:s4], $0x140  }
0x9: {  	[sflag:s4] =	ssyncset.done $0x0  }
0xa: {  	s6 =	simm.s32 $0x40;
	s7 =	simm.s32 $0x140;
	[sflag:s4] =	ssyncadd.s32 $0xFFFFFEC0  }
0xb: {  	[tilespmem:s7], [sflag:$0x1] =	stream.indirect.gather [hbm4b:s2+s6], $0x20, s3, s6, $0xb8;
	[tilespmem:$0x2940] =	vst v63  }
0xc: {  	s8 =	simm.s32 $0x940  }
0xd: {  	[tilespmem:s8], [sflag:$0x1] =	stream.indirect.gather [hbm4b:s2+s6], $0x20, s6, s6, $0xb8;
	[tilespmem:$0x2940] =	vst v63  }
0xe: {  	s9 =	simm.s32 $0x80;
	s10 =	simm.s32 $0x1140  }
0xf: {  	[tilespmem:s10], [sflag:$0x1] =	stream.indirect.gather [hbm4b:s2+s6], $0x20, s9, s6, $0xb8;
	[tilespmem:$0x2940] =	vst v63  }
0x10: {  	s11 =	simm.s32 $0xC0;
	s12 =	simm.s32 $0x1940  }
0x11: {  	[tilespmem:s12], [sflag:$0x1] =	stream.indirect.gather [hbm4b:s2+s6], $0x20, s11, s6, $0xb8;
	[tilespmem:$0x2940] =	vst v63  }
0x12: {  	s13 =	simm.s32 $0x100;
	s14 =	simm.s32 $0x2140;
	s15 =	simm.s32 $0x1  }
0x13: {  	[tilespmem:s14], [sflag:$0x1] =	stream.indirect.gather [hbm4b:s2+s6], $0x20, s13, s6, $0xb8;
	[tilespmem:$0x2940] =	vst v63  }
0x14: {  	_ =	swait.ge [sflag:s15], $0x800  }
0x15: {  	[sflag:s15] =	ssyncset.done $0x0  }
0x16: {  	[sflag:s15] =	ssyncadd.s32 $0xFFFFF800  }
0x17: {  	_ =	swait.ge [sflag:s15], $0x800  }
0x18: {  	[sflag:s15] =	ssyncset.done $0x0  }
0x19: {  	[sflag:s15] =	ssyncadd.s32 $0xFFFFF800  }
0x1a: {  	_ =	swait.ge [sflag:s15], $0x800  }
0x1b: {  	[sflag:s15] =	ssyncset.done $0x0  }
0x1c: {  	s16 =	ssub.s32 $0x2, s16;
	[sflag:s15] =	ssyncadd.s32 $0xFFFFF800  }
0x1d: {  	s18 =	sshrl.u32 s16, $0x1;
	_ =	swait.ge [sflag:s15], $0x800  }
0x1e: {  	s18 =	ssub.s32 s16, s18;
	[sflag:s15] =	ssyncset.done $0x0  }
0x1f: {  	s17 =	smul.u32 $0x500, s17;
	s31 =	smax.u32 s18, $0x1;
	[sflag:s15] =	ssyncadd.s32 $0xFFFFF800  }
0x20: {  	p0 =	sne.s32 s31, $0x1;
	_ =	swait.ge [sflag:s15], $0x800  }
.Ltmp0:
0x21: {  	s30 =	sadd.s32 s17, s2;
	[sflag:s15] =	ssyncset.done $0x0;
	(pc) =	sbr.rel @!p0 .LBB2_2-.Ltmp0, $4  }
0x22: {  	s16 =	sadd.s32 $0x8000, s30;
	[sflag:s15] =	ssyncadd.s32 $0xFFFFF800  }
0x23: {  	[hbm4b:s16+s3] =	stream.linear.scatter [tilespmem:s7], [sflag:$0x2], $0x2800, $0x38;
	[tilespmem:$0x2940] =	vst v63  }
0x24: {  	_ =	swait.ge [sflag:s4], $0x2800  }
0x25: {  	s17 =	sadd.s32 $0xFFFFFFFF, s31;
	[sflag:s4] =	ssyncset.done $0x0  }
.LBB2_1:
0x26: {  	p0 =	sne.s32 s17, $0x1;
	s17 =	sadd.s32 $0xFFFFFFFF, s17;
	[sflag:s4] =	ssyncadd.s32 $0xFFFFD800  }
0x27: {  	[tilespmem:s3], [sflag:$0x2] =	stream.linear.gather [hbm4b:s5+s3], $0x140, $0x38;
	[tilespmem:$0x2940] =	vst v63  }
0x28: {  	_ =	swait.ge [sflag:s4], $0x140  }
0x29: {  	[sflag:s4] =	ssyncset.done $0x0  }
0x2a: {  	[sflag:s4] =	ssyncadd.s32 $0xFFFFFEC0  }
0x2b: {  	[tilespmem:s7], [sflag:$0x1] =	stream.indirect.gather [hbm4b:s2+s6], $0x20, s3, s6, $0xb8;
	[tilespmem:$0x2940] =	vst v63  }
0x2c: {  	_ = 	snop  }
0x2d: {  	[tilespmem:s8], [sflag:$0x1] =	stream.indirect.gather [hbm4b:s2+s6], $0x20, s6, s6, $0xb8;
	[tilespmem:$0x2940] =	vst v63  }
0x2e: {  	_ = 	snop  }
0x2f: {  	[tilespmem:s10], [sflag:$0x1] =	stream.indirect.gather [hbm4b:s2+s6], $0x20, s9, s6, $0xb8;
	[tilespmem:$0x2940] =	vst v63  }
0x30: {  	_ = 	snop  }
0x31: {  	[tilespmem:s12], [sflag:$0x1] =	stream.indirect.gather [hbm4b:s2+s6], $0x20, s11, s6, $0xb8;
	[tilespmem:$0x2940] =	vst v63  }
0x32: {  	_ = 	snop  }
0x33: {  	[tilespmem:s14], [sflag:$0x1] =	stream.indirect.gather [hbm4b:s2+s6], $0x20, s13, s6, $0xb8;
	[tilespmem:$0x2940] =	vst v63  }
0x34: {  	_ =	swait.ge [sflag:s15], $0x800  }
0x35: {  	[sflag:s15] =	ssyncset.done $0x0  }
0x36: {  	[sflag:s15] =	ssyncadd.s32 $0xFFFFF800  }
0x37: {  	_ =	swait.ge [sflag:s15], $0x800  }
0x38: {  	[sflag:s15] =	ssyncset.done $0x0  }
0x39: {  	[sflag:s15] =	ssyncadd.s32 $0xFFFFF800  }
0x3a: {  	_ =	swait.ge [sflag:s15], $0x800  }
0x3b: {  	[sflag:s15] =	ssyncset.done $0x0  }
0x3c: {  	[sflag:s15] =	ssyncadd.s32 $0xFFFFF800  }
0x3d: {  	_ =	swait.ge [sflag:s15], $0x800  }
0x3e: {  	[sflag:s15] =	ssyncset.done $0x0  }
0x3f: {  	[sflag:s15] =	ssyncadd.s32 $0xFFFFF800  }
0x40: {  	_ =	swait.ge [sflag:s15], $0x800  }
.Ltmp1:
0x41: {  	[sflag:s15] =	ssyncset.done $0x0;
	(pc) =	sbr.rel @p0 .LBB2_1-.Ltmp1, $4  }
0x42: {  	[sflag:s15] =	ssyncadd.s32 $0xFFFFF800  }
0x43: {  	[hbm4b:s16+s3] =	stream.linear.scatter [tilespmem:s7], [sflag:$0x2], $0x2800, $0x38;
	[tilespmem:$0x2940] =	vst v63  }
0x44: {  	_ =	swait.ge [sflag:s4], $0x2800  }
0x45: {  	[sflag:s4] =	ssyncset.done $0x0  }
.LBB2_2:
0x46: {  	[sflag:s4] =	ssyncadd.s32 $0xFFFFD800  }
0x47: {  	_ =	sfence.sel $0x180000  }
0x48: {  	[bflag:$0x0] =	sbarrier.arrive $0xFFFF  }
0x49: {  	p0 =	sne.s32 s0, $0x0;
	_ =	strace $0x90000047  }
0x4a: {  	s0 =	sadd.s32 @!p0 $0x100000, s1;
	[bflag:$0x2] =	sbarrier.arrive $0xFFFF  }
0x4b: {  	[sflag:s0] =	ssyncadd.tile.s32 @!p0 $0x1;
	_ =	shalt  }
.Lfunc_end2:
_tile_overlayer_lowered:
.L_overlay_start_2:
0x4c: {  	(tag) =	ssettag $0x2  }
0x4d: {  	s0 =	rddreg [dreg:$0x0];
	s2 =	stileid.u32  }
0x4e: {  	s1 =	rddreg [dreg:$0x1];
	p0 =	sne.s32 s2, $0x0  }
0x4f: {  	s3 =	rddreg [dreg:$0x2];
	[bflag:$0x3] =	sbarrier.arrive $0xFFFF;
	s2 =	simm.s32 @!p0 $0x1C02  }
0x50: {  	[timem:s3], [sflag:s2] =	dma.local @!p0 [hbm:s0], s1  }
0x51: {  	s0 =	simm.s32 @!p0 $0x2  }
0x52: {  	_ =	swait.ge @!p0 [sflag:s0], s1  }
0x53: {  	s1 =	ssub.s32 @!p0 $0x0, s1;
	[sflag:s0] =	ssyncset.done @!p0 $0x0  }
0x54: {  	[sflag:s0] =	ssyncadd.s32 @!p0 s1  }
0x55: {  	[bflag:$0x3] =	sbarrier.arrive $0xFFFF  }
0x56: {  	_ =	shalt  }

</sc_bundles>
